<compile_context>
chip_gen: v7x
topology: tpu7x:2x2x1
jax: 0.10.2.dev20260603
libtpu: 0.0.44.dev20260713+nightly
codegen_flags: <defaults>
</compile_context>

<pallas_src>
import functools

import jax
import jax.numpy as jnp
from jax import lax
from jax.experimental import pallas as pl
from jax.experimental.pallas import tpu as pltpu
from jax.experimental.pallas import tpu_sc as plsc

_NC = 2
_NS = 16
_NW = _NC * _NS
_CHUNK = 2048
_NSLOTS = 2


def _gather_body(idx_hbm, tab_hbm, out_hbm, *refs, per_w, n_chunks):
    wid = lax.axis_index("s") * _NC + lax.axis_index("c")
    base = wid * per_w
    n_outer = n_chunks // _NSLOTS

    idx_v = refs[0:_NSLOTS]
    rows_v = refs[_NSLOTS:2 * _NSLOTS]
    isem = refs[2 * _NSLOTS:3 * _NSLOTS]
    gsem = refs[3 * _NSLOTS:4 * _NSLOTS]
    osem = refs[4 * _NSLOTS:5 * _NSLOTS]

    def idx_slice(j):
        return idx_hbm.at[pl.ds(base + j * _CHUNK, _CHUNK)]

    def out_slice(j):
        return out_hbm.at[pl.ds(base + j * _CHUNK, _CHUNK)]

    for s in range(_NSLOTS):
        pltpu.async_copy(idx_slice(s), idx_v[s], isem[s])

    def body(g, carry):
        j0 = g * _NSLOTS
        for s in range(_NSLOTS):
            j = j0 + s
            pltpu.make_async_copy(idx_slice(j), idx_v[s], isem[s]).wait()

            @pl.when(g != 0)
            def _():
                pltpu.make_async_copy(
                    rows_v[s], out_slice(j - _NSLOTS), osem[s]).wait()

            pltpu.async_copy(tab_hbm.at[idx_v[s]], rows_v[s], gsem[s])
        for s in range(_NSLOTS):
            j = j0 + s
            pltpu.make_async_copy(tab_hbm.at[idx_v[s]], rows_v[s], gsem[s]).wait()
            pltpu.async_copy(rows_v[s], out_slice(j), osem[s])

            @pl.when(g != n_outer - 1)
            def _():
                pltpu.async_copy(idx_slice(j + _NSLOTS), idx_v[s], isem[s])

        return carry

    lax.fori_loop(0, n_outer, body, 0)

    last = n_chunks - _NSLOTS
    for s in range(_NSLOTS):
        pltpu.make_async_copy(rows_v[s], out_slice(last + s), osem[s]).wait()


def _pack_body(mid_hbm, out_hbm, *refs, groups_per_w, n, d):
    wid = lax.axis_index("s") * _NC + lax.axis_index("c")
    base = wid * groups_per_w
    vpw = 128 // d

    buf_in = refs[0:2]
    buf_out = refs[2:4]
    isem = refs[4:6]
    osem = refs[6:8]

    for si in range(2):
        pltpu.async_copy(mid_hbm.at[pl.ds(base + si, 1)], buf_in[si], isem[si])

    n_outer = groups_per_w // 2

    def body(go, carry):
        for si in range(2):
            g = go * 2 + si
            gi = base + g
            pltpu.make_async_copy(
                mid_hbm.at[pl.ds(gi, 1)], buf_in[si], isem[si]).wait()

            for r8 in range(8):
                b = gi * 8 + r8
                s = r8 & 1

                if si == 1 or r8 >= 2:
                    pltpu.make_async_copy(
                        buf_out[s], out_hbm.at[pl.ds(b - 2, 1)], osem[s]).wait()
                else:
                    @pl.when(go != 0)
                    def _():
                        pltpu.make_async_copy(
                            buf_out[s], out_hbm.at[pl.ds(b - 2, 1)], osem[s]).wait()

                def srow(u0, carry2):
                    r_in = r8 * (n // vpw) + u0
                    for v in range(vpw):
                        buf_out[s][0, u0 * vpw + v, :] = \
                            buf_in[si][0, r_in, pl.ds(v * d, d)]
                    return carry2

                lax.fori_loop(0, n // vpw, srow, 0)
                pltpu.async_copy(buf_out[s], out_hbm.at[pl.ds(b, 1)], osem[s])

            @pl.when(go != n_outer - 1)
            def _():
                pltpu.async_copy(
                    mid_hbm.at[pl.ds(gi + 2, 1)], buf_in[si], isem[si])

        return carry

    lax.fori_loop(0, n_outer, body, 0)

    last = (base + groups_per_w) * 8
    for s in range(2):
        pltpu.make_async_copy(buf_out[s], out_hbm.at[pl.ds(last - 2 + s, 1)], osem[s]).wait()


def kernel(sparse_input, table):
    B, N = sparse_input.shape
    V, D = table.shape
    total = B * N
    assert total % (_NW * _CHUNK * _NSLOTS) == 0
    per_w = total // _NW
    n_chunks = per_w // _CHUNK

    flat_idx = sparse_input.reshape(total)
    mesh = plsc.VectorSubcoreMesh(core_axis_name="c", subcore_axis_name="s")

    gather_run = functools.partial(
        pl.kernel,
        out_type=jax.ShapeDtypeStruct((total, D), jnp.float32),
        mesh=mesh,
        scratch_types=(
            [pltpu.VMEM((_CHUNK,), jnp.int32)] * _NSLOTS
            + [pltpu.VMEM((_CHUNK, D), jnp.float32)] * _NSLOTS
            + [pltpu.SemaphoreType.DMA] * (3 * _NSLOTS)
        ),
        compiler_params=pltpu.CompilerParams(
            use_tc_tiling_on_sc=False, disable_bounds_checks=True),
    )(functools.partial(_gather_body, per_w=per_w, n_chunks=n_chunks))

    wpg = (8 * N * D) // 128
    mid3 = gather_run(flat_idx, table).reshape(B // 8, wpg, 128)

    groups_per_w = B // (8 * _NW)
    pack_run = functools.partial(
        pl.kernel,
        out_type=jax.ShapeDtypeStruct((B, N, D), jnp.float32),
        mesh=mesh,
        scratch_types=(
            [pltpu.VMEM((1, wpg, 128), jnp.float32)] * 2
            + [pltpu.VMEM((1, N, D), jnp.float32)] * 2
            + [pltpu.SemaphoreType.DMA] * 4
        ),
        compiler_params=pltpu.CompilerParams(
            use_tc_tiling_on_sc=True, disable_bounds_checks=True),
    )(functools.partial(_pack_body, groups_per_w=groups_per_w, n=N, d=D))

    return pack_run(mid3)

# --- scband reference (transcript-rebuilt; emitter-appended) ---
"""Pipeline reference for scband-sparse-feature-dict-net-72799695667258 (READ-ONLY COPY).

The authoritative reference and input builder live on the scoring server;
editing this copy changes nothing except your own understanding.
"""

import jax, jax.numpy as jnp
import numpy as np

VOCAB = 1000000
EMBED_DIM = 16
BATCH = 16384
NDAY = 200


def setup_inputs(seed: int = 0) -> dict:
    key = jax.random.key(seed)
    k_idx, k_tab = jax.random.split(key)
    sparse_input = jax.random.randint(k_idx, (BATCH, NDAY), 0, VOCAB, dtype=jnp.int64 if jax.config.jax_enable_x64 else jnp.int32).astype(jnp.int32)
    # Learned embedding table for column 'item_id' (use_onehot=False -> nn.Embedding(n_class, sparse_di))
    table = jax.random.normal(k_tab, (VOCAB, EMBED_DIM), dtype=jnp.float32)
    return {"sparse_input": sparse_input, "table": table}


def reference(sparse_input, table):
    # forward(sparse_input, sparse_column='item_id'):
    # self.embedding_net_dict['item_id'](sparse_input) -> (batch, nday, embed_dim)
    return jnp.take(table, sparse_input, axis=0)

if __name__ == "__main__":
    import jax
    _d = setup_inputs()
    print(jax.jit(kernel)(*tuple(_d.values())))

</pallas_src>

<mosaic_0001>
#map = affine_map<(d0, d1) -> (0, 0, 0)>
module attributes {stable_mosaic.version = 14 : i64} {
  func.func @_pack_body(%arg0: i32, %arg1: i32, %arg2: memref<2048x200x128xf32, #tpu.memory_space<hbm>>, %arg3: memref<16384x200x16xf32, #tpu.memory_space<hbm>>, %arg4: memref<1x200x128xf32, #tpu.memory_space<vmem>>, %arg5: memref<1x200x128xf32, #tpu.memory_space<vmem>>, %arg6: memref<1x200x16xf32, #tpu.memory_space<vmem>>, %arg7: memref<1x200x16xf32, #tpu.memory_space<vmem>>, %arg8: memref<!tpu.dma_semaphore, #tpu.memory_space<semaphore_mem>>, %arg9: memref<!tpu.dma_semaphore, #tpu.memory_space<semaphore_mem>>, %arg10: memref<!tpu.dma_semaphore, #tpu.memory_space<semaphore_mem>>, %arg11: memref<!tpu.dma_semaphore, #tpu.memory_space<semaphore_mem>>) attributes {dimension_semantics = [#tpu.dimension_semantics<core_parallel>, #tpu.dimension_semantics<subcore_parallel>], iteration_bounds = array<i64: 2, 16>, scalar_prefetch = 0 : i64, scratch_operands = 8 : i64, tpu.core_type = #tpu.core_type<sc_vector_subcore>, window_params = [{transform_indices = #map}, {transform_indices = #map}]} {
    %mul3A = arith.constant 2 : i32
    %mul3A_0 = arith.muli %arg1, %mul3A : i32
    %add3A = arith.addi %mul3A_0, %arg0 : i32
    %mul3A_1 = arith.constant 64 : i32
    %mul3A_2 = arith.muli %add3A, %mul3A_1 : i32
    %add3A_3 = arith.constant 0 : i32
    %add3A_4 = arith.addi %mul3A_2, %add3A_3 : i32
    %dma_start3A = arith.constant 0 : i32
    %dma_start3A_5 = arith.constant 0 : i32
    %dma_start3A_6 = tpu.memref_slice %arg2[%add3A_4, %dma_start3A, %dma_start3A_5] : memref<2048x200x128xf32, #tpu.memory_space<hbm>> -> memref<1x200x128xf32, #tpu.memory_space<hbm>>
    %dma_start3A_7 = arith.constant 0 : i32
    %dma_start3A_8 = arith.constant 0 : i32
    %dma_start3A_9 = tpu.memref_slice %arg2[%add3A_4, %dma_start3A_7, %dma_start3A_8] : memref<2048x200x128xf32, #tpu.memory_space<hbm>> -> memref<1x200x128xf32, #tpu.memory_space<hbm>>
    tpu.enqueue_dma source(%dma_start3A_9 : memref<1x200x128xf32, #tpu.memory_space<hbm>>) target(%arg4 : memref<1x200x128xf32, #tpu.memory_space<vmem>>) target_semaphore(%arg8 : memref<!tpu.dma_semaphore, #tpu.memory_space<semaphore_mem>>)
    %add3A_10 = arith.constant 1 : i32
    %add3A_11 = arith.addi %mul3A_2, %add3A_10 : i32
    %dma_start3A_12 = arith.constant 0 : i32
    %dma_start3A_13 = arith.constant 0 : i32
    %dma_start3A_14 = tpu.memref_slice %arg2[%add3A_11, %dma_start3A_12, %dma_start3A_13] : memref<2048x200x128xf32, #tpu.memory_space<hbm>> -> memref<1x200x128xf32, #tpu.memory_space<hbm>>
    %dma_start3A_15 = arith.constant 0 : i32
    %dma_start3A_16 = arith.constant 0 : i32
    %dma_start3A_17 = tpu.memref_slice %arg2[%add3A_11, %dma_start3A_15, %dma_start3A_16] : memref<2048x200x128xf32, #tpu.memory_space<hbm>> -> memref<1x200x128xf32, #tpu.memory_space<hbm>>
    tpu.enqueue_dma source(%dma_start3A_17 : memref<1x200x128xf32, #tpu.memory_space<hbm>>) target(%arg5 : memref<1x200x128xf32, #tpu.memory_space<vmem>>) target_semaphore(%arg9 : memref<!tpu.dma_semaphore, #tpu.memory_space<semaphore_mem>>)
    %scan3A = arith.constant 0 : i32
    %scan3A_18 = arith.constant 0 : i32
    %scan3A_19 = arith.constant 32 : i32
    %scan3A_20 = arith.addi %scan3A_18, %scan3A_19 : i32
    %scan3A_21 = arith.constant 1 : i32
    scf.for %scan3A_45 = %scan3A_18 to %scan3A_20 step %scan3A_21  : i32 {
      %mul3A_46 = arith.constant 2 : i32
      %mul3A_47 = arith.muli %scan3A_45, %mul3A_46 : i32
      %add3A_48 = arith.constant 0 : i32
      %add3A_49 = arith.addi %mul3A_47, %add3A_48 : i32
      %add3A_50 = arith.addi %mul3A_2, %add3A_49 : i32
      %dma_wait3A_51 = arith.constant 0 : i32
      %dma_wait3A_52 = arith.constant 0 : i32
      %dma_wait3A_53 = tpu.memref_slice %arg2[%add3A_50, %dma_wait3A_51, %dma_wait3A_52] : memref<2048x200x128xf32, #tpu.memory_space<hbm>> -> memref<1x200x128xf32, #tpu.memory_space<hbm>>
      %dma_wait3A_54 = arith.constant 0 : i32
      %dma_wait3A_55 = arith.constant 0 : i32
      %dma_wait3A_56 = tpu.memref_slice %arg2[%add3A_50, %dma_wait3A_54, %dma_wait3A_55] : memref<2048x200x128xf32, #tpu.memory_space<hbm>> -> memref<1x200x128xf32, #tpu.memory_space<hbm>>
      tpu.wait_dma2 semaphore(%arg8 : memref<!tpu.dma_semaphore, #tpu.memory_space<semaphore_mem>>) src(%dma_wait3A_56 : memref<1x200x128xf32, #tpu.memory_space<hbm>>) dst(%arg4 : memref<1x200x128xf32, #tpu.memory_space<vmem>>)
      %mul3A_57 = arith.constant 8 : i32
      %mul3A_58 = arith.muli %add3A_50, %mul3A_57 : i32
      %add3A_59 = arith.constant 0 : i32
      %add3A_60 = arith.addi %mul3A_58, %add3A_59 : i32
      %ne3A = arith.constant 0 : i32
      %ne3A_61 = arith.cmpi ne, %scan3A_45, %ne3A : i32
      %convert_element_type3A = arith.extui %ne3A_61 : i1 to i32
      %cond3A = arith.constant 0 : i32
      %cond3A_62 = arith.cmpi ne, %convert_element_type3A, %cond3A : i32
      scf.if %cond3A_62 {
        %sub3A_453 = arith.constant 2 : i32
        %sub3A_454 = arith.subi %add3A_60, %sub3A_453 : i32
        %dma_wait3A_455 = arith.constant 0 : i32
        %dma_wait3A_456 = arith.constant 0 : i32
        %dma_wait3A_457 = tpu.memref_slice %arg3[%sub3A_454, %dma_wait3A_455, %dma_wait3A_456] : memref<16384x200x16xf32, #tpu.memory_space<hbm>> -> memref<1x200x16xf32, #tpu.memory_space<hbm>>
        %dma_wait3A_458 = arith.constant 0 : i32
        %dma_wait3A_459 = arith.constant 0 : i32
        %dma_wait3A_460 = tpu.memref_slice %arg3[%sub3A_454, %dma_wait3A_458, %dma_wait3A_459] : memref<16384x200x16xf32, #tpu.memory_space<hbm>> -> memref<1x200x16xf32, #tpu.memory_space<hbm>>
        tpu.wait_dma2 semaphore(%arg10 : memref<!tpu.dma_semaphore, #tpu.memory_space<semaphore_mem>>) src(%arg6 : memref<1x200x16xf32, #tpu.memory_space<vmem>>) dst(%dma_wait3A_460 : memref<1x200x16xf32, #tpu.memory_space<hbm>>)
      } else {
      }
      %scan3A_63 = arith.constant 0 : i32
      %scan3A_64 = arith.constant 0 : i32
      %scan3A_65 = arith.constant 25 : i32
      %scan3A_66 = arith.addi %scan3A_64, %scan3A_65 : i32
      %scan3A_67 = arith.constant 1 : i32
      scf.for %scan3A_453 = %scan3A_64 to %scan3A_66 step %scan3A_67  : i32 {
        %add3A_454 = arith.constant 0 : i32
        %add3A_455 = arith.addi %add3A_454, %scan3A_453 : i32
        %get3A = arith.constant 0 : i32
        %get3A_456 = arith.index_cast %get3A : i32 to index
        %get3A_457 = arith.index_cast %add3A_455 : i32 to index
        %get3A_458 = arith.constant 0 : index
        %get3A_459 = tpu.vector_load %arg4[%get3A_456, %get3A_457, %get3A_458] {strides = array<i32>} : memref<1x200x128xf32, #tpu.memory_space<vmem>>, vector<1x1x16xf32>,
        %get3A_460 = vector.shape_cast %get3A_459 : vector<1x1x16xf32> to vector<16xf32>
        %mul3A_461 = arith.constant 8 : i32
        %mul3A_462 = arith.muli %scan3A_453, %mul3A_461 : i32
        %add3A_463 = arith.constant 0 : i32
        %add3A_464 = arith.addi %mul3A_462, %add3A_463 : i32
        %swap3A = arith.constant 0 : i32
        %swap3A_465 = arith.index_cast %swap3A : i32 to index
        %swap3A_466 = arith.index_cast %add3A_464 : i32 to index
        %swap3A_467 = arith.constant 0 : index
        %swap3A_468 = tpu.vector_load %arg6[%swap3A_465, %swap3A_466, %swap3A_467] {strides = array<i32>} : memref<1x200x16xf32, #tpu.memory_space<vmem>>, vector<1x1x16xf32>,
        %swap3A_469 = vector.shape_cast %swap3A_468 : vector<1x1x16xf32> to vector<16xf32>
        %swap3A_470 = vector.shape_cast %get3A_460 : vector<16xf32> to vector<1x1x16xf32>
        tpu.vector_store %arg6[%swap3A_465, %swap3A_466, %swap3A_467], %swap3A_470 {strides = array<i32>} : memref<1x200x16xf32, #tpu.memory_space<vmem>>, vector<1x1x16xf32>,
        %get3A_471 = arith.constant 0 : i32
        %get3A_472 = arith.index_cast %get3A_471 : i32 to index
        %get3A_473 = arith.index_cast %add3A_455 : i32 to index
        %get3A_474 = arith.constant 16 : index
        %get3A_475 = tpu.vector_load %arg4[%get3A_472, %get3A_473, %get3A_474] {strides = array<i32>} : memref<1x200x128xf32, #tpu.memory_space<vmem>>, vector<1x1x16xf32>,
        %get3A_476 = vector.shape_cast %get3A_475 : vector<1x1x16xf32> to vector<16xf32>
        %mul3A_477 = arith.constant 8 : i32
        %mul3A_478 = arith.muli %scan3A_453, %mul3A_477 : i32
        %add3A_479 = arith.constant 1 : i32
        %add3A_480 = arith.addi %mul3A_478, %add3A_479 : i32
        %swap3A_481 = arith.constant 0 : i32
        %swap3A_482 = arith.index_cast %swap3A_481 : i32 to index
        %swap3A_483 = arith.index_cast %add3A_480 : i32 to index
        %swap3A_484 = arith.constant 0 : index
        %swap3A_485 = tpu.vector_load %arg6[%swap3A_482, %swap3A_483, %swap3A_484] {strides = array<i32>} : memref<1x200x16xf32, #tpu.memory_space<vmem>>, vector<1x1x16xf32>,
        %swap3A_486 = vector.shape_cast %swap3A_485 : vector<1x1x16xf32> to vector<16xf32>
        %swap3A_487 = vector.shape_cast %get3A_476 : vector<16xf32> to vector<1x1x16xf32>
        tpu.vector_store %arg6[%swap3A_482, %swap3A_483, %swap3A_484], %swap3A_487 {strides = array<i32>} : memref<1x200x16xf32, #tpu.memory_space<vmem>>, vector<1x1x16xf32>,
        %get3A_488 = arith.constant 0 : i32
        %get3A_489 = arith.index_cast %get3A_488 : i32 to index
        %get3A_490 = arith.index_cast %add3A_455 : i32 to index
        %get3A_491 = arith.constant 32 : index
        %get3A_492 = tpu.vector_load %arg4[%get3A_489, %get3A_490, %get3A_491] {strides = array<i32>} : memref<1x200x128xf32, #tpu.memory_space<vmem>>, vector<1x1x16xf32>,
        %get3A_493 = vector.shape_cast %get3A_492 : vector<1x1x16xf32> to vector<16xf32>
        %mul3A_494 = arith.constant 8 : i32
        %mul3A_495 = arith.muli %scan3A_453, %mul3A_494 : i32
        %add3A_496 = arith.constant 2 : i32
        %add3A_497 = arith.addi %mul3A_495, %add3A_496 : i32
        %swap3A_498 = arith.constant 0 : i32
        %swap3A_499 = arith.index_cast %swap3A_498 : i32 to index
        %swap3A_500 = arith.index_cast %add3A_497 : i32 to index
        %swap3A_501 = arith.constant 0 : index
        %swap3A_502 = tpu.vector_load %arg6[%swap3A_499, %swap3A_500, %swap3A_501] {strides = array<i32>} : memref<1x200x16xf32, #tpu.memory_space<vmem>>, vector<1x1x16xf32>,
        %swap3A_503 = vector.shape_cast %swap3A_502 : vector<1x1x16xf32> to vector<16xf32>
        %swap3A_504 = vector.shape_cast %get3A_493 : vector<16xf32> to vector<1x1x16xf32>
        tpu.vector_store %arg6[%swap3A_499, %swap3A_500, %swap3A_501], %swap3A_504 {strides = array<i32>} : memref<1x200x16xf32, #tpu.memory_space<vmem>>, vector<1x1x16xf32>,
        %get3A_505 = arith.constant 0 : i32
        %get3A_506 = arith.index_cast %get3A_505 : i32 to index
        %get3A_507 = arith.index_cast %add3A_455 : i32 to index
        %get3A_508 = arith.constant 48 : index
        %get3A_509 = tpu.vector_load %arg4[%get3A_506, %get3A_507, %get3A_508] {strides = array<i32>} : memref<1x200x128xf32, #tpu.memory_space<vmem>>, vector<1x1x16xf32>,
        %get3A_510 = vector.shape_cast %get3A_509 : vector<1x1x16xf32> to vector<16xf32>
        %mul3A_511 = arith.constant 8 : i32
        %mul3A_512 = arith.muli %scan3A_453, %mul3A_511 : i32
        %add3A_513 = arith.constant 3 : i32
        %add3A_514 = arith.addi %mul3A_512, %add3A_513 : i32
        %swap3A_515 = arith.constant 0 : i32
        %swap3A_516 = arith.index_cast %swap3A_515 : i32 to index
        %swap3A_517 = arith.index_cast %add3A_514 : i32 to index
        %swap3A_518 = arith.constant 0 : index
        %swap3A_519 = tpu.vector_load %arg6[%swap3A_516, %swap3A_517, %swap3A_518] {strides = array<i32>} : memref<1x200x16xf32, #tpu.memory_space<vmem>>, vector<1x1x16xf32>,
        %swap3A_520 = vector.shape_cast %swap3A_519 : vector<1x1x16xf32> to vector<16xf32>
        %swap3A_521 = vector.shape_cast %get3A_510 : vector<16xf32> to vector<1x1x16xf32>
        tpu.vector_store %arg6[%swap3A_516, %swap3A_517, %swap3A_518], %swap3A_521 {strides = array<i32>} : memref<1x200x16xf32, #tpu.memory_space<vmem>>, vector<1x1x16xf32>,
        %get3A_522 = arith.constant 0 : i32
        %get3A_523 = arith.index_cast %get3A_522 : i32 to index
        %get3A_524 = arith.index_cast %add3A_455 : i32 to index
        %get3A_525 = arith.constant 64 : index
        %get3A_526 = tpu.vector_load %arg4[%get3A_523, %get3A_524, %get3A_525] {strides = array<i32>} : memref<1x200x128xf32, #tpu.memory_space<vmem>>, vector<1x1x16xf32>,
        %get3A_527 = vector.shape_cast %get3A_526 : vector<1x1x16xf32> to vector<16xf32>
        %mul3A_528 = arith.constant 8 : i32
        %mul3A_529 = arith.muli %scan3A_453, %mul3A_528 : i32
        %add3A_530 = arith.constant 4 : i32
        %add3A_531 = arith.addi %mul3A_529, %add3A_530 : i32
        %swap3A_532 = arith.constant 0 : i32
        %swap3A_533 = arith.index_cast %swap3A_532 : i32 to index
        %swap3A_534 = arith.index_cast %add3A_531 : i32 to index
        %swap3A_535 = arith.constant 0 : index
        %swap3A_536 = tpu.vector_load %arg6[%swap3A_533, %swap3A_534, %swap3A_535] {strides = array<i32>} : memref<1x200x16xf32, #tpu.memory_space<vmem>>, vector<1x1x16xf32>,
        %swap3A_537 = vector.shape_cast %swap3A_536 : vector<1x1x16xf32> to vector<16xf32>
        %swap3A_538 = vector.shape_cast %get3A_527 : vector<16xf32> to vector<1x1x16xf32>
        tpu.vector_store %arg6[%swap3A_533, %swap3A_534, %swap3A_535], %swap3A_538 {strides = array<i32>} : memref<1x200x16xf32, #tpu.memory_space<vmem>>, vector<1x1x16xf32>,
        %get3A_539 = arith.constant 0 : i32
        %get3A_540 = arith.index_cast %get3A_539 : i32 to index
        %get3A_541 = arith.index_cast %add3A_455 : i32 to index
        %get3A_542 = arith.constant 80 : index
        %get3A_543 = tpu.vector_load %arg4[%get3A_540, %get3A_541, %get3A_542] {strides = array<i32>} : memref<1x200x128xf32, #tpu.memory_space<vmem>>, vector<1x1x16xf32>,
        %get3A_544 = vector.shape_cast %get3A_543 : vector<1x1x16xf32> to vector<16xf32>
        %mul3A_545 = arith.constant 8 : i32
        %mul3A_546 = arith.muli %scan3A_453, %mul3A_545 : i32
        %add3A_547 = arith.constant 5 : i32
        %add3A_548 = arith.addi %mul3A_546, %add3A_547 : i32
        %swap3A_549 = arith.constant 0 : i32
        %swap3A_550 = arith.index_cast %swap3A_549 : i32 to index
        %swap3A_551 = arith.index_cast %add3A_548 : i32 to index
        %swap3A_552 = arith.constant 0 : index
        %swap3A_553 = tpu.vector_load %arg6[%swap3A_550, %swap3A_551, %swap3A_552] {strides = array<i32>} : memref<1x200x16xf32, #tpu.memory_space<vmem>>, vector<1x1x16xf32>,
        %swap3A_554 = vector.shape_cast %swap3A_553 : vector<1x1x16xf32> to vector<16xf32>
        %swap3A_555 = vector.shape_cast %get3A_544 : vector<16xf32> to vector<1x1x16xf32>
        tpu.vector_store %arg6[%swap3A_550, %swap3A_551, %swap3A_552], %swap3A_555 {strides = array<i32>} : memref<1x200x16xf32, #tpu.memory_space<vmem>>, vector<1x1x16xf32>,
        %get3A_556 = arith.constant 0 : i32
        %get3A_557 = arith.index_cast %get3A_556 : i32 to index
        %get3A_558 = arith.index_cast %add3A_455 : i32 to index
        %get3A_559 = arith.constant 96 : index
        %get3A_560 = tpu.vector_load %arg4[%get3A_557, %get3A_558, %get3A_559] {strides = array<i32>} : memref<1x200x128xf32, #tpu.memory_space<vmem>>, vector<1x1x16xf32>,
        %get3A_561 = vector.shape_cast %get3A_560 : vector<1x1x16xf32> to vector<16xf32>
        %mul3A_562 = arith.constant 8 : i32
        %mul3A_563 = arith.muli %scan3A_453, %mul3A_562 : i32
        %add3A_564 = arith.constant 6 : i32
        %add3A_565 = arith.addi %mul3A_563, %add3A_564 : i32
        %swap3A_566 = arith.constant 0 : i32
        %swap3A_567 = arith.index_cast %swap3A_566 : i32 to index
        %swap3A_568 = arith.index_cast %add3A_565 : i32 to index
        %swap3A_569 = arith.constant 0 : index
        %swap3A_570 = tpu.vector_load %arg6[%swap3A_567, %swap3A_568, %swap3A_569] {strides = array<i32>} : memref<1x200x16xf32, #tpu.memory_space<vmem>>, vector<1x1x16xf32>,
        %swap3A_571 = vector.shape_cast %swap3A_570 : vector<1x1x16xf32> to vector<16xf32>
        %swap3A_572 = vector.shape_cast %get3A_561 : vector<16xf32> to vector<1x1x16xf32>
        tpu.vector_store %arg6[%swap3A_567, %swap3A_568, %swap3A_569], %swap3A_572 {strides = array<i32>} : memref<1x200x16xf32, #tpu.memory_space<vmem>>, vector<1x1x16xf32>,
        %get3A_573 = arith.constant 0 : i32
        %get3A_574 = arith.index_cast %get3A_573 : i32 to index
        %get3A_575 = arith.index_cast %add3A_455 : i32 to index
        %get3A_576 = arith.constant 112 : index
        %get3A_577 = tpu.vector_load %arg4[%get3A_574, %get3A_575, %get3A_576] {strides = array<i32>} : memref<1x200x128xf32, #tpu.memory_space<vmem>>, vector<1x1x16xf32>,
        %get3A_578 = vector.shape_cast %get3A_577 : vector<1x1x16xf32> to vector<16xf32>
        %mul3A_579 = arith.constant 8 : i32
        %mul3A_580 = arith.muli %scan3A_453, %mul3A_579 : i32
        %add3A_581 = arith.constant 7 : i32
        %add3A_582 = arith.addi %mul3A_580, %add3A_581 : i32
        %swap3A_583 = arith.constant 0 : i32
        %swap3A_584 = arith.index_cast %swap3A_583 : i32 to index
        %swap3A_585 = arith.index_cast %add3A_582 : i32 to index
        %swap3A_586 = arith.constant 0 : index
        %swap3A_587 = tpu.vector_load %arg6[%swap3A_584, %swap3A_585, %swap3A_586] {strides = array<i32>} : memref<1x200x16xf32, #tpu.memory_space<vmem>>, vector<1x1x16xf32>,
        %swap3A_588 = vector.shape_cast %swap3A_587 : vector<1x1x16xf32> to vector<16xf32>
        %swap3A_589 = vector.shape_cast %get3A_578 : vector<16xf32> to vector<1x1x16xf32>
        tpu.vector_store %arg6[%swap3A_584, %swap3A_585, %swap3A_586], %swap3A_589 {strides = array<i32>} : memref<1x200x16xf32, #tpu.memory_space<vmem>>, vector<1x1x16xf32>,
      }
      %scan3A_68 = arith.constant 25 : i32
      %dma_start3A_69 = arith.constant 0 : i32
      %dma_start3A_70 = arith.constant 0 : i32
      %dma_start3A_71 = tpu.memref_slice %arg3[%add3A_60, %dma_start3A_69, %dma_start3A_70] : memref<16384x200x16xf32, #tpu.memory_space<hbm>> -> memref<1x200x16xf32, #tpu.memory_space<hbm>>
      %dma_start3A_72 = arith.constant 0 : i32
      %dma_start3A_73 = arith.constant 0 : i32
      %dma_start3A_74 = tpu.memref_slice %arg3[%add3A_60, %dma_start3A_72, %dma_start3A_73] : memref<16384x200x16xf32, #tpu.memory_space<hbm>> -> memref<1x200x16xf32, #tpu.memory_space<hbm>>
      tpu.enqueue_dma source(%arg6 : memref<1x200x16xf32, #tpu.memory_space<vmem>>) target(%dma_start3A_74 : memref<1x200x16xf32, #tpu.memory_space<hbm>>) target_semaphore(%arg10 : memref<!tpu.dma_semaphore, #tpu.memory_space<semaphore_mem>>)
      %mul3A_75 = arith.constant 8 : i32
      %mul3A_76 = arith.muli %add3A_50, %mul3A_75 : i32
      %add3A_77 = arith.constant 1 : i32
      %add3A_78 = arith.addi %mul3A_76, %add3A_77 : i32
      %ne3A_79 = arith.constant 0 : i32
      %ne3A_80 = arith.cmpi ne, %scan3A_45, %ne3A_79 : i32
      %convert_element_type3A_81 = arith.extui %ne3A_80 : i1 to i32
      %cond3A_82 = arith.constant 0 : i32
      %cond3A_83 = arith.cmpi ne, %convert_element_type3A_81, %cond3A_82 : i32
      scf.if %cond3A_83 {
        %sub3A_453 = arith.constant 2 : i32
        %sub3A_454 = arith.subi %add3A_78, %sub3A_453 : i32
        %dma_wait3A_455 = arith.constant 0 : i32
        %dma_wait3A_456 = arith.constant 0 : i32
        %dma_wait3A_457 = tpu.memref_slice %arg3[%sub3A_454, %dma_wait3A_455, %dma_wait3A_456] : memref<16384x200x16xf32, #tpu.memory_space<hbm>> -> memref<1x200x16xf32, #tpu.memory_space<hbm>>
        %dma_wait3A_458 = arith.constant 0 : i32
        %dma_wait3A_459 = arith.constant 0 : i32
        %dma_wait3A_460 = tpu.memref_slice %arg3[%sub3A_454, %dma_wait3A_458, %dma_wait3A_459] : memref<16384x200x16xf32, #tpu.memory_space<hbm>> -> memref<1x200x16xf32, #tpu.memory_space<hbm>>
        tpu.wait_dma2 semaphore(%arg11 : memref<!tpu.dma_semaphore, #tpu.memory_space<semaphore_mem>>) src(%arg7 : memref<1x200x16xf32, #tpu.memory_space<vmem>>) dst(%dma_wait3A_460 : memref<1x200x16xf32, #tpu.memory_space<hbm>>)
      } else {
      }
      %scan3A_84 = arith.constant 0 : i32
      %scan3A_85 = arith.constant 0 : i32
      %scan3A_86 = arith.constant 25 : i32
      %scan3A_87 = arith.addi %scan3A_85, %scan3A_86 : i32
      %scan3A_88 = arith.constant 1 : i32
      scf.for %scan3A_453 = %scan3A_85 to %scan3A_87 step %scan3A_88  : i32 {
        %add3A_454 = arith.constant 25 : i32
        %add3A_455 = arith.addi %add3A_454, %scan3A_453 : i32
        %get3A = arith.constant 0 : i32
        %get3A_456 = arith.index_cast %get3A : i32 to index
        %get3A_457 = arith.index_cast %add3A_455 : i32 to index
        %get3A_458 = arith.constant 0 : index
        %get3A_459 = tpu.vector_load %arg4[%get3A_456, %get3A_457, %get3A_458] {strides = array<i32>} : memref<1x200x128xf32, #tpu.memory_space<vmem>>, vector<1x1x16xf32>,
        %get3A_460 = vector.shape_cast %get3A_459 : vector<1x1x16xf32> to vector<16xf32>
        %mul3A_461 = arith.constant 8 : i32
        %mul3A_462 = arith.muli %scan3A_453, %mul3A_461 : i32
        %add3A_463 = arith.constant 0 : i32
        %add3A_464 = arith.addi %mul3A_462, %add3A_463 : i32
        %swap3A = arith.constant 0 : i32
        %swap3A_465 = arith.index_cast %swap3A : i32 to index
        %swap3A_466 = arith.index_cast %add3A_464 : i32 to index
        %swap3A_467 = arith.constant 0 : index
        %swap3A_468 = tpu.vector_load %arg7[%swap3A_465, %swap3A_466, %swap3A_467] {strides = array<i32>} : memref<1x200x16xf32, #tpu.memory_space<vmem>>, vector<1x1x16xf32>,
        %swap3A_469 = vector.shape_cast %swap3A_468 : vector<1x1x16xf32> to vector<16xf32>
        %swap3A_470 = vector.shape_cast %get3A_460 : vector<16xf32> to vector<1x1x16xf32>
        tpu.vector_store %arg7[%swap3A_465, %swap3A_466, %swap3A_467], %swap3A_470 {strides = array<i32>} : memref<1x200x16xf32, #tpu.memory_space<vmem>>, vector<1x1x16xf32>,
        %get3A_471 = arith.constant 0 : i32
        %get3A_472 = arith.index_cast %get3A_471 : i32 to index
        %get3A_473 = arith.index_cast %add3A_455 : i32 to index
        %get3A_474 = arith.constant 16 : index
        %get3A_475 = tpu.vector_load %arg4[%get3A_472, %get3A_473, %get3A_474] {strides = array<i32>} : memref<1x200x128xf32, #tpu.memory_space<vmem>>, vector<1x1x16xf32>,
        %get3A_476 = vector.shape_cast %get3A_475 : vector<1x1x16xf32> to vector<16xf32>
        %mul3A_477 = arith.constant 8 : i32
        %mul3A_478 = arith.muli %scan3A_453, %mul3A_477 : i32
        %add3A_479 = arith.constant 1 : i32
        %add3A_480 = arith.addi %mul3A_478, %add3A_479 : i32
        %swap3A_481 = arith.constant 0 : i32
        %swap3A_482 = arith.index_cast %swap3A_481 : i32 to index
        %swap3A_483 = arith.index_cast %add3A_480 : i32 to index
        %swap3A_484 = arith.constant 0 : index
        %swap3A_485 = tpu.vector_load %arg7[%swap3A_482, %swap3A_483, %swap3A_484] {strides = array<i32>} : memref<1x200x16xf32, #tpu.memory_space<vmem>>, vector<1x1x16xf32>,
        %swap3A_486 = vector.shape_cast %swap3A_485 : vector<1x1x16xf32> to vector<16xf32>
        %swap3A_487 = vector.shape_cast %get3A_476 : vector<16xf32> to vector<1x1x16xf32>
        tpu.vector_store %arg7[%swap3A_482, %swap3A_483, %swap3A_484], %swap3A_487 {strides = array<i32>} : memref<1x200x16xf32, #tpu.memory_space<vmem>>, vector<1x1x16xf32>,
        %get3A_488 = arith.constant 0 : i32
        %get3A_489 = arith.index_cast %get3A_488 : i32 to index
        %get3A_490 = arith.index_cast %add3A_455 : i32 to index
        %get3A_491 = arith.constant 32 : index
        %get3A_492 = tpu.vector_load %arg4[%get3A_489, %get3A_490, %get3A_491] {strides = array<i32>} : memref<1x200x128xf32, #tpu.memory_space<vmem>>, vector<1x1x16xf32>,
        %get3A_493 = vector.shape_cast %get3A_492 : vector<1x1x16xf32> to vector<16xf32>
        %mul3A_494 = arith.constant 8 : i32
        %mul3A_495 = arith.muli %scan3A_453, %mul3A_494 : i32
        %add3A_496 = arith.constant 2 : i32
        %add3A_497 = arith.addi %mul3A_495, %add3A_496 : i32
        %swap3A_498 = arith.constant 0 : i32
        %swap3A_499 = arith.index_cast %swap3A_498 : i32 to index
        %swap3A_500 = arith.index_cast %add3A_497 : i32 to index
        %swap3A_501 = arith.constant 0 : index
        %swap3A_502 = tpu.vector_load %arg7[%swap3A_499, %swap3A_500, %swap3A_501] {strides = array<i32>} : memref<1x200x16xf32, #tpu.memory_space<vmem>>, vector<1x1x16xf32>,
        %swap3A_503 = vector.shape_cast %swap3A_502 : vector<1x1x16xf32> to vector<16xf32>
        %swap3A_504 = vector.shape_cast %get3A_493 : vector<16xf32> to vector<1x1x16xf32>
        tpu.vector_store %arg7[%swap3A_499, %swap3A_500, %swap3A_501], %swap3A_504 {strides = array<i32>} : memref<1x200x16xf32, #tpu.memory_space<vmem>>, vector<1x1x16xf32>,
        %get3A_505 = arith.constant 0 : i32
        %get3A_506 = arith.index_cast %get3A_505 : i32 to index
        %get3A_507 = arith.index_cast %add3A_455 : i32 to index
        %get3A_508 = arith.constant 48 : index
        %get3A_509 = tpu.vector_load %arg4[%get3A_506, %get3A_507, %get3A_508] {strides = array<i32>} : memref<1x200x128xf32, #tpu.memory_space<vmem>>, vector<1x1x16xf32>,
        %get3A_510 = vector.shape_cast %get3A_509 : vector<1x1x16xf32> to vector<16xf32>
        %mul3A_511 = arith.constant 8 : i32
        %mul3A_512 = arith.muli %scan3A_453, %mul3A_511 : i32
        %add3A_513 = arith.constant 3 : i32
        %add3A_514 = arith.addi %mul3A_512, %add3A_513 : i32
        %swap3A_515 = arith.constant 0 : i32
        %swap3A_516 = arith.index_cast %swap3A_515 : i32 to index
        %swap3A_517 = arith.index_cast %add3A_514 : i32 to index
        %swap3A_518 = arith.constant 0 : index
        %swap3A_519 = tpu.vector_load %arg7[%swap3A_516, %swap3A_517, %swap3A_518] {strides = array<i32>} : memref<1x200x16xf32, #tpu.memory_space<vmem>>, vector<1x1x16xf32>,
        %swap3A_520 = vector.shape_cast %swap3A_519 : vector<1x1x16xf32> to vector<16xf32>
        %swap3A_521 = vector.shape_cast %get3A_510 : vector<16xf32> to vector<1x1x16xf32>
        tpu.vector_store %arg7[%swap3A_516, %swap3A_517, %swap3A_518], %swap3A_521 {strides = array<i32>} : memref<1x200x16xf32, #tpu.memory_space<vmem>>, vector<1x1x16xf32>,
        %get3A_522 = arith.constant 0 : i32
        %get3A_523 = arith.index_cast %get3A_522 : i32 to index
        %get3A_524 = arith.index_cast %add3A_455 : i32 to index
        %get3A_525 = arith.constant 64 : index
        %get3A_526 = tpu.vector_load %arg4[%get3A_523, %get3A_524, %get3A_525] {strides = array<i32>} : memref<1x200x128xf32, #tpu.memory_space<vmem>>, vector<1x1x16xf32>,
        %get3A_527 = vector.shape_cast %get3A_526 : vector<1x1x16xf32> to vector<16xf32>
        %mul3A_528 = arith.constant 8 : i32
        %mul3A_529 = arith.muli %scan3A_453, %mul3A_528 : i32
        %add3A_530 = arith.constant 4 : i32
        %add3A_531 = arith.addi %mul3A_529, %add3A_530 : i32
        %swap3A_532 = arith.constant 0 : i32
        %swap3A_533 = arith.index_cast %swap3A_532 : i32 to index
        %swap3A_534 = arith.index_cast %add3A_531 : i32 to index
        %swap3A_535 = arith.constant 0 : index
        %swap3A_536 = tpu.vector_load %arg7[%swap3A_533, %swap3A_534, %swap3A_535] {strides = array<i32>} : memref<1x200x16xf32, #tpu.memory_space<vmem>>, vector<1x1x16xf32>,
        %swap3A_537 = vector.shape_cast %swap3A_536 : vector<1x1x16xf32> to vector<16xf32>
        %swap3A_538 = vector.shape_cast %get3A_527 : vector<16xf32> to vector<1x1x16xf32>
        tpu.vector_store %arg7[%swap3A_533, %swap3A_534, %swap3A_535], %swap3A_538 {strides = array<i32>} : memref<1x200x16xf32, #tpu.memory_space<vmem>>, vector<1x1x16xf32>,
        %get3A_539 = arith.constant 0 : i32
        %get3A_540 = arith.index_cast %get3A_539 : i32 to index
        %get3A_541 = arith.index_cast %add3A_455 : i32 to index
        %get3A_542 = arith.constant 80 : index
        %get3A_543 = tpu.vector_load %arg4[%get3A_540, %get3A_541, %get3A_542] {strides = array<i32>} : memref<1x200x128xf32, #tpu.memory_space<vmem>>, vector<1x1x16xf32>,
        %get3A_544 = vector.shape_cast %get3A_543 : vector<1x1x16xf32> to vector<16xf32>
        %mul3A_545 = arith.constant 8 : i32
        %mul3A_546 = arith.muli %scan3A_453, %mul3A_545 : i32
        %add3A_547 = arith.constant 5 : i32
        %add3A_548 = arith.addi %mul3A_546, %add3A_547 : i32
        %swap3A_549 = arith.constant 0 : i32
        %swap3A_550 = arith.index_cast %swap3A_549 : i32 to index
        %swap3A_551 = arith.index_cast %add3A_548 : i32 to index
        %swap3A_552 = arith.constant 0 : index
        %swap3A_553 = tpu.vector_load %arg7[%swap3A_550, %swap3A_551, %swap3A_552] {strides = array<i32>} : memref<1x200x16xf32, #tpu.memory_space<vmem>>, vector<1x1x16xf32>,
        %swap3A_554 = vector.shape_cast %swap3A_553 : vector<1x1x16xf32> to vector<16xf32>
        %swap3A_555 = vector.shape_cast %get3A_544 : vector<16xf32> to vector<1x1x16xf32>
        tpu.vector_store %arg7[%swap3A_550, %swap3A_551, %swap3A_552], %swap3A_555 {strides = array<i32>} : memref<1x200x16xf32, #tpu.memory_space<vmem>>, vector<1x1x16xf32>,
        %get3A_556 = arith.constant 0 : i32
        %get3A_557 = arith.index_cast %get3A_556 : i32 to index
        %get3A_558 = arith.index_cast %add3A_455 : i32 to index
        %get3A_559 = arith.constant 96 : index
        %get3A_560 = tpu.vector_load %arg4[%get3A_557, %get3A_558, %get3A_559] {strides = array<i32>} : memref<1x200x128xf32, #tpu.memory_space<vmem>>, vector<1x1x16xf32>,
        %get3A_561 = vector.shape_cast %get3A_560 : vector<1x1x16xf32> to vector<16xf32>
        %mul3A_562 = arith.constant 8 : i32
        %mul3A_563 = arith.muli %scan3A_453, %mul3A_562 : i32
        %add3A_564 = arith.constant 6 : i32
        %add3A_565 = arith.addi %mul3A_563, %add3A_564 : i32
        %swap3A_566 = arith.constant 0 : i32
        %swap3A_567 = arith.index_cast %swap3A_566 : i32 to index
        %swap3A_568 = arith.index_cast %add3A_565 : i32 to index
        %swap3A_569 = arith.constant 0 : index
        %swap3A_570 = tpu.vector_load %arg7[%swap3A_567, %swap3A_568, %swap3A_569] {strides = array<i32>} : memref<1x200x16xf32, #tpu.memory_space<vmem>>, vector<1x1x16xf32>,
        %swap3A_571 = vector.shape_cast %swap3A_570 : vector<1x1x16xf32> to vector<16xf32>
        %swap3A_572 = vector.shape_cast %get3A_561 : vector<16xf32> to vector<1x1x16xf32>
        tpu.vector_store %arg7[%swap3A_567, %swap3A_568, %swap3A_569], %swap3A_572 {strides = array<i32>} : memref<1x200x16xf32, #tpu.memory_space<vmem>>, vector<1x1x16xf32>,
        %get3A_573 = arith.constant 0 : i32
        %get3A_574 = arith.index_cast %get3A_573 : i32 to index
        %get3A_575 = arith.index_cast %add3A_455 : i32 to index
        %get3A_576 = arith.constant 112 : index
        %get3A_577 = tpu.vector_load %arg4[%get3A_574, %get3A_575, %get3A_576] {strides = array<i32>} : memref<1x200x128xf32, #tpu.memory_space<vmem>>, vector<1x1x16xf32>,
        %get3A_578 = vector.shape_cast %get3A_577 : vector<1x1x16xf32> to vector<16xf32>
        %mul3A_579 = arith.constant 8 : i32
        %mul3A_580 = arith.muli %scan3A_453, %mul3A_579 : i32
        %add3A_581 = arith.constant 7 : i32
        %add3A_582 = arith.addi %mul3A_580, %add3A_581 : i32
        %swap3A_583 = arith.constant 0 : i32
        %swap3A_584 = arith.index_cast %swap3A_583 : i32 to index
        %swap3A_585 = arith.index_cast %add3A_582 : i32 to index
        %swap3A_586 = arith.constant 0 : index
        %swap3A_587 = tpu.vector_load %arg7[%swap3A_584, %swap3A_585, %swap3A_586] {strides = array<i32>} : memref<1x200x16xf32, #tpu.memory_space<vmem>>, vector<1x1x16xf32>,
        %swap3A_588 = vector.shape_cast %swap3A_587 : vector<1x1x16xf32> to vector<16xf32>
        %swap3A_589 = vector.shape_cast %get3A_578 : vector<16xf32> to vector<1x1x16xf32>
        tpu.vector_store %arg7[%swap3A_584, %swap3A_585, %swap3A_586], %swap3A_589 {strides = array<i32>} : memref<1x200x16xf32, #tpu.memory_space<vmem>>, vector<1x1x16xf32>,
      }
      %scan3A_89 = arith.constant 25 : i32
      %dma_start3A_90 = arith.constant 0 : i32
      %dma_start3A_91 = arith.constant 0 : i32
      %dma_start3A_92 = tpu.memref_slice %arg3[%add3A_78, %dma_start3A_90, %dma_start3A_91] : memref<16384x200x16xf32, #tpu.memory_space<hbm>> -> memref<1x200x16xf32, #tpu.memory_space<hbm>>
      %dma_start3A_93 = arith.constant 0 : i32
      %dma_start3A_94 = arith.constant 0 : i32
      %dma_start3A_95 = tpu.memref_slice %arg3[%add3A_78, %dma_start3A_93, %dma_start3A_94] : memref<16384x200x16xf32, #tpu.memory_space<hbm>> -> memref<1x200x16xf32, #tpu.memory_space<hbm>>
      tpu.enqueue_dma source(%arg7 : memref<1x200x16xf32, #tpu.memory_space<vmem>>) target(%dma_start3A_95 : memref<1x200x16xf32, #tpu.memory_space<hbm>>) target_semaphore(%arg11 : memref<!tpu.dma_semaphore, #tpu.memory_space<semaphore_mem>>)
      %mul3A_96 = arith.constant 8 : i32
      %mul3A_97 = arith.muli %add3A_50, %mul3A_96 : i32
      %add3A_98 = arith.constant 2 : i32
      %add3A_99 = arith.addi %mul3A_97, %add3A_98 : i32
      %sub3A_100 = arith.constant 2 : i32
      %sub3A_101 = arith.subi %add3A_99, %sub3A_100 : i32
      %dma_wait3A_102 = arith.constant 0 : i32
      %dma_wait3A_103 = arith.constant 0 : i32
      %dma_wait3A_104 = tpu.memref_slice %arg3[%sub3A_101, %dma_wait3A_102, %dma_wait3A_103] : memref<16384x200x16xf32, #tpu.memory_space<hbm>> -> memref<1x200x16xf32, #tpu.memory_space<hbm>>
      %dma_wait3A_105 = arith.constant 0 : i32
      %dma_wait3A_106 = arith.constant 0 : i32
      %dma_wait3A_107 = tpu.memref_slice %arg3[%sub3A_101, %dma_wait3A_105, %dma_wait3A_106] : memref<16384x200x16xf32, #tpu.memory_space<hbm>> -> memref<1x200x16xf32, #tpu.memory_space<hbm>>
      tpu.wait_dma2 semaphore(%arg10 : memref<!tpu.dma_semaphore, #tpu.memory_space<semaphore_mem>>) src(%arg6 : memref<1x200x16xf32, #tpu.memory_space<vmem>>) dst(%dma_wait3A_107 : memref<1x200x16xf32, #tpu.memory_space<hbm>>)
      %scan3A_108 = arith.constant 0 : i32
      %scan3A_109 = arith.constant 0 : i32
      %scan3A_110 = arith.constant 25 : i32
      %scan3A_111 = arith.addi %scan3A_109, %scan3A_110 : i32
      %scan3A_112 = arith.constant 1 : i32
      scf.for %scan3A_453 = %scan3A_109 to %scan3A_111 step %scan3A_112  : i32 {
        %add3A_454 = arith.constant 50 : i32
        %add3A_455 = arith.addi %add3A_454, %scan3A_453 : i32
        %get3A = arith.constant 0 : i32
        %get3A_456 = arith.index_cast %get3A : i32 to index
        %get3A_457 = arith.index_cast %add3A_455 : i32 to index
        %get3A_458 = arith.constant 0 : index
        %get3A_459 = tpu.vector_load %arg4[%get3A_456, %get3A_457, %get3A_458] {strides = array<i32>} : memref<1x200x128xf32, #tpu.memory_space<vmem>>, vector<1x1x16xf32>,
        %get3A_460 = vector.shape_cast %get3A_459 : vector<1x1x16xf32> to vector<16xf32>
        %mul3A_461 = arith.constant 8 : i32
        %mul3A_462 = arith.muli %scan3A_453, %mul3A_461 : i32
        %add3A_463 = arith.constant 0 : i32
        %add3A_464 = arith.addi %mul3A_462, %add3A_463 : i32
        %swap3A = arith.constant 0 : i32
        %swap3A_465 = arith.index_cast %swap3A : i32 to index
        %swap3A_466 = arith.index_cast %add3A_464 : i32 to index
        %swap3A_467 = arith.constant 0 : index
        %swap3A_468 = tpu.vector_load %arg6[%swap3A_465, %swap3A_466, %swap3A_467] {strides = array<i32>} : memref<1x200x16xf32, #tpu.memory_space<vmem>>, vector<1x1x16xf32>,
        %swap3A_469 = vector.shape_cast %swap3A_468 : vector<1x1x16xf32> to vector<16xf32>
        %swap3A_470 = vector.shape_cast %get3A_460 : vector<16xf32> to vector<1x1x16xf32>
        tpu.vector_store %arg6[%swap3A_465, %swap3A_466, %swap3A_467], %swap3A_470 {strides = array<i32>} : memref<1x200x16xf32, #tpu.memory_space<vmem>>, vector<1x1x16xf32>,
        %get3A_471 = arith.constant 0 : i32
        %get3A_472 = arith.index_cast %get3A_471 : i32 to index
        %get3A_473 = arith.index_cast %add3A_455 : i32 to index
        %get3A_474 = arith.constant 16 : index
        %get3A_475 = tpu.vector_load %arg4[%get3A_472, %get3A_473, %get3A_474] {strides = array<i32>} : memref<1x200x128xf32, #tpu.memory_space<vmem>>, vector<1x1x16xf32>,
        %get3A_476 = vector.shape_cast %get3A_475 : vector<1x1x16xf32> to vector<16xf32>
        %mul3A_477 = arith.constant 8 : i32
        %mul3A_478 = arith.muli %scan3A_453, %mul3A_477 : i32
        %add3A_479 = arith.constant 1 : i32
        %add3A_480 = arith.addi %mul3A_478, %add3A_479 : i32
        %swap3A_481 = arith.constant 0 : i32
        %swap3A_482 = arith.index_cast %swap3A_481 : i32 to index
        %swap3A_483 = arith.index_cast %add3A_480 : i32 to index
        %swap3A_484 = arith.constant 0 : index
        %swap3A_485 = tpu.vector_load %arg6[%swap3A_482, %swap3A_483, %swap3A_484] {strides = array<i32>} : memref<1x200x16xf32, #tpu.memory_space<vmem>>, vector<1x1x16xf32>,
        %swap3A_486 = vector.shape_cast %swap3A_485 : vector<1x1x16xf32> to vector<16xf32>
        %swap3A_487 = vector.shape_cast %get3A_476 : vector<16xf32> to vector<1x1x16xf32>
        tpu.vector_store %arg6[%swap3A_482, %swap3A_483, %swap3A_484], %swap3A_487 {strides = array<i32>} : memref<1x200x16xf32, #tpu.memory_space<vmem>>, vector<1x1x16xf32>,
        %get3A_488 = arith.constant 0 : i32
        %get3A_489 = arith.index_cast %get3A_488 : i32 to index
        %get3A_490 = arith.index_cast %add3A_455 : i32 to index
        %get3A_491 = arith.constant 32 : index
        %get3A_492 = tpu.vector_load %arg4[%get3A_489, %get3A_490, %get3A_491] {strides = array<i32>} : memref<1x200x128xf32, #tpu.memory_space<vmem>>, vector<1x1x16xf32>,
        %get3A_493 = vector.shape_cast %get3A_492 : vector<1x1x16xf32> to vector<16xf32>
        %mul3A_494 = arith.constant 8 : i32
        %mul3A_495 = arith.muli %scan3A_453, %mul3A_494 : i32
        %add3A_496 = arith.constant 2 : i32
        %add3A_497 = arith.addi %mul3A_495, %add3A_496 : i32
        %swap3A_498 = arith.constant 0 : i32
        %swap3A_499 = arith.index_cast %swap3A_498 : i32 to index
        %swap3A_500 = arith.index_cast %add3A_497 : i32 to index
        %swap3A_501 = arith.constant 0 : index
        %swap3A_502 = tpu.vector_load %arg6[%swap3A_499, %swap3A_500, %swap3A_501] {strides = array<i32>} : memref<1x200x16xf32, #tpu.memory_space<vmem>>, vector<1x1x16xf32>,
        %swap3A_503 = vector.shape_cast %swap3A_502 : vector<1x1x16xf32> to vector<16xf32>
        %swap3A_504 = vector.shape_cast %get3A_493 : vector<16xf32> to vector<1x1x16xf32>
        tpu.vector_store %arg6[%swap3A_499, %swap3A_500, %swap3A_501], %swap3A_504 {strides = array<i32>} : memref<1x200x16xf32, #tpu.memory_space<vmem>>, vector<1x1x16xf32>,
        %get3A_505 = arith.constant 0 : i32
        %get3A_506 = arith.index_cast %get3A_505 : i32 to index
        %get3A_507 = arith.index_cast %add3A_455 : i32 to index
        %get3A_508 = arith.constant 48 : index
        %get3A_509 = tpu.vector_load %arg4[%get3A_506, %get3A_507, %get3A_508] {strides = array<i32>} : memref<1x200x128xf32, #tpu.memory_space<vmem>>, vector<1x1x16xf32>,
        %get3A_510 = vector.shape_cast %get3A_509 : vector<1x1x16xf32> to vector<16xf32>
        %mul3A_511 = arith.constant 8 : i32
        %mul3A_512 = arith.muli %scan3A_453, %mul3A_511 : i32
        %add3A_513 = arith.constant 3 : i32
        %add3A_514 = arith.addi %mul3A_512, %add3A_513 : i32
        %swap3A_515 = arith.constant 0 : i32
        %swap3A_516 = arith.index_cast %swap3A_515 : i32 to index
        %swap3A_517 = arith.index_cast %add3A_514 : i32 to index
        %swap3A_518 = arith.constant 0 : index
        %swap3A_519 = tpu.vector_load %arg6[%swap3A_516, %swap3A_517, %swap3A_518] {strides = array<i32>} : memref<1x200x16xf32, #tpu.memory_space<vmem>>, vector<1x1x16xf32>,
        %swap3A_520 = vector.shape_cast %swap3A_519 : vector<1x1x16xf32> to vector<16xf32>
        %swap3A_521 = vector.shape_cast %get3A_510 : vector<16xf32> to vector<1x1x16xf32>
        tpu.vector_store %arg6[%swap3A_516, %swap3A_517, %swap3A_518], %swap3A_521 {strides = array<i32>} : memref<1x200x16xf32, #tpu.memory_space<vmem>>, vector<1x1x16xf32>,
        %get3A_522 = arith.constant 0 : i32
        %get3A_523 = arith.index_cast %get3A_522 : i32 to index
        %get3A_524 = arith.index_cast %add3A_455 : i32 to index
        %get3A_525 = arith.constant 64 : index
        %get3A_526 = tpu.vector_load %arg4[%get3A_523, %get3A_524, %get3A_525] {strides = array<i32>} : memref<1x200x128xf32, #tpu.memory_space<vmem>>, vector<1x1x16xf32>,
        %get3A_527 = vector.shape_cast %get3A_526 : vector<1x1x16xf32> to vector<16xf32>
        %mul3A_528 = arith.constant 8 : i32
        %mul3A_529 = arith.muli %scan3A_453, %mul3A_528 : i32
        %add3A_530 = arith.constant 4 : i32
        %add3A_531 = arith.addi %mul3A_529, %add3A_530 : i32
        %swap3A_532 = arith.constant 0 : i32
        %swap3A_533 = arith.index_cast %swap3A_532 : i32 to index
        %swap3A_534 = arith.index_cast %add3A_531 : i32 to index
        %swap3A_535 = arith.constant 0 : index
        %swap3A_536 = tpu.vector_load %arg6[%swap3A_533, %swap3A_534, %swap3A_535] {strides = array<i32>} : memref<1x200x16xf32, #tpu.memory_space<vmem>>, vector<1x1x16xf32>,
        %swap3A_537 = vector.shape_cast %swap3A_536 : vector<1x1x16xf32> to vector<16xf32>
        %swap3A_538 = vector.shape_cast %get3A_527 : vector<16xf32> to vector<1x1x16xf32>
        tpu.vector_store %arg6[%swap3A_533, %swap3A_534, %swap3A_535], %swap3A_538 {strides = array<i32>} : memref<1x200x16xf32, #tpu.memory_space<vmem>>, vector<1x1x16xf32>,
        %get3A_539 = arith.constant 0 : i32
        %get3A_540 = arith.index_cast %get3A_539 : i32 to index
        %get3A_541 = arith.index_cast %add3A_455 : i32 to index
        %get3A_542 = arith.constant 80 : index
        %get3A_543 = tpu.vector_load %arg4[%get3A_540, %get3A_541, %get3A_542] {strides = array<i32>} : memref<1x200x128xf32, #tpu.memory_space<vmem>>, vector<1x1x16xf32>,
        %get3A_544 = vector.shape_cast %get3A_543 : vector<1x1x16xf32> to vector<16xf32>
        %mul3A_545 = arith.constant 8 : i32
        %mul3A_546 = arith.muli %scan3A_453, %mul3A_545 : i32
        %add3A_547 = arith.constant 5 : i32
        %add3A_548 = arith.addi %mul3A_546, %add3A_547 : i32
        %swap3A_549 = arith.constant 0 : i32
        %swap3A_550 = arith.index_cast %swap3A_549 : i32 to index
        %swap3A_551 = arith.index_cast %add3A_548 : i32 to index
        %swap3A_552 = arith.constant 0 : index
        %swap3A_553 = tpu.vector_load %arg6[%swap3A_550, %swap3A_551, %swap3A_552] {strides = array<i32>} : memref<1x200x16xf32, #tpu.memory_space<vmem>>, vector<1x1x16xf32>,
        %swap3A_554 = vector.shape_cast %swap3A_553 : vector<1x1x16xf32> to vector<16xf32>
        %swap3A_555 = vector.shape_cast %get3A_544 : vector<16xf32> to vector<1x1x16xf32>
        tpu.vector_store %arg6[%swap3A_550, %swap3A_551, %swap3A_552], %swap3A_555 {strides = array<i32>} : memref<1x200x16xf32, #tpu.memory_space<vmem>>, vector<1x1x16xf32>,
        %get3A_556 = arith.constant 0 : i32
        %get3A_557 = arith.index_cast %get3A_556 : i32 to index
        %get3A_558 = arith.index_cast %add3A_455 : i32 to index
        %get3A_559 = arith.constant 96 : index
        %get3A_560 = tpu.vector_load %arg4[%get3A_557, %get3A_558, %get3A_559] {strides = array<i32>} : memref<1x200x128xf32, #tpu.memory_space<vmem>>, vector<1x1x16xf32>,
        %get3A_561 = vector.shape_cast %get3A_560 : vector<1x1x16xf32> to vector<16xf32>
        %mul3A_562 = arith.constant 8 : i32
        %mul3A_563 = arith.muli %scan3A_453, %mul3A_562 : i32
        %add3A_564 = arith.constant 6 : i32
        %add3A_565 = arith.addi %mul3A_563, %add3A_564 : i32
        %swap3A_566 = arith.constant 0 : i32
        %swap3A_567 = arith.index_cast %swap3A_566 : i32 to index
        %swap3A_568 = arith.index_cast %add3A_565 : i32 to index
        %swap3A_569 = arith.constant 0 : index
        %swap3A_570 = tpu.vector_load %arg6[%swap3A_567, %swap3A_568, %swap3A_569] {strides = array<i32>} : memref<1x200x16xf32, #tpu.memory_space<vmem>>, vector<1x1x16xf32>,
        %swap3A_571 = vector.shape_cast %swap3A_570 : vector<1x1x16xf32> to vector<16xf32>
        %swap3A_572 = vector.shape_cast %get3A_561 : vector<16xf32> to vector<1x1x16xf32>
        tpu.vector_store %arg6[%swap3A_567, %swap3A_568, %swap3A_569], %swap3A_572 {strides = array<i32>} : memref<1x200x16xf32, #tpu.memory_space<vmem>>, vector<1x1x16xf32>,
        %get3A_573 = arith.constant 0 : i32
        %get3A_574 = arith.index_cast %get3A_573 : i32 to index
        %get3A_575 = arith.index_cast %add3A_455 : i32 to index
        %get3A_576 = arith.constant 112 : index
        %get3A_577 = tpu.vector_load %arg4[%get3A_574, %get3A_575, %get3A_576] {strides = array<i32>} : memref<1x200x128xf32, #tpu.memory_space<vmem>>, vector<1x1x16xf32>,
        %get3A_578 = vector.shape_cast %get3A_577 : vector<1x1x16xf32> to vector<16xf32>
        %mul3A_579 = arith.constant 8 : i32
        %mul3A_580 = arith.muli %scan3A_453, %mul3A_579 : i32
        %add3A_581 = arith.constant 7 : i32
        %add3A_582 = arith.addi %mul3A_580, %add3A_581 : i32
        %swap3A_583 = arith.constant 0 : i32
        %swap3A_584 = arith.index_cast %swap3A_583 : i32 to index
        %swap3A_585 = arith.index_cast %add3A_582 : i32 to index
        %swap3A_586 = arith.constant 0 : index
        %swap3A_587 = tpu.vector_load %arg6[%swap3A_584, %swap3A_585, %swap3A_586] {strides = array<i32>} : memref<1x200x16xf32, #tpu.memory_space<vmem>>, vector<1x1x16xf32>,
        %swap3A_588 = vector.shape_cast %swap3A_587 : vector<1x1x16xf32> to vector<16xf32>
        %swap3A_589 = vector.shape_cast %get3A_578 : vector<16xf32> to vector<1x1x16xf32>
        tpu.vector_store %arg6[%swap3A_584, %swap3A_585, %swap3A_586], %swap3A_589 {strides = array<i32>} : memref<1x200x16xf32, #tpu.memory_space<vmem>>, vector<1x1x16xf32>,
      }
      %scan3A_113 = arith.constant 25 : i32
      %dma_start3A_114 = arith.constant 0 : i32
      %dma_start3A_115 = arith.constant 0 : i32
      %dma_start3A_116 = tpu.memref_slice %arg3[%add3A_99, %dma_start3A_114, %dma_start3A_115] : memref<16384x200x16xf32, #tpu.memory_space<hbm>> -> memref<1x200x16xf32, #tpu.memory_space<hbm>>
      %dma_start3A_117 = arith.constant 0 : i32
      %dma_start3A_118 = arith.constant 0 : i32
      %dma_start3A_119 = tpu.memref_slice %arg3[%add3A_99, %dma_start3A_117, %dma_start3A_118] : memref<16384x200x16xf32, #tpu.memory_space<hbm>> -> memref<1x200x16xf32, #tpu.memory_space<hbm>>
      tpu.enqueue_dma source(%arg6 : memref<1x200x16xf32, #tpu.memory_space<vmem>>) target(%dma_start3A_119 : memref<1x200x16xf32, #tpu.memory_space<hbm>>) target_semaphore(%arg10 : memref<!tpu.dma_semaphore, #tpu.memory_space<semaphore_mem>>)
      %mul3A_120 = arith.constant 8 : i32
      %mul3A_121 = arith.muli %add3A_50, %mul3A_120 : i32
      %add3A_122 = arith.constant 3 : i32
      %add3A_123 = arith.addi %mul3A_121, %add3A_122 : i32
      %sub3A_124 = arith.constant 2 : i32
      %sub3A_125 = arith.subi %add3A_123, %sub3A_124 : i32
      %dma_wait3A_126 = arith.constant 0 : i32
      %dma_wait3A_127 = arith.constant 0 : i32
      %dma_wait3A_128 = tpu.memref_slice %arg3[%sub3A_125, %dma_wait3A_126, %dma_wait3A_127] : memref<16384x200x16xf32, #tpu.memory_space<hbm>> -> memref<1x200x16xf32, #tpu.memory_space<hbm>>
      %dma_wait3A_129 = arith.constant 0 : i32
      %dma_wait3A_130 = arith.constant 0 : i32
      %dma_wait3A_131 = tpu.memref_slice %arg3[%sub3A_125, %dma_wait3A_129, %dma_wait3A_130] : memref<16384x200x16xf32, #tpu.memory_space<hbm>> -> memref<1x200x16xf32, #tpu.memory_space<hbm>>
      tpu.wait_dma2 semaphore(%arg11 : memref<!tpu.dma_semaphore, #tpu.memory_space<semaphore_mem>>) src(%arg7 : memref<1x200x16xf32, #tpu.memory_space<vmem>>) dst(%dma_wait3A_131 : memref<1x200x16xf32, #tpu.memory_space<hbm>>)
      %scan3A_132 = arith.constant 0 : i32
      %scan3A_133 = arith.constant 0 : i32
      %scan3A_134 = arith.constant 25 : i32
      %scan3A_135 = arith.addi %scan3A_133, %scan3A_134 : i32
      %scan3A_136 = arith.constant 1 : i32
      scf.for %scan3A_453 = %scan3A_133 to %scan3A_135 step %scan3A_136  : i32 {
        %add3A_454 = arith.constant 75 : i32
        %add3A_455 = arith.addi %add3A_454, %scan3A_453 : i32
        %get3A = arith.constant 0 : i32
        %get3A_456 = arith.index_cast %get3A : i32 to index
        %get3A_457 = arith.index_cast %add3A_455 : i32 to index
        %get3A_458 = arith.constant 0 : index
        %get3A_459 = tpu.vector_load %arg4[%get3A_456, %get3A_457, %get3A_458] {strides = array<i32>} : memref<1x200x128xf32, #tpu.memory_space<vmem>>, vector<1x1x16xf32>,
        %get3A_460 = vector.shape_cast %get3A_459 : vector<1x1x16xf32> to vector<16xf32>
        %mul3A_461 = arith.constant 8 : i32
        %mul3A_462 = arith.muli %scan3A_453, %mul3A_461 : i32
        %add3A_463 = arith.constant 0 : i32
        %add3A_464 = arith.addi %mul3A_462, %add3A_463 : i32
        %swap3A = arith.constant 0 : i32
        %swap3A_465 = arith.index_cast %swap3A : i32 to index
        %swap3A_466 = arith.index_cast %add3A_464 : i32 to index
        %swap3A_467 = arith.constant 0 : index
        %swap3A_468 = tpu.vector_load %arg7[%swap3A_465, %swap3A_466, %swap3A_467] {strides = array<i32>} : memref<1x200x16xf32, #tpu.memory_space<vmem>>, vector<1x1x16xf32>,
        %swap3A_469 = vector.shape_cast %swap3A_468 : vector<1x1x16xf32> to vector<16xf32>
        %swap3A_470 = vector.shape_cast %get3A_460 : vector<16xf32> to vector<1x1x16xf32>
        tpu.vector_store %arg7[%swap3A_465, %swap3A_466, %swap3A_467], %swap3A_470 {strides = array<i32>} : memref<1x200x16xf32, #tpu.memory_space<vmem>>, vector<1x1x16xf32>,
        %get3A_471 = arith.constant 0 : i32
        %get3A_472 = arith.index_cast %get3A_471 : i32 to index
        %get3A_473 = arith.index_cast %add3A_455 : i32 to index
        %get3A_474 = arith.constant 16 : index
        %get3A_475 = tpu.vector_load %arg4[%get3A_472, %get3A_473, %get3A_474] {strides = array<i32>} : memref<1x200x128xf32, #tpu.memory_space<vmem>>, vector<1x1x16xf32>,
        %get3A_476 = vector.shape_cast %get3A_475 : vector<1x1x16xf32> to vector<16xf32>
        %mul3A_477 = arith.constant 8 : i32
        %mul3A_478 = arith.muli %scan3A_453, %mul3A_477 : i32
        %add3A_479 = arith.constant 1 : i32
        %add3A_480 = arith.addi %mul3A_478, %add3A_479 : i32
        %swap3A_481 = arith.constant 0 : i32
        %swap3A_482 = arith.index_cast %swap3A_481 : i32 to index
        %swap3A_483 = arith.index_cast %add3A_480 : i32 to index
        %swap3A_484 = arith.constant 0 : index
        %swap3A_485 = tpu.vector_load %arg7[%swap3A_482, %swap3A_483, %swap3A_484] {strides = array<i32>} : memref<1x200x16xf32, #tpu.memory_space<vmem>>, vector<1x1x16xf32>,
        %swap3A_486 = vector.shape_cast %swap3A_485 : vector<1x1x16xf32> to vector<16xf32>
        %swap3A_487 = vector.shape_cast %get3A_476 : vector<16xf32> to vector<1x1x16xf32>
        tpu.vector_store %arg7[%swap3A_482, %swap3A_483, %swap3A_484], %swap3A_487 {strides = array<i32>} : memref<1x200x16xf32, #tpu.memory_space<vmem>>, vector<1x1x16xf32>,
        %get3A_488 = arith.constant 0 : i32
        %get3A_489 = arith.index_cast %get3A_488 : i32 to index
        %get3A_490 = arith.index_cast %add3A_455 : i32 to index
        %get3A_491 = arith.constant 32 : index
        %get3A_492 = tpu.vector_load %arg4[%get3A_489, %get3A_490, %get3A_491] {strides = array<i32>} : memref<1x200x128xf32, #tpu.memory_space<vmem>>, vector<1x1x16xf32>,
        %get3A_493 = vector.shape_cast %get3A_492 : vector<1x1x16xf32> to vector<16xf32>
        %mul3A_494 = arith.constant 8 : i32
        %mul3A_495 = arith.muli %scan3A_453, %mul3A_494 : i32
        %add3A_496 = arith.constant 2 : i32
        %add3A_497 = arith.addi %mul3A_495, %add3A_496 : i32
        %swap3A_498 = arith.constant 0 : i32
        %swap3A_499 = arith.index_cast %swap3A_498 : i32 to index
        %swap3A_500 = arith.index_cast %add3A_497 : i32 to index
        %swap3A_501 = arith.constant 0 : index
        %swap3A_502 = tpu.vector_load %arg7[%swap3A_499, %swap3A_500, %swap3A_501] {strides = array<i32>} : memref<1x200x16xf32, #tpu.memory_space<vmem>>, vector<1x1x16xf32>,
        %swap3A_503 = vector.shape_cast %swap3A_502 : vector<1x1x16xf32> to vector<16xf32>
        %swap3A_504 = vector.shape_cast %get3A_493 : vector<16xf32> to vector<1x1x16xf32>
        tpu.vector_store %arg7[%swap3A_499, %swap3A_500, %swap3A_501], %swap3A_504 {strides = array<i32>} : memref<1x200x16xf32, #tpu.memory_space<vmem>>, vector<1x1x16xf32>,
        %get3A_505 = arith.constant 0 : i32
        %get3A_506 = arith.index_cast %get3A_505 : i32 to index
        %get3A_507 = arith.index_cast %add3A_455 : i32 to index
        %get3A_508 = arith.constant 48 : index
        %get3A_509 = tpu.vector_load %arg4[%get3A_506, %get3A_507, %get3A_508] {strides = array<i32>} : memref<1x200x128xf32, #tpu.memory_space<vmem>>, vector<1x1x16xf32>,
        %get3A_510 = vector.shape_cast %get3A_509 : vector<1x1x16xf32> to vector<16xf32>
        %mul3A_511 = arith.constant 8 : i32
        %mul3A_512 = arith.muli %scan3A_453, %mul3A_511 : i32
        %add3A_513 = arith.constant 3 : i32
        %add3A_514 = arith.addi %mul3A_512, %add3A_513 : i32
        %swap3A_515 = arith.constant 0 : i32
        %swap3A_516 = arith.index_cast %swap3A_515 : i32 to index
        %swap3A_517 = arith.index_cast %add3A_514 : i32 to index
        %swap3A_518 = arith.constant 0 : index
        %swap3A_519 = tpu.vector_load %arg7[%swap3A_516, %swap3A_517, %swap3A_518] {strides = array<i32>} : memref<1x200x16xf32, #tpu.memory_space<vmem>>, vector<1x1x16xf32>,
        %swap3A_520 = vector.shape_cast %swap3A_519 : vector<1x1x16xf32> to vector<16xf32>
        %swap3A_521 = vector.shape_cast %get3A_510 : vector<16xf32> to vector<1x1x16xf32>
        tpu.vector_store %arg7[%swap3A_516, %swap3A_517, %swap3A_518], %swap3A_521 {strides = array<i32>} : memref<1x200x16xf32, #tpu.memory_space<vmem>>, vector<1x1x16xf32>,
        %get3A_522 = arith.constant 0 : i32
        %get3A_523 = arith.index_cast %get3A_522 : i32 to index
        %get3A_524 = arith.index_cast %add3A_455 : i32 to index
        %get3A_525 = arith.constant 64 : index
        %get3A_526 = tpu.vector_load %arg4[%get3A_523, %get3A_524, %get3A_525] {strides = array<i32>} : memref<1x200x128xf32, #tpu.memory_space<vmem>>, vector<1x1x16xf32>,
        %get3A_527 = vector.shape_cast %get3A_526 : vector<1x1x16xf32> to vector<16xf32>
        %mul3A_528 = arith.constant 8 : i32
        %mul3A_529 = arith.muli %scan3A_453, %mul3A_528 : i32
        %add3A_530 = arith.constant 4 : i32
        %add3A_531 = arith.addi %mul3A_529, %add3A_530 : i32
        %swap3A_532 = arith.constant 0 : i32
        %swap3A_533 = arith.index_cast %swap3A_532 : i32 to index
        %swap3A_534 = arith.index_cast %add3A_531 : i32 to index
        %swap3A_535 = arith.constant 0 : index
        %swap3A_536 = tpu.vector_load %arg7[%swap3A_533, %swap3A_534, %swap3A_535] {strides = array<i32>} : memref<1x200x16xf32, #tpu.memory_space<vmem>>, vector<1x1x16xf32>,
        %swap3A_537 = vector.shape_cast %swap3A_536 : vector<1x1x16xf32> to vector<16xf32>
        %swap3A_538 = vector.shape_cast %get3A_527 : vector<16xf32> to vector<1x1x16xf32>
        tpu.vector_store %arg7[%swap3A_533, %swap3A_534, %swap3A_535], %swap3A_538 {strides = array<i32>} : memref<1x200x16xf32, #tpu.memory_space<vmem>>, vector<1x1x16xf32>,
        %get3A_539 = arith.constant 0 : i32
        %get3A_540 = arith.index_cast %get3A_539 : i32 to index
        %get3A_541 = arith.index_cast %add3A_455 : i32 to index
        %get3A_542 = arith.constant 80 : index
        %get3A_543 = tpu.vector_load %arg4[%get3A_540, %get3A_541, %get3A_542] {strides = array<i32>} : memref<1x200x128xf32, #tpu.memory_space<vmem>>, vector<1x1x16xf32>,
        %get3A_544 = vector.shape_cast %get3A_543 : vector<1x1x16xf32> to vector<16xf32>
        %mul3A_545 = arith.constant 8 : i32
        %mul3A_546 = arith.muli %scan3A_453, %mul3A_545 : i32
        %add3A_547 = arith.constant 5 : i32
        %add3A_548 = arith.addi %mul3A_546, %add3A_547 : i32
        %swap3A_549 = arith.constant 0 : i32
        %swap3A_550 = arith.index_cast %swap3A_549 : i32 to index
        %swap3A_551 = arith.index_cast %add3A_548 : i32 to index
        %swap3A_552 = arith.constant 0 : index
        %swap3A_553 = tpu.vector_load %arg7[%swap3A_550, %swap3A_551, %swap3A_552] {strides = array<i32>} : memref<1x200x16xf32, #tpu.memory_space<vmem>>, vector<1x1x16xf32>,
        %swap3A_554 = vector.shape_cast %swap3A_553 : vector<1x1x16xf32> to vector<16xf32>
        %swap3A_555 = vector.shape_cast %get3A_544 : vector<16xf32> to vector<1x1x16xf32>
        tpu.vector_store %arg7[%swap3A_550, %swap3A_551, %swap3A_552], %swap3A_555 {strides = array<i32>} : memref<1x200x16xf32, #tpu.memory_space<vmem>>, vector<1x1x16xf32>,
        %get3A_556 = arith.constant 0 : i32
        %get3A_557 = arith.index_cast %get3A_556 : i32 to index
        %get3A_558 = arith.index_cast %add3A_455 : i32 to index
        %get3A_559 = arith.constant 96 : index
        %get3A_560 = tpu.vector_load %arg4[%get3A_557, %get3A_558, %get3A_559] {strides = array<i32>} : memref<1x200x128xf32, #tpu.memory_space<vmem>>, vector<1x1x16xf32>,
        %get3A_561 = vector.shape_cast %get3A_560 : vector<1x1x16xf32> to vector<16xf32>
        %mul3A_562 = arith.constant 8 : i32
        %mul3A_563 = arith.muli %scan3A_453, %mul3A_562 : i32
        %add3A_564 = arith.constant 6 : i32
        %add3A_565 = arith.addi %mul3A_563, %add3A_564 : i32
        %swap3A_566 = arith.constant 0 : i32
        %swap3A_567 = arith.index_cast %swap3A_566 : i32 to index
        %swap3A_568 = arith.index_cast %add3A_565 : i32 to index
        %swap3A_569 = arith.constant 0 : index
        %swap3A_570 = tpu.vector_load %arg7[%swap3A_567, %swap3A_568, %swap3A_569] {strides = array<i32>} : memref<1x200x16xf32, #tpu.memory_space<vmem>>, vector<1x1x16xf32>,
        %swap3A_571 = vector.shape_cast %swap3A_570 : vector<1x1x16xf32> to vector<16xf32>
        %swap3A_572 = vector.shape_cast %get3A_561 : vector<16xf32> to vector<1x1x16xf32>
        tpu.vector_store %arg7[%swap3A_567, %swap3A_568, %swap3A_569], %swap3A_572 {strides = array<i32>} : memref<1x200x16xf32, #tpu.memory_space<vmem>>, vector<1x1x16xf32>,
        %get3A_573 = arith.constant 0 : i32
        %get3A_574 = arith.index_cast %get3A_573 : i32 to index
        %get3A_575 = arith.index_cast %add3A_455 : i32 to index
        %get3A_576 = arith.constant 112 : index
        %get3A_577 = tpu.vector_load %arg4[%get3A_574, %get3A_575, %get3A_576] {strides = array<i32>} : memref<1x200x128xf32, #tpu.memory_space<vmem>>, vector<1x1x16xf32>,
        %get3A_578 = vector.shape_cast %get3A_577 : vector<1x1x16xf32> to vector<16xf32>
        %mul3A_579 = arith.constant 8 : i32
        %mul3A_580 = arith.muli %scan3A_453, %mul3A_579 : i32
        %add3A_581 = arith.constant 7 : i32
        %add3A_582 = arith.addi %mul3A_580, %add3A_581 : i32
        %swap3A_583 = arith.constant 0 : i32
        %swap3A_584 = arith.index_cast %swap3A_583 : i32 to index
        %swap3A_585 = arith.index_cast %add3A_582 : i32 to index
        %swap3A_586 = arith.constant 0 : index
        %swap3A_587 = tpu.vector_load %arg7[%swap3A_584, %swap3A_585, %swap3A_586] {strides = array<i32>} : memref<1x200x16xf32, #tpu.memory_space<vmem>>, vector<1x1x16xf32>,
        %swap3A_588 = vector.shape_cast %swap3A_587 : vector<1x1x16xf32> to vector<16xf32>
        %swap3A_589 = vector.shape_cast %get3A_578 : vector<16xf32> to vector<1x1x16xf32>
        tpu.vector_store %arg7[%swap3A_584, %swap3A_585, %swap3A_586], %swap3A_589 {strides = array<i32>} : memref<1x200x16xf32, #tpu.memory_space<vmem>>, vector<1x1x16xf32>,
      }
      %scan3A_137 = arith.constant 25 : i32
      %dma_start3A_138 = arith.constant 0 : i32
      %dma_start3A_139 = arith.constant 0 : i32
      %dma_start3A_140 = tpu.memref_slice %arg3[%add3A_123, %dma_start3A_138, %dma_start3A_139] : memref<16384x200x16xf32, #tpu.memory_space<hbm>> -> memref<1x200x16xf32, #tpu.memory_space<hbm>>
      %dma_start3A_141 = arith.constant 0 : i32
      %dma_start3A_142 = arith.constant 0 : i32
      %dma_start3A_143 = tpu.memref_slice %arg3[%add3A_123, %dma_start3A_141, %dma_start3A_142] : memref<16384x200x16xf32, #tpu.memory_space<hbm>> -> memref<1x200x16xf32, #tpu.memory_space<hbm>>
      tpu.enqueue_dma source(%arg7 : memref<1x200x16xf32, #tpu.memory_space<vmem>>) target(%dma_start3A_143 : memref<1x200x16xf32, #tpu.memory_space<hbm>>) target_semaphore(%arg11 : memref<!tpu.dma_semaphore, #tpu.memory_space<semaphore_mem>>)
      %mul3A_144 = arith.constant 8 : i32
      %mul3A_145 = arith.muli %add3A_50, %mul3A_144 : i32
      %add3A_146 = arith.constant 4 : i32
      %add3A_147 = arith.addi %mul3A_145, %add3A_146 : i32
      %sub3A_148 = arith.constant 2 : i32
      %sub3A_149 = arith.subi %add3A_147, %sub3A_148 : i32
      %dma_wait3A_150 = arith.constant 0 : i32
      %dma_wait3A_151 = arith.constant 0 : i32
      %dma_wait3A_152 = tpu.memref_slice %arg3[%sub3A_149, %dma_wait3A_150, %dma_wait3A_151] : memref<16384x200x16xf32, #tpu.memory_space<hbm>> -> memref<1x200x16xf32, #tpu.memory_space<hbm>>
      %dma_wait3A_153 = arith.constant 0 : i32
      %dma_wait3A_154 = arith.constant 0 : i32
      %dma_wait3A_155 = tpu.memref_slice %arg3[%sub3A_149, %dma_wait3A_153, %dma_wait3A_154] : memref<16384x200x16xf32, #tpu.memory_space<hbm>> -> memref<1x200x16xf32, #tpu.memory_space<hbm>>
      tpu.wait_dma2 semaphore(%arg10 : memref<!tpu.dma_semaphore, #tpu.memory_space<semaphore_mem>>) src(%arg6 : memref<1x200x16xf32, #tpu.memory_space<vmem>>) dst(%dma_wait3A_155 : memref<1x200x16xf32, #tpu.memory_space<hbm>>)
      %scan3A_156 = arith.constant 0 : i32
      %scan3A_157 = arith.constant 0 : i32
      %scan3A_158 = arith.constant 25 : i32
      %scan3A_159 = arith.addi %scan3A_157, %scan3A_158 : i32
      %scan3A_160 = arith.constant 1 : i32
      scf.for %scan3A_453 = %scan3A_157 to %scan3A_159 step %scan3A_160  : i32 {
        %add3A_454 = arith.constant 100 : i32
        %add3A_455 = arith.addi %add3A_454, %scan3A_453 : i32
        %get3A = arith.constant 0 : i32
        %get3A_456 = arith.index_cast %get3A : i32 to index
        %get3A_457 = arith.index_cast %add3A_455 : i32 to index
        %get3A_458 = arith.constant 0 : index
        %get3A_459 = tpu.vector_load %arg4[%get3A_456, %get3A_457, %get3A_458] {strides = array<i32>} : memref<1x200x128xf32, #tpu.memory_space<vmem>>, vector<1x1x16xf32>,
        %get3A_460 = vector.shape_cast %get3A_459 : vector<1x1x16xf32> to vector<16xf32>
        %mul3A_461 = arith.constant 8 : i32
        %mul3A_462 = arith.muli %scan3A_453, %mul3A_461 : i32
        %add3A_463 = arith.constant 0 : i32
        %add3A_464 = arith.addi %mul3A_462, %add3A_463 : i32
        %swap3A = arith.constant 0 : i32
        %swap3A_465 = arith.index_cast %swap3A : i32 to index
        %swap3A_466 = arith.index_cast %add3A_464 : i32 to index
        %swap3A_467 = arith.constant 0 : index
        %swap3A_468 = tpu.vector_load %arg6[%swap3A_465, %swap3A_466, %swap3A_467] {strides = array<i32>} : memref<1x200x16xf32, #tpu.memory_space<vmem>>, vector<1x1x16xf32>,
        %swap3A_469 = vector.shape_cast %swap3A_468 : vector<1x1x16xf32> to vector<16xf32>
        %swap3A_470 = vector.shape_cast %get3A_460 : vector<16xf32> to vector<1x1x16xf32>
        tpu.vector_store %arg6[%swap3A_465, %swap3A_466, %swap3A_467], %swap3A_470 {strides = array<i32>} : memref<1x200x16xf32, #tpu.memory_space<vmem>>, vector<1x1x16xf32>,
        %get3A_471 = arith.constant 0 : i32
        %get3A_472 = arith.index_cast %get3A_471 : i32 to index
        %get3A_473 = arith.index_cast %add3A_455 : i32 to index
        %get3A_474 = arith.constant 16 : index
        %get3A_475 = tpu.vector_load %arg4[%get3A_472, %get3A_473, %get3A_474] {strides = array<i32>} : memref<1x200x128xf32, #tpu.memory_space<vmem>>, vector<1x1x16xf32>,
        %get3A_476 = vector.shape_cast %get3A_475 : vector<1x1x16xf32> to vector<16xf32>
        %mul3A_477 = arith.constant 8 : i32
        %mul3A_478 = arith.muli %scan3A_453, %mul3A_477 : i32
        %add3A_479 = arith.constant 1 : i32
        %add3A_480 = arith.addi %mul3A_478, %add3A_479 : i32
        %swap3A_481 = arith.constant 0 : i32
        %swap3A_482 = arith.index_cast %swap3A_481 : i32 to index
        %swap3A_483 = arith.index_cast %add3A_480 : i32 to index
        %swap3A_484 = arith.constant 0 : index
        %swap3A_485 = tpu.vector_load %arg6[%swap3A_482, %swap3A_483, %swap3A_484] {strides = array<i32>} : memref<1x200x16xf32, #tpu.memory_space<vmem>>, vector<1x1x16xf32>,
        %swap3A_486 = vector.shape_cast %swap3A_485 : vector<1x1x16xf32> to vector<16xf32>
        %swap3A_487 = vector.shape_cast %get3A_476 : vector<16xf32> to vector<1x1x16xf32>
        tpu.vector_store %arg6[%swap3A_482, %swap3A_483, %swap3A_484], %swap3A_487 {strides = array<i32>} : memref<1x200x16xf32, #tpu.memory_space<vmem>>, vector<1x1x16xf32>,
        %get3A_488 = arith.constant 0 : i32
        %get3A_489 = arith.index_cast %get3A_488 : i32 to index
        %get3A_490 = arith.index_cast %add3A_455 : i32 to index
        %get3A_491 = arith.constant 32 : index
        %get3A_492 = tpu.vector_load %arg4[%get3A_489, %get3A_490, %get3A_491] {strides = array<i32>} : memref<1x200x128xf32, #tpu.memory_space<vmem>>, vector<1x1x16xf32>,
        %get3A_493 = vector.shape_cast %get3A_492 : vector<1x1x16xf32> to vector<16xf32>
        %mul3A_494 = arith.constant 8 : i32
        %mul3A_495 = arith.muli %scan3A_453, %mul3A_494 : i32
        %add3A_496 = arith.constant 2 : i32
        %add3A_497 = arith.addi %mul3A_495, %add3A_496 : i32
        %swap3A_498 = arith.constant 0 : i32
        %swap3A_499 = arith.index_cast %swap3A_498 : i32 to index
        %swap3A_500 = arith.index_cast %add3A_497 : i32 to index
        %swap3A_501 = arith.constant 0 : index
        %swap3A_502 = tpu.vector_load %arg6[%swap3A_499, %swap3A_500, %swap3A_501] {strides = array<i32>} : memref<1x200x16xf32, #tpu.memory_space<vmem>>, vector<1x1x16xf32>,
        %swap3A_503 = vector.shape_cast %swap3A_502 : vector<1x1x16xf32> to vector<16xf32>
        %swap3A_504 = vector.shape_cast %get3A_493 : vector<16xf32> to vector<1x1x16xf32>
        tpu.vector_store %arg6[%swap3A_499, %swap3A_500, %swap3A_501], %swap3A_504 {strides = array<i32>} : memref<1x200x16xf32, #tpu.memory_space<vmem>>, vector<1x1x16xf32>,
        %get3A_505 = arith.constant 0 : i32
        %get3A_506 = arith.index_cast %get3A_505 : i32 to index
        %get3A_507 = arith.index_cast %add3A_455 : i32 to index
        %get3A_508 = arith.constant 48 : index
        %get3A_509 = tpu.vector_load %arg4[%get3A_506, %get3A_507, %get3A_508] {strides = array<i32>} : memref<1x200x128xf32, #tpu.memory_space<vmem>>, vector<1x1x16xf32>,
        %get3A_510 = vector.shape_cast %get3A_509 : vector<1x1x16xf32> to vector<16xf32>
        %mul3A_511 = arith.constant 8 : i32
        %mul3A_512 = arith.muli %scan3A_453, %mul3A_511 : i32
        %add3A_513 = arith.constant 3 : i32
        %add3A_514 = arith.addi %mul3A_512, %add3A_513 : i32
        %swap3A_515 = arith.constant 0 : i32
        %swap3A_516 = arith.index_cast %swap3A_515 : i32 to index
        %swap3A_517 = arith.index_cast %add3A_514 : i32 to index
        %swap3A_518 = arith.constant 0 : index
        %swap3A_519 = tpu.vector_load %arg6[%swap3A_516, %swap3A_517, %swap3A_518] {strides = array<i32>} : memref<1x200x16xf32, #tpu.memory_space<vmem>>, vector<1x1x16xf32>,
        %swap3A_520 = vector.shape_cast %swap3A_519 : vector<1x1x16xf32> to vector<16xf32>
        %swap3A_521 = vector.shape_cast %get3A_510 : vector<16xf32> to vector<1x1x16xf32>
        tpu.vector_store %arg6[%swap3A_516, %swap3A_517, %swap3A_518], %swap3A_521 {strides = array<i32>} : memref<1x200x16xf32, #tpu.memory_space<vmem>>, vector<1x1x16xf32>,
        %get3A_522 = arith.constant 0 : i32
        %get3A_523 = arith.index_cast %get3A_522 : i32 to index
        %get3A_524 = arith.index_cast %add3A_455 : i32 to index
        %get3A_525 = arith.constant 64 : index
        %get3A_526 = tpu.vector_load %arg4[%get3A_523, %get3A_524, %get3A_525] {strides = array<i32>} : memref<1x200x128xf32, #tpu.memory_space<vmem>>, vector<1x1x16xf32>,
        %get3A_527 = vector.shape_cast %get3A_526 : vector<1x1x16xf32> to vector<16xf32>
        %mul3A_528 = arith.constant 8 : i32
        %mul3A_529 = arith.muli %scan3A_453, %mul3A_528 : i32
        %add3A_530 = arith.constant 4 : i32
        %add3A_531 = arith.addi %mul3A_529, %add3A_530 : i32
        %swap3A_532 = arith.constant 0 : i32
        %swap3A_533 = arith.index_cast %swap3A_532 : i32 to index
        %swap3A_534 = arith.index_cast %add3A_531 : i32 to index
        %swap3A_535 = arith.constant 0 : index
        %swap3A_536 = tpu.vector_load %arg6[%swap3A_533, %swap3A_534, %swap3A_535] {strides = array<i32>} : memref<1x200x16xf32, #tpu.memory_space<vmem>>, vector<1x1x16xf32>,
        %swap3A_537 = vector.shape_cast %swap3A_536 : vector<1x1x16xf32> to vector<16xf32>
        %swap3A_538 = vector.shape_cast %get3A_527 : vector<16xf32> to vector<1x1x16xf32>
        tpu.vector_store %arg6[%swap3A_533, %swap3A_534, %swap3A_535], %swap3A_538 {strides = array<i32>} : memref<1x200x16xf32, #tpu.memory_space<vmem>>, vector<1x1x16xf32>,
        %get3A_539 = arith.constant 0 : i32
        %get3A_540 = arith.index_cast %get3A_539 : i32 to index
        %get3A_541 = arith.index_cast %add3A_455 : i32 to index
        %get3A_542 = arith.constant 80 : index
        %get3A_543 = tpu.vector_load %arg4[%get3A_540, %get3A_541, %get3A_542] {strides = array<i32>} : memref<1x200x128xf32, #tpu.memory_space<vmem>>, vector<1x1x16xf32>,
        %get3A_544 = vector.shape_cast %get3A_543 : vector<1x1x16xf32> to vector<16xf32>
        %mul3A_545 = arith.constant 8 : i32
        %mul3A_546 = arith.muli %scan3A_453, %mul3A_545 : i32
        %add3A_547 = arith.constant 5 : i32
        %add3A_548 = arith.addi %mul3A_546, %add3A_547 : i32
        %swap3A_549 = arith.constant 0 : i32
        %swap3A_550 = arith.index_cast %swap3A_549 : i32 to index
        %swap3A_551 = arith.index_cast %add3A_548 : i32 to index
        %swap3A_552 = arith.constant 0 : index
        %swap3A_553 = tpu.vector_load %arg6[%swap3A_550, %swap3A_551, %swap3A_552] {strides = array<i32>} : memref<1x200x16xf32, #tpu.memory_space<vmem>>, vector<1x1x16xf32>,
        %swap3A_554 = vector.shape_cast %swap3A_553 : vector<1x1x16xf32> to vector<16xf32>
        %swap3A_555 = vector.shape_cast %get3A_544 : vector<16xf32> to vector<1x1x16xf32>
        tpu.vector_store %arg6[%swap3A_550, %swap3A_551, %swap3A_552], %swap3A_555 {strides = array<i32>} : memref<1x200x16xf32, #tpu.memory_space<vmem>>, vector<1x1x16xf32>,
        %get3A_556 = arith.constant 0 : i32
        %get3A_557 = arith.index_cast %get3A_556 : i32 to index
        %get3A_558 = arith.index_cast %add3A_455 : i32 to index
        %get3A_559 = arith.constant 96 : index
        %get3A_560 = tpu.vector_load %arg4[%get3A_557, %get3A_558, %get3A_559] {strides = array<i32>} : memref<1x200x128xf32, #tpu.memory_space<vmem>>, vector<1x1x16xf32>,
        %get3A_561 = vector.shape_cast %get3A_560 : vector<1x1x16xf32> to vector<16xf32>
        %mul3A_562 = arith.constant 8 : i32
        %mul3A_563 = arith.muli %scan3A_453, %mul3A_562 : i32
        %add3A_564 = arith.constant 6 : i32
        %add3A_565 = arith.addi %mul3A_563, %add3A_564 : i32
        %swap3A_566 = arith.constant 0 : i32
        %swap3A_567 = arith.index_cast %swap3A_566 : i32 to index
        %swap3A_568 = arith.index_cast %add3A_565 : i32 to index
        %swap3A_569 = arith.constant 0 : index
        %swap3A_570 = tpu.vector_load %arg6[%swap3A_567, %swap3A_568, %swap3A_569] {strides = array<i32>} : memref<1x200x16xf32, #tpu.memory_space<vmem>>, vector<1x1x16xf32>,
        %swap3A_571 = vector.shape_cast %swap3A_570 : vector<1x1x16xf32> to vector<16xf32>
        %swap3A_572 = vector.shape_cast %get3A_561 : vector<16xf32> to vector<1x1x16xf32>
        tpu.vector_store %arg6[%swap3A_567, %swap3A_568, %swap3A_569], %swap3A_572 {strides = array<i32>} : memref<1x200x16xf32, #tpu.memory_space<vmem>>, vector<1x1x16xf32>,
        %get3A_573 = arith.constant 0 : i32
        %get3A_574 = arith.index_cast %get3A_573 : i32 to index
        %get3A_575 = arith.index_cast %add3A_455 : i32 to index
        %get3A_576 = arith.constant 112 : index
        %get3A_577 = tpu.vector_load %arg4[%get3A_574, %get3A_575, %get3A_576] {strides = array<i32>} : memref<1x200x128xf32, #tpu.memory_space<vmem>>, vector<1x1x16xf32>,
        %get3A_578 = vector.shape_cast %get3A_577 : vector<1x1x16xf32> to vector<16xf32>
        %mul3A_579 = arith.constant 8 : i32
        %mul3A_580 = arith.muli %scan3A_453, %mul3A_579 : i32
        %add3A_581 = arith.constant 7 : i32
        %add3A_582 = arith.addi %mul3A_580, %add3A_581 : i32
        %swap3A_583 = arith.constant 0 : i32
        %swap3A_584 = arith.index_cast %swap3A_583 : i32 to index
        %swap3A_585 = arith.index_cast %add3A_582 : i32 to index
        %swap3A_586 = arith.constant 0 : index
        %swap3A_587 = tpu.vector_load %arg6[%swap3A_584, %swap3A_585, %swap3A_586] {strides = array<i32>} : memref<1x200x16xf32, #tpu.memory_space<vmem>>, vector<1x1x16xf32>,
        %swap3A_588 = vector.shape_cast %swap3A_587 : vector<1x1x16xf32> to vector<16xf32>
        %swap3A_589 = vector.shape_cast %get3A_578 : vector<16xf32> to vector<1x1x16xf32>
        tpu.vector_store %arg6[%swap3A_584, %swap3A_585, %swap3A_586], %swap3A_589 {strides = array<i32>} : memref<1x200x16xf32, #tpu.memory_space<vmem>>, vector<1x1x16xf32>,
      }
      %scan3A_161 = arith.constant 25 : i32
      %dma_start3A_162 = arith.constant 0 : i32
      %dma_start3A_163 = arith.constant 0 : i32
      %dma_start3A_164 = tpu.memref_slice %arg3[%add3A_147, %dma_start3A_162, %dma_start3A_163] : memref<16384x200x16xf32, #tpu.memory_space<hbm>> -> memref<1x200x16xf32, #tpu.memory_space<hbm>>
      %dma_start3A_165 = arith.constant 0 : i32
      %dma_start3A_166 = arith.constant 0 : i32
      %dma_start3A_167 = tpu.memref_slice %arg3[%add3A_147, %dma_start3A_165, %dma_start3A_166] : memref<16384x200x16xf32, #tpu.memory_space<hbm>> -> memref<1x200x16xf32, #tpu.memory_space<hbm>>
      tpu.enqueue_dma source(%arg6 : memref<1x200x16xf32, #tpu.memory_space<vmem>>) target(%dma_start3A_167 : memref<1x200x16xf32, #tpu.memory_space<hbm>>) target_semaphore(%arg10 : memref<!tpu.dma_semaphore, #tpu.memory_space<semaphore_mem>>)
      %mul3A_168 = arith.constant 8 : i32
      %mul3A_169 = arith.muli %add3A_50, %mul3A_168 : i32
      %add3A_170 = arith.constant 5 : i32
      %add3A_171 = arith.addi %mul3A_169, %add3A_170 : i32
      %sub3A_172 = arith.constant 2 : i32
      %sub3A_173 = arith.subi %add3A_171, %sub3A_172 : i32
      %dma_wait3A_174 = arith.constant 0 : i32
      %dma_wait3A_175 = arith.constant 0 : i32
      %dma_wait3A_176 = tpu.memref_slice %arg3[%sub3A_173, %dma_wait3A_174, %dma_wait3A_175] : memref<16384x200x16xf32, #tpu.memory_space<hbm>> -> memref<1x200x16xf32, #tpu.memory_space<hbm>>
      %dma_wait3A_177 = arith.constant 0 : i32
      %dma_wait3A_178 = arith.constant 0 : i32
      %dma_wait3A_179 = tpu.memref_slice %arg3[%sub3A_173, %dma_wait3A_177, %dma_wait3A_178] : memref<16384x200x16xf32, #tpu.memory_space<hbm>> -> memref<1x200x16xf32, #tpu.memory_space<hbm>>
      tpu.wait_dma2 semaphore(%arg11 : memref<!tpu.dma_semaphore, #tpu.memory_space<semaphore_mem>>) src(%arg7 : memref<1x200x16xf32, #tpu.memory_space<vmem>>) dst(%dma_wait3A_179 : memref<1x200x16xf32, #tpu.memory_space<hbm>>)
      %scan3A_180 = arith.constant 0 : i32
      %scan3A_181 = arith.constant 0 : i32
      %scan3A_182 = arith.constant 25 : i32
      %scan3A_183 = arith.addi %scan3A_181, %scan3A_182 : i32
      %scan3A_184 = arith.constant 1 : i32
      scf.for %scan3A_453 = %scan3A_181 to %scan3A_183 step %scan3A_184  : i32 {
        %add3A_454 = arith.constant 125 : i32
        %add3A_455 = arith.addi %add3A_454, %scan3A_453 : i32
        %get3A = arith.constant 0 : i32
        %get3A_456 = arith.index_cast %get3A : i32 to index
        %get3A_457 = arith.index_cast %add3A_455 : i32 to index
        %get3A_458 = arith.constant 0 : index
        %get3A_459 = tpu.vector_load %arg4[%get3A_456, %get3A_457, %get3A_458] {strides = array<i32>} : memref<1x200x128xf32, #tpu.memory_space<vmem>>, vector<1x1x16xf32>,
        %get3A_460 = vector.shape_cast %get3A_459 : vector<1x1x16xf32> to vector<16xf32>
        %mul3A_461 = arith.constant 8 : i32
        %mul3A_462 = arith.muli %scan3A_453, %mul3A_461 : i32
        %add3A_463 = arith.constant 0 : i32
        %add3A_464 = arith.addi %mul3A_462, %add3A_463 : i32
        %swap3A = arith.constant 0 : i32
        %swap3A_465 = arith.index_cast %swap3A : i32 to index
        %swap3A_466 = arith.index_cast %add3A_464 : i32 to index
        %swap3A_467 = arith.constant 0 : index
        %swap3A_468 = tpu.vector_load %arg7[%swap3A_465, %swap3A_466, %swap3A_467] {strides = array<i32>} : memref<1x200x16xf32, #tpu.memory_space<vmem>>, vector<1x1x16xf32>,
        %swap3A_469 = vector.shape_cast %swap3A_468 : vector<1x1x16xf32> to vector<16xf32>
        %swap3A_470 = vector.shape_cast %get3A_460 : vector<16xf32> to vector<1x1x16xf32>
        tpu.vector_store %arg7[%swap3A_465, %swap3A_466, %swap3A_467], %swap3A_470 {strides = array<i32>} : memref<1x200x16xf32, #tpu.memory_space<vmem>>, vector<1x1x16xf32>,
        %get3A_471 = arith.constant 0 : i32
        %get3A_472 = arith.index_cast %get3A_471 : i32 to index
        %get3A_473 = arith.index_cast %add3A_455 : i32 to index
        %get3A_474 = arith.constant 16 : index
        %get3A_475 = tpu.vector_load %arg4[%get3A_472, %get3A_473, %get3A_474] {strides = array<i32>} : memref<1x200x128xf32, #tpu.memory_space<vmem>>, vector<1x1x16xf32>,
        %get3A_476 = vector.shape_cast %get3A_475 : vector<1x1x16xf32> to vector<16xf32>
        %mul3A_477 = arith.constant 8 : i32
        %mul3A_478 = arith.muli %scan3A_453, %mul3A_477 : i32
        %add3A_479 = arith.constant 1 : i32
        %add3A_480 = arith.addi %mul3A_478, %add3A_479 : i32
        %swap3A_481 = arith.constant 0 : i32
        %swap3A_482 = arith.index_cast %swap3A_481 : i32 to index
        %swap3A_483 = arith.index_cast %add3A_480 : i32 to index
        %swap3A_484 = arith.constant 0 : index
        %swap3A_485 = tpu.vector_load %arg7[%swap3A_482, %swap3A_483, %swap3A_484] {strides = array<i32>} : memref<1x200x16xf32, #tpu.memory_space<vmem>>, vector<1x1x16xf32>,
        %swap3A_486 = vector.shape_cast %swap3A_485 : vector<1x1x16xf32> to vector<16xf32>
        %swap3A_487 = vector.shape_cast %get3A_476 : vector<16xf32> to vector<1x1x16xf32>
        tpu.vector_store %arg7[%swap3A_482, %swap3A_483, %swap3A_484], %swap3A_487 {strides = array<i32>} : memref<1x200x16xf32, #tpu.memory_space<vmem>>, vector<1x1x16xf32>,
        %get3A_488 = arith.constant 0 : i32
        %get3A_489 = arith.index_cast %get3A_488 : i32 to index
        %get3A_490 = arith.index_cast %add3A_455 : i32 to index
        %get3A_491 = arith.constant 32 : index
        %get3A_492 = tpu.vector_load %arg4[%get3A_489, %get3A_490, %get3A_491] {strides = array<i32>} : memref<1x200x128xf32, #tpu.memory_space<vmem>>, vector<1x1x16xf32>,
        %get3A_493 = vector.shape_cast %get3A_492 : vector<1x1x16xf32> to vector<16xf32>
        %mul3A_494 = arith.constant 8 : i32
        %mul3A_495 = arith.muli %scan3A_453, %mul3A_494 : i32
        %add3A_496 = arith.constant 2 : i32
        %add3A_497 = arith.addi %mul3A_495, %add3A_496 : i32
        %swap3A_498 = arith.constant 0 : i32
        %swap3A_499 = arith.index_cast %swap3A_498 : i32 to index
        %swap3A_500 = arith.index_cast %add3A_497 : i32 to index
        %swap3A_501 = arith.constant 0 : index
        %swap3A_502 = tpu.vector_load %arg7[%swap3A_499, %swap3A_500, %swap3A_501] {strides = array<i32>} : memref<1x200x16xf32, #tpu.memory_space<vmem>>, vector<1x1x16xf32>,
        %swap3A_503 = vector.shape_cast %swap3A_502 : vector<1x1x16xf32> to vector<16xf32>
        %swap3A_504 = vector.shape_cast %get3A_493 : vector<16xf32> to vector<1x1x16xf32>
        tpu.vector_store %arg7[%swap3A_499, %swap3A_500, %swap3A_501], %swap3A_504 {strides = array<i32>} : memref<1x200x16xf32, #tpu.memory_space<vmem>>, vector<1x1x16xf32>,
        %get3A_505 = arith.constant 0 : i32
        %get3A_506 = arith.index_cast %get3A_505 : i32 to index
        %get3A_507 = arith.index_cast %add3A_455 : i32 to index
        %get3A_508 = arith.constant 48 : index
        %get3A_509 = tpu.vector_load %arg4[%get3A_506, %get3A_507, %get3A_508] {strides = array<i32>} : memref<1x200x128xf32, #tpu.memory_space<vmem>>, vector<1x1x16xf32>,
        %get3A_510 = vector.shape_cast %get3A_509 : vector<1x1x16xf32> to vector<16xf32>
        %mul3A_511 = arith.constant 8 : i32
        %mul3A_512 = arith.muli %scan3A_453, %mul3A_511 : i32
        %add3A_513 = arith.constant 3 : i32
        %add3A_514 = arith.addi %mul3A_512, %add3A_513 : i32
        %swap3A_515 = arith.constant 0 : i32
        %swap3A_516 = arith.index_cast %swap3A_515 : i32 to index
        %swap3A_517 = arith.index_cast %add3A_514 : i32 to index
        %swap3A_518 = arith.constant 0 : index
        %swap3A_519 = tpu.vector_load %arg7[%swap3A_516, %swap3A_517, %swap3A_518] {strides = array<i32>} : memref<1x200x16xf32, #tpu.memory_space<vmem>>, vector<1x1x16xf32>,
        %swap3A_520 = vector.shape_cast %swap3A_519 : vector<1x1x16xf32> to vector<16xf32>
        %swap3A_521 = vector.shape_cast %get3A_510 : vector<16xf32> to vector<1x1x16xf32>
        tpu.vector_store %arg7[%swap3A_516, %swap3A_517, %swap3A_518], %swap3A_521 {strides = array<i32>} : memref<1x200x16xf32, #tpu.memory_space<vmem>>, vector<1x1x16xf32>,
        %get3A_522 = arith.constant 0 : i32
        %get3A_523 = arith.index_cast %get3A_522 : i32 to index
        %get3A_524 = arith.index_cast %add3A_455 : i32 to index
        %get3A_525 = arith.constant 64 : index
        %get3A_526 = tpu.vector_load %arg4[%get3A_523, %get3A_524, %get3A_525] {strides = array<i32>} : memref<1x200x128xf32, #tpu.memory_space<vmem>>, vector<1x1x16xf32>,
        %get3A_527 = vector.shape_cast %get3A_526 : vector<1x1x16xf32> to vector<16xf32>
        %mul3A_528 = arith.constant 8 : i32
        %mul3A_529 = arith.muli %scan3A_453, %mul3A_528 : i32
        %add3A_530 = arith.constant 4 : i32
        %add3A_531 = arith.addi %mul3A_529, %add3A_530 : i32
        %swap3A_532 = arith.constant 0 : i32
        %swap3A_533 = arith.index_cast %swap3A_532 : i32 to index
        %swap3A_534 = arith.index_cast %add3A_531 : i32 to index
        %swap3A_535 = arith.constant 0 : index
        %swap3A_536 = tpu.vector_load %arg7[%swap3A_533, %swap3A_534, %swap3A_535] {strides = array<i32>} : memref<1x200x16xf32, #tpu.memory_space<vmem>>, vector<1x1x16xf32>,
        %swap3A_537 = vector.shape_cast %swap3A_536 : vector<1x1x16xf32> to vector<16xf32>
        %swap3A_538 = vector.shape_cast %get3A_527 : vector<16xf32> to vector<1x1x16xf32>
        tpu.vector_store %arg7[%swap3A_533, %swap3A_534, %swap3A_535], %swap3A_538 {strides = array<i32>} : memref<1x200x16xf32, #tpu.memory_space<vmem>>, vector<1x1x16xf32>,
        %get3A_539 = arith.constant 0 : i32
        %get3A_540 = arith.index_cast %get3A_539 : i32 to index
        %get3A_541 = arith.index_cast %add3A_455 : i32 to index
        %get3A_542 = arith.constant 80 : index
        %get3A_543 = tpu.vector_load %arg4[%get3A_540, %get3A_541, %get3A_542] {strides = array<i32>} : memref<1x200x128xf32, #tpu.memory_space<vmem>>, vector<1x1x16xf32>,
        %get3A_544 = vector.shape_cast %get3A_543 : vector<1x1x16xf32> to vector<16xf32>
        %mul3A_545 = arith.constant 8 : i32
        %mul3A_546 = arith.muli %scan3A_453, %mul3A_545 : i32
        %add3A_547 = arith.constant 5 : i32
        %add3A_548 = arith.addi %mul3A_546, %add3A_547 : i32
        %swap3A_549 = arith.constant 0 : i32
        %swap3A_550 = arith.index_cast %swap3A_549 : i32 to index
        %swap3A_551 = arith.index_cast %add3A_548 : i32 to index
        %swap3A_552 = arith.constant 0 : index
        %swap3A_553 = tpu.vector_load %arg7[%swap3A_550, %swap3A_551, %swap3A_552] {strides = array<i32>} : memref<1x200x16xf32, #tpu.memory_space<vmem>>, vector<1x1x16xf32>,
        %swap3A_554 = vector.shape_cast %swap3A_553 : vector<1x1x16xf32> to vector<16xf32>
        %swap3A_555 = vector.shape_cast %get3A_544 : vector<16xf32> to vector<1x1x16xf32>
        tpu.vector_store %arg7[%swap3A_550, %swap3A_551, %swap3A_552], %swap3A_555 {strides = array<i32>} : memref<1x200x16xf32, #tpu.memory_space<vmem>>, vector<1x1x16xf32>,
        %get3A_556 = arith.constant 0 : i32
        %get3A_557 = arith.index_cast %get3A_556 : i32 to index
        %get3A_558 = arith.index_cast %add3A_455 : i32 to index
        %get3A_559 = arith.constant 96 : index
        %get3A_560 = tpu.vector_load %arg4[%get3A_557, %get3A_558, %get3A_559] {strides = array<i32>} : memref<1x200x128xf32, #tpu.memory_space<vmem>>, vector<1x1x16xf32>,
        %get3A_561 = vector.shape_cast %get3A_560 : vector<1x1x16xf32> to vector<16xf32>
        %mul3A_562 = arith.constant 8 : i32
        %mul3A_563 = arith.muli %scan3A_453, %mul3A_562 : i32
        %add3A_564 = arith.constant 6 : i32
        %add3A_565 = arith.addi %mul3A_563, %add3A_564 : i32
        %swap3A_566 = arith.constant 0 : i32
        %swap3A_567 = arith.index_cast %swap3A_566 : i32 to index
        %swap3A_568 = arith.index_cast %add3A_565 : i32 to index
        %swap3A_569 = arith.constant 0 : index
        %swap3A_570 = tpu.vector_load %arg7[%swap3A_567, %swap3A_568, %swap3A_569] {strides = array<i32>} : memref<1x200x16xf32, #tpu.memory_space<vmem>>, vector<1x1x16xf32>,
        %swap3A_571 = vector.shape_cast %swap3A_570 : vector<1x1x16xf32> to vector<16xf32>
        %swap3A_572 = vector.shape_cast %get3A_561 : vector<16xf32> to vector<1x1x16xf32>
        tpu.vector_store %arg7[%swap3A_567, %swap3A_568, %swap3A_569], %swap3A_572 {strides = array<i32>} : memref<1x200x16xf32, #tpu.memory_space<vmem>>, vector<1x1x16xf32>,
        %get3A_573 = arith.constant 0 : i32
        %get3A_574 = arith.index_cast %get3A_573 : i32 to index
        %get3A_575 = arith.index_cast %add3A_455 : i32 to index
        %get3A_576 = arith.constant 112 : index
        %get3A_577 = tpu.vector_load %arg4[%get3A_574, %get3A_575, %get3A_576] {strides = array<i32>} : memref<1x200x128xf32, #tpu.memory_space<vmem>>, vector<1x1x16xf32>,
        %get3A_578 = vector.shape_cast %get3A_577 : vector<1x1x16xf32> to vector<16xf32>
        %mul3A_579 = arith.constant 8 : i32
        %mul3A_580 = arith.muli %scan3A_453, %mul3A_579 : i32
        %add3A_581 = arith.constant 7 : i32
        %add3A_582 = arith.addi %mul3A_580, %add3A_581 : i32
        %swap3A_583 = arith.constant 0 : i32
        %swap3A_584 = arith.index_cast %swap3A_583 : i32 to index
        %swap3A_585 = arith.index_cast %add3A_582 : i32 to index
        %swap3A_586 = arith.constant 0 : index
        %swap3A_587 = tpu.vector_load %arg7[%swap3A_584, %swap3A_585, %swap3A_586] {strides = array<i32>} : memref<1x200x16xf32, #tpu.memory_space<vmem>>, vector<1x1x16xf32>,
        %swap3A_588 = vector.shape_cast %swap3A_587 : vector<1x1x16xf32> to vector<16xf32>
        %swap3A_589 = vector.shape_cast %get3A_578 : vector<16xf32> to vector<1x1x16xf32>
        tpu.vector_store %arg7[%swap3A_584, %swap3A_585, %swap3A_586], %swap3A_589 {strides = array<i32>} : memref<1x200x16xf32, #tpu.memory_space<vmem>>, vector<1x1x16xf32>,
      }
      %scan3A_185 = arith.constant 25 : i32
      %dma_start3A_186 = arith.constant 0 : i32
      %dma_start3A_187 = arith.constant 0 : i32
      %dma_start3A_188 = tpu.memref_slice %arg3[%add3A_171, %dma_start3A_186, %dma_start3A_187] : memref<16384x200x16xf32, #tpu.memory_space<hbm>> -> memref<1x200x16xf32, #tpu.memory_space<hbm>>
      %dma_start3A_189 = arith.constant 0 : i32
      %dma_start3A_190 = arith.constant 0 : i32
      %dma_start3A_191 = tpu.memref_slice %arg3[%add3A_171, %dma_start3A_189, %dma_start3A_190] : memref<16384x200x16xf32, #tpu.memory_space<hbm>> -> memref<1x200x16xf32, #tpu.memory_space<hbm>>
      tpu.enqueue_dma source(%arg7 : memref<1x200x16xf32, #tpu.memory_space<vmem>>) target(%dma_start3A_191 : memref<1x200x16xf32, #tpu.memory_space<hbm>>) target_semaphore(%arg11 : memref<!tpu.dma_semaphore, #tpu.memory_space<semaphore_mem>>)
      %mul3A_192 = arith.constant 8 : i32
      %mul3A_193 = arith.muli %add3A_50, %mul3A_192 : i32
      %add3A_194 = arith.constant 6 : i32
      %add3A_195 = arith.addi %mul3A_193, %add3A_194 : i32
      %sub3A_196 = arith.constant 2 : i32
      %sub3A_197 = arith.subi %add3A_195, %sub3A_196 : i32
      %dma_wait3A_198 = arith.constant 0 : i32
      %dma_wait3A_199 = arith.constant 0 : i32
      %dma_wait3A_200 = tpu.memref_slice %arg3[%sub3A_197, %dma_wait3A_198, %dma_wait3A_199] : memref<16384x200x16xf32, #tpu.memory_space<hbm>> -> memref<1x200x16xf32, #tpu.memory_space<hbm>>
      %dma_wait3A_201 = arith.constant 0 : i32
      %dma_wait3A_202 = arith.constant 0 : i32
      %dma_wait3A_203 = tpu.memref_slice %arg3[%sub3A_197, %dma_wait3A_201, %dma_wait3A_202] : memref<16384x200x16xf32, #tpu.memory_space<hbm>> -> memref<1x200x16xf32, #tpu.memory_space<hbm>>
      tpu.wait_dma2 semaphore(%arg10 : memref<!tpu.dma_semaphore, #tpu.memory_space<semaphore_mem>>) src(%arg6 : memref<1x200x16xf32, #tpu.memory_space<vmem>>) dst(%dma_wait3A_203 : memref<1x200x16xf32, #tpu.memory_space<hbm>>)
      %scan3A_204 = arith.constant 0 : i32
      %scan3A_205 = arith.constant 0 : i32
      %scan3A_206 = arith.constant 25 : i32
      %scan3A_207 = arith.addi %scan3A_205, %scan3A_206 : i32
      %scan3A_208 = arith.constant 1 : i32
      scf.for %scan3A_453 = %scan3A_205 to %scan3A_207 step %scan3A_208  : i32 {
        %add3A_454 = arith.constant 150 : i32
        %add3A_455 = arith.addi %add3A_454, %scan3A_453 : i32
        %get3A = arith.constant 0 : i32
        %get3A_456 = arith.index_cast %get3A : i32 to index
        %get3A_457 = arith.index_cast %add3A_455 : i32 to index
        %get3A_458 = arith.constant 0 : index
        %get3A_459 = tpu.vector_load %arg4[%get3A_456, %get3A_457, %get3A_458] {strides = array<i32>} : memref<1x200x128xf32, #tpu.memory_space<vmem>>, vector<1x1x16xf32>,
        %get3A_460 = vector.shape_cast %get3A_459 : vector<1x1x16xf32> to vector<16xf32>
        %mul3A_461 = arith.constant 8 : i32
        %mul3A_462 = arith.muli %scan3A_453, %mul3A_461 : i32
        %add3A_463 = arith.constant 0 : i32
        %add3A_464 = arith.addi %mul3A_462, %add3A_463 : i32
        %swap3A = arith.constant 0 : i32
        %swap3A_465 = arith.index_cast %swap3A : i32 to index
        %swap3A_466 = arith.index_cast %add3A_464 : i32 to index
        %swap3A_467 = arith.constant 0 : index
        %swap3A_468 = tpu.vector_load %arg6[%swap3A_465, %swap3A_466, %swap3A_467] {strides = array<i32>} : memref<1x200x16xf32, #tpu.memory_space<vmem>>, vector<1x1x16xf32>,
        %swap3A_469 = vector.shape_cast %swap3A_468 : vector<1x1x16xf32> to vector<16xf32>
        %swap3A_470 = vector.shape_cast %get3A_460 : vector<16xf32> to vector<1x1x16xf32>
        tpu.vector_store %arg6[%swap3A_465, %swap3A_466, %swap3A_467], %swap3A_470 {strides = array<i32>} : memref<1x200x16xf32, #tpu.memory_space<vmem>>, vector<1x1x16xf32>,
        %get3A_471 = arith.constant 0 : i32
        %get3A_472 = arith.index_cast %get3A_471 : i32 to index
        %get3A_473 = arith.index_cast %add3A_455 : i32 to index
        %get3A_474 = arith.constant 16 : index
        %get3A_475 = tpu.vector_load %arg4[%get3A_472, %get3A_473, %get3A_474] {strides = array<i32>} : memref<1x200x128xf32, #tpu.memory_space<vmem>>, vector<1x1x16xf32>,
        %get3A_476 = vector.shape_cast %get3A_475 : vector<1x1x16xf32> to vector<16xf32>
        %mul3A_477 = arith.constant 8 : i32
        %mul3A_478 = arith.muli %scan3A_453, %mul3A_477 : i32
        %add3A_479 = arith.constant 1 : i32
        %add3A_480 = arith.addi %mul3A_478, %add3A_479 : i32
        %swap3A_481 = arith.constant 0 : i32
        %swap3A_482 = arith.index_cast %swap3A_481 : i32 to index
        %swap3A_483 = arith.index_cast %add3A_480 : i32 to index
        %swap3A_484 = arith.constant 0 : index
        %swap3A_485 = tpu.vector_load %arg6[%swap3A_482, %swap3A_483, %swap3A_484] {strides = array<i32>} : memref<1x200x16xf32, #tpu.memory_space<vmem>>, vector<1x1x16xf32>,
        %swap3A_486 = vector.shape_cast %swap3A_485 : vector<1x1x16xf32> to vector<16xf32>
        %swap3A_487 = vector.shape_cast %get3A_476 : vector<16xf32> to vector<1x1x16xf32>
        tpu.vector_store %arg6[%swap3A_482, %swap3A_483, %swap3A_484], %swap3A_487 {strides = array<i32>} : memref<1x200x16xf32, #tpu.memory_space<vmem>>, vector<1x1x16xf32>,
        %get3A_488 = arith.constant 0 : i32
        %get3A_489 = arith.index_cast %get3A_488 : i32 to index
        %get3A_490 = arith.index_cast %add3A_455 : i32 to index
        %get3A_491 = arith.constant 32 : index
        %get3A_492 = tpu.vector_load %arg4[%get3A_489, %get3A_490, %get3A_491] {strides = array<i32>} : memref<1x200x128xf32, #tpu.memory_space<vmem>>, vector<1x1x16xf32>,
        %get3A_493 = vector.shape_cast %get3A_492 : vector<1x1x16xf32> to vector<16xf32>
        %mul3A_494 = arith.constant 8 : i32
        %mul3A_495 = arith.muli %scan3A_453, %mul3A_494 : i32
        %add3A_496 = arith.constant 2 : i32
        %add3A_497 = arith.addi %mul3A_495, %add3A_496 : i32
        %swap3A_498 = arith.constant 0 : i32
        %swap3A_499 = arith.index_cast %swap3A_498 : i32 to index
        %swap3A_500 = arith.index_cast %add3A_497 : i32 to index
        %swap3A_501 = arith.constant 0 : index
        %swap3A_502 = tpu.vector_load %arg6[%swap3A_499, %swap3A_500, %swap3A_501] {strides = array<i32>} : memref<1x200x16xf32, #tpu.memory_space<vmem>>, vector<1x1x16xf32>,
        %swap3A_503 = vector.shape_cast %swap3A_502 : vector<1x1x16xf32> to vector<16xf32>
        %swap3A_504 = vector.shape_cast %get3A_493 : vector<16xf32> to vector<1x1x16xf32>
        tpu.vector_store %arg6[%swap3A_499, %swap3A_500, %swap3A_501], %swap3A_504 {strides = array<i32>} : memref<1x200x16xf32, #tpu.memory_space<vmem>>, vector<1x1x16xf32>,
        %get3A_505 = arith.constant 0 : i32
        %get3A_506 = arith.index_cast %get3A_505 : i32 to index
        %get3A_507 = arith.index_cast %add3A_455 : i32 to index
        %get3A_508 = arith.constant 48 : index
        %get3A_509 = tpu.vector_load %arg4[%get3A_506, %get3A_507, %get3A_508] {strides = array<i32>} : memref<1x200x128xf32, #tpu.memory_space<vmem>>, vector<1x1x16xf32>,
        %get3A_510 = vector.shape_cast %get3A_509 : vector<1x1x16xf32> to vector<16xf32>
        %mul3A_511 = arith.constant 8 : i32
        %mul3A_512 = arith.muli %scan3A_453, %mul3A_511 : i32
        %add3A_513 = arith.constant 3 : i32
        %add3A_514 = arith.addi %mul3A_512, %add3A_513 : i32
        %swap3A_515 = arith.constant 0 : i32
        %swap3A_516 = arith.index_cast %swap3A_515 : i32 to index
        %swap3A_517 = arith.index_cast %add3A_514 : i32 to index
        %swap3A_518 = arith.constant 0 : index
        %swap3A_519 = tpu.vector_load %arg6[%swap3A_516, %swap3A_517, %swap3A_518] {strides = array<i32>} : memref<1x200x16xf32, #tpu.memory_space<vmem>>, vector<1x1x16xf32>,
        %swap3A_520 = vector.shape_cast %swap3A_519 : vector<1x1x16xf32> to vector<16xf32>
        %swap3A_521 = vector.shape_cast %get3A_510 : vector<16xf32> to vector<1x1x16xf32>
        tpu.vector_store %arg6[%swap3A_516, %swap3A_517, %swap3A_518], %swap3A_521 {strides = array<i32>} : memref<1x200x16xf32, #tpu.memory_space<vmem>>, vector<1x1x16xf32>,
        %get3A_522 = arith.constant 0 : i32
        %get3A_523 = arith.index_cast %get3A_522 : i32 to index
        %get3A_524 = arith.index_cast %add3A_455 : i32 to index
        %get3A_525 = arith.constant 64 : index
        %get3A_526 = tpu.vector_load %arg4[%get3A_523, %get3A_524, %get3A_525] {strides = array<i32>} : memref<1x200x128xf32, #tpu.memory_space<vmem>>, vector<1x1x16xf32>,
        %get3A_527 = vector.shape_cast %get3A_526 : vector<1x1x16xf32> to vector<16xf32>
        %mul3A_528 = arith.constant 8 : i32
        %mul3A_529 = arith.muli %scan3A_453, %mul3A_528 : i32
        %add3A_530 = arith.constant 4 : i32
        %add3A_531 = arith.addi %mul3A_529, %add3A_530 : i32
        %swap3A_532 = arith.constant 0 : i32
        %swap3A_533 = arith.index_cast %swap3A_532 : i32 to index
        %swap3A_534 = arith.index_cast %add3A_531 : i32 to index
        %swap3A_535 = arith.constant 0 : index
        %swap3A_536 = tpu.vector_load %arg6[%swap3A_533, %swap3A_534, %swap3A_535] {strides = array<i32>} : memref<1x200x16xf32, #tpu.memory_space<vmem>>, vector<1x1x16xf32>,
        %swap3A_537 = vector.shape_cast %swap3A_536 : vector<1x1x16xf32> to vector<16xf32>
        %swap3A_538 = vector.shape_cast %get3A_527 : vector<16xf32> to vector<1x1x16xf32>
        tpu.vector_store %arg6[%swap3A_533, %swap3A_534, %swap3A_535], %swap3A_538 {strides = array<i32>} : memref<1x200x16xf32, #tpu.memory_space<vmem>>, vector<1x1x16xf32>,
        %get3A_539 = arith.constant 0 : i32
        %get3A_540 = arith.index_cast %get3A_539 : i32 to index
        %get3A_541 = arith.index_cast %add3A_455 : i32 to index
        %get3A_542 = arith.constant 80 : index
        %get3A_543 = tpu.vector_load %arg4[%get3A_540, %get3A_541, %get3A_542] {strides = array<i32>} : memref<1x200x128xf32, #tpu.memory_space<vmem>>, vector<1x1x16xf32>,
        %get3A_544 = vector.shape_cast %get3A_543 : vector<1x1x16xf32> to vector<16xf32>
        %mul3A_545 = arith.constant 8 : i32
        %mul3A_546 = arith.muli %scan3A_453, %mul3A_545 : i32
        %add3A_547 = arith.constant 5 : i32
        %add3A_548 = arith.addi %mul3A_546, %add3A_547 : i32
        %swap3A_549 = arith.constant 0 : i32
        %swap3A_550 = arith.index_cast %swap3A_549 : i32 to index
        %swap3A_551 = arith.index_cast %add3A_548 : i32 to index
        %swap3A_552 = arith.constant 0 : index
        %swap3A_553 = tpu.vector_load %arg6[%swap3A_550, %swap3A_551, %swap3A_552] {strides = array<i32>} : memref<1x200x16xf32, #tpu.memory_space<vmem>>, vector<1x1x16xf32>,
        %swap3A_554 = vector.shape_cast %swap3A_553 : vector<1x1x16xf32> to vector<16xf32>
        %swap3A_555 = vector.shape_cast %get3A_544 : vector<16xf32> to vector<1x1x16xf32>
        tpu.vector_store %arg6[%swap3A_550, %swap3A_551, %swap3A_552], %swap3A_555 {strides = array<i32>} : memref<1x200x16xf32, #tpu.memory_space<vmem>>, vector<1x1x16xf32>,
        %get3A_556 = arith.constant 0 : i32
        %get3A_557 = arith.index_cast %get3A_556 : i32 to index
        %get3A_558 = arith.index_cast %add3A_455 : i32 to index
        %get3A_559 = arith.constant 96 : index
        %get3A_560 = tpu.vector_load %arg4[%get3A_557, %get3A_558, %get3A_559] {strides = array<i32>} : memref<1x200x128xf32, #tpu.memory_space<vmem>>, vector<1x1x16xf32>,
        %get3A_561 = vector.shape_cast %get3A_560 : vector<1x1x16xf32> to vector<16xf32>
        %mul3A_562 = arith.constant 8 : i32
        %mul3A_563 = arith.muli %scan3A_453, %mul3A_562 : i32
        %add3A_564 = arith.constant 6 : i32
        %add3A_565 = arith.addi %mul3A_563, %add3A_564 : i32
        %swap3A_566 = arith.constant 0 : i32
        %swap3A_567 = arith.index_cast %swap3A_566 : i32 to index
        %swap3A_568 = arith.index_cast %add3A_565 : i32 to index
        %swap3A_569 = arith.constant 0 : index
        %swap3A_570 = tpu.vector_load %arg6[%swap3A_567, %swap3A_568, %swap3A_569] {strides = array<i32>} : memref<1x200x16xf32, #tpu.memory_space<vmem>>, vector<1x1x16xf32>,
        %swap3A_571 = vector.shape_cast %swap3A_570 : vector<1x1x16xf32> to vector<16xf32>
        %swap3A_572 = vector.shape_cast %get3A_561 : vector<16xf32> to vector<1x1x16xf32>
        tpu.vector_store %arg6[%swap3A_567, %swap3A_568, %swap3A_569], %swap3A_572 {strides = array<i32>} : memref<1x200x16xf32, #tpu.memory_space<vmem>>, vector<1x1x16xf32>,
        %get3A_573 = arith.constant 0 : i32
        %get3A_574 = arith.index_cast %get3A_573 : i32 to index
        %get3A_575 = arith.index_cast %add3A_455 : i32 to index
        %get3A_576 = arith.constant 112 : index
        %get3A_577 = tpu.vector_load %arg4[%get3A_574, %get3A_575, %get3A_576] {strides = array<i32>} : memref<1x200x128xf32, #tpu.memory_space<vmem>>, vector<1x1x16xf32>,
        %get3A_578 = vector.shape_cast %get3A_577 : vector<1x1x16xf32> to vector<16xf32>
        %mul3A_579 = arith.constant 8 : i32
        %mul3A_580 = arith.muli %scan3A_453, %mul3A_579 : i32
        %add3A_581 = arith.constant 7 : i32
        %add3A_582 = arith.addi %mul3A_580, %add3A_581 : i32
        %swap3A_583 = arith.constant 0 : i32
        %swap3A_584 = arith.index_cast %swap3A_583 : i32 to index
        %swap3A_585 = arith.index_cast %add3A_582 : i32 to index
        %swap3A_586 = arith.constant 0 : index
        %swap3A_587 = tpu.vector_load %arg6[%swap3A_584, %swap3A_585, %swap3A_586] {strides = array<i32>} : memref<1x200x16xf32, #tpu.memory_space<vmem>>, vector<1x1x16xf32>,
        %swap3A_588 = vector.shape_cast %swap3A_587 : vector<1x1x16xf32> to vector<16xf32>
        %swap3A_589 = vector.shape_cast %get3A_578 : vector<16xf32> to vector<1x1x16xf32>
        tpu.vector_store %arg6[%swap3A_584, %swap3A_585, %swap3A_586], %swap3A_589 {strides = array<i32>} : memref<1x200x16xf32, #tpu.memory_space<vmem>>, vector<1x1x16xf32>,
      }
      %scan3A_209 = arith.constant 25 : i32
      %dma_start3A_210 = arith.constant 0 : i32
      %dma_start3A_211 = arith.constant 0 : i32
      %dma_start3A_212 = tpu.memref_slice %arg3[%add3A_195, %dma_start3A_210, %dma_start3A_211] : memref<16384x200x16xf32, #tpu.memory_space<hbm>> -> memref<1x200x16xf32, #tpu.memory_space<hbm>>
      %dma_start3A_213 = arith.constant 0 : i32
      %dma_start3A_214 = arith.constant 0 : i32
      %dma_start3A_215 = tpu.memref_slice %arg3[%add3A_195, %dma_start3A_213, %dma_start3A_214] : memref<16384x200x16xf32, #tpu.memory_space<hbm>> -> memref<1x200x16xf32, #tpu.memory_space<hbm>>
      tpu.enqueue_dma source(%arg6 : memref<1x200x16xf32, #tpu.memory_space<vmem>>) target(%dma_start3A_215 : memref<1x200x16xf32, #tpu.memory_space<hbm>>) target_semaphore(%arg10 : memref<!tpu.dma_semaphore, #tpu.memory_space<semaphore_mem>>)
      %mul3A_216 = arith.constant 8 : i32
      %mul3A_217 = arith.muli %add3A_50, %mul3A_216 : i32
      %add3A_218 = arith.constant 7 : i32
      %add3A_219 = arith.addi %mul3A_217, %add3A_218 : i32
      %sub3A_220 = arith.constant 2 : i32
      %sub3A_221 = arith.subi %add3A_219, %sub3A_220 : i32
      %dma_wait3A_222 = arith.constant 0 : i32
      %dma_wait3A_223 = arith.constant 0 : i32
      %dma_wait3A_224 = tpu.memref_slice %arg3[%sub3A_221, %dma_wait3A_222, %dma_wait3A_223] : memref<16384x200x16xf32, #tpu.memory_space<hbm>> -> memref<1x200x16xf32, #tpu.memory_space<hbm>>
      %dma_wait3A_225 = arith.constant 0 : i32
      %dma_wait3A_226 = arith.constant 0 : i32
      %dma_wait3A_227 = tpu.memref_slice %arg3[%sub3A_221, %dma_wait3A_225, %dma_wait3A_226] : memref<16384x200x16xf32, #tpu.memory_space<hbm>> -> memref<1x200x16xf32, #tpu.memory_space<hbm>>
      tpu.wait_dma2 semaphore(%arg11 : memref<!tpu.dma_semaphore, #tpu.memory_space<semaphore_mem>>) src(%arg7 : memref<1x200x16xf32, #tpu.memory_space<vmem>>) dst(%dma_wait3A_227 : memref<1x200x16xf32, #tpu.memory_space<hbm>>)
      %scan3A_228 = arith.constant 0 : i32
      %scan3A_229 = arith.constant 0 : i32
      %scan3A_230 = arith.constant 25 : i32
      %scan3A_231 = arith.addi %scan3A_229, %scan3A_230 : i32
      %scan3A_232 = arith.constant 1 : i32
      scf.for %scan3A_453 = %scan3A_229 to %scan3A_231 step %scan3A_232  : i32 {
        %add3A_454 = arith.constant 175 : i32
        %add3A_455 = arith.addi %add3A_454, %scan3A_453 : i32
        %get3A = arith.constant 0 : i32
        %get3A_456 = arith.index_cast %get3A : i32 to index
        %get3A_457 = arith.index_cast %add3A_455 : i32 to index
        %get3A_458 = arith.constant 0 : index
        %get3A_459 = tpu.vector_load %arg4[%get3A_456, %get3A_457, %get3A_458] {strides = array<i32>} : memref<1x200x128xf32, #tpu.memory_space<vmem>>, vector<1x1x16xf32>,
        %get3A_460 = vector.shape_cast %get3A_459 : vector<1x1x16xf32> to vector<16xf32>
        %mul3A_461 = arith.constant 8 : i32
        %mul3A_462 = arith.muli %scan3A_453, %mul3A_461 : i32
        %add3A_463 = arith.constant 0 : i32
        %add3A_464 = arith.addi %mul3A_462, %add3A_463 : i32
        %swap3A = arith.constant 0 : i32
        %swap3A_465 = arith.index_cast %swap3A : i32 to index
        %swap3A_466 = arith.index_cast %add3A_464 : i32 to index
        %swap3A_467 = arith.constant 0 : index
        %swap3A_468 = tpu.vector_load %arg7[%swap3A_465, %swap3A_466, %swap3A_467] {strides = array<i32>} : memref<1x200x16xf32, #tpu.memory_space<vmem>>, vector<1x1x16xf32>,
        %swap3A_469 = vector.shape_cast %swap3A_468 : vector<1x1x16xf32> to vector<16xf32>
        %swap3A_470 = vector.shape_cast %get3A_460 : vector<16xf32> to vector<1x1x16xf32>
        tpu.vector_store %arg7[%swap3A_465, %swap3A_466, %swap3A_467], %swap3A_470 {strides = array<i32>} : memref<1x200x16xf32, #tpu.memory_space<vmem>>, vector<1x1x16xf32>,
        %get3A_471 = arith.constant 0 : i32
        %get3A_472 = arith.index_cast %get3A_471 : i32 to index
        %get3A_473 = arith.index_cast %add3A_455 : i32 to index
        %get3A_474 = arith.constant 16 : index
        %get3A_475 = tpu.vector_load %arg4[%get3A_472, %get3A_473, %get3A_474] {strides = array<i32>} : memref<1x200x128xf32, #tpu.memory_space<vmem>>, vector<1x1x16xf32>,
        %get3A_476 = vector.shape_cast %get3A_475 : vector<1x1x16xf32> to vector<16xf32>
        %mul3A_477 = arith.constant 8 : i32
        %mul3A_478 = arith.muli %scan3A_453, %mul3A_477 : i32
        %add3A_479 = arith.constant 1 : i32
        %add3A_480 = arith.addi %mul3A_478, %add3A_479 : i32
        %swap3A_481 = arith.constant 0 : i32
        %swap3A_482 = arith.index_cast %swap3A_481 : i32 to index
        %swap3A_483 = arith.index_cast %add3A_480 : i32 to index
        %swap3A_484 = arith.constant 0 : index
        %swap3A_485 = tpu.vector_load %arg7[%swap3A_482, %swap3A_483, %swap3A_484] {strides = array<i32>} : memref<1x200x16xf32, #tpu.memory_space<vmem>>, vector<1x1x16xf32>,
        %swap3A_486 = vector.shape_cast %swap3A_485 : vector<1x1x16xf32> to vector<16xf32>
        %swap3A_487 = vector.shape_cast %get3A_476 : vector<16xf32> to vector<1x1x16xf32>
        tpu.vector_store %arg7[%swap3A_482, %swap3A_483, %swap3A_484], %swap3A_487 {strides = array<i32>} : memref<1x200x16xf32, #tpu.memory_space<vmem>>, vector<1x1x16xf32>,
        %get3A_488 = arith.constant 0 : i32
        %get3A_489 = arith.index_cast %get3A_488 : i32 to index
        %get3A_490 = arith.index_cast %add3A_455 : i32 to index
        %get3A_491 = arith.constant 32 : index
        %get3A_492 = tpu.vector_load %arg4[%get3A_489, %get3A_490, %get3A_491] {strides = array<i32>} : memref<1x200x128xf32, #tpu.memory_space<vmem>>, vector<1x1x16xf32>,
        %get3A_493 = vector.shape_cast %get3A_492 : vector<1x1x16xf32> to vector<16xf32>
        %mul3A_494 = arith.constant 8 : i32
        %mul3A_495 = arith.muli %scan3A_453, %mul3A_494 : i32
        %add3A_496 = arith.constant 2 : i32
        %add3A_497 = arith.addi %mul3A_495, %add3A_496 : i32
        %swap3A_498 = arith.constant 0 : i32
        %swap3A_499 = arith.index_cast %swap3A_498 : i32 to index
        %swap3A_500 = arith.index_cast %add3A_497 : i32 to index
        %swap3A_501 = arith.constant 0 : index
        %swap3A_502 = tpu.vector_load %arg7[%swap3A_499, %swap3A_500, %swap3A_501] {strides = array<i32>} : memref<1x200x16xf32, #tpu.memory_space<vmem>>, vector<1x1x16xf32>,
        %swap3A_503 = vector.shape_cast %swap3A_502 : vector<1x1x16xf32> to vector<16xf32>
        %swap3A_504 = vector.shape_cast %get3A_493 : vector<16xf32> to vector<1x1x16xf32>
        tpu.vector_store %arg7[%swap3A_499, %swap3A_500, %swap3A_501], %swap3A_504 {strides = array<i32>} : memref<1x200x16xf32, #tpu.memory_space<vmem>>, vector<1x1x16xf32>,
        %get3A_505 = arith.constant 0 : i32
        %get3A_506 = arith.index_cast %get3A_505 : i32 to index
        %get3A_507 = arith.index_cast %add3A_455 : i32 to index
        %get3A_508 = arith.constant 48 : index
        %get3A_509 = tpu.vector_load %arg4[%get3A_506, %get3A_507, %get3A_508] {strides = array<i32>} : memref<1x200x128xf32, #tpu.memory_space<vmem>>, vector<1x1x16xf32>,
        %get3A_510 = vector.shape_cast %get3A_509 : vector<1x1x16xf32> to vector<16xf32>
        %mul3A_511 = arith.constant 8 : i32
        %mul3A_512 = arith.muli %scan3A_453, %mul3A_511 : i32
        %add3A_513 = arith.constant 3 : i32
        %add3A_514 = arith.addi %mul3A_512, %add3A_513 : i32
        %swap3A_515 = arith.constant 0 : i32
        %swap3A_516 = arith.index_cast %swap3A_515 : i32 to index
        %swap3A_517 = arith.index_cast %add3A_514 : i32 to index
        %swap3A_518 = arith.constant 0 : index
        %swap3A_519 = tpu.vector_load %arg7[%swap3A_516, %swap3A_517, %swap3A_518] {strides = array<i32>} : memref<1x200x16xf32, #tpu.memory_space<vmem>>, vector<1x1x16xf32>,
        %swap3A_520 = vector.shape_cast %swap3A_519 : vector<1x1x16xf32> to vector<16xf32>
        %swap3A_521 = vector.shape_cast %get3A_510 : vector<16xf32> to vector<1x1x16xf32>
        tpu.vector_store %arg7[%swap3A_516, %swap3A_517, %swap3A_518], %swap3A_521 {strides = array<i32>} : memref<1x200x16xf32, #tpu.memory_space<vmem>>, vector<1x1x16xf32>,
        %get3A_522 = arith.constant 0 : i32
        %get3A_523 = arith.index_cast %get3A_522 : i32 to index
        %get3A_524 = arith.index_cast %add3A_455 : i32 to index
        %get3A_525 = arith.constant 64 : index
        %get3A_526 = tpu.vector_load %arg4[%get3A_523, %get3A_524, %get3A_525] {strides = array<i32>} : memref<1x200x128xf32, #tpu.memory_space<vmem>>, vector<1x1x16xf32>,
        %get3A_527 = vector.shape_cast %get3A_526 : vector<1x1x16xf32> to vector<16xf32>
        %mul3A_528 = arith.constant 8 : i32
        %mul3A_529 = arith.muli %scan3A_453, %mul3A_528 : i32
        %add3A_530 = arith.constant 4 : i32
        %add3A_531 = arith.addi %mul3A_529, %add3A_530 : i32
        %swap3A_532 = arith.constant 0 : i32
        %swap3A_533 = arith.index_cast %swap3A_532 : i32 to index
        %swap3A_534 = arith.index_cast %add3A_531 : i32 to index
        %swap3A_535 = arith.constant 0 : index
        %swap3A_536 = tpu.vector_load %arg7[%swap3A_533, %swap3A_534, %swap3A_535] {strides = array<i32>} : memref<1x200x16xf32, #tpu.memory_space<vmem>>, vector<1x1x16xf32>,
        %swap3A_537 = vector.shape_cast %swap3A_536 : vector<1x1x16xf32> to vector<16xf32>
        %swap3A_538 = vector.shape_cast %get3A_527 : vector<16xf32> to vector<1x1x16xf32>
        tpu.vector_store %arg7[%swap3A_533, %swap3A_534, %swap3A_535], %swap3A_538 {strides = array<i32>} : memref<1x200x16xf32, #tpu.memory_space<vmem>>, vector<1x1x16xf32>,
        %get3A_539 = arith.constant 0 : i32
        %get3A_540 = arith.index_cast %get3A_539 : i32 to index
        %get3A_541 = arith.index_cast %add3A_455 : i32 to index
        %get3A_542 = arith.constant 80 : index
        %get3A_543 = tpu.vector_load %arg4[%get3A_540, %get3A_541, %get3A_542] {strides = array<i32>} : memref<1x200x128xf32, #tpu.memory_space<vmem>>, vector<1x1x16xf32>,
        %get3A_544 = vector.shape_cast %get3A_543 : vector<1x1x16xf32> to vector<16xf32>
        %mul3A_545 = arith.constant 8 : i32
        %mul3A_546 = arith.muli %scan3A_453, %mul3A_545 : i32
        %add3A_547 = arith.constant 5 : i32
        %add3A_548 = arith.addi %mul3A_546, %add3A_547 : i32
        %swap3A_549 = arith.constant 0 : i32
        %swap3A_550 = arith.index_cast %swap3A_549 : i32 to index
        %swap3A_551 = arith.index_cast %add3A_548 : i32 to index
        %swap3A_552 = arith.constant 0 : index
        %swap3A_553 = tpu.vector_load %arg7[%swap3A_550, %swap3A_551, %swap3A_552] {strides = array<i32>} : memref<1x200x16xf32, #tpu.memory_space<vmem>>, vector<1x1x16xf32>,
        %swap3A_554 = vector.shape_cast %swap3A_553 : vector<1x1x16xf32> to vector<16xf32>
        %swap3A_555 = vector.shape_cast %get3A_544 : vector<16xf32> to vector<1x1x16xf32>
        tpu.vector_store %arg7[%swap3A_550, %swap3A_551, %swap3A_552], %swap3A_555 {strides = array<i32>} : memref<1x200x16xf32, #tpu.memory_space<vmem>>, vector<1x1x16xf32>,
        %get3A_556 = arith.constant 0 : i32
        %get3A_557 = arith.index_cast %get3A_556 : i32 to index
        %get3A_558 = arith.index_cast %add3A_455 : i32 to index
        %get3A_559 = arith.constant 96 : index
        %get3A_560 = tpu.vector_load %arg4[%get3A_557, %get3A_558, %get3A_559] {strides = array<i32>} : memref<1x200x128xf32, #tpu.memory_space<vmem>>, vector<1x1x16xf32>,
        %get3A_561 = vector.shape_cast %get3A_560 : vector<1x1x16xf32> to vector<16xf32>
        %mul3A_562 = arith.constant 8 : i32
        %mul3A_563 = arith.muli %scan3A_453, %mul3A_562 : i32
        %add3A_564 = arith.constant 6 : i32
        %add3A_565 = arith.addi %mul3A_563, %add3A_564 : i32
        %swap3A_566 = arith.constant 0 : i32
        %swap3A_567 = arith.index_cast %swap3A_566 : i32 to index
        %swap3A_568 = arith.index_cast %add3A_565 : i32 to index
        %swap3A_569 = arith.constant 0 : index
        %swap3A_570 = tpu.vector_load %arg7[%swap3A_567, %swap3A_568, %swap3A_569] {strides = array<i32>} : memref<1x200x16xf32, #tpu.memory_space<vmem>>, vector<1x1x16xf32>,
        %swap3A_571 = vector.shape_cast %swap3A_570 : vector<1x1x16xf32> to vector<16xf32>
        %swap3A_572 = vector.shape_cast %get3A_561 : vector<16xf32> to vector<1x1x16xf32>
        tpu.vector_store %arg7[%swap3A_567, %swap3A_568, %swap3A_569], %swap3A_572 {strides = array<i32>} : memref<1x200x16xf32, #tpu.memory_space<vmem>>, vector<1x1x16xf32>,
        %get3A_573 = arith.constant 0 : i32
        %get3A_574 = arith.index_cast %get3A_573 : i32 to index
        %get3A_575 = arith.index_cast %add3A_455 : i32 to index
        %get3A_576 = arith.constant 112 : index
        %get3A_577 = tpu.vector_load %arg4[%get3A_574, %get3A_575, %get3A_576] {strides = array<i32>} : memref<1x200x128xf32, #tpu.memory_space<vmem>>, vector<1x1x16xf32>,
        %get3A_578 = vector.shape_cast %get3A_577 : vector<1x1x16xf32> to vector<16xf32>
        %mul3A_579 = arith.constant 8 : i32
        %mul3A_580 = arith.muli %scan3A_453, %mul3A_579 : i32
        %add3A_581 = arith.constant 7 : i32
        %add3A_582 = arith.addi %mul3A_580, %add3A_581 : i32
        %swap3A_583 = arith.constant 0 : i32
        %swap3A_584 = arith.index_cast %swap3A_583 : i32 to index
        %swap3A_585 = arith.index_cast %add3A_582 : i32 to index
        %swap3A_586 = arith.constant 0 : index
        %swap3A_587 = tpu.vector_load %arg7[%swap3A_584, %swap3A_585, %swap3A_586] {strides = array<i32>} : memref<1x200x16xf32, #tpu.memory_space<vmem>>, vector<1x1x16xf32>,
        %swap3A_588 = vector.shape_cast %swap3A_587 : vector<1x1x16xf32> to vector<16xf32>
        %swap3A_589 = vector.shape_cast %get3A_578 : vector<16xf32> to vector<1x1x16xf32>
        tpu.vector_store %arg7[%swap3A_584, %swap3A_585, %swap3A_586], %swap3A_589 {strides = array<i32>} : memref<1x200x16xf32, #tpu.memory_space<vmem>>, vector<1x1x16xf32>,
      }
      %scan3A_233 = arith.constant 25 : i32
      %dma_start3A_234 = arith.constant 0 : i32
      %dma_start3A_235 = arith.constant 0 : i32
      %dma_start3A_236 = tpu.memref_slice %arg3[%add3A_219, %dma_start3A_234, %dma_start3A_235] : memref<16384x200x16xf32, #tpu.memory_space<hbm>> -> memref<1x200x16xf32, #tpu.memory_space<hbm>>
      %dma_start3A_237 = arith.constant 0 : i32
      %dma_start3A_238 = arith.constant 0 : i32
      %dma_start3A_239 = tpu.memref_slice %arg3[%add3A_219, %dma_start3A_237, %dma_start3A_238] : memref<16384x200x16xf32, #tpu.memory_space<hbm>> -> memref<1x200x16xf32, #tpu.memory_space<hbm>>
      tpu.enqueue_dma source(%arg7 : memref<1x200x16xf32, #tpu.memory_space<vmem>>) target(%dma_start3A_239 : memref<1x200x16xf32, #tpu.memory_space<hbm>>) target_semaphore(%arg11 : memref<!tpu.dma_semaphore, #tpu.memory_space<semaphore_mem>>)
      %ne3A_240 = arith.constant 31 : i32
      %ne3A_241 = arith.cmpi ne, %scan3A_45, %ne3A_240 : i32
      %convert_element_type3A_242 = arith.extui %ne3A_241 : i1 to i32
      %cond3A_243 = arith.constant 0 : i32
      %cond3A_244 = arith.cmpi ne, %convert_element_type3A_242, %cond3A_243 : i32
      scf.if %cond3A_244 {
        %add3A_453 = arith.constant 2 : i32
        %add3A_454 = arith.addi %add3A_50, %add3A_453 : i32
        %dma_start3A_455 = arith.constant 0 : i32
        %dma_start3A_456 = arith.constant 0 : i32
        %dma_start3A_457 = tpu.memref_slice %arg2[%add3A_454, %dma_start3A_455, %dma_start3A_456] : memref<2048x200x128xf32, #tpu.memory_space<hbm>> -> memref<1x200x128xf32, #tpu.memory_space<hbm>>
        %dma_start3A_458 = arith.constant 0 : i32
        %dma_start3A_459 = arith.constant 0 : i32
        %dma_start3A_460 = tpu.memref_slice %arg2[%add3A_454, %dma_start3A_458, %dma_start3A_459] : memref<2048x200x128xf32, #tpu.memory_space<hbm>> -> memref<1x200x128xf32, #tpu.memory_space<hbm>>
        tpu.enqueue_dma source(%dma_start3A_460 : memref<1x200x128xf32, #tpu.memory_space<hbm>>) target(%arg4 : memref<1x200x128xf32, #tpu.memory_space<vmem>>) target_semaphore(%arg8 : memref<!tpu.dma_semaphore, #tpu.memory_space<semaphore_mem>>)
      } else {
      }
      %mul3A_245 = arith.constant 2 : i32
      %mul3A_246 = arith.muli %scan3A_45, %mul3A_245 : i32
      %add3A_247 = arith.constant 1 : i32
      %add3A_248 = arith.addi %mul3A_246, %add3A_247 : i32
      %add3A_249 = arith.addi %mul3A_2, %add3A_248 : i32
      %dma_wait3A_250 = arith.constant 0 : i32
      %dma_wait3A_251 = arith.constant 0 : i32
      %dma_wait3A_252 = tpu.memref_slice %arg2[%add3A_249, %dma_wait3A_250, %dma_wait3A_251] : memref<2048x200x128xf32, #tpu.memory_space<hbm>> -> memref<1x200x128xf32, #tpu.memory_space<hbm>>
      %dma_wait3A_253 = arith.constant 0 : i32
      %dma_wait3A_254 = arith.constant 0 : i32
      %dma_wait3A_255 = tpu.memref_slice %arg2[%add3A_249, %dma_wait3A_253, %dma_wait3A_254] : memref<2048x200x128xf32, #tpu.memory_space<hbm>> -> memref<1x200x128xf32, #tpu.memory_space<hbm>>
      tpu.wait_dma2 semaphore(%arg9 : memref<!tpu.dma_semaphore, #tpu.memory_space<semaphore_mem>>) src(%dma_wait3A_255 : memref<1x200x128xf32, #tpu.memory_space<hbm>>) dst(%arg5 : memref<1x200x128xf32, #tpu.memory_space<vmem>>)
      %mul3A_256 = arith.constant 8 : i32
      %mul3A_257 = arith.muli %add3A_249, %mul3A_256 : i32
      %add3A_258 = arith.constant 0 : i32
      %add3A_259 = arith.addi %mul3A_257, %add3A_258 : i32
      %sub3A_260 = arith.constant 2 : i32
      %sub3A_261 = arith.subi %add3A_259, %sub3A_260 : i32
      %dma_wait3A_262 = arith.constant 0 : i32
      %dma_wait3A_263 = arith.constant 0 : i32
      %dma_wait3A_264 = tpu.memref_slice %arg3[%sub3A_261, %dma_wait3A_262, %dma_wait3A_263] : memref<16384x200x16xf32, #tpu.memory_space<hbm>> -> memref<1x200x16xf32, #tpu.memory_space<hbm>>
      %dma_wait3A_265 = arith.constant 0 : i32
      %dma_wait3A_266 = arith.constant 0 : i32
      %dma_wait3A_267 = tpu.memref_slice %arg3[%sub3A_261, %dma_wait3A_265, %dma_wait3A_266] : memref<16384x200x16xf32, #tpu.memory_space<hbm>> -> memref<1x200x16xf32, #tpu.memory_space<hbm>>
      tpu.wait_dma2 semaphore(%arg10 : memref<!tpu.dma_semaphore, #tpu.memory_space<semaphore_mem>>) src(%arg6 : memref<1x200x16xf32, #tpu.memory_space<vmem>>) dst(%dma_wait3A_267 : memref<1x200x16xf32, #tpu.memory_space<hbm>>)
      %scan3A_268 = arith.constant 0 : i32
      %scan3A_269 = arith.constant 0 : i32
      %scan3A_270 = arith.constant 25 : i32
      %scan3A_271 = arith.addi %scan3A_269, %scan3A_270 : i32
      %scan3A_272 = arith.constant 1 : i32
      scf.for %scan3A_453 = %scan3A_269 to %scan3A_271 step %scan3A_272  : i32 {
        %add3A_454 = arith.constant 0 : i32
        %add3A_455 = arith.addi %add3A_454, %scan3A_453 : i32
        %get3A = arith.constant 0 : i32
        %get3A_456 = arith.index_cast %get3A : i32 to index
        %get3A_457 = arith.index_cast %add3A_455 : i32 to index
        %get3A_458 = arith.constant 0 : index
        %get3A_459 = tpu.vector_load %arg5[%get3A_456, %get3A_457, %get3A_458] {strides = array<i32>} : memref<1x200x128xf32, #tpu.memory_space<vmem>>, vector<1x1x16xf32>,
        %get3A_460 = vector.shape_cast %get3A_459 : vector<1x1x16xf32> to vector<16xf32>
        %mul3A_461 = arith.constant 8 : i32
        %mul3A_462 = arith.muli %scan3A_453, %mul3A_461 : i32
        %add3A_463 = arith.constant 0 : i32
        %add3A_464 = arith.addi %mul3A_462, %add3A_463 : i32
        %swap3A = arith.constant 0 : i32
        %swap3A_465 = arith.index_cast %swap3A : i32 to index
        %swap3A_466 = arith.index_cast %add3A_464 : i32 to index
        %swap3A_467 = arith.constant 0 : index
        %swap3A_468 = tpu.vector_load %arg6[%swap3A_465, %swap3A_466, %swap3A_467] {strides = array<i32>} : memref<1x200x16xf32, #tpu.memory_space<vmem>>, vector<1x1x16xf32>,
        %swap3A_469 = vector.shape_cast %swap3A_468 : vector<1x1x16xf32> to vector<16xf32>
        %swap3A_470 = vector.shape_cast %get3A_460 : vector<16xf32> to vector<1x1x16xf32>
        tpu.vector_store %arg6[%swap3A_465, %swap3A_466, %swap3A_467], %swap3A_470 {strides = array<i32>} : memref<1x200x16xf32, #tpu.memory_space<vmem>>, vector<1x1x16xf32>,
        %get3A_471 = arith.constant 0 : i32
        %get3A_472 = arith.index_cast %get3A_471 : i32 to index
        %get3A_473 = arith.index_cast %add3A_455 : i32 to index
        %get3A_474 = arith.constant 16 : index
        %get3A_475 = tpu.vector_load %arg5[%get3A_472, %get3A_473, %get3A_474] {strides = array<i32>} : memref<1x200x128xf32, #tpu.memory_space<vmem>>, vector<1x1x16xf32>,
        %get3A_476 = vector.shape_cast %get3A_475 : vector<1x1x16xf32> to vector<16xf32>
        %mul3A_477 = arith.constant 8 : i32
        %mul3A_478 = arith.muli %scan3A_453, %mul3A_477 : i32
        %add3A_479 = arith.constant 1 : i32
        %add3A_480 = arith.addi %mul3A_478, %add3A_479 : i32
        %swap3A_481 = arith.constant 0 : i32
        %swap3A_482 = arith.index_cast %swap3A_481 : i32 to index
        %swap3A_483 = arith.index_cast %add3A_480 : i32 to index
        %swap3A_484 = arith.constant 0 : index
        %swap3A_485 = tpu.vector_load %arg6[%swap3A_482, %swap3A_483, %swap3A_484] {strides = array<i32>} : memref<1x200x16xf32, #tpu.memory_space<vmem>>, vector<1x1x16xf32>,
        %swap3A_486 = vector.shape_cast %swap3A_485 : vector<1x1x16xf32> to vector<16xf32>
        %swap3A_487 = vector.shape_cast %get3A_476 : vector<16xf32> to vector<1x1x16xf32>
        tpu.vector_store %arg6[%swap3A_482, %swap3A_483, %swap3A_484], %swap3A_487 {strides = array<i32>} : memref<1x200x16xf32, #tpu.memory_space<vmem>>, vector<1x1x16xf32>,
        %get3A_488 = arith.constant 0 : i32
        %get3A_489 = arith.index_cast %get3A_488 : i32 to index
        %get3A_490 = arith.index_cast %add3A_455 : i32 to index
        %get3A_491 = arith.constant 32 : index
        %get3A_492 = tpu.vector_load %arg5[%get3A_489, %get3A_490, %get3A_491] {strides = array<i32>} : memref<1x200x128xf32, #tpu.memory_space<vmem>>, vector<1x1x16xf32>,
        %get3A_493 = vector.shape_cast %get3A_492 : vector<1x1x16xf32> to vector<16xf32>
        %mul3A_494 = arith.constant 8 : i32
        %mul3A_495 = arith.muli %scan3A_453, %mul3A_494 : i32
        %add3A_496 = arith.constant 2 : i32
        %add3A_497 = arith.addi %mul3A_495, %add3A_496 : i32
        %swap3A_498 = arith.constant 0 : i32
        %swap3A_499 = arith.index_cast %swap3A_498 : i32 to index
        %swap3A_500 = arith.index_cast %add3A_497 : i32 to index
        %swap3A_501 = arith.constant 0 : index
        %swap3A_502 = tpu.vector_load %arg6[%swap3A_499, %swap3A_500, %swap3A_501] {strides = array<i32>} : memref<1x200x16xf32, #tpu.memory_space<vmem>>, vector<1x1x16xf32>,
        %swap3A_503 = vector.shape_cast %swap3A_502 : vector<1x1x16xf32> to vector<16xf32>
        %swap3A_504 = vector.shape_cast %get3A_493 : vector<16xf32> to vector<1x1x16xf32>
        tpu.vector_store %arg6[%swap3A_499, %swap3A_500, %swap3A_501], %swap3A_504 {strides = array<i32>} : memref<1x200x16xf32, #tpu.memory_space<vmem>>, vector<1x1x16xf32>,
        %get3A_505 = arith.constant 0 : i32
        %get3A_506 = arith.index_cast %get3A_505 : i32 to index
        %get3A_507 = arith.index_cast %add3A_455 : i32 to index
        %get3A_508 = arith.constant 48 : index
        %get3A_509 = tpu.vector_load %arg5[%get3A_506, %get3A_507, %get3A_508] {strides = array<i32>} : memref<1x200x128xf32, #tpu.memory_space<vmem>>, vector<1x1x16xf32>,
        %get3A_510 = vector.shape_cast %get3A_509 : vector<1x1x16xf32> to vector<16xf32>
        %mul3A_511 = arith.constant 8 : i32
        %mul3A_512 = arith.muli %scan3A_453, %mul3A_511 : i32
        %add3A_513 = arith.constant 3 : i32
        %add3A_514 = arith.addi %mul3A_512, %add3A_513 : i32
        %swap3A_515 = arith.constant 0 : i32
        %swap3A_516 = arith.index_cast %swap3A_515 : i32 to index
        %swap3A_517 = arith.index_cast %add3A_514 : i32 to index
        %swap3A_518 = arith.constant 0 : index
        %swap3A_519 = tpu.vector_load %arg6[%swap3A_516, %swap3A_517, %swap3A_518] {strides = array<i32>} : memref<1x200x16xf32, #tpu.memory_space<vmem>>, vector<1x1x16xf32>,
        %swap3A_520 = vector.shape_cast %swap3A_519 : vector<1x1x16xf32> to vector<16xf32>
        %swap3A_521 = vector.shape_cast %get3A_510 : vector<16xf32> to vector<1x1x16xf32>
        tpu.vector_store %arg6[%swap3A_516, %swap3A_517, %swap3A_518], %swap3A_521 {strides = array<i32>} : memref<1x200x16xf32, #tpu.memory_space<vmem>>, vector<1x1x16xf32>,
        %get3A_522 = arith.constant 0 : i32
        %get3A_523 = arith.index_cast %get3A_522 : i32 to index
        %get3A_524 = arith.index_cast %add3A_455 : i32 to index
        %get3A_525 = arith.constant 64 : index
        %get3A_526 = tpu.vector_load %arg5[%get3A_523, %get3A_524, %get3A_525] {strides = array<i32>} : memref<1x200x128xf32, #tpu.memory_space<vmem>>, vector<1x1x16xf32>,
        %get3A_527 = vector.shape_cast %get3A_526 : vector<1x1x16xf32> to vector<16xf32>
        %mul3A_528 = arith.constant 8 : i32
        %mul3A_529 = arith.muli %scan3A_453, %mul3A_528 : i32
        %add3A_530 = arith.constant 4 : i32
        %add3A_531 = arith.addi %mul3A_529, %add3A_530 : i32
        %swap3A_532 = arith.constant 0 : i32
        %swap3A_533 = arith.index_cast %swap3A_532 : i32 to index
        %swap3A_534 = arith.index_cast %add3A_531 : i32 to index
        %swap3A_535 = arith.constant 0 : index
        %swap3A_536 = tpu.vector_load %arg6[%swap3A_533, %swap3A_534, %swap3A_535] {strides = array<i32>} : memref<1x200x16xf32, #tpu.memory_space<vmem>>, vector<1x1x16xf32>,
        %swap3A_537 = vector.shape_cast %swap3A_536 : vector<1x1x16xf32> to vector<16xf32>
        %swap3A_538 = vector.shape_cast %get3A_527 : vector<16xf32> to vector<1x1x16xf32>
        tpu.vector_store %arg6[%swap3A_533, %swap3A_534, %swap3A_535], %swap3A_538 {strides = array<i32>} : memref<1x200x16xf32, #tpu.memory_space<vmem>>, vector<1x1x16xf32>,
        %get3A_539 = arith.constant 0 : i32
        %get3A_540 = arith.index_cast %get3A_539 : i32 to index
        %get3A_541 = arith.index_cast %add3A_455 : i32 to index
        %get3A_542 = arith.constant 80 : index
        %get3A_543 = tpu.vector_load %arg5[%get3A_540, %get3A_541, %get3A_542] {strides = array<i32>} : memref<1x200x128xf32, #tpu.memory_space<vmem>>, vector<1x1x16xf32>,
        %get3A_544 = vector.shape_cast %get3A_543 : vector<1x1x16xf32> to vector<16xf32>
        %mul3A_545 = arith.constant 8 : i32
        %mul3A_546 = arith.muli %scan3A_453, %mul3A_545 : i32
        %add3A_547 = arith.constant 5 : i32
        %add3A_548 = arith.addi %mul3A_546, %add3A_547 : i32
        %swap3A_549 = arith.constant 0 : i32
        %swap3A_550 = arith.index_cast %swap3A_549 : i32 to index
        %swap3A_551 = arith.index_cast %add3A_548 : i32 to index
        %swap3A_552 = arith.constant 0 : index
        %swap3A_553 = tpu.vector_load %arg6[%swap3A_550, %swap3A_551, %swap3A_552] {strides = array<i32>} : memref<1x200x16xf32, #tpu.memory_space<vmem>>, vector<1x1x16xf32>,
        %swap3A_554 = vector.shape_cast %swap3A_553 : vector<1x1x16xf32> to vector<16xf32>
        %swap3A_555 = vector.shape_cast %get3A_544 : vector<16xf32> to vector<1x1x16xf32>
        tpu.vector_store %arg6[%swap3A_550, %swap3A_551, %swap3A_552], %swap3A_555 {strides = array<i32>} : memref<1x200x16xf32, #tpu.memory_space<vmem>>, vector<1x1x16xf32>,
        %get3A_556 = arith.constant 0 : i32
        %get3A_557 = arith.index_cast %get3A_556 : i32 to index
        %get3A_558 = arith.index_cast %add3A_455 : i32 to index
        %get3A_559 = arith.constant 96 : index
        %get3A_560 = tpu.vector_load %arg5[%get3A_557, %get3A_558, %get3A_559] {strides = array<i32>} : memref<1x200x128xf32, #tpu.memory_space<vmem>>, vector<1x1x16xf32>,
        %get3A_561 = vector.shape_cast %get3A_560 : vector<1x1x16xf32> to vector<16xf32>
        %mul3A_562 = arith.constant 8 : i32
        %mul3A_563 = arith.muli %scan3A_453, %mul3A_562 : i32
        %add3A_564 = arith.constant 6 : i32
        %add3A_565 = arith.addi %mul3A_563, %add3A_564 : i32
        %swap3A_566 = arith.constant 0 : i32
        %swap3A_567 = arith.index_cast %swap3A_566 : i32 to index
        %swap3A_568 = arith.index_cast %add3A_565 : i32 to index
        %swap3A_569 = arith.constant 0 : index
        %swap3A_570 = tpu.vector_load %arg6[%swap3A_567, %swap3A_568, %swap3A_569] {strides = array<i32>} : memref<1x200x16xf32, #tpu.memory_space<vmem>>, vector<1x1x16xf32>,
        %swap3A_571 = vector.shape_cast %swap3A_570 : vector<1x1x16xf32> to vector<16xf32>
        %swap3A_572 = vector.shape_cast %get3A_561 : vector<16xf32> to vector<1x1x16xf32>
        tpu.vector_store %arg6[%swap3A_567, %swap3A_568, %swap3A_569], %swap3A_572 {strides = array<i32>} : memref<1x200x16xf32, #tpu.memory_space<vmem>>, vector<1x1x16xf32>,
        %get3A_573 = arith.constant 0 : i32
        %get3A_574 = arith.index_cast %get3A_573 : i32 to index
        %get3A_575 = arith.index_cast %add3A_455 : i32 to index
        %get3A_576 = arith.constant 112 : index
        %get3A_577 = tpu.vector_load %arg5[%get3A_574, %get3A_575, %get3A_576] {strides = array<i32>} : memref<1x200x128xf32, #tpu.memory_space<vmem>>, vector<1x1x16xf32>,
        %get3A_578 = vector.shape_cast %get3A_577 : vector<1x1x16xf32> to vector<16xf32>
        %mul3A_579 = arith.constant 8 : i32
        %mul3A_580 = arith.muli %scan3A_453, %mul3A_579 : i32
        %add3A_581 = arith.constant 7 : i32
        %add3A_582 = arith.addi %mul3A_580, %add3A_581 : i32
        %swap3A_583 = arith.constant 0 : i32
        %swap3A_584 = arith.index_cast %swap3A_583 : i32 to index
        %swap3A_585 = arith.index_cast %add3A_582 : i32 to index
        %swap3A_586 = arith.constant 0 : index
        %swap3A_587 = tpu.vector_load %arg6[%swap3A_584, %swap3A_585, %swap3A_586] {strides = array<i32>} : memref<1x200x16xf32, #tpu.memory_space<vmem>>, vector<1x1x16xf32>,
        %swap3A_588 = vector.shape_cast %swap3A_587 : vector<1x1x16xf32> to vector<16xf32>
        %swap3A_589 = vector.shape_cast %get3A_578 : vector<16xf32> to vector<1x1x16xf32>
        tpu.vector_store %arg6[%swap3A_584, %swap3A_585, %swap3A_586], %swap3A_589 {strides = array<i32>} : memref<1x200x16xf32, #tpu.memory_space<vmem>>, vector<1x1x16xf32>,
      }
      %scan3A_273 = arith.constant 25 : i32
      %dma_start3A_274 = arith.constant 0 : i32
      %dma_start3A_275 = arith.constant 0 : i32
      %dma_start3A_276 = tpu.memref_slice %arg3[%add3A_259, %dma_start3A_274, %dma_start3A_275] : memref<16384x200x16xf32, #tpu.memory_space<hbm>> -> memref<1x200x16xf32, #tpu.memory_space<hbm>>
      %dma_start3A_277 = arith.constant 0 : i32
      %dma_start3A_278 = arith.constant 0 : i32
      %dma_start3A_279 = tpu.memref_slice %arg3[%add3A_259, %dma_start3A_277, %dma_start3A_278] : memref<16384x200x16xf32, #tpu.memory_space<hbm>> -> memref<1x200x16xf32, #tpu.memory_space<hbm>>
      tpu.enqueue_dma source(%arg6 : memref<1x200x16xf32, #tpu.memory_space<vmem>>) target(%dma_start3A_279 : memref<1x200x16xf32, #tpu.memory_space<hbm>>) target_semaphore(%arg10 : memref<!tpu.dma_semaphore, #tpu.memory_space<semaphore_mem>>)
      %mul3A_280 = arith.constant 8 : i32
      %mul3A_281 = arith.muli %add3A_249, %mul3A_280 : i32
      %add3A_282 = arith.constant 1 : i32
      %add3A_283 = arith.addi %mul3A_281, %add3A_282 : i32
      %sub3A_284 = arith.constant 2 : i32
      %sub3A_285 = arith.subi %add3A_283, %sub3A_284 : i32
      %dma_wait3A_286 = arith.constant 0 : i32
      %dma_wait3A_287 = arith.constant 0 : i32
      %dma_wait3A_288 = tpu.memref_slice %arg3[%sub3A_285, %dma_wait3A_286, %dma_wait3A_287] : memref<16384x200x16xf32, #tpu.memory_space<hbm>> -> memref<1x200x16xf32, #tpu.memory_space<hbm>>
      %dma_wait3A_289 = arith.constant 0 : i32
      %dma_wait3A_290 = arith.constant 0 : i32
      %dma_wait3A_291 = tpu.memref_slice %arg3[%sub3A_285, %dma_wait3A_289, %dma_wait3A_290] : memref<16384x200x16xf32, #tpu.memory_space<hbm>> -> memref<1x200x16xf32, #tpu.memory_space<hbm>>
      tpu.wait_dma2 semaphore(%arg11 : memref<!tpu.dma_semaphore, #tpu.memory_space<semaphore_mem>>) src(%arg7 : memref<1x200x16xf32, #tpu.memory_space<vmem>>) dst(%dma_wait3A_291 : memref<1x200x16xf32, #tpu.memory_space<hbm>>)
      %scan3A_292 = arith.constant 0 : i32
      %scan3A_293 = arith.constant 0 : i32
      %scan3A_294 = arith.constant 25 : i32
      %scan3A_295 = arith.addi %scan3A_293, %scan3A_294 : i32
      %scan3A_296 = arith.constant 1 : i32
      scf.for %scan3A_453 = %scan3A_293 to %scan3A_295 step %scan3A_296  : i32 {
        %add3A_454 = arith.constant 25 : i32
        %add3A_455 = arith.addi %add3A_454, %scan3A_453 : i32
        %get3A = arith.constant 0 : i32
        %get3A_456 = arith.index_cast %get3A : i32 to index
        %get3A_457 = arith.index_cast %add3A_455 : i32 to index
        %get3A_458 = arith.constant 0 : index
        %get3A_459 = tpu.vector_load %arg5[%get3A_456, %get3A_457, %get3A_458] {strides = array<i32>} : memref<1x200x128xf32, #tpu.memory_space<vmem>>, vector<1x1x16xf32>,
        %get3A_460 = vector.shape_cast %get3A_459 : vector<1x1x16xf32> to vector<16xf32>
        %mul3A_461 = arith.constant 8 : i32
        %mul3A_462 = arith.muli %scan3A_453, %mul3A_461 : i32
        %add3A_463 = arith.constant 0 : i32
        %add3A_464 = arith.addi %mul3A_462, %add3A_463 : i32
        %swap3A = arith.constant 0 : i32
        %swap3A_465 = arith.index_cast %swap3A : i32 to index
        %swap3A_466 = arith.index_cast %add3A_464 : i32 to index
        %swap3A_467 = arith.constant 0 : index
        %swap3A_468 = tpu.vector_load %arg7[%swap3A_465, %swap3A_466, %swap3A_467] {strides = array<i32>} : memref<1x200x16xf32, #tpu.memory_space<vmem>>, vector<1x1x16xf32>,
        %swap3A_469 = vector.shape_cast %swap3A_468 : vector<1x1x16xf32> to vector<16xf32>
        %swap3A_470 = vector.shape_cast %get3A_460 : vector<16xf32> to vector<1x1x16xf32>
        tpu.vector_store %arg7[%swap3A_465, %swap3A_466, %swap3A_467], %swap3A_470 {strides = array<i32>} : memref<1x200x16xf32, #tpu.memory_space<vmem>>, vector<1x1x16xf32>,
        %get3A_471 = arith.constant 0 : i32
        %get3A_472 = arith.index_cast %get3A_471 : i32 to index
        %get3A_473 = arith.index_cast %add3A_455 : i32 to index
        %get3A_474 = arith.constant 16 : index
        %get3A_475 = tpu.vector_load %arg5[%get3A_472, %get3A_473, %get3A_474] {strides = array<i32>} : memref<1x200x128xf32, #tpu.memory_space<vmem>>, vector<1x1x16xf32>,
        %get3A_476 = vector.shape_cast %get3A_475 : vector<1x1x16xf32> to vector<16xf32>
        %mul3A_477 = arith.constant 8 : i32
        %mul3A_478 = arith.muli %scan3A_453, %mul3A_477 : i32
        %add3A_479 = arith.constant 1 : i32
        %add3A_480 = arith.addi %mul3A_478, %add3A_479 : i32
        %swap3A_481 = arith.constant 0 : i32
        %swap3A_482 = arith.index_cast %swap3A_481 : i32 to index
        %swap3A_483 = arith.index_cast %add3A_480 : i32 to index
        %swap3A_484 = arith.constant 0 : index
        %swap3A_485 = tpu.vector_load %arg7[%swap3A_482, %swap3A_483, %swap3A_484] {strides = array<i32>} : memref<1x200x16xf32, #tpu.memory_space<vmem>>, vector<1x1x16xf32>,
        %swap3A_486 = vector.shape_cast %swap3A_485 : vector<1x1x16xf32> to vector<16xf32>
        %swap3A_487 = vector.shape_cast %get3A_476 : vector<16xf32> to vector<1x1x16xf32>
        tpu.vector_store %arg7[%swap3A_482, %swap3A_483, %swap3A_484], %swap3A_487 {strides = array<i32>} : memref<1x200x16xf32, #tpu.memory_space<vmem>>, vector<1x1x16xf32>,
        %get3A_488 = arith.constant 0 : i32
        %get3A_489 = arith.index_cast %get3A_488 : i32 to index
        %get3A_490 = arith.index_cast %add3A_455 : i32 to index
        %get3A_491 = arith.constant 32 : index
        %get3A_492 = tpu.vector_load %arg5[%get3A_489, %get3A_490, %get3A_491] {strides = array<i32>} : memref<1x200x128xf32, #tpu.memory_space<vmem>>, vector<1x1x16xf32>,
        %get3A_493 = vector.shape_cast %get3A_492 : vector<1x1x16xf32> to vector<16xf32>
        %mul3A_494 = arith.constant 8 : i32
        %mul3A_495 = arith.muli %scan3A_453, %mul3A_494 : i32
        %add3A_496 = arith.constant 2 : i32
        %add3A_497 = arith.addi %mul3A_495, %add3A_496 : i32
        %swap3A_498 = arith.constant 0 : i32
        %swap3A_499 = arith.index_cast %swap3A_498 : i32 to index
        %swap3A_500 = arith.index_cast %add3A_497 : i32 to index
        %swap3A_501 = arith.constant 0 : index
        %swap3A_502 = tpu.vector_load %arg7[%swap3A_499, %swap3A_500, %swap3A_501] {strides = array<i32>} : memref<1x200x16xf32, #tpu.memory_space<vmem>>, vector<1x1x16xf32>,
        %swap3A_503 = vector.shape_cast %swap3A_502 : vector<1x1x16xf32> to vector<16xf32>
        %swap3A_504 = vector.shape_cast %get3A_493 : vector<16xf32> to vector<1x1x16xf32>
        tpu.vector_store %arg7[%swap3A_499, %swap3A_500, %swap3A_501], %swap3A_504 {strides = array<i32>} : memref<1x200x16xf32, #tpu.memory_space<vmem>>, vector<1x1x16xf32>,
        %get3A_505 = arith.constant 0 : i32
        %get3A_506 = arith.index_cast %get3A_505 : i32 to index
        %get3A_507 = arith.index_cast %add3A_455 : i32 to index
        %get3A_508 = arith.constant 48 : index
        %get3A_509 = tpu.vector_load %arg5[%get3A_506, %get3A_507, %get3A_508] {strides = array<i32>} : memref<1x200x128xf32, #tpu.memory_space<vmem>>, vector<1x1x16xf32>,
        %get3A_510 = vector.shape_cast %get3A_509 : vector<1x1x16xf32> to vector<16xf32>
        %mul3A_511 = arith.constant 8 : i32
        %mul3A_512 = arith.muli %scan3A_453, %mul3A_511 : i32
        %add3A_513 = arith.constant 3 : i32
        %add3A_514 = arith.addi %mul3A_512, %add3A_513 : i32
        %swap3A_515 = arith.constant 0 : i32
        %swap3A_516 = arith.index_cast %swap3A_515 : i32 to index
        %swap3A_517 = arith.index_cast %add3A_514 : i32 to index
        %swap3A_518 = arith.constant 0 : index
        %swap3A_519 = tpu.vector_load %arg7[%swap3A_516, %swap3A_517, %swap3A_518] {strides = array<i32>} : memref<1x200x16xf32, #tpu.memory_space<vmem>>, vector<1x1x16xf32>,
        %swap3A_520 = vector.shape_cast %swap3A_519 : vector<1x1x16xf32> to vector<16xf32>
        %swap3A_521 = vector.shape_cast %get3A_510 : vector<16xf32> to vector<1x1x16xf32>
        tpu.vector_store %arg7[%swap3A_516, %swap3A_517, %swap3A_518], %swap3A_521 {strides = array<i32>} : memref<1x200x16xf32, #tpu.memory_space<vmem>>, vector<1x1x16xf32>,
        %get3A_522 = arith.constant 0 : i32
        %get3A_523 = arith.index_cast %get3A_522 : i32 to index
        %get3A_524 = arith.index_cast %add3A_455 : i32 to index
        %get3A_525 = arith.constant 64 : index
        %get3A_526 = tpu.vector_load %arg5[%get3A_523, %get3A_524, %get3A_525] {strides = array<i32>} : memref<1x200x128xf32, #tpu.memory_space<vmem>>, vector<1x1x16xf32>,
        %get3A_527 = vector.shape_cast %get3A_526 : vector<1x1x16xf32> to vector<16xf32>
        %mul3A_528 = arith.constant 8 : i32
        %mul3A_529 = arith.muli %scan3A_453, %mul3A_528 : i32
        %add3A_530 = arith.constant 4 : i32
        %add3A_531 = arith.addi %mul3A_529, %add3A_530 : i32
        %swap3A_532 = arith.constant 0 : i32
        %swap3A_533 = arith.index_cast %swap3A_532 : i32 to index
        %swap3A_534 = arith.index_cast %add3A_531 : i32 to index
        %swap3A_535 = arith.constant 0 : index
        %swap3A_536 = tpu.vector_load %arg7[%swap3A_533, %swap3A_534, %swap3A_535] {strides = array<i32>} : memref<1x200x16xf32, #tpu.memory_space<vmem>>, vector<1x1x16xf32>,
        %swap3A_537 = vector.shape_cast %swap3A_536 : vector<1x1x16xf32> to vector<16xf32>
        %swap3A_538 = vector.shape_cast %get3A_527 : vector<16xf32> to vector<1x1x16xf32>
        tpu.vector_store %arg7[%swap3A_533, %swap3A_534, %swap3A_535], %swap3A_538 {strides = array<i32>} : memref<1x200x16xf32, #tpu.memory_space<vmem>>, vector<1x1x16xf32>,
        %get3A_539 = arith.constant 0 : i32
        %get3A_540 = arith.index_cast %get3A_539 : i32 to index
        %get3A_541 = arith.index_cast %add3A_455 : i32 to index
        %get3A_542 = arith.constant 80 : index
        %get3A_543 = tpu.vector_load %arg5[%get3A_540, %get3A_541, %get3A_542] {strides = array<i32>} : memref<1x200x128xf32, #tpu.memory_space<vmem>>, vector<1x1x16xf32>,
        %get3A_544 = vector.shape_cast %get3A_543 : vector<1x1x16xf32> to vector<16xf32>
        %mul3A_545 = arith.constant 8 : i32
        %mul3A_546 = arith.muli %scan3A_453, %mul3A_545 : i32
        %add3A_547 = arith.constant 5 : i32
        %add3A_548 = arith.addi %mul3A_546, %add3A_547 : i32
        %swap3A_549 = arith.constant 0 : i32
        %swap3A_550 = arith.index_cast %swap3A_549 : i32 to index
        %swap3A_551 = arith.index_cast %add3A_548 : i32 to index
        %swap3A_552 = arith.constant 0 : index
        %swap3A_553 = tpu.vector_load %arg7[%swap3A_550, %swap3A_551, %swap3A_552] {strides = array<i32>} : memref<1x200x16xf32, #tpu.memory_space<vmem>>, vector<1x1x16xf32>,
        %swap3A_554 = vector.shape_cast %swap3A_553 : vector<1x1x16xf32> to vector<16xf32>
        %swap3A_555 = vector.shape_cast %get3A_544 : vector<16xf32> to vector<1x1x16xf32>
        tpu.vector_store %arg7[%swap3A_550, %swap3A_551, %swap3A_552], %swap3A_555 {strides = array<i32>} : memref<1x200x16xf32, #tpu.memory_space<vmem>>, vector<1x1x16xf32>,
        %get3A_556 = arith.constant 0 : i32
        %get3A_557 = arith.index_cast %get3A_556 : i32 to index
        %get3A_558 = arith.index_cast %add3A_455 : i32 to index
        %get3A_559 = arith.constant 96 : index
        %get3A_560 = tpu.vector_load %arg5[%get3A_557, %get3A_558, %get3A_559] {strides = array<i32>} : memref<1x200x128xf32, #tpu.memory_space<vmem>>, vector<1x1x16xf32>,
        %get3A_561 = vector.shape_cast %get3A_560 : vector<1x1x16xf32> to vector<16xf32>
        %mul3A_562 = arith.constant 8 : i32
        %mul3A_563 = arith.muli %scan3A_453, %mul3A_562 : i32
        %add3A_564 = arith.constant 6 : i32
        %add3A_565 = arith.addi %mul3A_563, %add3A_564 : i32
        %swap3A_566 = arith.constant 0 : i32
        %swap3A_567 = arith.index_cast %swap3A_566 : i32 to index
        %swap3A_568 = arith.index_cast %add3A_565 : i32 to index
        %swap3A_569 = arith.constant 0 : index
        %swap3A_570 = tpu.vector_load %arg7[%swap3A_567, %swap3A_568, %swap3A_569] {strides = array<i32>} : memref<1x200x16xf32, #tpu.memory_space<vmem>>, vector<1x1x16xf32>,
        %swap3A_571 = vector.shape_cast %swap3A_570 : vector<1x1x16xf32> to vector<16xf32>
        %swap3A_572 = vector.shape_cast %get3A_561 : vector<16xf32> to vector<1x1x16xf32>
        tpu.vector_store %arg7[%swap3A_567, %swap3A_568, %swap3A_569], %swap3A_572 {strides = array<i32>} : memref<1x200x16xf32, #tpu.memory_space<vmem>>, vector<1x1x16xf32>,
        %get3A_573 = arith.constant 0 : i32
        %get3A_574 = arith.index_cast %get3A_573 : i32 to index
        %get3A_575 = arith.index_cast %add3A_455 : i32 to index
        %get3A_576 = arith.constant 112 : index
        %get3A_577 = tpu.vector_load %arg5[%get3A_574, %get3A_575, %get3A_576] {strides = array<i32>} : memref<1x200x128xf32, #tpu.memory_space<vmem>>, vector<1x1x16xf32>,
        %get3A_578 = vector.shape_cast %get3A_577 : vector<1x1x16xf32> to vector<16xf32>
        %mul3A_579 = arith.constant 8 : i32
        %mul3A_580 = arith.muli %scan3A_453, %mul3A_579 : i32
        %add3A_581 = arith.constant 7 : i32
        %add3A_582 = arith.addi %mul3A_580, %add3A_581 : i32
        %swap3A_583 = arith.constant 0 : i32
        %swap3A_584 = arith.index_cast %swap3A_583 : i32 to index
        %swap3A_585 = arith.index_cast %add3A_582 : i32 to index
        %swap3A_586 = arith.constant 0 : index
        %swap3A_587 = tpu.vector_load %arg7[%swap3A_584, %swap3A_585, %swap3A_586] {strides = array<i32>} : memref<1x200x16xf32, #tpu.memory_space<vmem>>, vector<1x1x16xf32>,
        %swap3A_588 = vector.shape_cast %swap3A_587 : vector<1x1x16xf32> to vector<16xf32>
        %swap3A_589 = vector.shape_cast %get3A_578 : vector<16xf32> to vector<1x1x16xf32>
        tpu.vector_store %arg7[%swap3A_584, %swap3A_585, %swap3A_586], %swap3A_589 {strides = array<i32>} : memref<1x200x16xf32, #tpu.memory_space<vmem>>, vector<1x1x16xf32>,
      }
      %scan3A_297 = arith.constant 25 : i32
      %dma_start3A_298 = arith.constant 0 : i32
      %dma_start3A_299 = arith.constant 0 : i32
      %dma_start3A_300 = tpu.memref_slice %arg3[%add3A_283, %dma_start3A_298, %dma_start3A_299] : memref<16384x200x16xf32, #tpu.memory_space<hbm>> -> memref<1x200x16xf32, #tpu.memory_space<hbm>>
      %dma_start3A_301 = arith.constant 0 : i32
      %dma_start3A_302 = arith.constant 0 : i32
      %dma_start3A_303 = tpu.memref_slice %arg3[%add3A_283, %dma_start3A_301, %dma_start3A_302] : memref<16384x200x16xf32, #tpu.memory_space<hbm>> -> memref<1x200x16xf32, #tpu.memory_space<hbm>>
      tpu.enqueue_dma source(%arg7 : memref<1x200x16xf32, #tpu.memory_space<vmem>>) target(%dma_start3A_303 : memref<1x200x16xf32, #tpu.memory_space<hbm>>) target_semaphore(%arg11 : memref<!tpu.dma_semaphore, #tpu.memory_space<semaphore_mem>>)
      %mul3A_304 = arith.constant 8 : i32
      %mul3A_305 = arith.muli %add3A_249, %mul3A_304 : i32
      %add3A_306 = arith.constant 2 : i32
      %add3A_307 = arith.addi %mul3A_305, %add3A_306 : i32
      %sub3A_308 = arith.constant 2 : i32
      %sub3A_309 = arith.subi %add3A_307, %sub3A_308 : i32
      %dma_wait3A_310 = arith.constant 0 : i32
      %dma_wait3A_311 = arith.constant 0 : i32
      %dma_wait3A_312 = tpu.memref_slice %arg3[%sub3A_309, %dma_wait3A_310, %dma_wait3A_311] : memref<16384x200x16xf32, #tpu.memory_space<hbm>> -> memref<1x200x16xf32, #tpu.memory_space<hbm>>
      %dma_wait3A_313 = arith.constant 0 : i32
      %dma_wait3A_314 = arith.constant 0 : i32
      %dma_wait3A_315 = tpu.memref_slice %arg3[%sub3A_309, %dma_wait3A_313, %dma_wait3A_314] : memref<16384x200x16xf32, #tpu.memory_space<hbm>> -> memref<1x200x16xf32, #tpu.memory_space<hbm>>
      tpu.wait_dma2 semaphore(%arg10 : memref<!tpu.dma_semaphore, #tpu.memory_space<semaphore_mem>>) src(%arg6 : memref<1x200x16xf32, #tpu.memory_space<vmem>>) dst(%dma_wait3A_315 : memref<1x200x16xf32, #tpu.memory_space<hbm>>)
      %scan3A_316 = arith.constant 0 : i32
      %scan3A_317 = arith.constant 0 : i32
      %scan3A_318 = arith.constant 25 : i32
      %scan3A_319 = arith.addi %scan3A_317, %scan3A_318 : i32
      %scan3A_320 = arith.constant 1 : i32
      scf.for %scan3A_453 = %scan3A_317 to %scan3A_319 step %scan3A_320  : i32 {
        %add3A_454 = arith.constant 50 : i32
        %add3A_455 = arith.addi %add3A_454, %scan3A_453 : i32
        %get3A = arith.constant 0 : i32
        %get3A_456 = arith.index_cast %get3A : i32 to index
        %get3A_457 = arith.index_cast %add3A_455 : i32 to index
        %get3A_458 = arith.constant 0 : index
        %get3A_459 = tpu.vector_load %arg5[%get3A_456, %get3A_457, %get3A_458] {strides = array<i32>} : memref<1x200x128xf32, #tpu.memory_space<vmem>>, vector<1x1x16xf32>,
        %get3A_460 = vector.shape_cast %get3A_459 : vector<1x1x16xf32> to vector<16xf32>
        %mul3A_461 = arith.constant 8 : i32
        %mul3A_462 = arith.muli %scan3A_453, %mul3A_461 : i32
        %add3A_463 = arith.constant 0 : i32
        %add3A_464 = arith.addi %mul3A_462, %add3A_463 : i32
        %swap3A = arith.constant 0 : i32
        %swap3A_465 = arith.index_cast %swap3A : i32 to index
        %swap3A_466 = arith.index_cast %add3A_464 : i32 to index
        %swap3A_467 = arith.constant 0 : index
        %swap3A_468 = tpu.vector_load %arg6[%swap3A_465, %swap3A_466, %swap3A_467] {strides = array<i32>} : memref<1x200x16xf32, #tpu.memory_space<vmem>>, vector<1x1x16xf32>,
        %swap3A_469 = vector.shape_cast %swap3A_468 : vector<1x1x16xf32> to vector<16xf32>
        %swap3A_470 = vector.shape_cast %get3A_460 : vector<16xf32> to vector<1x1x16xf32>
        tpu.vector_store %arg6[%swap3A_465, %swap3A_466, %swap3A_467], %swap3A_470 {strides = array<i32>} : memref<1x200x16xf32, #tpu.memory_space<vmem>>, vector<1x1x16xf32>,
        %get3A_471 = arith.constant 0 : i32
        %get3A_472 = arith.index_cast %get3A_471 : i32 to index
        %get3A_473 = arith.index_cast %add3A_455 : i32 to index
        %get3A_474 = arith.constant 16 : index
        %get3A_475 = tpu.vector_load %arg5[%get3A_472, %get3A_473, %get3A_474] {strides = array<i32>} : memref<1x200x128xf32, #tpu.memory_space<vmem>>, vector<1x1x16xf32>,
        %get3A_476 = vector.shape_cast %get3A_475 : vector<1x1x16xf32> to vector<16xf32>
        %mul3A_477 = arith.constant 8 : i32
        %mul3A_478 = arith.muli %scan3A_453, %mul3A_477 : i32
        %add3A_479 = arith.constant 1 : i32
        %add3A_480 = arith.addi %mul3A_478, %add3A_479 : i32
        %swap3A_481 = arith.constant 0 : i32
        %swap3A_482 = arith.index_cast %swap3A_481 : i32 to index
        %swap3A_483 = arith.index_cast %add3A_480 : i32 to index
        %swap3A_484 = arith.constant 0 : index
        %swap3A_485 = tpu.vector_load %arg6[%swap3A_482, %swap3A_483, %swap3A_484] {strides = array<i32>} : memref<1x200x16xf32, #tpu.memory_space<vmem>>, vector<1x1x16xf32>,
        %swap3A_486 = vector.shape_cast %swap3A_485 : vector<1x1x16xf32> to vector<16xf32>
        %swap3A_487 = vector.shape_cast %get3A_476 : vector<16xf32> to vector<1x1x16xf32>
        tpu.vector_store %arg6[%swap3A_482, %swap3A_483, %swap3A_484], %swap3A_487 {strides = array<i32>} : memref<1x200x16xf32, #tpu.memory_space<vmem>>, vector<1x1x16xf32>,
        %get3A_488 = arith.constant 0 : i32
        %get3A_489 = arith.index_cast %get3A_488 : i32 to index
        %get3A_490 = arith.index_cast %add3A_455 : i32 to index
        %get3A_491 = arith.constant 32 : index
        %get3A_492 = tpu.vector_load %arg5[%get3A_489, %get3A_490, %get3A_491] {strides = array<i32>} : memref<1x200x128xf32, #tpu.memory_space<vmem>>, vector<1x1x16xf32>,
        %get3A_493 = vector.shape_cast %get3A_492 : vector<1x1x16xf32> to vector<16xf32>
        %mul3A_494 = arith.constant 8 : i32
        %mul3A_495 = arith.muli %scan3A_453, %mul3A_494 : i32
        %add3A_496 = arith.constant 2 : i32
        %add3A_497 = arith.addi %mul3A_495, %add3A_496 : i32
        %swap3A_498 = arith.constant 0 : i32
        %swap3A_499 = arith.index_cast %swap3A_498 : i32 to index
        %swap3A_500 = arith.index_cast %add3A_497 : i32 to index
        %swap3A_501 = arith.constant 0 : index
        %swap3A_502 = tpu.vector_load %arg6[%swap3A_499, %swap3A_500, %swap3A_501] {strides = array<i32>} : memref<1x200x16xf32, #tpu.memory_space<vmem>>, vector<1x1x16xf32>,
        %swap3A_503 = vector.shape_cast %swap3A_502 : vector<1x1x16xf32> to vector<16xf32>
        %swap3A_504 = vector.shape_cast %get3A_493 : vector<16xf32> to vector<1x1x16xf32>
        tpu.vector_store %arg6[%swap3A_499, %swap3A_500, %swap3A_501], %swap3A_504 {strides = array<i32>} : memref<1x200x16xf32, #tpu.memory_space<vmem>>, vector<1x1x16xf32>,
        %get3A_505 = arith.constant 0 : i32
        %get3A_506 = arith.index_cast %get3A_505 : i32 to index
        %get3A_507 = arith.index_cast %add3A_455 : i32 to index
        %get3A_508 = arith.constant 48 : index
        %get3A_509 = tpu.vector_load %arg5[%get3A_506, %get3A_507, %get3A_508] {strides = array<i32>} : memref<1x200x128xf32, #tpu.memory_space<vmem>>, vector<1x1x16xf32>,
        %get3A_510 = vector.shape_cast %get3A_509 : vector<1x1x16xf32> to vector<16xf32>
        %mul3A_511 = arith.constant 8 : i32
        %mul3A_512 = arith.muli %scan3A_453, %mul3A_511 : i32
        %add3A_513 = arith.constant 3 : i32
        %add3A_514 = arith.addi %mul3A_512, %add3A_513 : i32
        %swap3A_515 = arith.constant 0 : i32
        %swap3A_516 = arith.index_cast %swap3A_515 : i32 to index
        %swap3A_517 = arith.index_cast %add3A_514 : i32 to index
        %swap3A_518 = arith.constant 0 : index
        %swap3A_519 = tpu.vector_load %arg6[%swap3A_516, %swap3A_517, %swap3A_518] {strides = array<i32>} : memref<1x200x16xf32, #tpu.memory_space<vmem>>, vector<1x1x16xf32>,
        %swap3A_520 = vector.shape_cast %swap3A_519 : vector<1x1x16xf32> to vector<16xf32>
        %swap3A_521 = vector.shape_cast %get3A_510 : vector<16xf32> to vector<1x1x16xf32>
        tpu.vector_store %arg6[%swap3A_516, %swap3A_517, %swap3A_518], %swap3A_521 {strides = array<i32>} : memref<1x200x16xf32, #tpu.memory_space<vmem>>, vector<1x1x16xf32>,
        %get3A_522 = arith.constant 0 : i32
        %get3A_523 = arith.index_cast %get3A_522 : i32 to index
        %get3A_524 = arith.index_cast %add3A_455 : i32 to index
        %get3A_525 = arith.constant 64 : index
        %get3A_526 = tpu.vector_load %arg5[%get3A_523, %get3A_524, %get3A_525] {strides = array<i32>} : memref<1x200x128xf32, #tpu.memory_space<vmem>>, vector<1x1x16xf32>,
        %get3A_527 = vector.shape_cast %get3A_526 : vector<1x1x16xf32> to vector<16xf32>
        %mul3A_528 = arith.constant 8 : i32
        %mul3A_529 = arith.muli %scan3A_453, %mul3A_528 : i32
        %add3A_530 = arith.constant 4 : i32
        %add3A_531 = arith.addi %mul3A_529, %add3A_530 : i32
        %swap3A_532 = arith.constant 0 : i32
        %swap3A_533 = arith.index_cast %swap3A_532 : i32 to index
        %swap3A_534 = arith.index_cast %add3A_531 : i32 to index
        %swap3A_535 = arith.constant 0 : index
        %swap3A_536 = tpu.vector_load %arg6[%swap3A_533, %swap3A_534, %swap3A_535] {strides = array<i32>} : memref<1x200x16xf32, #tpu.memory_space<vmem>>, vector<1x1x16xf32>,
        %swap3A_537 = vector.shape_cast %swap3A_536 : vector<1x1x16xf32> to vector<16xf32>
        %swap3A_538 = vector.shape_cast %get3A_527 : vector<16xf32> to vector<1x1x16xf32>
        tpu.vector_store %arg6[%swap3A_533, %swap3A_534, %swap3A_535], %swap3A_538 {strides = array<i32>} : memref<1x200x16xf32, #tpu.memory_space<vmem>>, vector<1x1x16xf32>,
        %get3A_539 = arith.constant 0 : i32
        %get3A_540 = arith.index_cast %get3A_539 : i32 to index
        %get3A_541 = arith.index_cast %add3A_455 : i32 to index
        %get3A_542 = arith.constant 80 : index
        %get3A_543 = tpu.vector_load %arg5[%get3A_540, %get3A_541, %get3A_542] {strides = array<i32>} : memref<1x200x128xf32, #tpu.memory_space<vmem>>, vector<1x1x16xf32>,
        %get3A_544 = vector.shape_cast %get3A_543 : vector<1x1x16xf32> to vector<16xf32>
        %mul3A_545 = arith.constant 8 : i32
        %mul3A_546 = arith.muli %scan3A_453, %mul3A_545 : i32
        %add3A_547 = arith.constant 5 : i32
        %add3A_548 = arith.addi %mul3A_546, %add3A_547 : i32
        %swap3A_549 = arith.constant 0 : i32
        %swap3A_550 = arith.index_cast %swap3A_549 : i32 to index
        %swap3A_551 = arith.index_cast %add3A_548 : i32 to index
        %swap3A_552 = arith.constant 0 : index
        %swap3A_553 = tpu.vector_load %arg6[%swap3A_550, %swap3A_551, %swap3A_552] {strides = array<i32>} : memref<1x200x16xf32, #tpu.memory_space<vmem>>, vector<1x1x16xf32>,
        %swap3A_554 = vector.shape_cast %swap3A_553 : vector<1x1x16xf32> to vector<16xf32>
        %swap3A_555 = vector.shape_cast %get3A_544 : vector<16xf32> to vector<1x1x16xf32>
        tpu.vector_store %arg6[%swap3A_550, %swap3A_551, %swap3A_552], %swap3A_555 {strides = array<i32>} : memref<1x200x16xf32, #tpu.memory_space<vmem>>, vector<1x1x16xf32>,
        %get3A_556 = arith.constant 0 : i32
        %get3A_557 = arith.index_cast %get3A_556 : i32 to index
        %get3A_558 = arith.index_cast %add3A_455 : i32 to index
        %get3A_559 = arith.constant 96 : index
        %get3A_560 = tpu.vector_load %arg5[%get3A_557, %get3A_558, %get3A_559] {strides = array<i32>} : memref<1x200x128xf32, #tpu.memory_space<vmem>>, vector<1x1x16xf32>,
        %get3A_561 = vector.shape_cast %get3A_560 : vector<1x1x16xf32> to vector<16xf32>
        %mul3A_562 = arith.constant 8 : i32
        %mul3A_563 = arith.muli %scan3A_453, %mul3A_562 : i32
        %add3A_564 = arith.constant 6 : i32
        %add3A_565 = arith.addi %mul3A_563, %add3A_564 : i32
        %swap3A_566 = arith.constant 0 : i32
        %swap3A_567 = arith.index_cast %swap3A_566 : i32 to index
        %swap3A_568 = arith.index_cast %add3A_565 : i32 to index
        %swap3A_569 = arith.constant 0 : index
        %swap3A_570 = tpu.vector_load %arg6[%swap3A_567, %swap3A_568, %swap3A_569] {strides = array<i32>} : memref<1x200x16xf32, #tpu.memory_space<vmem>>, vector<1x1x16xf32>,
        %swap3A_571 = vector.shape_cast %swap3A_570 : vector<1x1x16xf32> to vector<16xf32>
        %swap3A_572 = vector.shape_cast %get3A_561 : vector<16xf32> to vector<1x1x16xf32>
        tpu.vector_store %arg6[%swap3A_567, %swap3A_568, %swap3A_569], %swap3A_572 {strides = array<i32>} : memref<1x200x16xf32, #tpu.memory_space<vmem>>, vector<1x1x16xf32>,
        %get3A_573 = arith.constant 0 : i32
        %get3A_574 = arith.index_cast %get3A_573 : i32 to index
        %get3A_575 = arith.index_cast %add3A_455 : i32 to index
        %get3A_576 = arith.constant 112 : index
        %get3A_577 = tpu.vector_load %arg5[%get3A_574, %get3A_575, %get3A_576] {strides = array<i32>} : memref<1x200x128xf32, #tpu.memory_space<vmem>>, vector<1x1x16xf32>,
        %get3A_578 = vector.shape_cast %get3A_577 : vector<1x1x16xf32> to vector<16xf32>
        %mul3A_579 = arith.constant 8 : i32
        %mul3A_580 = arith.muli %scan3A_453, %mul3A_579 : i32
        %add3A_581 = arith.constant 7 : i32
        %add3A_582 = arith.addi %mul3A_580, %add3A_581 : i32
        %swap3A_583 = arith.constant 0 : i32
        %swap3A_584 = arith.index_cast %swap3A_583 : i32 to index
        %swap3A_585 = arith.index_cast %add3A_582 : i32 to index
        %swap3A_586 = arith.constant 0 : index
        %swap3A_587 = tpu.vector_load %arg6[%swap3A_584, %swap3A_585, %swap3A_586] {strides = array<i32>} : memref<1x200x16xf32, #tpu.memory_space<vmem>>, vector<1x1x16xf32>,
        %swap3A_588 = vector.shape_cast %swap3A_587 : vector<1x1x16xf32> to vector<16xf32>
        %swap3A_589 = vector.shape_cast %get3A_578 : vector<16xf32> to vector<1x1x16xf32>
        tpu.vector_store %arg6[%swap3A_584, %swap3A_585, %swap3A_586], %swap3A_589 {strides = array<i32>} : memref<1x200x16xf32, #tpu.memory_space<vmem>>, vector<1x1x16xf32>,
      }
      %scan3A_321 = arith.constant 25 : i32
      %dma_start3A_322 = arith.constant 0 : i32
      %dma_start3A_323 = arith.constant 0 : i32
      %dma_start3A_324 = tpu.memref_slice %arg3[%add3A_307, %dma_start3A_322, %dma_start3A_323] : memref<16384x200x16xf32, #tpu.memory_space<hbm>> -> memref<1x200x16xf32, #tpu.memory_space<hbm>>
      %dma_start3A_325 = arith.constant 0 : i32
      %dma_start3A_326 = arith.constant 0 : i32
      %dma_start3A_327 = tpu.memref_slice %arg3[%add3A_307, %dma_start3A_325, %dma_start3A_326] : memref<16384x200x16xf32, #tpu.memory_space<hbm>> -> memref<1x200x16xf32, #tpu.memory_space<hbm>>
      tpu.enqueue_dma source(%arg6 : memref<1x200x16xf32, #tpu.memory_space<vmem>>) target(%dma_start3A_327 : memref<1x200x16xf32, #tpu.memory_space<hbm>>) target_semaphore(%arg10 : memref<!tpu.dma_semaphore, #tpu.memory_space<semaphore_mem>>)
      %mul3A_328 = arith.constant 8 : i32
      %mul3A_329 = arith.muli %add3A_249, %mul3A_328 : i32
      %add3A_330 = arith.constant 3 : i32
      %add3A_331 = arith.addi %mul3A_329, %add3A_330 : i32
      %sub3A_332 = arith.constant 2 : i32
      %sub3A_333 = arith.subi %add3A_331, %sub3A_332 : i32
      %dma_wait3A_334 = arith.constant 0 : i32
      %dma_wait3A_335 = arith.constant 0 : i32
      %dma_wait3A_336 = tpu.memref_slice %arg3[%sub3A_333, %dma_wait3A_334, %dma_wait3A_335] : memref<16384x200x16xf32, #tpu.memory_space<hbm>> -> memref<1x200x16xf32, #tpu.memory_space<hbm>>
      %dma_wait3A_337 = arith.constant 0 : i32
      %dma_wait3A_338 = arith.constant 0 : i32
      %dma_wait3A_339 = tpu.memref_slice %arg3[%sub3A_333, %dma_wait3A_337, %dma_wait3A_338] : memref<16384x200x16xf32, #tpu.memory_space<hbm>> -> memref<1x200x16xf32, #tpu.memory_space<hbm>>
      tpu.wait_dma2 semaphore(%arg11 : memref<!tpu.dma_semaphore, #tpu.memory_space<semaphore_mem>>) src(%arg7 : memref<1x200x16xf32, #tpu.memory_space<vmem>>) dst(%dma_wait3A_339 : memref<1x200x16xf32, #tpu.memory_space<hbm>>)
      %scan3A_340 = arith.constant 0 : i32
      %scan3A_341 = arith.constant 0 : i32
      %scan3A_342 = arith.constant 25 : i32
      %scan3A_343 = arith.addi %scan3A_341, %scan3A_342 : i32
      %scan3A_344 = arith.constant 1 : i32
      scf.for %scan3A_453 = %scan3A_341 to %scan3A_343 step %scan3A_344  : i32 {
        %add3A_454 = arith.constant 75 : i32
        %add3A_455 = arith.addi %add3A_454, %scan3A_453 : i32
        %get3A = arith.constant 0 : i32
        %get3A_456 = arith.index_cast %get3A : i32 to index
        %get3A_457 = arith.index_cast %add3A_455 : i32 to index
        %get3A_458 = arith.constant 0 : index
        %get3A_459 = tpu.vector_load %arg5[%get3A_456, %get3A_457, %get3A_458] {strides = array<i32>} : memref<1x200x128xf32, #tpu.memory_space<vmem>>, vector<1x1x16xf32>,
        %get3A_460 = vector.shape_cast %get3A_459 : vector<1x1x16xf32> to vector<16xf32>
        %mul3A_461 = arith.constant 8 : i32
        %mul3A_462 = arith.muli %scan3A_453, %mul3A_461 : i32
        %add3A_463 = arith.constant 0 : i32
        %add3A_464 = arith.addi %mul3A_462, %add3A_463 : i32
        %swap3A = arith.constant 0 : i32
        %swap3A_465 = arith.index_cast %swap3A : i32 to index
        %swap3A_466 = arith.index_cast %add3A_464 : i32 to index
        %swap3A_467 = arith.constant 0 : index
        %swap3A_468 = tpu.vector_load %arg7[%swap3A_465, %swap3A_466, %swap3A_467] {strides = array<i32>} : memref<1x200x16xf32, #tpu.memory_space<vmem>>, vector<1x1x16xf32>,
        %swap3A_469 = vector.shape_cast %swap3A_468 : vector<1x1x16xf32> to vector<16xf32>
        %swap3A_470 = vector.shape_cast %get3A_460 : vector<16xf32> to vector<1x1x16xf32>
        tpu.vector_store %arg7[%swap3A_465, %swap3A_466, %swap3A_467], %swap3A_470 {strides = array<i32>} : memref<1x200x16xf32, #tpu.memory_space<vmem>>, vector<1x1x16xf32>,
        %get3A_471 = arith.constant 0 : i32
        %get3A_472 = arith.index_cast %get3A_471 : i32 to index
        %get3A_473 = arith.index_cast %add3A_455 : i32 to index
        %get3A_474 = arith.constant 16 : index
        %get3A_475 = tpu.vector_load %arg5[%get3A_472, %get3A_473, %get3A_474] {strides = array<i32>} : memref<1x200x128xf32, #tpu.memory_space<vmem>>, vector<1x1x16xf32>,
        %get3A_476 = vector.shape_cast %get3A_475 : vector<1x1x16xf32> to vector<16xf32>
        %mul3A_477 = arith.constant 8 : i32
        %mul3A_478 = arith.muli %scan3A_453, %mul3A_477 : i32
        %add3A_479 = arith.constant 1 : i32
        %add3A_480 = arith.addi %mul3A_478, %add3A_479 : i32
        %swap3A_481 = arith.constant 0 : i32
        %swap3A_482 = arith.index_cast %swap3A_481 : i32 to index
        %swap3A_483 = arith.index_cast %add3A_480 : i32 to index
        %swap3A_484 = arith.constant 0 : index
        %swap3A_485 = tpu.vector_load %arg7[%swap3A_482, %swap3A_483, %swap3A_484] {strides = array<i32>} : memref<1x200x16xf32, #tpu.memory_space<vmem>>, vector<1x1x16xf32>,
        %swap3A_486 = vector.shape_cast %swap3A_485 : vector<1x1x16xf32> to vector<16xf32>
        %swap3A_487 = vector.shape_cast %get3A_476 : vector<16xf32> to vector<1x1x16xf32>
        tpu.vector_store %arg7[%swap3A_482, %swap3A_483, %swap3A_484], %swap3A_487 {strides = array<i32>} : memref<1x200x16xf32, #tpu.memory_space<vmem>>, vector<1x1x16xf32>,
        %get3A_488 = arith.constant 0 : i32
        %get3A_489 = arith.index_cast %get3A_488 : i32 to index
        %get3A_490 = arith.index_cast %add3A_455 : i32 to index
        %get3A_491 = arith.constant 32 : index
        %get3A_492 = tpu.vector_load %arg5[%get3A_489, %get3A_490, %get3A_491] {strides = array<i32>} : memref<1x200x128xf32, #tpu.memory_space<vmem>>, vector<1x1x16xf32>,
        %get3A_493 = vector.shape_cast %get3A_492 : vector<1x1x16xf32> to vector<16xf32>
        %mul3A_494 = arith.constant 8 : i32
        %mul3A_495 = arith.muli %scan3A_453, %mul3A_494 : i32
        %add3A_496 = arith.constant 2 : i32
        %add3A_497 = arith.addi %mul3A_495, %add3A_496 : i32
        %swap3A_498 = arith.constant 0 : i32
        %swap3A_499 = arith.index_cast %swap3A_498 : i32 to index
        %swap3A_500 = arith.index_cast %add3A_497 : i32 to index
        %swap3A_501 = arith.constant 0 : index
        %swap3A_502 = tpu.vector_load %arg7[%swap3A_499, %swap3A_500, %swap3A_501] {strides = array<i32>} : memref<1x200x16xf32, #tpu.memory_space<vmem>>, vector<1x1x16xf32>,
        %swap3A_503 = vector.shape_cast %swap3A_502 : vector<1x1x16xf32> to vector<16xf32>
        %swap3A_504 = vector.shape_cast %get3A_493 : vector<16xf32> to vector<1x1x16xf32>
        tpu.vector_store %arg7[%swap3A_499, %swap3A_500, %swap3A_501], %swap3A_504 {strides = array<i32>} : memref<1x200x16xf32, #tpu.memory_space<vmem>>, vector<1x1x16xf32>,
        %get3A_505 = arith.constant 0 : i32
        %get3A_506 = arith.index_cast %get3A_505 : i32 to index
        %get3A_507 = arith.index_cast %add3A_455 : i32 to index
        %get3A_508 = arith.constant 48 : index
        %get3A_509 = tpu.vector_load %arg5[%get3A_506, %get3A_507, %get3A_508] {strides = array<i32>} : memref<1x200x128xf32, #tpu.memory_space<vmem>>, vector<1x1x16xf32>,
        %get3A_510 = vector.shape_cast %get3A_509 : vector<1x1x16xf32> to vector<16xf32>
        %mul3A_511 = arith.constant 8 : i32
        %mul3A_512 = arith.muli %scan3A_453, %mul3A_511 : i32
        %add3A_513 = arith.constant 3 : i32
        %add3A_514 = arith.addi %mul3A_512, %add3A_513 : i32
        %swap3A_515 = arith.constant 0 : i32
        %swap3A_516 = arith.index_cast %swap3A_515 : i32 to index
        %swap3A_517 = arith.index_cast %add3A_514 : i32 to index
        %swap3A_518 = arith.constant 0 : index
        %swap3A_519 = tpu.vector_load %arg7[%swap3A_516, %swap3A_517, %swap3A_518] {strides = array<i32>} : memref<1x200x16xf32, #tpu.memory_space<vmem>>, vector<1x1x16xf32>,
        %swap3A_520 = vector.shape_cast %swap3A_519 : vector<1x1x16xf32> to vector<16xf32>
        %swap3A_521 = vector.shape_cast %get3A_510 : vector<16xf32> to vector<1x1x16xf32>
        tpu.vector_store %arg7[%swap3A_516, %swap3A_517, %swap3A_518], %swap3A_521 {strides = array<i32>} : memref<1x200x16xf32, #tpu.memory_space<vmem>>, vector<1x1x16xf32>,
        %get3A_522 = arith.constant 0 : i32
        %get3A_523 = arith.index_cast %get3A_522 : i32 to index
        %get3A_524 = arith.index_cast %add3A_455 : i32 to index
        %get3A_525 = arith.constant 64 : index
        %get3A_526 = tpu.vector_load %arg5[%get3A_523, %get3A_524, %get3A_525] {strides = array<i32>} : memref<1x200x128xf32, #tpu.memory_space<vmem>>, vector<1x1x16xf32>,
        %get3A_527 = vector.shape_cast %get3A_526 : vector<1x1x16xf32> to vector<16xf32>
        %mul3A_528 = arith.constant 8 : i32
        %mul3A_529 = arith.muli %scan3A_453, %mul3A_528 : i32
        %add3A_530 = arith.constant 4 : i32
        %add3A_531 = arith.addi %mul3A_529, %add3A_530 : i32
        %swap3A_532 = arith.constant 0 : i32
        %swap3A_533 = arith.index_cast %swap3A_532 : i32 to index
        %swap3A_534 = arith.index_cast %add3A_531 : i32 to index
        %swap3A_535 = arith.constant 0 : index
        %swap3A_536 = tpu.vector_load %arg7[%swap3A_533, %swap3A_534, %swap3A_535] {strides = array<i32>} : memref<1x200x16xf32, #tpu.memory_space<vmem>>, vector<1x1x16xf32>,
        %swap3A_537 = vector.shape_cast %swap3A_536 : vector<1x1x16xf32> to vector<16xf32>
        %swap3A_538 = vector.shape_cast %get3A_527 : vector<16xf32> to vector<1x1x16xf32>
        tpu.vector_store %arg7[%swap3A_533, %swap3A_534, %swap3A_535], %swap3A_538 {strides = array<i32>} : memref<1x200x16xf32, #tpu.memory_space<vmem>>, vector<1x1x16xf32>,
        %get3A_539 = arith.constant 0 : i32
        %get3A_540 = arith.index_cast %get3A_539 : i32 to index
        %get3A_541 = arith.index_cast %add3A_455 : i32 to index
        %get3A_542 = arith.constant 80 : index
        %get3A_543 = tpu.vector_load %arg5[%get3A_540, %get3A_541, %get3A_542] {strides = array<i32>} : memref<1x200x128xf32, #tpu.memory_space<vmem>>, vector<1x1x16xf32>,
        %get3A_544 = vector.shape_cast %get3A_543 : vector<1x1x16xf32> to vector<16xf32>
        %mul3A_545 = arith.constant 8 : i32
        %mul3A_546 = arith.muli %scan3A_453, %mul3A_545 : i32
        %add3A_547 = arith.constant 5 : i32
        %add3A_548 = arith.addi %mul3A_546, %add3A_547 : i32
        %swap3A_549 = arith.constant 0 : i32
        %swap3A_550 = arith.index_cast %swap3A_549 : i32 to index
        %swap3A_551 = arith.index_cast %add3A_548 : i32 to index
        %swap3A_552 = arith.constant 0 : index
        %swap3A_553 = tpu.vector_load %arg7[%swap3A_550, %swap3A_551, %swap3A_552] {strides = array<i32>} : memref<1x200x16xf32, #tpu.memory_space<vmem>>, vector<1x1x16xf32>,
        %swap3A_554 = vector.shape_cast %swap3A_553 : vector<1x1x16xf32> to vector<16xf32>
        %swap3A_555 = vector.shape_cast %get3A_544 : vector<16xf32> to vector<1x1x16xf32>
        tpu.vector_store %arg7[%swap3A_550, %swap3A_551, %swap3A_552], %swap3A_555 {strides = array<i32>} : memref<1x200x16xf32, #tpu.memory_space<vmem>>, vector<1x1x16xf32>,
        %get3A_556 = arith.constant 0 : i32
        %get3A_557 = arith.index_cast %get3A_556 : i32 to index
        %get3A_558 = arith.index_cast %add3A_455 : i32 to index
        %get3A_559 = arith.constant 96 : index
        %get3A_560 = tpu.vector_load %arg5[%get3A_557, %get3A_558, %get3A_559] {strides = array<i32>} : memref<1x200x128xf32, #tpu.memory_space<vmem>>, vector<1x1x16xf32>,
        %get3A_561 = vector.shape_cast %get3A_560 : vector<1x1x16xf32> to vector<16xf32>
        %mul3A_562 = arith.constant 8 : i32
        %mul3A_563 = arith.muli %scan3A_453, %mul3A_562 : i32
        %add3A_564 = arith.constant 6 : i32
        %add3A_565 = arith.addi %mul3A_563, %add3A_564 : i32
        %swap3A_566 = arith.constant 0 : i32
        %swap3A_567 = arith.index_cast %swap3A_566 : i32 to index
        %swap3A_568 = arith.index_cast %add3A_565 : i32 to index
        %swap3A_569 = arith.constant 0 : index
        %swap3A_570 = tpu.vector_load %arg7[%swap3A_567, %swap3A_568, %swap3A_569] {strides = array<i32>} : memref<1x200x16xf32, #tpu.memory_space<vmem>>, vector<1x1x16xf32>,
        %swap3A_571 = vector.shape_cast %swap3A_570 : vector<1x1x16xf32> to vector<16xf32>
        %swap3A_572 = vector.shape_cast %get3A_561 : vector<16xf32> to vector<1x1x16xf32>
        tpu.vector_store %arg7[%swap3A_567, %swap3A_568, %swap3A_569], %swap3A_572 {strides = array<i32>} : memref<1x200x16xf32, #tpu.memory_space<vmem>>, vector<1x1x16xf32>,
        %get3A_573 = arith.constant 0 : i32
        %get3A_574 = arith.index_cast %get3A_573 : i32 to index
        %get3A_575 = arith.index_cast %add3A_455 : i32 to index
        %get3A_576 = arith.constant 112 : index
        %get3A_577 = tpu.vector_load %arg5[%get3A_574, %get3A_575, %get3A_576] {strides = array<i32>} : memref<1x200x128xf32, #tpu.memory_space<vmem>>, vector<1x1x16xf32>,
        %get3A_578 = vector.shape_cast %get3A_577 : vector<1x1x16xf32> to vector<16xf32>
        %mul3A_579 = arith.constant 8 : i32
        %mul3A_580 = arith.muli %scan3A_453, %mul3A_579 : i32
        %add3A_581 = arith.constant 7 : i32
        %add3A_582 = arith.addi %mul3A_580, %add3A_581 : i32
        %swap3A_583 = arith.constant 0 : i32
        %swap3A_584 = arith.index_cast %swap3A_583 : i32 to index
        %swap3A_585 = arith.index_cast %add3A_582 : i32 to index
        %swap3A_586 = arith.constant 0 : index
        %swap3A_587 = tpu.vector_load %arg7[%swap3A_584, %swap3A_585, %swap3A_586] {strides = array<i32>} : memref<1x200x16xf32, #tpu.memory_space<vmem>>, vector<1x1x16xf32>,
        %swap3A_588 = vector.shape_cast %swap3A_587 : vector<1x1x16xf32> to vector<16xf32>
        %swap3A_589 = vector.shape_cast %get3A_578 : vector<16xf32> to vector<1x1x16xf32>
        tpu.vector_store %arg7[%swap3A_584, %swap3A_585, %swap3A_586], %swap3A_589 {strides = array<i32>} : memref<1x200x16xf32, #tpu.memory_space<vmem>>, vector<1x1x16xf32>,
      }
      %scan3A_345 = arith.constant 25 : i32
      %dma_start3A_346 = arith.constant 0 : i32
      %dma_start3A_347 = arith.constant 0 : i32
      %dma_start3A_348 = tpu.memref_slice %arg3[%add3A_331, %dma_start3A_346, %dma_start3A_347] : memref<16384x200x16xf32, #tpu.memory_space<hbm>> -> memref<1x200x16xf32, #tpu.memory_space<hbm>>
      %dma_start3A_349 = arith.constant 0 : i32
      %dma_start3A_350 = arith.constant 0 : i32
      %dma_start3A_351 = tpu.memref_slice %arg3[%add3A_331, %dma_start3A_349, %dma_start3A_350] : memref<16384x200x16xf32, #tpu.memory_space<hbm>> -> memref<1x200x16xf32, #tpu.memory_space<hbm>>
      tpu.enqueue_dma source(%arg7 : memref<1x200x16xf32, #tpu.memory_space<vmem>>) target(%dma_start3A_351 : memref<1x200x16xf32, #tpu.memory_space<hbm>>) target_semaphore(%arg11 : memref<!tpu.dma_semaphore, #tpu.memory_space<semaphore_mem>>)
      %mul3A_352 = arith.constant 8 : i32
      %mul3A_353 = arith.muli %add3A_249, %mul3A_352 : i32
      %add3A_354 = arith.constant 4 : i32
      %add3A_355 = arith.addi %mul3A_353, %add3A_354 : i32
      %sub3A_356 = arith.constant 2 : i32
      %sub3A_357 = arith.subi %add3A_355, %sub3A_356 : i32
      %dma_wait3A_358 = arith.constant 0 : i32
      %dma_wait3A_359 = arith.constant 0 : i32
      %dma_wait3A_360 = tpu.memref_slice %arg3[%sub3A_357, %dma_wait3A_358, %dma_wait3A_359] : memref<16384x200x16xf32, #tpu.memory_space<hbm>> -> memref<1x200x16xf32, #tpu.memory_space<hbm>>
      %dma_wait3A_361 = arith.constant 0 : i32
      %dma_wait3A_362 = arith.constant 0 : i32
      %dma_wait3A_363 = tpu.memref_slice %arg3[%sub3A_357, %dma_wait3A_361, %dma_wait3A_362] : memref<16384x200x16xf32, #tpu.memory_space<hbm>> -> memref<1x200x16xf32, #tpu.memory_space<hbm>>
      tpu.wait_dma2 semaphore(%arg10 : memref<!tpu.dma_semaphore, #tpu.memory_space<semaphore_mem>>) src(%arg6 : memref<1x200x16xf32, #tpu.memory_space<vmem>>) dst(%dma_wait3A_363 : memref<1x200x16xf32, #tpu.memory_space<hbm>>)
      %scan3A_364 = arith.constant 0 : i32
      %scan3A_365 = arith.constant 0 : i32
      %scan3A_366 = arith.constant 25 : i32
      %scan3A_367 = arith.addi %scan3A_365, %scan3A_366 : i32
      %scan3A_368 = arith.constant 1 : i32
      scf.for %scan3A_453 = %scan3A_365 to %scan3A_367 step %scan3A_368  : i32 {
        %add3A_454 = arith.constant 100 : i32
        %add3A_455 = arith.addi %add3A_454, %scan3A_453 : i32
        %get3A = arith.constant 0 : i32
        %get3A_456 = arith.index_cast %get3A : i32 to index
        %get3A_457 = arith.index_cast %add3A_455 : i32 to index
        %get3A_458 = arith.constant 0 : index
        %get3A_459 = tpu.vector_load %arg5[%get3A_456, %get3A_457, %get3A_458] {strides = array<i32>} : memref<1x200x128xf32, #tpu.memory_space<vmem>>, vector<1x1x16xf32>,
        %get3A_460 = vector.shape_cast %get3A_459 : vector<1x1x16xf32> to vector<16xf32>
        %mul3A_461 = arith.constant 8 : i32
        %mul3A_462 = arith.muli %scan3A_453, %mul3A_461 : i32
        %add3A_463 = arith.constant 0 : i32
        %add3A_464 = arith.addi %mul3A_462, %add3A_463 : i32
        %swap3A = arith.constant 0 : i32
        %swap3A_465 = arith.index_cast %swap3A : i32 to index
        %swap3A_466 = arith.index_cast %add3A_464 : i32 to index
        %swap3A_467 = arith.constant 0 : index
        %swap3A_468 = tpu.vector_load %arg6[%swap3A_465, %swap3A_466, %swap3A_467] {strides = array<i32>} : memref<1x200x16xf32, #tpu.memory_space<vmem>>, vector<1x1x16xf32>,
        %swap3A_469 = vector.shape_cast %swap3A_468 : vector<1x1x16xf32> to vector<16xf32>
        %swap3A_470 = vector.shape_cast %get3A_460 : vector<16xf32> to vector<1x1x16xf32>
        tpu.vector_store %arg6[%swap3A_465, %swap3A_466, %swap3A_467], %swap3A_470 {strides = array<i32>} : memref<1x200x16xf32, #tpu.memory_space<vmem>>, vector<1x1x16xf32>,
        %get3A_471 = arith.constant 0 : i32
        %get3A_472 = arith.index_cast %get3A_471 : i32 to index
        %get3A_473 = arith.index_cast %add3A_455 : i32 to index
        %get3A_474 = arith.constant 16 : index
        %get3A_475 = tpu.vector_load %arg5[%get3A_472, %get3A_473, %get3A_474] {strides = array<i32>} : memref<1x200x128xf32, #tpu.memory_space<vmem>>, vector<1x1x16xf32>,
        %get3A_476 = vector.shape_cast %get3A_475 : vector<1x1x16xf32> to vector<16xf32>
        %mul3A_477 = arith.constant 8 : i32
        %mul3A_478 = arith.muli %scan3A_453, %mul3A_477 : i32
        %add3A_479 = arith.constant 1 : i32
        %add3A_480 = arith.addi %mul3A_478, %add3A_479 : i32
        %swap3A_481 = arith.constant 0 : i32
        %swap3A_482 = arith.index_cast %swap3A_481 : i32 to index
        %swap3A_483 = arith.index_cast %add3A_480 : i32 to index
        %swap3A_484 = arith.constant 0 : index
        %swap3A_485 = tpu.vector_load %arg6[%swap3A_482, %swap3A_483, %swap3A_484] {strides = array<i32>} : memref<1x200x16xf32, #tpu.memory_space<vmem>>, vector<1x1x16xf32>,
        %swap3A_486 = vector.shape_cast %swap3A_485 : vector<1x1x16xf32> to vector<16xf32>
        %swap3A_487 = vector.shape_cast %get3A_476 : vector<16xf32> to vector<1x1x16xf32>
        tpu.vector_store %arg6[%swap3A_482, %swap3A_483, %swap3A_484], %swap3A_487 {strides = array<i32>} : memref<1x200x16xf32, #tpu.memory_space<vmem>>, vector<1x1x16xf32>,
        %get3A_488 = arith.constant 0 : i32
        %get3A_489 = arith.index_cast %get3A_488 : i32 to index
        %get3A_490 = arith.index_cast %add3A_455 : i32 to index
        %get3A_491 = arith.constant 32 : index
        %get3A_492 = tpu.vector_load %arg5[%get3A_489, %get3A_490, %get3A_491] {strides = array<i32>} : memref<1x200x128xf32, #tpu.memory_space<vmem>>, vector<1x1x16xf32>,
        %get3A_493 = vector.shape_cast %get3A_492 : vector<1x1x16xf32> to vector<16xf32>
        %mul3A_494 = arith.constant 8 : i32
        %mul3A_495 = arith.muli %scan3A_453, %mul3A_494 : i32
        %add3A_496 = arith.constant 2 : i32
        %add3A_497 = arith.addi %mul3A_495, %add3A_496 : i32
        %swap3A_498 = arith.constant 0 : i32
        %swap3A_499 = arith.index_cast %swap3A_498 : i32 to index
        %swap3A_500 = arith.index_cast %add3A_497 : i32 to index
        %swap3A_501 = arith.constant 0 : index
        %swap3A_502 = tpu.vector_load %arg6[%swap3A_499, %swap3A_500, %swap3A_501] {strides = array<i32>} : memref<1x200x16xf32, #tpu.memory_space<vmem>>, vector<1x1x16xf32>,
        %swap3A_503 = vector.shape_cast %swap3A_502 : vector<1x1x16xf32> to vector<16xf32>
        %swap3A_504 = vector.shape_cast %get3A_493 : vector<16xf32> to vector<1x1x16xf32>
        tpu.vector_store %arg6[%swap3A_499, %swap3A_500, %swap3A_501], %swap3A_504 {strides = array<i32>} : memref<1x200x16xf32, #tpu.memory_space<vmem>>, vector<1x1x16xf32>,
        %get3A_505 = arith.constant 0 : i32
        %get3A_506 = arith.index_cast %get3A_505 : i32 to index
        %get3A_507 = arith.index_cast %add3A_455 : i32 to index
        %get3A_508 = arith.constant 48 : index
        %get3A_509 = tpu.vector_load %arg5[%get3A_506, %get3A_507, %get3A_508] {strides = array<i32>} : memref<1x200x128xf32, #tpu.memory_space<vmem>>, vector<1x1x16xf32>,
        %get3A_510 = vector.shape_cast %get3A_509 : vector<1x1x16xf32> to vector<16xf32>
        %mul3A_511 = arith.constant 8 : i32
        %mul3A_512 = arith.muli %scan3A_453, %mul3A_511 : i32
        %add3A_513 = arith.constant 3 : i32
        %add3A_514 = arith.addi %mul3A_512, %add3A_513 : i32
        %swap3A_515 = arith.constant 0 : i32
        %swap3A_516 = arith.index_cast %swap3A_515 : i32 to index
        %swap3A_517 = arith.index_cast %add3A_514 : i32 to index
        %swap3A_518 = arith.constant 0 : index
        %swap3A_519 = tpu.vector_load %arg6[%swap3A_516, %swap3A_517, %swap3A_518] {strides = array<i32>} : memref<1x200x16xf32, #tpu.memory_space<vmem>>, vector<1x1x16xf32>,
        %swap3A_520 = vector.shape_cast %swap3A_519 : vector<1x1x16xf32> to vector<16xf32>
        %swap3A_521 = vector.shape_cast %get3A_510 : vector<16xf32> to vector<1x1x16xf32>
        tpu.vector_store %arg6[%swap3A_516, %swap3A_517, %swap3A_518], %swap3A_521 {strides = array<i32>} : memref<1x200x16xf32, #tpu.memory_space<vmem>>, vector<1x1x16xf32>,
        %get3A_522 = arith.constant 0 : i32
        %get3A_523 = arith.index_cast %get3A_522 : i32 to index
        %get3A_524 = arith.index_cast %add3A_455 : i32 to index
        %get3A_525 = arith.constant 64 : index
        %get3A_526 = tpu.vector_load %arg5[%get3A_523, %get3A_524, %get3A_525] {strides = array<i32>} : memref<1x200x128xf32, #tpu.memory_space<vmem>>, vector<1x1x16xf32>,
        %get3A_527 = vector.shape_cast %get3A_526 : vector<1x1x16xf32> to vector<16xf32>
        %mul3A_528 = arith.constant 8 : i32
        %mul3A_529 = arith.muli %scan3A_453, %mul3A_528 : i32
        %add3A_530 = arith.constant 4 : i32
        %add3A_531 = arith.addi %mul3A_529, %add3A_530 : i32
        %swap3A_532 = arith.constant 0 : i32
        %swap3A_533 = arith.index_cast %swap3A_532 : i32 to index
        %swap3A_534 = arith.index_cast %add3A_531 : i32 to index
        %swap3A_535 = arith.constant 0 : index
        %swap3A_536 = tpu.vector_load %arg6[%swap3A_533, %swap3A_534, %swap3A_535] {strides = array<i32>} : memref<1x200x16xf32, #tpu.memory_space<vmem>>, vector<1x1x16xf32>,
        %swap3A_537 = vector.shape_cast %swap3A_536 : vector<1x1x16xf32> to vector<16xf32>
        %swap3A_538 = vector.shape_cast %get3A_527 : vector<16xf32> to vector<1x1x16xf32>
        tpu.vector_store %arg6[%swap3A_533, %swap3A_534, %swap3A_535], %swap3A_538 {strides = array<i32>} : memref<1x200x16xf32, #tpu.memory_space<vmem>>, vector<1x1x16xf32>,
        %get3A_539 = arith.constant 0 : i32
        %get3A_540 = arith.index_cast %get3A_539 : i32 to index
        %get3A_541 = arith.index_cast %add3A_455 : i32 to index
        %get3A_542 = arith.constant 80 : index
        %get3A_543 = tpu.vector_load %arg5[%get3A_540, %get3A_541, %get3A_542] {strides = array<i32>} : memref<1x200x128xf32, #tpu.memory_space<vmem>>, vector<1x1x16xf32>,
        %get3A_544 = vector.shape_cast %get3A_543 : vector<1x1x16xf32> to vector<16xf32>
        %mul3A_545 = arith.constant 8 : i32
        %mul3A_546 = arith.muli %scan3A_453, %mul3A_545 : i32
        %add3A_547 = arith.constant 5 : i32
        %add3A_548 = arith.addi %mul3A_546, %add3A_547 : i32
        %swap3A_549 = arith.constant 0 : i32
        %swap3A_550 = arith.index_cast %swap3A_549 : i32 to index
        %swap3A_551 = arith.index_cast %add3A_548 : i32 to index
        %swap3A_552 = arith.constant 0 : index
        %swap3A_553 = tpu.vector_load %arg6[%swap3A_550, %swap3A_551, %swap3A_552] {strides = array<i32>} : memref<1x200x16xf32, #tpu.memory_space<vmem>>, vector<1x1x16xf32>,
        %swap3A_554 = vector.shape_cast %swap3A_553 : vector<1x1x16xf32> to vector<16xf32>
        %swap3A_555 = vector.shape_cast %get3A_544 : vector<16xf32> to vector<1x1x16xf32>
        tpu.vector_store %arg6[%swap3A_550, %swap3A_551, %swap3A_552], %swap3A_555 {strides = array<i32>} : memref<1x200x16xf32, #tpu.memory_space<vmem>>, vector<1x1x16xf32>,
        %get3A_556 = arith.constant 0 : i32
        %get3A_557 = arith.index_cast %get3A_556 : i32 to index
        %get3A_558 = arith.index_cast %add3A_455 : i32 to index
        %get3A_559 = arith.constant 96 : index
        %get3A_560 = tpu.vector_load %arg5[%get3A_557, %get3A_558, %get3A_559] {strides = array<i32>} : memref<1x200x128xf32, #tpu.memory_space<vmem>>, vector<1x1x16xf32>,
        %get3A_561 = vector.shape_cast %get3A_560 : vector<1x1x16xf32> to vector<16xf32>
        %mul3A_562 = arith.constant 8 : i32
        %mul3A_563 = arith.muli %scan3A_453, %mul3A_562 : i32
        %add3A_564 = arith.constant 6 : i32
        %add3A_565 = arith.addi %mul3A_563, %add3A_564 : i32
        %swap3A_566 = arith.constant 0 : i32
        %swap3A_567 = arith.index_cast %swap3A_566 : i32 to index
        %swap3A_568 = arith.index_cast %add3A_565 : i32 to index
        %swap3A_569 = arith.constant 0 : index
        %swap3A_570 = tpu.vector_load %arg6[%swap3A_567, %swap3A_568, %swap3A_569] {strides = array<i32>} : memref<1x200x16xf32, #tpu.memory_space<vmem>>, vector<1x1x16xf32>,
        %swap3A_571 = vector.shape_cast %swap3A_570 : vector<1x1x16xf32> to vector<16xf32>
        %swap3A_572 = vector.shape_cast %get3A_561 : vector<16xf32> to vector<1x1x16xf32>
        tpu.vector_store %arg6[%swap3A_567, %swap3A_568, %swap3A_569], %swap3A_572 {strides = array<i32>} : memref<1x200x16xf32, #tpu.memory_space<vmem>>, vector<1x1x16xf32>,
        %get3A_573 = arith.constant 0 : i32
        %get3A_574 = arith.index_cast %get3A_573 : i32 to index
        %get3A_575 = arith.index_cast %add3A_455 : i32 to index
        %get3A_576 = arith.constant 112 : index
        %get3A_577 = tpu.vector_load %arg5[%get3A_574, %get3A_575, %get3A_576] {strides = array<i32>} : memref<1x200x128xf32, #tpu.memory_space<vmem>>, vector<1x1x16xf32>,
        %get3A_578 = vector.shape_cast %get3A_577 : vector<1x1x16xf32> to vector<16xf32>
        %mul3A_579 = arith.constant 8 : i32
        %mul3A_580 = arith.muli %scan3A_453, %mul3A_579 : i32
        %add3A_581 = arith.constant 7 : i32
        %add3A_582 = arith.addi %mul3A_580, %add3A_581 : i32
        %swap3A_583 = arith.constant 0 : i32
        %swap3A_584 = arith.index_cast %swap3A_583 : i32 to index
        %swap3A_585 = arith.index_cast %add3A_582 : i32 to index
        %swap3A_586 = arith.constant 0 : index
        %swap3A_587 = tpu.vector_load %arg6[%swap3A_584, %swap3A_585, %swap3A_586] {strides = array<i32>} : memref<1x200x16xf32, #tpu.memory_space<vmem>>, vector<1x1x16xf32>,
        %swap3A_588 = vector.shape_cast %swap3A_587 : vector<1x1x16xf32> to vector<16xf32>
        %swap3A_589 = vector.shape_cast %get3A_578 : vector<16xf32> to vector<1x1x16xf32>
        tpu.vector_store %arg6[%swap3A_584, %swap3A_585, %swap3A_586], %swap3A_589 {strides = array<i32>} : memref<1x200x16xf32, #tpu.memory_space<vmem>>, vector<1x1x16xf32>,
      }
      %scan3A_369 = arith.constant 25 : i32
      %dma_start3A_370 = arith.constant 0 : i32
      %dma_start3A_371 = arith.constant 0 : i32
      %dma_start3A_372 = tpu.memref_slice %arg3[%add3A_355, %dma_start3A_370, %dma_start3A_371] : memref<16384x200x16xf32, #tpu.memory_space<hbm>> -> memref<1x200x16xf32, #tpu.memory_space<hbm>>
      %dma_start3A_373 = arith.constant 0 : i32
      %dma_start3A_374 = arith.constant 0 : i32
      %dma_start3A_375 = tpu.memref_slice %arg3[%add3A_355, %dma_start3A_373, %dma_start3A_374] : memref<16384x200x16xf32, #tpu.memory_space<hbm>> -> memref<1x200x16xf32, #tpu.memory_space<hbm>>
      tpu.enqueue_dma source(%arg6 : memref<1x200x16xf32, #tpu.memory_space<vmem>>) target(%dma_start3A_375 : memref<1x200x16xf32, #tpu.memory_space<hbm>>) target_semaphore(%arg10 : memref<!tpu.dma_semaphore, #tpu.memory_space<semaphore_mem>>)
      %mul3A_376 = arith.constant 8 : i32
      %mul3A_377 = arith.muli %add3A_249, %mul3A_376 : i32
      %add3A_378 = arith.constant 5 : i32
      %add3A_379 = arith.addi %mul3A_377, %add3A_378 : i32
      %sub3A_380 = arith.constant 2 : i32
      %sub3A_381 = arith.subi %add3A_379, %sub3A_380 : i32
      %dma_wait3A_382 = arith.constant 0 : i32
      %dma_wait3A_383 = arith.constant 0 : i32
      %dma_wait3A_384 = tpu.memref_slice %arg3[%sub3A_381, %dma_wait3A_382, %dma_wait3A_383] : memref<16384x200x16xf32, #tpu.memory_space<hbm>> -> memref<1x200x16xf32, #tpu.memory_space<hbm>>
      %dma_wait3A_385 = arith.constant 0 : i32
      %dma_wait3A_386 = arith.constant 0 : i32
      %dma_wait3A_387 = tpu.memref_slice %arg3[%sub3A_381, %dma_wait3A_385, %dma_wait3A_386] : memref<16384x200x16xf32, #tpu.memory_space<hbm>> -> memref<1x200x16xf32, #tpu.memory_space<hbm>>
      tpu.wait_dma2 semaphore(%arg11 : memref<!tpu.dma_semaphore, #tpu.memory_space<semaphore_mem>>) src(%arg7 : memref<1x200x16xf32, #tpu.memory_space<vmem>>) dst(%dma_wait3A_387 : memref<1x200x16xf32, #tpu.memory_space<hbm>>)
      %scan3A_388 = arith.constant 0 : i32
      %scan3A_389 = arith.constant 0 : i32
      %scan3A_390 = arith.constant 25 : i32
      %scan3A_391 = arith.addi %scan3A_389, %scan3A_390 : i32
      %scan3A_392 = arith.constant 1 : i32
      scf.for %scan3A_453 = %scan3A_389 to %scan3A_391 step %scan3A_392  : i32 {
        %add3A_454 = arith.constant 125 : i32
        %add3A_455 = arith.addi %add3A_454, %scan3A_453 : i32
        %get3A = arith.constant 0 : i32
        %get3A_456 = arith.index_cast %get3A : i32 to index
        %get3A_457 = arith.index_cast %add3A_455 : i32 to index
        %get3A_458 = arith.constant 0 : index
        %get3A_459 = tpu.vector_load %arg5[%get3A_456, %get3A_457, %get3A_458] {strides = array<i32>} : memref<1x200x128xf32, #tpu.memory_space<vmem>>, vector<1x1x16xf32>,
        %get3A_460 = vector.shape_cast %get3A_459 : vector<1x1x16xf32> to vector<16xf32>
        %mul3A_461 = arith.constant 8 : i32
        %mul3A_462 = arith.muli %scan3A_453, %mul3A_461 : i32
        %add3A_463 = arith.constant 0 : i32
        %add3A_464 = arith.addi %mul3A_462, %add3A_463 : i32
        %swap3A = arith.constant 0 : i32
        %swap3A_465 = arith.index_cast %swap3A : i32 to index
        %swap3A_466 = arith.index_cast %add3A_464 : i32 to index
        %swap3A_467 = arith.constant 0 : index
        %swap3A_468 = tpu.vector_load %arg7[%swap3A_465, %swap3A_466, %swap3A_467] {strides = array<i32>} : memref<1x200x16xf32, #tpu.memory_space<vmem>>, vector<1x1x16xf32>,
        %swap3A_469 = vector.shape_cast %swap3A_468 : vector<1x1x16xf32> to vector<16xf32>
        %swap3A_470 = vector.shape_cast %get3A_460 : vector<16xf32> to vector<1x1x16xf32>
        tpu.vector_store %arg7[%swap3A_465, %swap3A_466, %swap3A_467], %swap3A_470 {strides = array<i32>} : memref<1x200x16xf32, #tpu.memory_space<vmem>>, vector<1x1x16xf32>,
        %get3A_471 = arith.constant 0 : i32
        %get3A_472 = arith.index_cast %get3A_471 : i32 to index
        %get3A_473 = arith.index_cast %add3A_455 : i32 to index
        %get3A_474 = arith.constant 16 : index
        %get3A_475 = tpu.vector_load %arg5[%get3A_472, %get3A_473, %get3A_474] {strides = array<i32>} : memref<1x200x128xf32, #tpu.memory_space<vmem>>, vector<1x1x16xf32>,
        %get3A_476 = vector.shape_cast %get3A_475 : vector<1x1x16xf32> to vector<16xf32>
        %mul3A_477 = arith.constant 8 : i32
        %mul3A_478 = arith.muli %scan3A_453, %mul3A_477 : i32
        %add3A_479 = arith.constant 1 : i32
        %add3A_480 = arith.addi %mul3A_478, %add3A_479 : i32
        %swap3A_481 = arith.constant 0 : i32
        %swap3A_482 = arith.index_cast %swap3A_481 : i32 to index
        %swap3A_483 = arith.index_cast %add3A_480 : i32 to index
        %swap3A_484 = arith.constant 0 : index
        %swap3A_485 = tpu.vector_load %arg7[%swap3A_482, %swap3A_483, %swap3A_484] {strides = array<i32>} : memref<1x200x16xf32, #tpu.memory_space<vmem>>, vector<1x1x16xf32>,
        %swap3A_486 = vector.shape_cast %swap3A_485 : vector<1x1x16xf32> to vector<16xf32>
        %swap3A_487 = vector.shape_cast %get3A_476 : vector<16xf32> to vector<1x1x16xf32>
        tpu.vector_store %arg7[%swap3A_482, %swap3A_483, %swap3A_484], %swap3A_487 {strides = array<i32>} : memref<1x200x16xf32, #tpu.memory_space<vmem>>, vector<1x1x16xf32>,
        %get3A_488 = arith.constant 0 : i32
        %get3A_489 = arith.index_cast %get3A_488 : i32 to index
        %get3A_490 = arith.index_cast %add3A_455 : i32 to index
        %get3A_491 = arith.constant 32 : index
        %get3A_492 = tpu.vector_load %arg5[%get3A_489, %get3A_490, %get3A_491] {strides = array<i32>} : memref<1x200x128xf32, #tpu.memory_space<vmem>>, vector<1x1x16xf32>,
        %get3A_493 = vector.shape_cast %get3A_492 : vector<1x1x16xf32> to vector<16xf32>
        %mul3A_494 = arith.constant 8 : i32
        %mul3A_495 = arith.muli %scan3A_453, %mul3A_494 : i32
        %add3A_496 = arith.constant 2 : i32
        %add3A_497 = arith.addi %mul3A_495, %add3A_496 : i32
        %swap3A_498 = arith.constant 0 : i32
        %swap3A_499 = arith.index_cast %swap3A_498 : i32 to index
        %swap3A_500 = arith.index_cast %add3A_497 : i32 to index
        %swap3A_501 = arith.constant 0 : index
        %swap3A_502 = tpu.vector_load %arg7[%swap3A_499, %swap3A_500, %swap3A_501] {strides = array<i32>} : memref<1x200x16xf32, #tpu.memory_space<vmem>>, vector<1x1x16xf32>,
        %swap3A_503 = vector.shape_cast %swap3A_502 : vector<1x1x16xf32> to vector<16xf32>
        %swap3A_504 = vector.shape_cast %get3A_493 : vector<16xf32> to vector<1x1x16xf32>
        tpu.vector_store %arg7[%swap3A_499, %swap3A_500, %swap3A_501], %swap3A_504 {strides = array<i32>} : memref<1x200x16xf32, #tpu.memory_space<vmem>>, vector<1x1x16xf32>,
        %get3A_505 = arith.constant 0 : i32
        %get3A_506 = arith.index_cast %get3A_505 : i32 to index
        %get3A_507 = arith.index_cast %add3A_455 : i32 to index
        %get3A_508 = arith.constant 48 : index
        %get3A_509 = tpu.vector_load %arg5[%get3A_506, %get3A_507, %get3A_508] {strides = array<i32>} : memref<1x200x128xf32, #tpu.memory_space<vmem>>, vector<1x1x16xf32>,
        %get3A_510 = vector.shape_cast %get3A_509 : vector<1x1x16xf32> to vector<16xf32>
        %mul3A_511 = arith.constant 8 : i32
        %mul3A_512 = arith.muli %scan3A_453, %mul3A_511 : i32
        %add3A_513 = arith.constant 3 : i32
        %add3A_514 = arith.addi %mul3A_512, %add3A_513 : i32
        %swap3A_515 = arith.constant 0 : i32
        %swap3A_516 = arith.index_cast %swap3A_515 : i32 to index
        %swap3A_517 = arith.index_cast %add3A_514 : i32 to index
        %swap3A_518 = arith.constant 0 : index
        %swap3A_519 = tpu.vector_load %arg7[%swap3A_516, %swap3A_517, %swap3A_518] {strides = array<i32>} : memref<1x200x16xf32, #tpu.memory_space<vmem>>, vector<1x1x16xf32>,
        %swap3A_520 = vector.shape_cast %swap3A_519 : vector<1x1x16xf32> to vector<16xf32>
        %swap3A_521 = vector.shape_cast %get3A_510 : vector<16xf32> to vector<1x1x16xf32>
        tpu.vector_store %arg7[%swap3A_516, %swap3A_517, %swap3A_518], %swap3A_521 {strides = array<i32>} : memref<1x200x16xf32, #tpu.memory_space<vmem>>, vector<1x1x16xf32>,
        %get3A_522 = arith.constant 0 : i32
        %get3A_523 = arith.index_cast %get3A_522 : i32 to index
        %get3A_524 = arith.index_cast %add3A_455 : i32 to index
        %get3A_525 = arith.constant 64 : index
        %get3A_526 = tpu.vector_load %arg5[%get3A_523, %get3A_524, %get3A_525] {strides = array<i32>} : memref<1x200x128xf32, #tpu.memory_space<vmem>>, vector<1x1x16xf32>,
        %get3A_527 = vector.shape_cast %get3A_526 : vector<1x1x16xf32> to vector<16xf32>
        %mul3A_528 = arith.constant 8 : i32
        %mul3A_529 = arith.muli %scan3A_453, %mul3A_528 : i32
        %add3A_530 = arith.constant 4 : i32
        %add3A_531 = arith.addi %mul3A_529, %add3A_530 : i32
        %swap3A_532 = arith.constant 0 : i32
        %swap3A_533 = arith.index_cast %swap3A_532 : i32 to index
        %swap3A_534 = arith.index_cast %add3A_531 : i32 to index
        %swap3A_535 = arith.constant 0 : index
        %swap3A_536 = tpu.vector_load %arg7[%swap3A_533, %swap3A_534, %swap3A_535] {strides = array<i32>} : memref<1x200x16xf32, #tpu.memory_space<vmem>>, vector<1x1x16xf32>,
        %swap3A_537 = vector.shape_cast %swap3A_536 : vector<1x1x16xf32> to vector<16xf32>
        %swap3A_538 = vector.shape_cast %get3A_527 : vector<16xf32> to vector<1x1x16xf32>
        tpu.vector_store %arg7[%swap3A_533, %swap3A_534, %swap3A_535], %swap3A_538 {strides = array<i32>} : memref<1x200x16xf32, #tpu.memory_space<vmem>>, vector<1x1x16xf32>,
        %get3A_539 = arith.constant 0 : i32
        %get3A_540 = arith.index_cast %get3A_539 : i32 to index
        %get3A_541 = arith.index_cast %add3A_455 : i32 to index
        %get3A_542 = arith.constant 80 : index
        %get3A_543 = tpu.vector_load %arg5[%get3A_540, %get3A_541, %get3A_542] {strides = array<i32>} : memref<1x200x128xf32, #tpu.memory_space<vmem>>, vector<1x1x16xf32>,
        %get3A_544 = vector.shape_cast %get3A_543 : vector<1x1x16xf32> to vector<16xf32>
        %mul3A_545 = arith.constant 8 : i32
        %mul3A_546 = arith.muli %scan3A_453, %mul3A_545 : i32
        %add3A_547 = arith.constant 5 : i32
        %add3A_548 = arith.addi %mul3A_546, %add3A_547 : i32
        %swap3A_549 = arith.constant 0 : i32
        %swap3A_550 = arith.index_cast %swap3A_549 : i32 to index
        %swap3A_551 = arith.index_cast %add3A_548 : i32 to index
        %swap3A_552 = arith.constant 0 : index
        %swap3A_553 = tpu.vector_load %arg7[%swap3A_550, %swap3A_551, %swap3A_552] {strides = array<i32>} : memref<1x200x16xf32, #tpu.memory_space<vmem>>, vector<1x1x16xf32>,
        %swap3A_554 = vector.shape_cast %swap3A_553 : vector<1x1x16xf32> to vector<16xf32>
        %swap3A_555 = vector.shape_cast %get3A_544 : vector<16xf32> to vector<1x1x16xf32>
        tpu.vector_store %arg7[%swap3A_550, %swap3A_551, %swap3A_552], %swap3A_555 {strides = array<i32>} : memref<1x200x16xf32, #tpu.memory_space<vmem>>, vector<1x1x16xf32>,
        %get3A_556 = arith.constant 0 : i32
        %get3A_557 = arith.index_cast %get3A_556 : i32 to index
        %get3A_558 = arith.index_cast %add3A_455 : i32 to index
        %get3A_559 = arith.constant 96 : index
        %get3A_560 = tpu.vector_load %arg5[%get3A_557, %get3A_558, %get3A_559] {strides = array<i32>} : memref<1x200x128xf32, #tpu.memory_space<vmem>>, vector<1x1x16xf32>,
        %get3A_561 = vector.shape_cast %get3A_560 : vector<1x1x16xf32> to vector<16xf32>
        %mul3A_562 = arith.constant 8 : i32
        %mul3A_563 = arith.muli %scan3A_453, %mul3A_562 : i32
        %add3A_564 = arith.constant 6 : i32
        %add3A_565 = arith.addi %mul3A_563, %add3A_564 : i32
        %swap3A_566 = arith.constant 0 : i32
        %swap3A_567 = arith.index_cast %swap3A_566 : i32 to index
        %swap3A_568 = arith.index_cast %add3A_565 : i32 to index
        %swap3A_569 = arith.constant 0 : index
        %swap3A_570 = tpu.vector_load %arg7[%swap3A_567, %swap3A_568, %swap3A_569] {strides = array<i32>} : memref<1x200x16xf32, #tpu.memory_space<vmem>>, vector<1x1x16xf32>,
        %swap3A_571 = vector.shape_cast %swap3A_570 : vector<1x1x16xf32> to vector<16xf32>
        %swap3A_572 = vector.shape_cast %get3A_561 : vector<16xf32> to vector<1x1x16xf32>
        tpu.vector_store %arg7[%swap3A_567, %swap3A_568, %swap3A_569], %swap3A_572 {strides = array<i32>} : memref<1x200x16xf32, #tpu.memory_space<vmem>>, vector<1x1x16xf32>,
        %get3A_573 = arith.constant 0 : i32
        %get3A_574 = arith.index_cast %get3A_573 : i32 to index
        %get3A_575 = arith.index_cast %add3A_455 : i32 to index
        %get3A_576 = arith.constant 112 : index
        %get3A_577 = tpu.vector_load %arg5[%get3A_574, %get3A_575, %get3A_576] {strides = array<i32>} : memref<1x200x128xf32, #tpu.memory_space<vmem>>, vector<1x1x16xf32>,
        %get3A_578 = vector.shape_cast %get3A_577 : vector<1x1x16xf32> to vector<16xf32>
        %mul3A_579 = arith.constant 8 : i32
        %mul3A_580 = arith.muli %scan3A_453, %mul3A_579 : i32
        %add3A_581 = arith.constant 7 : i32
        %add3A_582 = arith.addi %mul3A_580, %add3A_581 : i32
        %swap3A_583 = arith.constant 0 : i32
        %swap3A_584 = arith.index_cast %swap3A_583 : i32 to index
        %swap3A_585 = arith.index_cast %add3A_582 : i32 to index
        %swap3A_586 = arith.constant 0 : index
        %swap3A_587 = tpu.vector_load %arg7[%swap3A_584, %swap3A_585, %swap3A_586] {strides = array<i32>} : memref<1x200x16xf32, #tpu.memory_space<vmem>>, vector<1x1x16xf32>,
        %swap3A_588 = vector.shape_cast %swap3A_587 : vector<1x1x16xf32> to vector<16xf32>
        %swap3A_589 = vector.shape_cast %get3A_578 : vector<16xf32> to vector<1x1x16xf32>
        tpu.vector_store %arg7[%swap3A_584, %swap3A_585, %swap3A_586], %swap3A_589 {strides = array<i32>} : memref<1x200x16xf32, #tpu.memory_space<vmem>>, vector<1x1x16xf32>,
      }
      %scan3A_393 = arith.constant 25 : i32
      %dma_start3A_394 = arith.constant 0 : i32
      %dma_start3A_395 = arith.constant 0 : i32
      %dma_start3A_396 = tpu.memref_slice %arg3[%add3A_379, %dma_start3A_394, %dma_start3A_395] : memref<16384x200x16xf32, #tpu.memory_space<hbm>> -> memref<1x200x16xf32, #tpu.memory_space<hbm>>
      %dma_start3A_397 = arith.constant 0 : i32
      %dma_start3A_398 = arith.constant 0 : i32
      %dma_start3A_399 = tpu.memref_slice %arg3[%add3A_379, %dma_start3A_397, %dma_start3A_398] : memref<16384x200x16xf32, #tpu.memory_space<hbm>> -> memref<1x200x16xf32, #tpu.memory_space<hbm>>
      tpu.enqueue_dma source(%arg7 : memref<1x200x16xf32, #tpu.memory_space<vmem>>) target(%dma_start3A_399 : memref<1x200x16xf32, #tpu.memory_space<hbm>>) target_semaphore(%arg11 : memref<!tpu.dma_semaphore, #tpu.memory_space<semaphore_mem>>)
      %mul3A_400 = arith.constant 8 : i32
      %mul3A_401 = arith.muli %add3A_249, %mul3A_400 : i32
      %add3A_402 = arith.constant 6 : i32
      %add3A_403 = arith.addi %mul3A_401, %add3A_402 : i32
      %sub3A_404 = arith.constant 2 : i32
      %sub3A_405 = arith.subi %add3A_403, %sub3A_404 : i32
      %dma_wait3A_406 = arith.constant 0 : i32
      %dma_wait3A_407 = arith.constant 0 : i32
      %dma_wait3A_408 = tpu.memref_slice %arg3[%sub3A_405, %dma_wait3A_406, %dma_wait3A_407] : memref<16384x200x16xf32, #tpu.memory_space<hbm>> -> memref<1x200x16xf32, #tpu.memory_space<hbm>>
      %dma_wait3A_409 = arith.constant 0 : i32
      %dma_wait3A_410 = arith.constant 0 : i32
      %dma_wait3A_411 = tpu.memref_slice %arg3[%sub3A_405, %dma_wait3A_409, %dma_wait3A_410] : memref<16384x200x16xf32, #tpu.memory_space<hbm>> -> memref<1x200x16xf32, #tpu.memory_space<hbm>>
      tpu.wait_dma2 semaphore(%arg10 : memref<!tpu.dma_semaphore, #tpu.memory_space<semaphore_mem>>) src(%arg6 : memref<1x200x16xf32, #tpu.memory_space<vmem>>) dst(%dma_wait3A_411 : memref<1x200x16xf32, #tpu.memory_space<hbm>>)
      %scan3A_412 = arith.constant 0 : i32
      %scan3A_413 = arith.constant 0 : i32
      %scan3A_414 = arith.constant 25 : i32
      %scan3A_415 = arith.addi %scan3A_413, %scan3A_414 : i32
      %scan3A_416 = arith.constant 1 : i32
      scf.for %scan3A_453 = %scan3A_413 to %scan3A_415 step %scan3A_416  : i32 {
        %add3A_454 = arith.constant 150 : i32
        %add3A_455 = arith.addi %add3A_454, %scan3A_453 : i32
        %get3A = arith.constant 0 : i32
        %get3A_456 = arith.index_cast %get3A : i32 to index
        %get3A_457 = arith.index_cast %add3A_455 : i32 to index
        %get3A_458 = arith.constant 0 : index
        %get3A_459 = tpu.vector_load %arg5[%get3A_456, %get3A_457, %get3A_458] {strides = array<i32>} : memref<1x200x128xf32, #tpu.memory_space<vmem>>, vector<1x1x16xf32>,
        %get3A_460 = vector.shape_cast %get3A_459 : vector<1x1x16xf32> to vector<16xf32>
        %mul3A_461 = arith.constant 8 : i32
        %mul3A_462 = arith.muli %scan3A_453, %mul3A_461 : i32
        %add3A_463 = arith.constant 0 : i32
        %add3A_464 = arith.addi %mul3A_462, %add3A_463 : i32
        %swap3A = arith.constant 0 : i32
        %swap3A_465 = arith.index_cast %swap3A : i32 to index
        %swap3A_466 = arith.index_cast %add3A_464 : i32 to index
        %swap3A_467 = arith.constant 0 : index
        %swap3A_468 = tpu.vector_load %arg6[%swap3A_465, %swap3A_466, %swap3A_467] {strides = array<i32>} : memref<1x200x16xf32, #tpu.memory_space<vmem>>, vector<1x1x16xf32>,
        %swap3A_469 = vector.shape_cast %swap3A_468 : vector<1x1x16xf32> to vector<16xf32>
        %swap3A_470 = vector.shape_cast %get3A_460 : vector<16xf32> to vector<1x1x16xf32>
        tpu.vector_store %arg6[%swap3A_465, %swap3A_466, %swap3A_467], %swap3A_470 {strides = array<i32>} : memref<1x200x16xf32, #tpu.memory_space<vmem>>, vector<1x1x16xf32>,
        %get3A_471 = arith.constant 0 : i32
        %get3A_472 = arith.index_cast %get3A_471 : i32 to index
        %get3A_473 = arith.index_cast %add3A_455 : i32 to index
        %get3A_474 = arith.constant 16 : index
        %get3A_475 = tpu.vector_load %arg5[%get3A_472, %get3A_473, %get3A_474] {strides = array<i32>} : memref<1x200x128xf32, #tpu.memory_space<vmem>>, vector<1x1x16xf32>,
        %get3A_476 = vector.shape_cast %get3A_475 : vector<1x1x16xf32> to vector<16xf32>
        %mul3A_477 = arith.constant 8 : i32
        %mul3A_478 = arith.muli %scan3A_453, %mul3A_477 : i32
        %add3A_479 = arith.constant 1 : i32
        %add3A_480 = arith.addi %mul3A_478, %add3A_479 : i32
        %swap3A_481 = arith.constant 0 : i32
        %swap3A_482 = arith.index_cast %swap3A_481 : i32 to index
        %swap3A_483 = arith.index_cast %add3A_480 : i32 to index
        %swap3A_484 = arith.constant 0 : index
        %swap3A_485 = tpu.vector_load %arg6[%swap3A_482, %swap3A_483, %swap3A_484] {strides = array<i32>} : memref<1x200x16xf32, #tpu.memory_space<vmem>>, vector<1x1x16xf32>,
        %swap3A_486 = vector.shape_cast %swap3A_485 : vector<1x1x16xf32> to vector<16xf32>
        %swap3A_487 = vector.shape_cast %get3A_476 : vector<16xf32> to vector<1x1x16xf32>
        tpu.vector_store %arg6[%swap3A_482, %swap3A_483, %swap3A_484], %swap3A_487 {strides = array<i32>} : memref<1x200x16xf32, #tpu.memory_space<vmem>>, vector<1x1x16xf32>,
        %get3A_488 = arith.constant 0 : i32
        %get3A_489 = arith.index_cast %get3A_488 : i32 to index
        %get3A_490 = arith.index_cast %add3A_455 : i32 to index
        %get3A_491 = arith.constant 32 : index
        %get3A_492 = tpu.vector_load %arg5[%get3A_489, %get3A_490, %get3A_491] {strides = array<i32>} : memref<1x200x128xf32, #tpu.memory_space<vmem>>, vector<1x1x16xf32>,
        %get3A_493 = vector.shape_cast %get3A_492 : vector<1x1x16xf32> to vector<16xf32>
        %mul3A_494 = arith.constant 8 : i32
        %mul3A_495 = arith.muli %scan3A_453, %mul3A_494 : i32
        %add3A_496 = arith.constant 2 : i32
        %add3A_497 = arith.addi %mul3A_495, %add3A_496 : i32
        %swap3A_498 = arith.constant 0 : i32
        %swap3A_499 = arith.index_cast %swap3A_498 : i32 to index
        %swap3A_500 = arith.index_cast %add3A_497 : i32 to index
        %swap3A_501 = arith.constant 0 : index
        %swap3A_502 = tpu.vector_load %arg6[%swap3A_499, %swap3A_500, %swap3A_501] {strides = array<i32>} : memref<1x200x16xf32, #tpu.memory_space<vmem>>, vector<1x1x16xf32>,
        %swap3A_503 = vector.shape_cast %swap3A_502 : vector<1x1x16xf32> to vector<16xf32>
        %swap3A_504 = vector.shape_cast %get3A_493 : vector<16xf32> to vector<1x1x16xf32>
        tpu.vector_store %arg6[%swap3A_499, %swap3A_500, %swap3A_501], %swap3A_504 {strides = array<i32>} : memref<1x200x16xf32, #tpu.memory_space<vmem>>, vector<1x1x16xf32>,
        %get3A_505 = arith.constant 0 : i32
        %get3A_506 = arith.index_cast %get3A_505 : i32 to index
        %get3A_507 = arith.index_cast %add3A_455 : i32 to index
        %get3A_508 = arith.constant 48 : index
        %get3A_509 = tpu.vector_load %arg5[%get3A_506, %get3A_507, %get3A_508] {strides = array<i32>} : memref<1x200x128xf32, #tpu.memory_space<vmem>>, vector<1x1x16xf32>,
        %get3A_510 = vector.shape_cast %get3A_509 : vector<1x1x16xf32> to vector<16xf32>
        %mul3A_511 = arith.constant 8 : i32
        %mul3A_512 = arith.muli %scan3A_453, %mul3A_511 : i32
        %add3A_513 = arith.constant 3 : i32
        %add3A_514 = arith.addi %mul3A_512, %add3A_513 : i32
        %swap3A_515 = arith.constant 0 : i32
        %swap3A_516 = arith.index_cast %swap3A_515 : i32 to index
        %swap3A_517 = arith.index_cast %add3A_514 : i32 to index
        %swap3A_518 = arith.constant 0 : index
        %swap3A_519 = tpu.vector_load %arg6[%swap3A_516, %swap3A_517, %swap3A_518] {strides = array<i32>} : memref<1x200x16xf32, #tpu.memory_space<vmem>>, vector<1x1x16xf32>,
        %swap3A_520 = vector.shape_cast %swap3A_519 : vector<1x1x16xf32> to vector<16xf32>
        %swap3A_521 = vector.shape_cast %get3A_510 : vector<16xf32> to vector<1x1x16xf32>
        tpu.vector_store %arg6[%swap3A_516, %swap3A_517, %swap3A_518], %swap3A_521 {strides = array<i32>} : memref<1x200x16xf32, #tpu.memory_space<vmem>>, vector<1x1x16xf32>,
        %get3A_522 = arith.constant 0 : i32
        %get3A_523 = arith.index_cast %get3A_522 : i32 to index
        %get3A_524 = arith.index_cast %add3A_455 : i32 to index
        %get3A_525 = arith.constant 64 : index
        %get3A_526 = tpu.vector_load %arg5[%get3A_523, %get3A_524, %get3A_525] {strides = array<i32>} : memref<1x200x128xf32, #tpu.memory_space<vmem>>, vector<1x1x16xf32>,
        %get3A_527 = vector.shape_cast %get3A_526 : vector<1x1x16xf32> to vector<16xf32>
        %mul3A_528 = arith.constant 8 : i32
        %mul3A_529 = arith.muli %scan3A_453, %mul3A_528 : i32
        %add3A_530 = arith.constant 4 : i32
        %add3A_531 = arith.addi %mul3A_529, %add3A_530 : i32
        %swap3A_532 = arith.constant 0 : i32
        %swap3A_533 = arith.index_cast %swap3A_532 : i32 to index
        %swap3A_534 = arith.index_cast %add3A_531 : i32 to index
        %swap3A_535 = arith.constant 0 : index
        %swap3A_536 = tpu.vector_load %arg6[%swap3A_533, %swap3A_534, %swap3A_535] {strides = array<i32>} : memref<1x200x16xf32, #tpu.memory_space<vmem>>, vector<1x1x16xf32>,
        %swap3A_537 = vector.shape_cast %swap3A_536 : vector<1x1x16xf32> to vector<16xf32>
        %swap3A_538 = vector.shape_cast %get3A_527 : vector<16xf32> to vector<1x1x16xf32>
        tpu.vector_store %arg6[%swap3A_533, %swap3A_534, %swap3A_535], %swap3A_538 {strides = array<i32>} : memref<1x200x16xf32, #tpu.memory_space<vmem>>, vector<1x1x16xf32>,
        %get3A_539 = arith.constant 0 : i32
        %get3A_540 = arith.index_cast %get3A_539 : i32 to index
        %get3A_541 = arith.index_cast %add3A_455 : i32 to index
        %get3A_542 = arith.constant 80 : index
        %get3A_543 = tpu.vector_load %arg5[%get3A_540, %get3A_541, %get3A_542] {strides = array<i32>} : memref<1x200x128xf32, #tpu.memory_space<vmem>>, vector<1x1x16xf32>,
        %get3A_544 = vector.shape_cast %get3A_543 : vector<1x1x16xf32> to vector<16xf32>
        %mul3A_545 = arith.constant 8 : i32
        %mul3A_546 = arith.muli %scan3A_453, %mul3A_545 : i32
        %add3A_547 = arith.constant 5 : i32
        %add3A_548 = arith.addi %mul3A_546, %add3A_547 : i32
        %swap3A_549 = arith.constant 0 : i32
        %swap3A_550 = arith.index_cast %swap3A_549 : i32 to index
        %swap3A_551 = arith.index_cast %add3A_548 : i32 to index
        %swap3A_552 = arith.constant 0 : index
        %swap3A_553 = tpu.vector_load %arg6[%swap3A_550, %swap3A_551, %swap3A_552] {strides = array<i32>} : memref<1x200x16xf32, #tpu.memory_space<vmem>>, vector<1x1x16xf32>,
        %swap3A_554 = vector.shape_cast %swap3A_553 : vector<1x1x16xf32> to vector<16xf32>
        %swap3A_555 = vector.shape_cast %get3A_544 : vector<16xf32> to vector<1x1x16xf32>
        tpu.vector_store %arg6[%swap3A_550, %swap3A_551, %swap3A_552], %swap3A_555 {strides = array<i32>} : memref<1x200x16xf32, #tpu.memory_space<vmem>>, vector<1x1x16xf32>,
        %get3A_556 = arith.constant 0 : i32
        %get3A_557 = arith.index_cast %get3A_556 : i32 to index
        %get3A_558 = arith.index_cast %add3A_455 : i32 to index
        %get3A_559 = arith.constant 96 : index
        %get3A_560 = tpu.vector_load %arg5[%get3A_557, %get3A_558, %get3A_559] {strides = array<i32>} : memref<1x200x128xf32, #tpu.memory_space<vmem>>, vector<1x1x16xf32>,
        %get3A_561 = vector.shape_cast %get3A_560 : vector<1x1x16xf32> to vector<16xf32>
        %mul3A_562 = arith.constant 8 : i32
        %mul3A_563 = arith.muli %scan3A_453, %mul3A_562 : i32
        %add3A_564 = arith.constant 6 : i32
        %add3A_565 = arith.addi %mul3A_563, %add3A_564 : i32
        %swap3A_566 = arith.constant 0 : i32
        %swap3A_567 = arith.index_cast %swap3A_566 : i32 to index
        %swap3A_568 = arith.index_cast %add3A_565 : i32 to index
        %swap3A_569 = arith.constant 0 : index
        %swap3A_570 = tpu.vector_load %arg6[%swap3A_567, %swap3A_568, %swap3A_569] {strides = array<i32>} : memref<1x200x16xf32, #tpu.memory_space<vmem>>, vector<1x1x16xf32>,
        %swap3A_571 = vector.shape_cast %swap3A_570 : vector<1x1x16xf32> to vector<16xf32>
        %swap3A_572 = vector.shape_cast %get3A_561 : vector<16xf32> to vector<1x1x16xf32>
        tpu.vector_store %arg6[%swap3A_567, %swap3A_568, %swap3A_569], %swap3A_572 {strides = array<i32>} : memref<1x200x16xf32, #tpu.memory_space<vmem>>, vector<1x1x16xf32>,
        %get3A_573 = arith.constant 0 : i32
        %get3A_574 = arith.index_cast %get3A_573 : i32 to index
        %get3A_575 = arith.index_cast %add3A_455 : i32 to index
        %get3A_576 = arith.constant 112 : index
        %get3A_577 = tpu.vector_load %arg5[%get3A_574, %get3A_575, %get3A_576] {strides = array<i32>} : memref<1x200x128xf32, #tpu.memory_space<vmem>>, vector<1x1x16xf32>,
        %get3A_578 = vector.shape_cast %get3A_577 : vector<1x1x16xf32> to vector<16xf32>
        %mul3A_579 = arith.constant 8 : i32
        %mul3A_580 = arith.muli %scan3A_453, %mul3A_579 : i32
        %add3A_581 = arith.constant 7 : i32
        %add3A_582 = arith.addi %mul3A_580, %add3A_581 : i32
        %swap3A_583 = arith.constant 0 : i32
        %swap3A_584 = arith.index_cast %swap3A_583 : i32 to index
        %swap3A_585 = arith.index_cast %add3A_582 : i32 to index
        %swap3A_586 = arith.constant 0 : index
        %swap3A_587 = tpu.vector_load %arg6[%swap3A_584, %swap3A_585, %swap3A_586] {strides = array<i32>} : memref<1x200x16xf32, #tpu.memory_space<vmem>>, vector<1x1x16xf32>,
        %swap3A_588 = vector.shape_cast %swap3A_587 : vector<1x1x16xf32> to vector<16xf32>
        %swap3A_589 = vector.shape_cast %get3A_578 : vector<16xf32> to vector<1x1x16xf32>
        tpu.vector_store %arg6[%swap3A_584, %swap3A_585, %swap3A_586], %swap3A_589 {strides = array<i32>} : memref<1x200x16xf32, #tpu.memory_space<vmem>>, vector<1x1x16xf32>,
      }
      %scan3A_417 = arith.constant 25 : i32
      %dma_start3A_418 = arith.constant 0 : i32
      %dma_start3A_419 = arith.constant 0 : i32
      %dma_start3A_420 = tpu.memref_slice %arg3[%add3A_403, %dma_start3A_418, %dma_start3A_419] : memref<16384x200x16xf32, #tpu.memory_space<hbm>> -> memref<1x200x16xf32, #tpu.memory_space<hbm>>
      %dma_start3A_421 = arith.constant 0 : i32
      %dma_start3A_422 = arith.constant 0 : i32
      %dma_start3A_423 = tpu.memref_slice %arg3[%add3A_403, %dma_start3A_421, %dma_start3A_422] : memref<16384x200x16xf32, #tpu.memory_space<hbm>> -> memref<1x200x16xf32, #tpu.memory_space<hbm>>
      tpu.enqueue_dma source(%arg6 : memref<1x200x16xf32, #tpu.memory_space<vmem>>) target(%dma_start3A_423 : memref<1x200x16xf32, #tpu.memory_space<hbm>>) target_semaphore(%arg10 : memref<!tpu.dma_semaphore, #tpu.memory_space<semaphore_mem>>)
      %mul3A_424 = arith.constant 8 : i32
      %mul3A_425 = arith.muli %add3A_249, %mul3A_424 : i32
      %add3A_426 = arith.constant 7 : i32
      %add3A_427 = arith.addi %mul3A_425, %add3A_426 : i32
      %sub3A_428 = arith.constant 2 : i32
      %sub3A_429 = arith.subi %add3A_427, %sub3A_428 : i32
      %dma_wait3A_430 = arith.constant 0 : i32
      %dma_wait3A_431 = arith.constant 0 : i32
      %dma_wait3A_432 = tpu.memref_slice %arg3[%sub3A_429, %dma_wait3A_430, %dma_wait3A_431] : memref<16384x200x16xf32, #tpu.memory_space<hbm>> -> memref<1x200x16xf32, #tpu.memory_space<hbm>>
      %dma_wait3A_433 = arith.constant 0 : i32
      %dma_wait3A_434 = arith.constant 0 : i32
      %dma_wait3A_435 = tpu.memref_slice %arg3[%sub3A_429, %dma_wait3A_433, %dma_wait3A_434] : memref<16384x200x16xf32, #tpu.memory_space<hbm>> -> memref<1x200x16xf32, #tpu.memory_space<hbm>>
      tpu.wait_dma2 semaphore(%arg11 : memref<!tpu.dma_semaphore, #tpu.memory_space<semaphore_mem>>) src(%arg7 : memref<1x200x16xf32, #tpu.memory_space<vmem>>) dst(%dma_wait3A_435 : memref<1x200x16xf32, #tpu.memory_space<hbm>>)
      %scan3A_436 = arith.constant 0 : i32
      %scan3A_437 = arith.constant 0 : i32
      %scan3A_438 = arith.constant 25 : i32
      %scan3A_439 = arith.addi %scan3A_437, %scan3A_438 : i32
      %scan3A_440 = arith.constant 1 : i32
      scf.for %scan3A_453 = %scan3A_437 to %scan3A_439 step %scan3A_440  : i32 {
        %add3A_454 = arith.constant 175 : i32
        %add3A_455 = arith.addi %add3A_454, %scan3A_453 : i32
        %get3A = arith.constant 0 : i32
        %get3A_456 = arith.index_cast %get3A : i32 to index
        %get3A_457 = arith.index_cast %add3A_455 : i32 to index
        %get3A_458 = arith.constant 0 : index
        %get3A_459 = tpu.vector_load %arg5[%get3A_456, %get3A_457, %get3A_458] {strides = array<i32>} : memref<1x200x128xf32, #tpu.memory_space<vmem>>, vector<1x1x16xf32>,
        %get3A_460 = vector.shape_cast %get3A_459 : vector<1x1x16xf32> to vector<16xf32>
        %mul3A_461 = arith.constant 8 : i32
        %mul3A_462 = arith.muli %scan3A_453, %mul3A_461 : i32
        %add3A_463 = arith.constant 0 : i32
        %add3A_464 = arith.addi %mul3A_462, %add3A_463 : i32
        %swap3A = arith.constant 0 : i32
        %swap3A_465 = arith.index_cast %swap3A : i32 to index
        %swap3A_466 = arith.index_cast %add3A_464 : i32 to index
        %swap3A_467 = arith.constant 0 : index
        %swap3A_468 = tpu.vector_load %arg7[%swap3A_465, %swap3A_466, %swap3A_467] {strides = array<i32>} : memref<1x200x16xf32, #tpu.memory_space<vmem>>, vector<1x1x16xf32>,
        %swap3A_469 = vector.shape_cast %swap3A_468 : vector<1x1x16xf32> to vector<16xf32>
        %swap3A_470 = vector.shape_cast %get3A_460 : vector<16xf32> to vector<1x1x16xf32>
        tpu.vector_store %arg7[%swap3A_465, %swap3A_466, %swap3A_467], %swap3A_470 {strides = array<i32>} : memref<1x200x16xf32, #tpu.memory_space<vmem>>, vector<1x1x16xf32>,
        %get3A_471 = arith.constant 0 : i32
        %get3A_472 = arith.index_cast %get3A_471 : i32 to index
        %get3A_473 = arith.index_cast %add3A_455 : i32 to index
        %get3A_474 = arith.constant 16 : index
        %get3A_475 = tpu.vector_load %arg5[%get3A_472, %get3A_473, %get3A_474] {strides = array<i32>} : memref<1x200x128xf32, #tpu.memory_space<vmem>>, vector<1x1x16xf32>,
        %get3A_476 = vector.shape_cast %get3A_475 : vector<1x1x16xf32> to vector<16xf32>
        %mul3A_477 = arith.constant 8 : i32
        %mul3A_478 = arith.muli %scan3A_453, %mul3A_477 : i32
        %add3A_479 = arith.constant 1 : i32
        %add3A_480 = arith.addi %mul3A_478, %add3A_479 : i32
        %swap3A_481 = arith.constant 0 : i32
        %swap3A_482 = arith.index_cast %swap3A_481 : i32 to index
        %swap3A_483 = arith.index_cast %add3A_480 : i32 to index
        %swap3A_484 = arith.constant 0 : index
        %swap3A_485 = tpu.vector_load %arg7[%swap3A_482, %swap3A_483, %swap3A_484] {strides = array<i32>} : memref<1x200x16xf32, #tpu.memory_space<vmem>>, vector<1x1x16xf32>,
        %swap3A_486 = vector.shape_cast %swap3A_485 : vector<1x1x16xf32> to vector<16xf32>
        %swap3A_487 = vector.shape_cast %get3A_476 : vector<16xf32> to vector<1x1x16xf32>
        tpu.vector_store %arg7[%swap3A_482, %swap3A_483, %swap3A_484], %swap3A_487 {strides = array<i32>} : memref<1x200x16xf32, #tpu.memory_space<vmem>>, vector<1x1x16xf32>,
        %get3A_488 = arith.constant 0 : i32
        %get3A_489 = arith.index_cast %get3A_488 : i32 to index
        %get3A_490 = arith.index_cast %add3A_455 : i32 to index
        %get3A_491 = arith.constant 32 : index
        %get3A_492 = tpu.vector_load %arg5[%get3A_489, %get3A_490, %get3A_491] {strides = array<i32>} : memref<1x200x128xf32, #tpu.memory_space<vmem>>, vector<1x1x16xf32>,
        %get3A_493 = vector.shape_cast %get3A_492 : vector<1x1x16xf32> to vector<16xf32>
        %mul3A_494 = arith.constant 8 : i32
        %mul3A_495 = arith.muli %scan3A_453, %mul3A_494 : i32
        %add3A_496 = arith.constant 2 : i32
        %add3A_497 = arith.addi %mul3A_495, %add3A_496 : i32
        %swap3A_498 = arith.constant 0 : i32
        %swap3A_499 = arith.index_cast %swap3A_498 : i32 to index
        %swap3A_500 = arith.index_cast %add3A_497 : i32 to index
        %swap3A_501 = arith.constant 0 : index
        %swap3A_502 = tpu.vector_load %arg7[%swap3A_499, %swap3A_500, %swap3A_501] {strides = array<i32>} : memref<1x200x16xf32, #tpu.memory_space<vmem>>, vector<1x1x16xf32>,
        %swap3A_503 = vector.shape_cast %swap3A_502 : vector<1x1x16xf32> to vector<16xf32>
        %swap3A_504 = vector.shape_cast %get3A_493 : vector<16xf32> to vector<1x1x16xf32>
        tpu.vector_store %arg7[%swap3A_499, %swap3A_500, %swap3A_501], %swap3A_504 {strides = array<i32>} : memref<1x200x16xf32, #tpu.memory_space<vmem>>, vector<1x1x16xf32>,
        %get3A_505 = arith.constant 0 : i32
        %get3A_506 = arith.index_cast %get3A_505 : i32 to index
        %get3A_507 = arith.index_cast %add3A_455 : i32 to index
        %get3A_508 = arith.constant 48 : index
        %get3A_509 = tpu.vector_load %arg5[%get3A_506, %get3A_507, %get3A_508] {strides = array<i32>} : memref<1x200x128xf32, #tpu.memory_space<vmem>>, vector<1x1x16xf32>,
        %get3A_510 = vector.shape_cast %get3A_509 : vector<1x1x16xf32> to vector<16xf32>
        %mul3A_511 = arith.constant 8 : i32
        %mul3A_512 = arith.muli %scan3A_453, %mul3A_511 : i32
        %add3A_513 = arith.constant 3 : i32
        %add3A_514 = arith.addi %mul3A_512, %add3A_513 : i32
        %swap3A_515 = arith.constant 0 : i32
        %swap3A_516 = arith.index_cast %swap3A_515 : i32 to index
        %swap3A_517 = arith.index_cast %add3A_514 : i32 to index
        %swap3A_518 = arith.constant 0 : index
        %swap3A_519 = tpu.vector_load %arg7[%swap3A_516, %swap3A_517, %swap3A_518] {strides = array<i32>} : memref<1x200x16xf32, #tpu.memory_space<vmem>>, vector<1x1x16xf32>,
        %swap3A_520 = vector.shape_cast %swap3A_519 : vector<1x1x16xf32> to vector<16xf32>
        %swap3A_521 = vector.shape_cast %get3A_510 : vector<16xf32> to vector<1x1x16xf32>
        tpu.vector_store %arg7[%swap3A_516, %swap3A_517, %swap3A_518], %swap3A_521 {strides = array<i32>} : memref<1x200x16xf32, #tpu.memory_space<vmem>>, vector<1x1x16xf32>,
        %get3A_522 = arith.constant 0 : i32
        %get3A_523 = arith.index_cast %get3A_522 : i32 to index
        %get3A_524 = arith.index_cast %add3A_455 : i32 to index
        %get3A_525 = arith.constant 64 : index
        %get3A_526 = tpu.vector_load %arg5[%get3A_523, %get3A_524, %get3A_525] {strides = array<i32>} : memref<1x200x128xf32, #tpu.memory_space<vmem>>, vector<1x1x16xf32>,
        %get3A_527 = vector.shape_cast %get3A_526 : vector<1x1x16xf32> to vector<16xf32>
        %mul3A_528 = arith.constant 8 : i32
        %mul3A_529 = arith.muli %scan3A_453, %mul3A_528 : i32
        %add3A_530 = arith.constant 4 : i32
        %add3A_531 = arith.addi %mul3A_529, %add3A_530 : i32
        %swap3A_532 = arith.constant 0 : i32
        %swap3A_533 = arith.index_cast %swap3A_532 : i32 to index
        %swap3A_534 = arith.index_cast %add3A_531 : i32 to index
        %swap3A_535 = arith.constant 0 : index
        %swap3A_536 = tpu.vector_load %arg7[%swap3A_533, %swap3A_534, %swap3A_535] {strides = array<i32>} : memref<1x200x16xf32, #tpu.memory_space<vmem>>, vector<1x1x16xf32>,
        %swap3A_537 = vector.shape_cast %swap3A_536 : vector<1x1x16xf32> to vector<16xf32>
        %swap3A_538 = vector.shape_cast %get3A_527 : vector<16xf32> to vector<1x1x16xf32>
        tpu.vector_store %arg7[%swap3A_533, %swap3A_534, %swap3A_535], %swap3A_538 {strides = array<i32>} : memref<1x200x16xf32, #tpu.memory_space<vmem>>, vector<1x1x16xf32>,
        %get3A_539 = arith.constant 0 : i32
        %get3A_540 = arith.index_cast %get3A_539 : i32 to index
        %get3A_541 = arith.index_cast %add3A_455 : i32 to index
        %get3A_542 = arith.constant 80 : index
        %get3A_543 = tpu.vector_load %arg5[%get3A_540, %get3A_541, %get3A_542] {strides = array<i32>} : memref<1x200x128xf32, #tpu.memory_space<vmem>>, vector<1x1x16xf32>,
        %get3A_544 = vector.shape_cast %get3A_543 : vector<1x1x16xf32> to vector<16xf32>
        %mul3A_545 = arith.constant 8 : i32
        %mul3A_546 = arith.muli %scan3A_453, %mul3A_545 : i32
        %add3A_547 = arith.constant 5 : i32
        %add3A_548 = arith.addi %mul3A_546, %add3A_547 : i32
        %swap3A_549 = arith.constant 0 : i32
        %swap3A_550 = arith.index_cast %swap3A_549 : i32 to index
        %swap3A_551 = arith.index_cast %add3A_548 : i32 to index
        %swap3A_552 = arith.constant 0 : index
        %swap3A_553 = tpu.vector_load %arg7[%swap3A_550, %swap3A_551, %swap3A_552] {strides = array<i32>} : memref<1x200x16xf32, #tpu.memory_space<vmem>>, vector<1x1x16xf32>,
        %swap3A_554 = vector.shape_cast %swap3A_553 : vector<1x1x16xf32> to vector<16xf32>
        %swap3A_555 = vector.shape_cast %get3A_544 : vector<16xf32> to vector<1x1x16xf32>
        tpu.vector_store %arg7[%swap3A_550, %swap3A_551, %swap3A_552], %swap3A_555 {strides = array<i32>} : memref<1x200x16xf32, #tpu.memory_space<vmem>>, vector<1x1x16xf32>,
        %get3A_556 = arith.constant 0 : i32
        %get3A_557 = arith.index_cast %get3A_556 : i32 to index
        %get3A_558 = arith.index_cast %add3A_455 : i32 to index
        %get3A_559 = arith.constant 96 : index
        %get3A_560 = tpu.vector_load %arg5[%get3A_557, %get3A_558, %get3A_559] {strides = array<i32>} : memref<1x200x128xf32, #tpu.memory_space<vmem>>, vector<1x1x16xf32>,
        %get3A_561 = vector.shape_cast %get3A_560 : vector<1x1x16xf32> to vector<16xf32>
        %mul3A_562 = arith.constant 8 : i32
        %mul3A_563 = arith.muli %scan3A_453, %mul3A_562 : i32
        %add3A_564 = arith.constant 6 : i32
        %add3A_565 = arith.addi %mul3A_563, %add3A_564 : i32
        %swap3A_566 = arith.constant 0 : i32
        %swap3A_567 = arith.index_cast %swap3A_566 : i32 to index
        %swap3A_568 = arith.index_cast %add3A_565 : i32 to index
        %swap3A_569 = arith.constant 0 : index
        %swap3A_570 = tpu.vector_load %arg7[%swap3A_567, %swap3A_568, %swap3A_569] {strides = array<i32>} : memref<1x200x16xf32, #tpu.memory_space<vmem>>, vector<1x1x16xf32>,
        %swap3A_571 = vector.shape_cast %swap3A_570 : vector<1x1x16xf32> to vector<16xf32>
        %swap3A_572 = vector.shape_cast %get3A_561 : vector<16xf32> to vector<1x1x16xf32>
        tpu.vector_store %arg7[%swap3A_567, %swap3A_568, %swap3A_569], %swap3A_572 {strides = array<i32>} : memref<1x200x16xf32, #tpu.memory_space<vmem>>, vector<1x1x16xf32>,
        %get3A_573 = arith.constant 0 : i32
        %get3A_574 = arith.index_cast %get3A_573 : i32 to index
        %get3A_575 = arith.index_cast %add3A_455 : i32 to index
        %get3A_576 = arith.constant 112 : index
        %get3A_577 = tpu.vector_load %arg5[%get3A_574, %get3A_575, %get3A_576] {strides = array<i32>} : memref<1x200x128xf32, #tpu.memory_space<vmem>>, vector<1x1x16xf32>,
        %get3A_578 = vector.shape_cast %get3A_577 : vector<1x1x16xf32> to vector<16xf32>
        %mul3A_579 = arith.constant 8 : i32
        %mul3A_580 = arith.muli %scan3A_453, %mul3A_579 : i32
        %add3A_581 = arith.constant 7 : i32
        %add3A_582 = arith.addi %mul3A_580, %add3A_581 : i32
        %swap3A_583 = arith.constant 0 : i32
        %swap3A_584 = arith.index_cast %swap3A_583 : i32 to index
        %swap3A_585 = arith.index_cast %add3A_582 : i32 to index
        %swap3A_586 = arith.constant 0 : index
        %swap3A_587 = tpu.vector_load %arg7[%swap3A_584, %swap3A_585, %swap3A_586] {strides = array<i32>} : memref<1x200x16xf32, #tpu.memory_space<vmem>>, vector<1x1x16xf32>,
        %swap3A_588 = vector.shape_cast %swap3A_587 : vector<1x1x16xf32> to vector<16xf32>
        %swap3A_589 = vector.shape_cast %get3A_578 : vector<16xf32> to vector<1x1x16xf32>
        tpu.vector_store %arg7[%swap3A_584, %swap3A_585, %swap3A_586], %swap3A_589 {strides = array<i32>} : memref<1x200x16xf32, #tpu.memory_space<vmem>>, vector<1x1x16xf32>,
      }
      %scan3A_441 = arith.constant 25 : i32
      %dma_start3A_442 = arith.constant 0 : i32
      %dma_start3A_443 = arith.constant 0 : i32
      %dma_start3A_444 = tpu.memref_slice %arg3[%add3A_427, %dma_start3A_442, %dma_start3A_443] : memref<16384x200x16xf32, #tpu.memory_space<hbm>> -> memref<1x200x16xf32, #tpu.memory_space<hbm>>
      %dma_start3A_445 = arith.constant 0 : i32
      %dma_start3A_446 = arith.constant 0 : i32
      %dma_start3A_447 = tpu.memref_slice %arg3[%add3A_427, %dma_start3A_445, %dma_start3A_446] : memref<16384x200x16xf32, #tpu.memory_space<hbm>> -> memref<1x200x16xf32, #tpu.memory_space<hbm>>
      tpu.enqueue_dma source(%arg7 : memref<1x200x16xf32, #tpu.memory_space<vmem>>) target(%dma_start3A_447 : memref<1x200x16xf32, #tpu.memory_space<hbm>>) target_semaphore(%arg11 : memref<!tpu.dma_semaphore, #tpu.memory_space<semaphore_mem>>)
      %ne3A_448 = arith.constant 31 : i32
      %ne3A_449 = arith.cmpi ne, %scan3A_45, %ne3A_448 : i32
      %convert_element_type3A_450 = arith.extui %ne3A_449 : i1 to i32
      %cond3A_451 = arith.constant 0 : i32
      %cond3A_452 = arith.cmpi ne, %convert_element_type3A_450, %cond3A_451 : i32
      scf.if %cond3A_452 {
        %add3A_453 = arith.constant 2 : i32
        %add3A_454 = arith.addi %add3A_249, %add3A_453 : i32
        %dma_start3A_455 = arith.constant 0 : i32
        %dma_start3A_456 = arith.constant 0 : i32
        %dma_start3A_457 = tpu.memref_slice %arg2[%add3A_454, %dma_start3A_455, %dma_start3A_456] : memref<2048x200x128xf32, #tpu.memory_space<hbm>> -> memref<1x200x128xf32, #tpu.memory_space<hbm>>
        %dma_start3A_458 = arith.constant 0 : i32
        %dma_start3A_459 = arith.constant 0 : i32
        %dma_start3A_460 = tpu.memref_slice %arg2[%add3A_454, %dma_start3A_458, %dma_start3A_459] : memref<2048x200x128xf32, #tpu.memory_space<hbm>> -> memref<1x200x128xf32, #tpu.memory_space<hbm>>
        tpu.enqueue_dma source(%dma_start3A_460 : memref<1x200x128xf32, #tpu.memory_space<hbm>>) target(%arg5 : memref<1x200x128xf32, #tpu.memory_space<vmem>>) target_semaphore(%arg9 : memref<!tpu.dma_semaphore, #tpu.memory_space<semaphore_mem>>)
      } else {
      }
    }
    %scan3A_22 = arith.constant 32 : i32
    %add3A_23 = arith.constant 64 : i32
    %add3A_24 = arith.addi %mul3A_2, %add3A_23 : i32
    %mul3A_25 = arith.constant 8 : i32
    %mul3A_26 = arith.muli %add3A_24, %mul3A_25 : i32
    %sub3A = arith.constant 2 : i32
    %sub3A_27 = arith.subi %mul3A_26, %sub3A : i32
    %add3A_28 = arith.constant 0 : i32
    %add3A_29 = arith.addi %sub3A_27, %add3A_28 : i32
    %dma_wait3A = arith.constant 0 : i32
    %dma_wait3A_30 = arith.constant 0 : i32
    %dma_wait3A_31 = tpu.memref_slice %arg3[%add3A_29, %dma_wait3A, %dma_wait3A_30] : memref<16384x200x16xf32, #tpu.memory_space<hbm>> -> memref<1x200x16xf32, #tpu.memory_space<hbm>>
    %dma_wait3A_32 = arith.constant 0 : i32
    %dma_wait3A_33 = arith.constant 0 : i32
    %dma_wait3A_34 = tpu.memref_slice %arg3[%add3A_29, %dma_wait3A_32, %dma_wait3A_33] : memref<16384x200x16xf32, #tpu.memory_space<hbm>> -> memref<1x200x16xf32, #tpu.memory_space<hbm>>
    tpu.wait_dma2 semaphore(%arg10 : memref<!tpu.dma_semaphore, #tpu.memory_space<semaphore_mem>>) src(%arg6 : memref<1x200x16xf32, #tpu.memory_space<vmem>>) dst(%dma_wait3A_34 : memref<1x200x16xf32, #tpu.memory_space<hbm>>)
    %sub3A_35 = arith.constant 2 : i32
    %sub3A_36 = arith.subi %mul3A_26, %sub3A_35 : i32
    %add3A_37 = arith.constant 1 : i32
    %add3A_38 = arith.addi %sub3A_36, %add3A_37 : i32
    %dma_wait3A_39 = arith.constant 0 : i32
    %dma_wait3A_40 = arith.constant 0 : i32
    %dma_wait3A_41 = tpu.memref_slice %arg3[%add3A_38, %dma_wait3A_39, %dma_wait3A_40] : memref<16384x200x16xf32, #tpu.memory_space<hbm>> -> memref<1x200x16xf32, #tpu.memory_space<hbm>>
    %dma_wait3A_42 = arith.constant 0 : i32
    %dma_wait3A_43 = arith.constant 0 : i32
    %dma_wait3A_44 = tpu.memref_slice %arg3[%add3A_38, %dma_wait3A_42, %dma_wait3A_43] : memref<16384x200x16xf32, #tpu.memory_space<hbm>> -> memref<1x200x16xf32, #tpu.memory_space<hbm>>
    tpu.wait_dma2 semaphore(%arg11 : memref<!tpu.dma_semaphore, #tpu.memory_space<semaphore_mem>>) src(%arg7 : memref<1x200x16xf32, #tpu.memory_space<vmem>>) dst(%dma_wait3A_44 : memref<1x200x16xf32, #tpu.memory_space<hbm>>)
    return
  }
}

#map = affine_map<(d0, d1) -> (0)>
#map1 = affine_map<(d0, d1) -> (0, 0)>
module attributes {stable_mosaic.version = 14 : i64} {
  func.func @_gather_body(%arg0: i32, %arg1: i32, %arg2: memref<3276800xi32, #tpu.memory_space<hbm>>, %arg3: memref<1000000x16xf32, #tpu.memory_space<hbm>>, %arg4: memref<3276800x16xf32, #tpu.memory_space<hbm>>, %arg5: memref<2048xi32, #tpu.memory_space<vmem>>, %arg6: memref<2048xi32, #tpu.memory_space<vmem>>, %arg7: memref<2048x16xf32, #tpu.memory_space<vmem>>, %arg8: memref<2048x16xf32, #tpu.memory_space<vmem>>, %arg9: memref<!tpu.dma_semaphore, #tpu.memory_space<semaphore_mem>>, %arg10: memref<!tpu.dma_semaphore, #tpu.memory_space<semaphore_mem>>, %arg11: memref<!tpu.dma_semaphore, #tpu.memory_space<semaphore_mem>>, %arg12: memref<!tpu.dma_semaphore, #tpu.memory_space<semaphore_mem>>, %arg13: memref<!tpu.dma_semaphore, #tpu.memory_space<semaphore_mem>>, %arg14: memref<!tpu.dma_semaphore, #tpu.memory_space<semaphore_mem>>) attributes {dimension_semantics = [#tpu.dimension_semantics<core_parallel>, #tpu.dimension_semantics<subcore_parallel>], iteration_bounds = array<i64: 2, 16>, scalar_prefetch = 0 : i64, scratch_operands = 10 : i64, tpu.core_type = #tpu.core_type<sc_vector_subcore>, window_params = [{transform_indices = #map}, {transform_indices = #map1}, {transform_indices = #map1}]} {
    %mul3A = arith.constant 2 : i32
    %mul3A_0 = arith.muli %arg1, %mul3A : i32
    %add3A = arith.addi %mul3A_0, %arg0 : i32
    %mul3A_1 = arith.constant 102400 : i32
    %mul3A_2 = arith.muli %add3A, %mul3A_1 : i32
    %add3A_3 = arith.constant 0 : i32
    %add3A_4 = arith.addi %mul3A_2, %add3A_3 : i32
    %dma_start3A = tpu.memref_slice %arg2[%add3A_4] : memref<3276800xi32, #tpu.memory_space<hbm>> -> memref<2048xi32, #tpu.memory_space<hbm>>
    %dma_start3A_5 = tpu.memref_slice %arg2[%add3A_4] : memref<3276800xi32, #tpu.memory_space<hbm>> -> memref<2048xi32, #tpu.memory_space<hbm>>
    tpu.enqueue_dma source(%dma_start3A_5 : memref<2048xi32, #tpu.memory_space<hbm>>) target(%arg5 : memref<2048xi32, #tpu.memory_space<vmem>>) target_semaphore(%arg9 : memref<!tpu.dma_semaphore, #tpu.memory_space<semaphore_mem>>)
    %add3A_6 = arith.constant 2048 : i32
    %add3A_7 = arith.addi %mul3A_2, %add3A_6 : i32
    %dma_start3A_8 = tpu.memref_slice %arg2[%add3A_7] : memref<3276800xi32, #tpu.memory_space<hbm>> -> memref<2048xi32, #tpu.memory_space<hbm>>
    %dma_start3A_9 = tpu.memref_slice %arg2[%add3A_7] : memref<3276800xi32, #tpu.memory_space<hbm>> -> memref<2048xi32, #tpu.memory_space<hbm>>
    tpu.enqueue_dma source(%dma_start3A_9 : memref<2048xi32, #tpu.memory_space<hbm>>) target(%arg6 : memref<2048xi32, #tpu.memory_space<vmem>>) target_semaphore(%arg10 : memref<!tpu.dma_semaphore, #tpu.memory_space<semaphore_mem>>)
    %scan3A = arith.constant 0 : i32
    %scan3A_10 = arith.constant 0 : i32
    %scan3A_11 = arith.constant 25 : i32
    %scan3A_12 = arith.addi %scan3A_10, %scan3A_11 : i32
    %scan3A_13 = arith.constant 1 : i32
    scf.for %scan3A_26 = %scan3A_10 to %scan3A_12 step %scan3A_13  : i32 {
      %mul3A_27 = arith.constant 2 : i32
      %mul3A_28 = arith.muli %scan3A_26, %mul3A_27 : i32
      %add3A_29 = arith.constant 0 : i32
      %add3A_30 = arith.addi %mul3A_28, %add3A_29 : i32
      %mul3A_31 = arith.constant 2048 : i32
      %mul3A_32 = arith.muli %add3A_30, %mul3A_31 : i32
      %add3A_33 = arith.addi %mul3A_2, %mul3A_32 : i32
      %dma_wait3A_34 = tpu.memref_slice %arg2[%add3A_33] : memref<3276800xi32, #tpu.memory_space<hbm>> -> memref<2048xi32, #tpu.memory_space<hbm>>
      %dma_wait3A_35 = tpu.memref_slice %arg2[%add3A_33] : memref<3276800xi32, #tpu.memory_space<hbm>> -> memref<2048xi32, #tpu.memory_space<hbm>>
      tpu.wait_dma2 semaphore(%arg9 : memref<!tpu.dma_semaphore, #tpu.memory_space<semaphore_mem>>) src(%dma_wait3A_35 : memref<2048xi32, #tpu.memory_space<hbm>>) dst(%arg5 : memref<2048xi32, #tpu.memory_space<vmem>>)
      %ne3A = arith.constant 0 : i32
      %ne3A_36 = arith.cmpi ne, %scan3A_26, %ne3A : i32
      %convert_element_type3A = arith.extui %ne3A_36 : i1 to i32
      %cond3A = arith.constant 0 : i32
      %cond3A_37 = arith.cmpi ne, %convert_element_type3A, %cond3A : i32
      scf.if %cond3A_37 {
        %sub3A = arith.constant 2 : i32
        %sub3A_90 = arith.subi %add3A_30, %sub3A : i32
        %mul3A_91 = arith.constant 2048 : i32
        %mul3A_92 = arith.muli %sub3A_90, %mul3A_91 : i32
        %add3A_93 = arith.addi %mul3A_2, %mul3A_92 : i32
        %dma_wait3A_94 = arith.constant 0 : i32
        %dma_wait3A_95 = tpu.memref_slice %arg4[%add3A_93, %dma_wait3A_94] : memref<3276800x16xf32, #tpu.memory_space<hbm>> -> memref<2048x16xf32, #tpu.memory_space<hbm>>
        %dma_wait3A_96 = arith.constant 0 : i32
        %dma_wait3A_97 = tpu.memref_slice %arg4[%add3A_93, %dma_wait3A_96] : memref<3276800x16xf32, #tpu.memory_space<hbm>> -> memref<2048x16xf32, #tpu.memory_space<hbm>>
        tpu.wait_dma2 semaphore(%arg13 : memref<!tpu.dma_semaphore, #tpu.memory_space<semaphore_mem>>) src(%arg7 : memref<2048x16xf32, #tpu.memory_space<vmem>>) dst(%dma_wait3A_97 : memref<2048x16xf32, #tpu.memory_space<hbm>>)
      } else {
      }
      %dma_start3A_38 = arith.constant 0 : i32
      %dma_start3A_39 = arith.constant 0 : i32
      %dma_start3A_40 = tpu.memref_slice %arg3[%dma_start3A_38, %dma_start3A_39] : memref<1000000x16xf32, #tpu.memory_space<hbm>> -> memref<1000000x16xf32, #tpu.memory_space<hbm>>
      tpu.enqueue_indirect_dma source(%dma_start3A_40 : memref<1000000x16xf32, #tpu.memory_space<hbm>>) target(%arg7 : memref<2048x16xf32, #tpu.memory_space<vmem>>) offsets(%arg5 : memref<2048xi32, #tpu.memory_space<vmem>>) semaphore(%arg11 : memref<!tpu.dma_semaphore, #tpu.memory_space<semaphore_mem>>)
      %add3A_41 = arith.constant 1 : i32
      %add3A_42 = arith.addi %mul3A_28, %add3A_41 : i32
      %mul3A_43 = arith.constant 2048 : i32
      %mul3A_44 = arith.muli %add3A_42, %mul3A_43 : i32
      %add3A_45 = arith.addi %mul3A_2, %mul3A_44 : i32
      %dma_wait3A_46 = tpu.memref_slice %arg2[%add3A_45] : memref<3276800xi32, #tpu.memory_space<hbm>> -> memref<2048xi32, #tpu.memory_space<hbm>>
      %dma_wait3A_47 = tpu.memref_slice %arg2[%add3A_45] : memref<3276800xi32, #tpu.memory_space<hbm>> -> memref<2048xi32, #tpu.memory_space<hbm>>
      tpu.wait_dma2 semaphore(%arg10 : memref<!tpu.dma_semaphore, #tpu.memory_space<semaphore_mem>>) src(%dma_wait3A_47 : memref<2048xi32, #tpu.memory_space<hbm>>) dst(%arg6 : memref<2048xi32, #tpu.memory_space<vmem>>)
      %ne3A_48 = arith.constant 0 : i32
      %ne3A_49 = arith.cmpi ne, %scan3A_26, %ne3A_48 : i32
      %convert_element_type3A_50 = arith.extui %ne3A_49 : i1 to i32
      %cond3A_51 = arith.constant 0 : i32
      %cond3A_52 = arith.cmpi ne, %convert_element_type3A_50, %cond3A_51 : i32
      scf.if %cond3A_52 {
        %sub3A = arith.constant 2 : i32
        %sub3A_90 = arith.subi %add3A_42, %sub3A : i32
        %mul3A_91 = arith.constant 2048 : i32
        %mul3A_92 = arith.muli %sub3A_90, %mul3A_91 : i32
        %add3A_93 = arith.addi %mul3A_2, %mul3A_92 : i32
        %dma_wait3A_94 = arith.constant 0 : i32
        %dma_wait3A_95 = tpu.memref_slice %arg4[%add3A_93, %dma_wait3A_94] : memref<3276800x16xf32, #tpu.memory_space<hbm>> -> memref<2048x16xf32, #tpu.memory_space<hbm>>
        %dma_wait3A_96 = arith.constant 0 : i32
        %dma_wait3A_97 = tpu.memref_slice %arg4[%add3A_93, %dma_wait3A_96] : memref<3276800x16xf32, #tpu.memory_space<hbm>> -> memref<2048x16xf32, #tpu.memory_space<hbm>>
        tpu.wait_dma2 semaphore(%arg14 : memref<!tpu.dma_semaphore, #tpu.memory_space<semaphore_mem>>) src(%arg8 : memref<2048x16xf32, #tpu.memory_space<vmem>>) dst(%dma_wait3A_97 : memref<2048x16xf32, #tpu.memory_space<hbm>>)
      } else {
      }
      %dma_start3A_53 = arith.constant 0 : i32
      %dma_start3A_54 = arith.constant 0 : i32
      %dma_start3A_55 = tpu.memref_slice %arg3[%dma_start3A_53, %dma_start3A_54] : memref<1000000x16xf32, #tpu.memory_space<hbm>> -> memref<1000000x16xf32, #tpu.memory_space<hbm>>
      tpu.enqueue_indirect_dma source(%dma_start3A_55 : memref<1000000x16xf32, #tpu.memory_space<hbm>>) target(%arg8 : memref<2048x16xf32, #tpu.memory_space<vmem>>) offsets(%arg6 : memref<2048xi32, #tpu.memory_space<vmem>>) semaphore(%arg12 : memref<!tpu.dma_semaphore, #tpu.memory_space<semaphore_mem>>)
      %add3A_56 = arith.constant 0 : i32
      %add3A_57 = arith.addi %mul3A_28, %add3A_56 : i32
      %dma_wait3A_58 = arith.constant 0 : i32
      %dma_wait3A_59 = arith.constant 0 : i32
      %dma_wait3A_60 = tpu.memref_slice %arg3[%dma_wait3A_58, %dma_wait3A_59] : memref<1000000x16xf32, #tpu.memory_space<hbm>> -> memref<1000000x16xf32, #tpu.memory_space<hbm>>
      tpu.wait_indirect_dma semaphore(%arg11 : memref<!tpu.dma_semaphore, #tpu.memory_space<semaphore_mem>>) src(%dma_wait3A_60 : memref<1000000x16xf32, #tpu.memory_space<hbm>>) dst(%arg7 : memref<2048x16xf32, #tpu.memory_space<vmem>>)
      %mul3A_61 = arith.constant 2048 : i32
      %mul3A_62 = arith.muli %add3A_57, %mul3A_61 : i32
      %add3A_63 = arith.addi %mul3A_2, %mul3A_62 : i32
      %dma_start3A_64 = arith.constant 0 : i32
      %dma_start3A_65 = tpu.memref_slice %arg4[%add3A_63, %dma_start3A_64] : memref<3276800x16xf32, #tpu.memory_space<hbm>> -> memref<2048x16xf32, #tpu.memory_space<hbm>>
      %dma_start3A_66 = arith.constant 0 : i32
      %dma_start3A_67 = tpu.memref_slice %arg4[%add3A_63, %dma_start3A_66] : memref<3276800x16xf32, #tpu.memory_space<hbm>> -> memref<2048x16xf32, #tpu.memory_space<hbm>>
      tpu.enqueue_dma source(%arg7 : memref<2048x16xf32, #tpu.memory_space<vmem>>) target(%dma_start3A_67 : memref<2048x16xf32, #tpu.memory_space<hbm>>) target_semaphore(%arg13 : memref<!tpu.dma_semaphore, #tpu.memory_space<semaphore_mem>>)
      %ne3A_68 = arith.constant 24 : i32
      %ne3A_69 = arith.cmpi ne, %scan3A_26, %ne3A_68 : i32
      %convert_element_type3A_70 = arith.extui %ne3A_69 : i1 to i32
      %cond3A_71 = arith.constant 0 : i32
      %cond3A_72 = arith.cmpi ne, %convert_element_type3A_70, %cond3A_71 : i32
      scf.if %cond3A_72 {
        %add3A_90 = arith.constant 2 : i32
        %add3A_91 = arith.addi %add3A_57, %add3A_90 : i32
        %mul3A_92 = arith.constant 2048 : i32
        %mul3A_93 = arith.muli %add3A_91, %mul3A_92 : i32
        %add3A_94 = arith.addi %mul3A_2, %mul3A_93 : i32
        %dma_start3A_95 = tpu.memref_slice %arg2[%add3A_94] : memref<3276800xi32, #tpu.memory_space<hbm>> -> memref<2048xi32, #tpu.memory_space<hbm>>
        %dma_start3A_96 = tpu.memref_slice %arg2[%add3A_94] : memref<3276800xi32, #tpu.memory_space<hbm>> -> memref<2048xi32, #tpu.memory_space<hbm>>
        tpu.enqueue_dma source(%dma_start3A_96 : memref<2048xi32, #tpu.memory_space<hbm>>) target(%arg5 : memref<2048xi32, #tpu.memory_space<vmem>>) target_semaphore(%arg9 : memref<!tpu.dma_semaphore, #tpu.memory_space<semaphore_mem>>)
      } else {
      }
      %add3A_73 = arith.constant 1 : i32
      %add3A_74 = arith.addi %mul3A_28, %add3A_73 : i32
      %dma_wait3A_75 = arith.constant 0 : i32
      %dma_wait3A_76 = arith.constant 0 : i32
      %dma_wait3A_77 = tpu.memref_slice %arg3[%dma_wait3A_75, %dma_wait3A_76] : memref<1000000x16xf32, #tpu.memory_space<hbm>> -> memref<1000000x16xf32, #tpu.memory_space<hbm>>
      tpu.wait_indirect_dma semaphore(%arg12 : memref<!tpu.dma_semaphore, #tpu.memory_space<semaphore_mem>>) src(%dma_wait3A_77 : memref<1000000x16xf32, #tpu.memory_space<hbm>>) dst(%arg8 : memref<2048x16xf32, #tpu.memory_space<vmem>>)
      %mul3A_78 = arith.constant 2048 : i32
      %mul3A_79 = arith.muli %add3A_74, %mul3A_78 : i32
      %add3A_80 = arith.addi %mul3A_2, %mul3A_79 : i32
      %dma_start3A_81 = arith.constant 0 : i32
      %dma_start3A_82 = tpu.memref_slice %arg4[%add3A_80, %dma_start3A_81] : memref<3276800x16xf32, #tpu.memory_space<hbm>> -> memref<2048x16xf32, #tpu.memory_space<hbm>>
      %dma_start3A_83 = arith.constant 0 : i32
      %dma_start3A_84 = tpu.memref_slice %arg4[%add3A_80, %dma_start3A_83] : memref<3276800x16xf32, #tpu.memory_space<hbm>> -> memref<2048x16xf32, #tpu.memory_space<hbm>>
      tpu.enqueue_dma source(%arg8 : memref<2048x16xf32, #tpu.memory_space<vmem>>) target(%dma_start3A_84 : memref<2048x16xf32, #tpu.memory_space<hbm>>) target_semaphore(%arg14 : memref<!tpu.dma_semaphore, #tpu.memory_space<semaphore_mem>>)
      %ne3A_85 = arith.constant 24 : i32
      %ne3A_86 = arith.cmpi ne, %scan3A_26, %ne3A_85 : i32
      %convert_element_type3A_87 = arith.extui %ne3A_86 : i1 to i32
      %cond3A_88 = arith.constant 0 : i32
      %cond3A_89 = arith.cmpi ne, %convert_element_type3A_87, %cond3A_88 : i32
      scf.if %cond3A_89 {
        %add3A_90 = arith.constant 2 : i32
        %add3A_91 = arith.addi %add3A_74, %add3A_90 : i32
        %mul3A_92 = arith.constant 2048 : i32
        %mul3A_93 = arith.muli %add3A_91, %mul3A_92 : i32
        %add3A_94 = arith.addi %mul3A_2, %mul3A_93 : i32
        %dma_start3A_95 = tpu.memref_slice %arg2[%add3A_94] : memref<3276800xi32, #tpu.memory_space<hbm>> -> memref<2048xi32, #tpu.memory_space<hbm>>
        %dma_start3A_96 = tpu.memref_slice %arg2[%add3A_94] : memref<3276800xi32, #tpu.memory_space<hbm>> -> memref<2048xi32, #tpu.memory_space<hbm>>
        tpu.enqueue_dma source(%dma_start3A_96 : memref<2048xi32, #tpu.memory_space<hbm>>) target(%arg6 : memref<2048xi32, #tpu.memory_space<vmem>>) target_semaphore(%arg10 : memref<!tpu.dma_semaphore, #tpu.memory_space<semaphore_mem>>)
      } else {
      }
    }
    %scan3A_14 = arith.constant 25 : i32
    %add3A_15 = arith.constant 98304 : i32
    %add3A_16 = arith.addi %mul3A_2, %add3A_15 : i32
    %dma_wait3A = arith.constant 0 : i32
    %dma_wait3A_17 = tpu.memref_slice %arg4[%add3A_16, %dma_wait3A] : memref<3276800x16xf32, #tpu.memory_space<hbm>> -> memref<2048x16xf32, #tpu.memory_space<hbm>>
    %dma_wait3A_18 = arith.constant 0 : i32
    %dma_wait3A_19 = tpu.memref_slice %arg4[%add3A_16, %dma_wait3A_18] : memref<3276800x16xf32, #tpu.memory_space<hbm>> -> memref<2048x16xf32, #tpu.memory_space<hbm>>
    tpu.wait_dma2 semaphore(%arg13 : memref<!tpu.dma_semaphore, #tpu.memory_space<semaphore_mem>>) src(%arg7 : memref<2048x16xf32, #tpu.memory_space<vmem>>) dst(%dma_wait3A_19 : memref<2048x16xf32, #tpu.memory_space<hbm>>)
    %add3A_20 = arith.constant 100352 : i32
    %add3A_21 = arith.addi %mul3A_2, %add3A_20 : i32
    %dma_wait3A_22 = arith.constant 0 : i32
    %dma_wait3A_23 = tpu.memref_slice %arg4[%add3A_21, %dma_wait3A_22] : memref<3276800x16xf32, #tpu.memory_space<hbm>> -> memref<2048x16xf32, #tpu.memory_space<hbm>>
    %dma_wait3A_24 = arith.constant 0 : i32
    %dma_wait3A_25 = tpu.memref_slice %arg4[%add3A_21, %dma_wait3A_24] : memref<3276800x16xf32, #tpu.memory_space<hbm>> -> memref<2048x16xf32, #tpu.memory_space<hbm>>
    tpu.wait_dma2 semaphore(%arg14 : memref<!tpu.dma_semaphore, #tpu.memory_space<semaphore_mem>>) src(%arg8 : memref<2048x16xf32, #tpu.memory_space<vmem>>) dst(%dma_wait3A_25 : memref<2048x16xf32, #tpu.memory_space<hbm>>)
    return
  }
}

</mosaic_0001>

<sc_bundles>
// kernel: kernel.4.cloned.1.call-start
scs
__scs_entry_jumppad:
0x0: {  	(pc) =	sbr.rel $0x88, $3  }
0x1: {  	(tag) =	ssettag $0x0;
	lr =	simm.s32 $0x1  }
0x2: {  	[smem:$0x3F9F] =	sst lr;
	_ =	strace $0xD0000000  }
0x3: {  	_ = 	snop  }
0x4: {  	_ = 	snop  }
0x5: {  	_ = 	snop  }
0x6: {  	_ = 	snop  }
0x7: {  	_ = 	snop  }
__scs_overlays_trampoline_lowered:
0x8: {  	[smem:$0x3FAE] =	sst s0  }
0x9: {  	[smem:$0x3FAF] =	sst s1  }
0xa: {  	[smem:$0x3FB0] =	sst s2  }
0xb: {  	[smem:$0x3FB1] =	sst s3  }
0xc: {  	[smem:$0x3FB2] =	sst s4  }
0xd: {  	[smem:$0x3FB3] =	sst s5  }
0xe: {  	[smem:$0x3FB4] =	sst s6  }
0xf: {  	[smem:$0x3FB5] =	sst s7  }
0x10: {  	[smem:$0x3FB6] =	sst s8  }
0x11: {  	[smem:$0x3FB7] =	sst s9;
	s0 =	simm.s32 @!p0 $0x0  }
0x12: {  	s1 =	sld [smem:$0x3F9D];
	s0 =	simm.s32 @p0 $0x1  }
0x13: {  	[smem:$0x3FB8] =	sst s0;
	s0 =	simm.s32 @!p1 $0x0  }
0x14: {  	s2 =	sld [smem:$0x3F9C];
	s0 =	simm.s32 @p1 $0x1  }
0x15: {  	[smem:$0x3FB9] =	sst s0;
	s0 =	simm.s32 @!p2 $0x0  }
0x16: {  	s3 =	sld [smem:$0x3FDB];
	s0 =	simm.s32 @p2 $0x1  }
0x17: {  	s4 =	simm.s32 $0x1BF5;
	[smem:$0x3FBB] =	sst s0  }
0x18: {  	s0 =	sld [smem:$0x3F9E];
	_ =	swait.ge [sflag:s4], $0x0  }
0x19: {  	s7 =	sld [smem:$0x3F9F]  }
0x1a: {  	s8 =	sadd.s32 $0xFFFFE003, lr  }
0x1b: {  	s9 =	sadd.s32 $0xFFFFFEF7, lr;
	s5 =	simm.s32 $0xFFFFFFFF;
	p2 =	slt.u32 s8, $0xFFFFF086  }
0x1c: {  	p1 =	slt.u32 s9, $0xF7A;
	s5 =	simm.s32 @!p2 $0x0  }
0x1d: {  	s5 =	simm.s32 @p1 $0x1;
	p0 =	seq.s32 s7, s2  }
0x1e: {  	s7 =	smul.u32 @!p0 $0xF7A, s2;
	p2 =	seq.s32 @!p0 s5, $0x0  }
0x1f: {  	s9 =	smul.u32 $0xF7A, s1;
	s8 =	simm.s32 @!p0 $0x1BF5;
	p2 =	por !p2, p0  }
0x20: {  	[sflag:s8] =	ssyncset.s32 @!p0 $0xFFFFF086;
	s6 =	sadd.s32 @!p0 s3, s7;
	s7 =	simm.s32 @!p0 $0x108  }
0x21: {  	s3 =	sadd.s32 s3, s9;
	s6 =	sadd.s32 @!p0 $0x88, s6;
	s7 =	simm.s32 @p2 $0x1082  }
0x22: {  	[simem:s7], [sflag:s8] =	dma.local @!p0 [hbm:s6], $0xF7A  }
0x23: {  	s9 =	sor.u32 $0xD0000000, s2;
	s6 =	simm.s32 $0x108;
	_ =	swait.ge @!p0 [sflag:s8], $0x0  }
0x24: {  	s3 =	sadd.s32 $0x88, s3;
	s6 =	simm.s32 @!p1 $0x1082;
	[sflag:s4] =	ssyncset.s32 $0xFFFFF086  }
0x25: {  	[simem:s6], [sflag:s4] =	dma.local [hbm:s3], $0xF7A  }
0x26: {  	[smem:$0x3F9F] =	sst s1;
	(tag) =	ssettag s2;
	_ =	strace s9  }
0x27: {  	s1 =	sld [smem:$0x3FAF]  }
0x28: {  	s2 =	sld [smem:$0x3FB0]  }
0x29: {  	s4 =	sld [smem:$0x3FB2]  }
0x2a: {  	p0 =	seq.s32 s5, $0x0;
	s5 =	sld [smem:$0x3FB3]  }
0x2b: {  	s6 =	sld [smem:$0x3FB4]  }
0x2c: {  	s7 =	sld [smem:$0x3FB5]  }
0x2d: {  	s3 =	simm.s32 $0x108;
	s8 =	sld [smem:$0x3FB6]  }
0x2e: {  	s3 =	simm.s32 @!p0 $0x1082;
	s9 =	sld [smem:$0x3FB7]  }
0x2f: {  	lr =	sadd.s32 s0, s3;
	s0 =	sld [smem:$0x3FAE]  }
0x30: {  	s3 =	sld [smem:$0x3FB1]  }
0x31: {  	[smem:$0x3FBA] =	sst s10  }
0x32: {  	s10 =	sld [smem:$0x3FB8];
	_ =	sdelay $0x3  }
0x33: {  	p0 =	seq.s32 s10, $0x1;
	s10 =	sld [smem:$0x3FBA];
	_ =	sdelay $0x3  }
0x34: {  	[smem:$0x3FBA] =	sst s10  }
0x35: {  	s10 =	sld [smem:$0x3FB9];
	_ =	sdelay $0x3  }
0x36: {  	p1 =	seq.s32 s10, $0x1;
	s10 =	sld [smem:$0x3FBA];
	_ =	sdelay $0x3  }
0x37: {  	[smem:$0x3FBA] =	sst s10  }
0x38: {  	s10 =	sld [smem:$0x3FBB]  }
0x39: {  	_ = 	snop;
	(pc) =	sbr.ind lr, $3  }
0x3a: {  	_ = 	snop  }
0x3b: {  	_ = 	snop  }
0x3c: {  	p2 =	seq.s32 s10, $0x1;
	s10 =	sld [smem:$0x3FBA]  }
0x3d: {  	_ =	shalt  }
0x3e: {  	_ =	shalt  }
0x3f: {  	_ =	shalt  }
0x40: {  	_ =	shalt  }
0x41: {  	_ =	shalt  }
0x42: {  	_ =	shalt  }
0x43: {  	_ =	shalt  }
0x44: {  	_ =	shalt  }
0x45: {  	_ =	shalt  }
0x46: {  	_ =	shalt  }
0x47: {  	_ =	shalt  }
0x48: {  	_ =	shalt  }
0x49: {  	_ =	shalt  }
0x4a: {  	_ =	shalt  }
0x4b: {  	_ =	shalt  }
0x4c: {  	_ =	shalt  }
0x4d: {  	_ =	shalt  }
0x4e: {  	_ =	shalt  }
0x4f: {  	_ =	shalt  }
0x50: {  	_ =	shalt  }
0x51: {  	_ =	shalt  }
0x52: {  	_ =	shalt  }
0x53: {  	_ =	shalt  }
0x54: {  	_ =	shalt  }
0x55: {  	_ =	shalt  }
0x56: {  	_ =	shalt  }
0x57: {  	_ =	shalt  }
0x58: {  	_ =	shalt  }
0x59: {  	_ =	shalt  }
0x5a: {  	_ =	shalt  }
0x5b: {  	_ =	shalt  }
0x5c: {  	_ =	shalt  }
0x5d: {  	_ =	shalt  }
0x5e: {  	_ =	shalt  }
0x5f: {  	_ =	shalt  }
0x60: {  	_ =	shalt  }
0x61: {  	_ =	shalt  }
0x62: {  	_ =	shalt  }
0x63: {  	_ =	shalt  }
0x64: {  	_ =	shalt  }
0x65: {  	_ =	shalt  }
0x66: {  	_ =	shalt  }
0x67: {  	_ =	shalt  }
0x68: {  	_ =	shalt  }
0x69: {  	_ =	shalt  }
0x6a: {  	_ =	shalt  }
0x6b: {  	_ =	shalt  }
0x6c: {  	_ =	shalt  }
0x6d: {  	_ =	shalt  }
0x6e: {  	_ =	shalt  }
0x6f: {  	_ =	shalt  }
0x70: {  	_ =	shalt  }
0x71: {  	_ =	shalt  }
0x72: {  	_ =	shalt  }
0x73: {  	_ =	shalt  }
0x74: {  	_ =	shalt  }
0x75: {  	_ =	shalt  }
0x76: {  	_ =	shalt  }
0x77: {  	_ =	shalt  }
0x78: {  	_ =	shalt  }
0x79: {  	_ =	shalt  }
0x7a: {  	_ =	shalt  }
0x7b: {  	_ =	shalt  }
0x7c: {  	_ =	shalt  }
0x7d: {  	_ =	shalt  }
0x7e: {  	_ =	shalt  }
0x7f: {  	_ =	shalt  }
0x80: {  	_ =	shalt  }
0x81: {  	_ =	shalt  }
0x82: {  	_ =	shalt  }
0x83: {  	_ =	shalt  }
0x84: {  	_ =	shalt  }
0x85: {  	_ =	shalt  }
0x86: {  	_ =	shalt  }
0x87: {  	_ =	shalt  }
.Lfunc_end0:
.L_simem_size_0:
called_computation_lowered:
.L_overlay_start_0:
0x88: {  	s2 =	sld [smem:$0x3FD9]  }
0x89: {  	s3 =	sld [smem:$0x3FFE];
	_ =	sdelay $0x1  }
0x8a: {  	s1 =	srdreg.scid  }
0x8b: {  	s0 =	sand.u32 $0x1, s1  }
0x8c: {  	s17 =	sshll.u32 s0, $0xA;
	s2 =	sadd.s32 s3, s2  }
0x8d: {  	s2 =	sadd.s32 s2, s17  }
0x8e: {  	[smem:$0x3FC6] =	sst s2  }
0x8f: {  	_ = 	snop  }
0x90: {  	s2 =	sld [smem:$0x3FD0];
	(tm) =	ssettm $0x1  }
0x91: {  	s18 =	sld [smem:$0x3FFB];
	_ =	sdelay $0x3  }
0x92: {  	_ =	strace s18  }
0x93: {  	s3 =	sld [smem:$0x3FFC];
	_ =	sdelay $0x3  }
0x94: {  	_ =	strace s3  }
0x95: {  	s3 =	sld [smem:$0x3FFD];
	_ =	sdelay $0x3  }
0x96: {  	_ =	strace s3  }
0x97: {  	_ =	strace $0x8FFFFFFF  }
0x98: {  	s19 =	sld [smem:$0x3FDB];
	_ =	sdelay $0x1  }
0x99: {  	s4 =	simm.s32 $_scs_section_size  }
0x9a: {  	s5 =	simm.s32 $_size__tile_overlayer_lowered;
	s6 =	simm.s32 $_tile_overlayer_lowered  }
0x9b: {  	s22 =	simm.s32 $0x1BFF;
	s21 =	sshll.u32 s6, $0x1;
	s3 =	sadd.s32 s4, s19  }
0x9c: {  	s7 =	simm.s32 $0x0;
	s20 =	sshll.u32 s5, $0x1;
	s5 =	sadd.s32 s21, s3  }
0x9d: {  	[timem:s7], [sflag:s22] =	dma.local [hbm:s5], s20  }
0x9e: {  	_ =	swait.ge [sflag:s22], s20  }
0x9f: {  	s4 =	ssub.s32 $0x0, s20;
	[sflag:s22] =	ssyncset.done $0x0  }
0xa0: {  	[sflag:s22] =	ssyncadd.s32 s4;
	_ =	sdelay $0x1  }
0xa1: {  	s23 =	simm.s32 $0x1B8B  }
0xa2: {  	_ =	swait.ge [sflag:s23], $0x1  }
0xa3: {  	[sflag:s23] =	ssyncset.done $0x0  }
0xa4: {  	s25 =	simm.s32 $0x1B8E;
	s24 =	sld [smem:$0x3FFE];
	[sflag:s23] =	ssyncadd.s32 $0xFFFFFFFF  }
0xa5: {  	s26 =	simm.s32 $execute0_lowered;
	[smem:$0x3FD2] =	sst s25  }
0xa6: {  	s5 =	sshll.u32 s26, $0x1;
	_ =	strace $0x80000046;
	[dreg:$0x1] =	wrdreg $0xFFFFFFFF  }
0xa7: {  	s28 =	simm.s32 $_size_execute0_lowered;
	s3 =	sadd.s32 s3, s5;
	[dreg:$0x0] =	wrdreg $0x0  }
0xa8: {  	s5 =	sshll.u32 s28, $0x1;
	[dreg:$0x2] =	wrdreg s3  }
0xa9: {  	[dreg:$0x3] =	wrdreg s5  }
0xaa: {  	[dreg:$0x4] =	wrdreg $0xC0  }
0xab: {  	_ =	task [dreg:s7], $0x5FFFF  }
0xac: {  	[dreg:$0x1] =	wrdreg $0xFFFFFFFF  }
0xad: {  	[dreg:$0x0] =	wrdreg $0x60  }
0xae: {  	[dreg:$0x2] =	wrdreg s24  }
0xaf: {  	[dreg:$0x3] =	wrdreg s2  }
0xb0: {  	[dreg:$0x4] =	wrdreg $0x9  }
0xb1: {  	_ =	task.clear_ibuf [dreg:s7], $0x5FFFF;
	_ =	strace $0x90000046  }
0xb2: {  	s29 =	simm.s32 $0x9;
	_ =	strace $0x80000048  }
0xb3: {  	_ =	swait.ge [sflag:s29], $0x1  }
0xb4: {  	[sflag:s29] =	ssyncadd.s32 $0xFFFFFFFF  }
0xb5: {  	_ =	strace $0x90000048  }
0xb6: {  	_ =	sfence  }
0xb7: {  	s30 =	sld [smem:$0x0];
	_ =	sdelay $0x2  }
0xb8: {  	s31 =	sshll.u32 s1, $0xD;
	s1 =	sshrl.u32 s1, $0x2  }
0xb9: {  	s3 =	sand.u32 $0x4000, s31;
	s1 =	sadd.s32 s1, s30  }
0xba: {  	s0 =	sor.u32 s3, s0;
	s1 =	sshll.u32 s1, $0x11  }
0xbb: {  	s0 =	sor.u32 s1, s0  }
0xbc: {  	s0 =	sadd.s32 $0x8F2B, s0  }
0xbd: {  	[sflag:s0] =	ssyncadd.remote.s32 $0x1  }
0xbe: {  	_ =	sfence.sel $0xFFFF  }
0xbf: {  	[dreg:$0x0] =	wrdreg $0xFFFFFFFF;
	(pc) =	sbr.abs _section_cstart, $3  }
0xc0: {  	[dreg:$0x1] =	wrdreg $0xFFFFFFFF  }
0xc1: {  	_ =	task.clear_ibuf [dreg:s7], $0x2FFFF;
	_ =	strace $0x9FFFFFFF  }
0xc2: {  	(tm) =	ssettm $0x7FFFFFFF  }
0xc3: {  	_ =	shalt  }
tec
execute0_lowered:
.L_overlay_start_1:
0x0: {  	(tag) =	ssettag $0x1  }
0x1: {  	s4 =	rddreg [dreg:$0x0];
	s1 =	srdreg.scid  }
0x2: {  	s0 =	stileid.u32;
	s2 =	rddreg [dreg:$0x1];
	s3 =	simm.s32 $0x0  }
0x3: {  	s18 =	simm.s32 $0x1000;
	s19 =	simm.s32 $0x2;
	s20 =	simm.s32 $0x9000  }
0x4: {  	s21 =	simm.s32 $0x3;
	s22 =	simm.s32 $0x4;
	s23 =	simm.s32 $0x5  }
0x5: {  	s24 =	simm.s32 $0x6;
	s25 =	simm.s32 $0x0;
	s11 =	smul.u32 $0x320000, s0  }
0x6: {  	s8 =	sand.u32 $0x1, s1;
	s1 =	rddreg [dreg:$0x2];
	s13 =	smul.u32 $0x32000, s0  }
0x7: {  	s5 =	sshll.u32 s0, $0x1;
	[smem:$0x7FF] =	sst s3;
	s12 =	smul.u32 $0x190000, s8  }
0x8: {  	s14 =	sadd.s32 $0x800, s4;
	s5 =	sor.u32 s8, s5;
	s15 =	smul.u32 $0x19000, s8  }
0x9: {  	s4 =	sadd.s32 $0xFA6C00, s4;
	s7 =	ssub.s32 $0x2, s8;
	s6 =	smul.u32 $0x19000, s5  }
0xa: {  	_ =	strace $0x80000047;
	s9 =	smul.u32 $0x190000, s5;
	s29 =	sshrl.u32 s7, $0x1  }
0xb: {  	s10 =	smul.u32 $0x32000, s5;
	s7 =	ssub.s32 s7, s29;
	s12 =	sadd.s32 s12, s11  }
0xc: {  	s13 =	sadd.s32 s15, s13;
	s28 =	sshrl.u32 s6, $0x3;
	s7 =	smax.u32 s7, $0x1  }
0xd: {  	s9 =	sshrl.u32 s9, $0x3;
	s10 =	sadd.s32 s10, s2;
	s12 =	sadd.s32 $0x10000, s12  }
0xe: {  	s15 =	sadd.s32 $0x2800, s13;
	s16 =	sadd.s32 $0x2000, s13;
	s17 =	sshll.u32 s13, $0x1  }
.Ltmp0:
0xf: {  	s5 =	sadd.s32 s14, s28;
	s8 =	sadd.s32 s2, s9;
	(pc) =	sbr.rel .LBB2_1-.Ltmp0, $4  }
0x10: {  	s10 =	sadd.s32 $0x1000, s10;
	s15 =	sshrl.u32 s15, $0x3;
	s30 =	sshrl.u32 s16, $0x3  }
0x11: {  	s31 =	sadd.s32 s2, s17;
	s16 =	simm.s32 $0x800;
	s17 =	simm.s32 $0x1  }
0x12: {  	s6 =	sadd.s32 $0x100, s5;
	s9 =	sadd.s32 $0x200, s5;
	s11 =	sadd.s32 $0x300, s5  }
0x13: {  	s13 =	sadd.s32 s15, s14;
	s14 =	sadd.s32 s30, s14;
	s15 =	sadd.s32 $0x3000, s31  }
.LBB2_4:
0x14: {  	_ =	swait.ge [sflag:s22], $0x8000  }
0x15: {  	[sflag:s22] =	ssyncset.done $0x0  }
0x16: {  	s25 =	sadd.s32 $0x1, s25;
	[sflag:s22] =	ssyncadd.s32 $0xFFFF8000  }
0x17: {  	[hbm4b:s26+s3] =	stream.linear.scatter [tilespmem:s20], [sflag:$0x6], $0x8000, $0x38;
	[tilespmem:$0x11000] =	vst v63  }
0x18: {  	p0 =	sne.s32 s25, s7;
	_ =	swait.ge [sflag:s23], $0x8000  }
.Ltmp1:
0x19: {  	[sflag:s23] =	ssyncset.done $0x0;
	(pc) =	sbr.rel @!p0 .LBB2_5-.Ltmp1, $4  }
0x1a: {  	[sflag:s23] =	ssyncadd.s32 $0xFFFF8000  }
0x1b: {  	_ =	swait.ge [sflag:s24], $0x8000  }
0x1c: {  	[sflag:s24] =	ssyncset.done $0x0  }
0x1d: {  	[sflag:s24] =	ssyncadd.s32 $0xFFFF8000  }
.LBB2_1:
0x1e: {  	[tilespmem:s3], [sflag:$0x1] =	stream.linear.gather [hbm4b:s5+s3], $0x800, $0x38;
	[tilespmem:$0x11000] =	vst v63  }
0x1f: {  	_ = 	snop  }
0x20: {  	[tilespmem:s16], [sflag:$0x2] =	stream.linear.gather [hbm4b:s6+s3], $0x800, $0x38;
	[tilespmem:$0x11000] =	vst v63  }
0x21: {  	_ =	swait.ge [sflag:s17], $0x800  }
0x22: {  	[sflag:s17] =	ssyncset.done $0x0  }
0x23: {  	[sflag:s17] =	ssyncadd.s32 $0xFFFFF800  }
0x24: {  	[tilespmem:s18], [sflag:$0x3] =	stream.indirect.gather [hbm4b:s4+s16], $0x10, s3, s16, $0xb8;
	[tilespmem:$0x11000] =	vst v63  }
0x25: {  	_ =	swait.ge [sflag:s19], $0x800  }
0x26: {  	[sflag:s19] =	ssyncset.done $0x0  }
0x27: {  	[sflag:s19] =	ssyncadd.s32 $0xFFFFF800  }
0x28: {  	[tilespmem:s20], [sflag:$0x4] =	stream.indirect.gather [hbm4b:s4+s16], $0x10, s16, s16, $0xb8;
	[tilespmem:$0x11000] =	vst v63  }
0x29: {  	_ =	swait.ge [sflag:s21], $0x8000  }
0x2a: {  	[sflag:s21] =	ssyncset.done $0x0  }
0x2b: {  	[sflag:s21] =	ssyncadd.s32 $0xFFFF8000  }
0x2c: {  	[hbm4b:s8+s3] =	stream.linear.scatter [tilespmem:s18], [sflag:$0x5], $0x8000, $0x38;
	[tilespmem:$0x11000] =	vst v63  }
0x2d: {  	_ = 	snop  }
0x2e: {  	[tilespmem:s3], [sflag:$0x1] =	stream.linear.gather [hbm4b:s9+s3], $0x800, $0x38;
	[tilespmem:$0x11000] =	vst v63  }
0x2f: {  	_ =	swait.ge [sflag:s22], $0x8000  }
0x30: {  	[sflag:s22] =	ssyncset.done $0x0  }
0x31: {  	[sflag:s22] =	ssyncadd.s32 $0xFFFF8000  }
0x32: {  	[hbm4b:s10+s3] =	stream.linear.scatter [tilespmem:s20], [sflag:$0x6], $0x8000, $0x38;
	[tilespmem:$0x11000] =	vst v63  }
0x33: {  	s26 =	smov.u32 s15;
	s28 =	simm.s32 $0x0;
	s29 =	smov.u32 s12  }
0x34: {  	[tilespmem:s16], [sflag:$0x2] =	stream.linear.gather [hbm4b:s11+s3], $0x800, $0x38;
	[tilespmem:$0x11000] =	vst v63  }
.LBB2_2:
0x35: {  	_ =	swait.ge [sflag:s17], $0x800  }
0x36: {  	[sflag:s17] =	ssyncset.done $0x0  }
0x37: {  	[sflag:s17] =	ssyncadd.s32 $0xFFFFF800  }
0x38: {  	_ =	swait.ge [sflag:s23], $0x8000  }
0x39: {  	[sflag:s23] =	ssyncset.done $0x0  }
0x3a: {  	[sflag:s23] =	ssyncadd.s32 $0xFFFF8000  }
0x3b: {  	[tilespmem:s18], [sflag:$0x3] =	stream.indirect.gather [hbm4b:s4+s16], $0x10, s3, s16, $0xb8;
	[tilespmem:$0x11000] =	vst v63  }
0x3c: {  	_ =	swait.ge [sflag:s19], $0x800  }
0x3d: {  	[sflag:s19] =	ssyncset.done $0x0  }
0x3e: {  	[sflag:s19] =	ssyncadd.s32 $0xFFFFF800  }
0x3f: {  	_ =	swait.ge [sflag:s24], $0x8000  }
0x40: {  	[sflag:s24] =	ssyncset.done $0x0  }
0x41: {  	p0 =	seq.s32 s28, $0x2E00;
	[sflag:s24] =	ssyncadd.s32 $0xFFFF8000  }
0x42: {  	[tilespmem:s20], [sflag:$0x4] =	stream.indirect.gather [hbm4b:s4+s16], $0x10, s16, s16, $0xb8;
	[tilespmem:$0x11000] =	vst v63  }
.Ltmp2:
0x43: {  	_ = 	snop;
	(pc) =	sbr.rel @p0 .LBB2_4-.Ltmp2, $4  }
0x44: {  	_ =	swait.ge [sflag:s21], $0x8000  }
0x45: {  	s30 =	sshrl.u32 s29, $0x3;
	[sflag:s21] =	ssyncset.done $0x0  }
0x46: {  	s30 =	sadd.s32 s2, s30;
	[sflag:s21] =	ssyncadd.s32 $0xFFFF8000  }
0x47: {  	[hbm4b:s30+s3] =	stream.linear.scatter [tilespmem:s18], [sflag:$0x5], $0x8000, $0x38;
	[tilespmem:$0x11000] =	vst v63  }
0x48: {  	s30 =	sadd.s32 s28, s14  }
0x49: {  	[tilespmem:s3], [sflag:$0x1] =	stream.linear.gather [hbm4b:s30+s3], $0x800, $0x38;
	[tilespmem:$0x11000] =	vst v63  }
0x4a: {  	_ =	swait.ge [sflag:s22], $0x8000  }
.Ltmp3:
0x4b: {  	[sflag:s22] =	ssyncset.done $0x0;
	(pc) =	sbr.rel .LBB2_2-.Ltmp3, $4  }
0x4c: {  	s31 =	sadd.s32 s28, s13;
	[sflag:s22] =	ssyncadd.s32 $0xFFFF8000  }
0x4d: {  	[hbm4b:s26+s3] =	stream.linear.scatter [tilespmem:s20], [sflag:$0x6], $0x8000, $0x38;
	[tilespmem:$0x11000] =	vst v63  }
0x4e: {  	s29 =	sadd.s32 $0x10000, s29;
	s28 =	sadd.s32 $0x200, s28;
	s26 =	sadd.s32 $0x2000, s26  }
0x4f: {  	[tilespmem:s16], [sflag:$0x2] =	stream.linear.gather [hbm4b:s31+s3], $0x800, $0x38;
	[tilespmem:$0x11000] =	vst v63  }
.LBB2_5:
0x50: {  	_ =	sfence.sel $0x180000  }
0x51: {  	[bflag:$0x0] =	sbarrier.arrive $0xFFFF  }
0x52: {  	p0 =	sne.s32 s0, $0x0;
	_ =	strace $0x90000047  }
0x53: {  	s0 =	sadd.s32 @!p0 $0x100000, s1;
	[bflag:$0x2] =	sbarrier.arrive $0xFFFF  }
0x54: {  	[sflag:s0] =	ssyncadd.tile.s32 @!p0 $0x1;
	_ =	shalt  }
.Lfunc_end2:
_tile_overlayer_lowered:
.L_overlay_start_2:
0x55: {  	(tag) =	ssettag $0x2  }
0x56: {  	s0 =	rddreg [dreg:$0x0];
	s2 =	stileid.u32  }
0x57: {  	s1 =	rddreg [dreg:$0x1];
	p0 =	sne.s32 s2, $0x0  }
0x58: {  	s3 =	rddreg [dreg:$0x2];
	[bflag:$0x3] =	sbarrier.arrive $0xFFFF;
	s2 =	simm.s32 @!p0 $0x1C07  }
0x59: {  	[timem:s3], [sflag:s2] =	dma.local @!p0 [hbm:s0], s1  }
0x5a: {  	s0 =	simm.s32 @!p0 $0x7  }
0x5b: {  	_ =	swait.ge @!p0 [sflag:s0], s1  }
0x5c: {  	s1 =	ssub.s32 @!p0 $0x0, s1;
	[sflag:s0] =	ssyncset.done @!p0 $0x0  }
0x5d: {  	[sflag:s0] =	ssyncadd.s32 @!p0 s1  }
0x5e: {  	[bflag:$0x3] =	sbarrier.arrive $0xFFFF  }
0x5f: {  	_ =	shalt  }

// kernel: kernel.7.cloned.1.call-start
scs
__scs_entry_jumppad:
0x0: {  	(pc) =	sbr.rel $0x88, $3  }
0x1: {  	(tag) =	ssettag $0x0;
	lr =	simm.s32 $0x1  }
0x2: {  	[smem:$0x3F9F] =	sst lr;
	_ =	strace $0xD0000000  }
0x3: {  	_ = 	snop  }
0x4: {  	_ = 	snop  }
0x5: {  	_ = 	snop  }
0x6: {  	_ = 	snop  }
0x7: {  	_ = 	snop  }
__scs_overlays_trampoline_lowered:
0x8: {  	[smem:$0x3FAE] =	sst s0  }
0x9: {  	[smem:$0x3FAF] =	sst s1  }
0xa: {  	[smem:$0x3FB0] =	sst s2  }
0xb: {  	[smem:$0x3FB1] =	sst s3  }
0xc: {  	[smem:$0x3FB2] =	sst s4  }
0xd: {  	[smem:$0x3FB3] =	sst s5  }
0xe: {  	[smem:$0x3FB4] =	sst s6  }
0xf: {  	[smem:$0x3FB5] =	sst s7  }
0x10: {  	[smem:$0x3FB6] =	sst s8  }
0x11: {  	[smem:$0x3FB7] =	sst s9;
	s0 =	simm.s32 @!p0 $0x0  }
0x12: {  	s1 =	sld [smem:$0x3F9D];
	s0 =	simm.s32 @p0 $0x1  }
0x13: {  	[smem:$0x3FB8] =	sst s0;
	s0 =	simm.s32 @!p1 $0x0  }
0x14: {  	s2 =	sld [smem:$0x3F9C];
	s0 =	simm.s32 @p1 $0x1  }
0x15: {  	[smem:$0x3FB9] =	sst s0;
	s0 =	simm.s32 @!p2 $0x0  }
0x16: {  	s3 =	sld [smem:$0x3FDB];
	s0 =	simm.s32 @p2 $0x1  }
0x17: {  	s4 =	simm.s32 $0x1BF5;
	[smem:$0x3FBB] =	sst s0  }
0x18: {  	s0 =	sld [smem:$0x3F9E];
	_ =	swait.ge [sflag:s4], $0x0  }
0x19: {  	s7 =	sld [smem:$0x3F9F]  }
0x1a: {  	s8 =	sadd.s32 $0xFFFFE003, lr  }
0x1b: {  	s9 =	sadd.s32 $0xFFFFFEF7, lr;
	s5 =	simm.s32 $0xFFFFFFFF;
	p2 =	slt.u32 s8, $0xFFFFF086  }
0x1c: {  	p1 =	slt.u32 s9, $0xF7A;
	s5 =	simm.s32 @!p2 $0x0  }
0x1d: {  	s5 =	simm.s32 @p1 $0x1;
	p0 =	seq.s32 s7, s2  }
0x1e: {  	s7 =	smul.u32 @!p0 $0xF7A, s2;
	p2 =	seq.s32 @!p0 s5, $0x0  }
0x1f: {  	s9 =	smul.u32 $0xF7A, s1;
	s8 =	simm.s32 @!p0 $0x1BF5;
	p2 =	por !p2, p0  }
0x20: {  	[sflag:s8] =	ssyncset.s32 @!p0 $0xFFFFF086;
	s6 =	sadd.s32 @!p0 s3, s7;
	s7 =	simm.s32 @!p0 $0x108  }
0x21: {  	s3 =	sadd.s32 s3, s9;
	s6 =	sadd.s32 @!p0 $0x88, s6;
	s7 =	simm.s32 @p2 $0x1082  }
0x22: {  	[simem:s7], [sflag:s8] =	dma.local @!p0 [hbm:s6], $0xF7A  }
0x23: {  	s9 =	sor.u32 $0xD0000000, s2;
	s6 =	simm.s32 $0x108;
	_ =	swait.ge @!p0 [sflag:s8], $0x0  }
0x24: {  	s3 =	sadd.s32 $0x88, s3;
	s6 =	simm.s32 @!p1 $0x1082;
	[sflag:s4] =	ssyncset.s32 $0xFFFFF086  }
0x25: {  	[simem:s6], [sflag:s4] =	dma.local [hbm:s3], $0xF7A  }
0x26: {  	[smem:$0x3F9F] =	sst s1;
	(tag) =	ssettag s2;
	_ =	strace s9  }
0x27: {  	s1 =	sld [smem:$0x3FAF]  }
0x28: {  	s2 =	sld [smem:$0x3FB0]  }
0x29: {  	s4 =	sld [smem:$0x3FB2]  }
0x2a: {  	p0 =	seq.s32 s5, $0x0;
	s5 =	sld [smem:$0x3FB3]  }
0x2b: {  	s6 =	sld [smem:$0x3FB4]  }
0x2c: {  	s7 =	sld [smem:$0x3FB5]  }
0x2d: {  	s3 =	simm.s32 $0x108;
	s8 =	sld [smem:$0x3FB6]  }
0x2e: {  	s3 =	simm.s32 @!p0 $0x1082;
	s9 =	sld [smem:$0x3FB7]  }
0x2f: {  	lr =	sadd.s32 s0, s3;
	s0 =	sld [smem:$0x3FAE]  }
0x30: {  	s3 =	sld [smem:$0x3FB1]  }
0x31: {  	[smem:$0x3FBA] =	sst s10  }
0x32: {  	s10 =	sld [smem:$0x3FB8];
	_ =	sdelay $0x3  }
0x33: {  	p0 =	seq.s32 s10, $0x1;
	s10 =	sld [smem:$0x3FBA];
	_ =	sdelay $0x3  }
0x34: {  	[smem:$0x3FBA] =	sst s10  }
0x35: {  	s10 =	sld [smem:$0x3FB9];
	_ =	sdelay $0x3  }
0x36: {  	p1 =	seq.s32 s10, $0x1;
	s10 =	sld [smem:$0x3FBA];
	_ =	sdelay $0x3  }
0x37: {  	[smem:$0x3FBA] =	sst s10  }
0x38: {  	s10 =	sld [smem:$0x3FBB]  }
0x39: {  	_ = 	snop;
	(pc) =	sbr.ind lr, $3  }
0x3a: {  	_ = 	snop  }
0x3b: {  	_ = 	snop  }
0x3c: {  	p2 =	seq.s32 s10, $0x1;
	s10 =	sld [smem:$0x3FBA]  }
0x3d: {  	_ =	shalt  }
0x3e: {  	_ =	shalt  }
0x3f: {  	_ =	shalt  }
0x40: {  	_ =	shalt  }
0x41: {  	_ =	shalt  }
0x42: {  	_ =	shalt  }
0x43: {  	_ =	shalt  }
0x44: {  	_ =	shalt  }
0x45: {  	_ =	shalt  }
0x46: {  	_ =	shalt  }
0x47: {  	_ =	shalt  }
0x48: {  	_ =	shalt  }
0x49: {  	_ =	shalt  }
0x4a: {  	_ =	shalt  }
0x4b: {  	_ =	shalt  }
0x4c: {  	_ =	shalt  }
0x4d: {  	_ =	shalt  }
0x4e: {  	_ =	shalt  }
0x4f: {  	_ =	shalt  }
0x50: {  	_ =	shalt  }
0x51: {  	_ =	shalt  }
0x52: {  	_ =	shalt  }
0x53: {  	_ =	shalt  }
0x54: {  	_ =	shalt  }
0x55: {  	_ =	shalt  }
0x56: {  	_ =	shalt  }
0x57: {  	_ =	shalt  }
0x58: {  	_ =	shalt  }
0x59: {  	_ =	shalt  }
0x5a: {  	_ =	shalt  }
0x5b: {  	_ =	shalt  }
0x5c: {  	_ =	shalt  }
0x5d: {  	_ =	shalt  }
0x5e: {  	_ =	shalt  }
0x5f: {  	_ =	shalt  }
0x60: {  	_ =	shalt  }
0x61: {  	_ =	shalt  }
0x62: {  	_ =	shalt  }
0x63: {  	_ =	shalt  }
0x64: {  	_ =	shalt  }
0x65: {  	_ =	shalt  }
0x66: {  	_ =	shalt  }
0x67: {  	_ =	shalt  }
0x68: {  	_ =	shalt  }
0x69: {  	_ =	shalt  }
0x6a: {  	_ =	shalt  }
0x6b: {  	_ =	shalt  }
0x6c: {  	_ =	shalt  }
0x6d: {  	_ =	shalt  }
0x6e: {  	_ =	shalt  }
0x6f: {  	_ =	shalt  }
0x70: {  	_ =	shalt  }
0x71: {  	_ =	shalt  }
0x72: {  	_ =	shalt  }
0x73: {  	_ =	shalt  }
0x74: {  	_ =	shalt  }
0x75: {  	_ =	shalt  }
0x76: {  	_ =	shalt  }
0x77: {  	_ =	shalt  }
0x78: {  	_ =	shalt  }
0x79: {  	_ =	shalt  }
0x7a: {  	_ =	shalt  }
0x7b: {  	_ =	shalt  }
0x7c: {  	_ =	shalt  }
0x7d: {  	_ =	shalt  }
0x7e: {  	_ =	shalt  }
0x7f: {  	_ =	shalt  }
0x80: {  	_ =	shalt  }
0x81: {  	_ =	shalt  }
0x82: {  	_ =	shalt  }
0x83: {  	_ =	shalt  }
0x84: {  	_ =	shalt  }
0x85: {  	_ =	shalt  }
0x86: {  	_ =	shalt  }
0x87: {  	_ =	shalt  }
.Lfunc_end0:
.L_simem_size_0:
called_computation.1_lowered:
.L_overlay_start_0:
0x88: {  	s2 =	sld [smem:$0x3FD9]  }
0x89: {  	s3 =	sld [smem:$0x3FFE];
	_ =	sdelay $0x1  }
0x8a: {  	s1 =	srdreg.scid  }
0x8b: {  	s0 =	sand.u32 $0x1, s1  }
0x8c: {  	s17 =	sshll.u32 s0, $0xA;
	s2 =	sadd.s32 s3, s2  }
0x8d: {  	s2 =	sadd.s32 s2, s17  }
0x8e: {  	[smem:$0x3FC6] =	sst s2  }
0x8f: {  	_ = 	snop  }
0x90: {  	s2 =	sld [smem:$0x3FD0];
	(tm) =	ssettm $0x1  }
0x91: {  	s18 =	sld [smem:$0x3FFB];
	_ =	sdelay $0x3  }
0x92: {  	_ =	strace s18  }
0x93: {  	s3 =	sld [smem:$0x3FFC];
	_ =	sdelay $0x3  }
0x94: {  	_ =	strace s3  }
0x95: {  	s3 =	sld [smem:$0x3FFD];
	_ =	sdelay $0x3  }
0x96: {  	_ =	strace s3  }
0x97: {  	_ =	strace $0x8FFFFFFF  }
0x98: {  	s19 =	sld [smem:$0x3FDB];
	_ =	sdelay $0x1  }
0x99: {  	s4 =	simm.s32 $_scs_section_size  }
0x9a: {  	s5 =	simm.s32 $_size__tile_overlayer_lowered;
	s6 =	simm.s32 $_tile_overlayer_lowered  }
0x9b: {  	s22 =	simm.s32 $0x1BFF;
	s21 =	sshll.u32 s6, $0x1;
	s3 =	sadd.s32 s4, s19  }
0x9c: {  	s7 =	simm.s32 $0x0;
	s20 =	sshll.u32 s5, $0x1;
	s5 =	sadd.s32 s21, s3  }
0x9d: {  	[timem:s7], [sflag:s22] =	dma.local [hbm:s5], s20  }
0x9e: {  	_ =	swait.ge [sflag:s22], s20  }
0x9f: {  	s4 =	ssub.s32 $0x0, s20;
	[sflag:s22] =	ssyncset.done $0x0  }
0xa0: {  	[sflag:s22] =	ssyncadd.s32 s4;
	_ =	sdelay $0x1  }
0xa1: {  	s23 =	simm.s32 $0x1B8B  }
0xa2: {  	_ =	swait.ge [sflag:s23], $0x1  }
0xa3: {  	[sflag:s23] =	ssyncset.done $0x0  }
0xa4: {  	s25 =	simm.s32 $0x1B8E;
	s24 =	sld [smem:$0x3FFE];
	[sflag:s23] =	ssyncadd.s32 $0xFFFFFFFF  }
0xa5: {  	s26 =	simm.s32 $execute0_lowered;
	[smem:$0x3FD2] =	sst s25  }
0xa6: {  	s5 =	sshll.u32 s26, $0x1;
	_ =	strace $0x80000049;
	[dreg:$0x1] =	wrdreg $0xFFFFFFFF  }
0xa7: {  	s28 =	simm.s32 $_size_execute0_lowered;
	s3 =	sadd.s32 s3, s5;
	[dreg:$0x0] =	wrdreg $0x0  }
0xa8: {  	s5 =	sshll.u32 s28, $0x1;
	[dreg:$0x2] =	wrdreg s3  }
0xa9: {  	[dreg:$0x3] =	wrdreg s5  }
0xaa: {  	[dreg:$0x4] =	wrdreg $0xC0  }
0xab: {  	_ =	task [dreg:s7], $0x5FFFF  }
0xac: {  	[dreg:$0x1] =	wrdreg $0xFFFFFFFF  }
0xad: {  	[dreg:$0x0] =	wrdreg $0x60  }
0xae: {  	[dreg:$0x2] =	wrdreg s2  }
0xaf: {  	[dreg:$0x3] =	wrdreg s24  }
0xb0: {  	[dreg:$0x4] =	wrdreg $0x9  }
0xb1: {  	_ =	task.clear_ibuf [dreg:s7], $0x5FFFF;
	_ =	strace $0x90000049  }
0xb2: {  	s29 =	simm.s32 $0x9;
	_ =	strace $0x8000004B  }
0xb3: {  	_ =	swait.ge [sflag:s29], $0x1  }
0xb4: {  	[sflag:s29] =	ssyncadd.s32 $0xFFFFFFFF  }
0xb5: {  	_ =	strace $0x9000004B  }
0xb6: {  	_ =	sfence  }
0xb7: {  	s30 =	sld [smem:$0x0];
	_ =	sdelay $0x2  }
0xb8: {  	s31 =	sshll.u32 s1, $0xD;
	s1 =	sshrl.u32 s1, $0x2  }
0xb9: {  	s3 =	sand.u32 $0x4000, s31;
	s1 =	sadd.s32 s1, s30  }
0xba: {  	s0 =	sor.u32 s3, s0;
	s1 =	sshll.u32 s1, $0x11  }
0xbb: {  	s0 =	sor.u32 s1, s0  }
0xbc: {  	s0 =	sadd.s32 $0x8F2B, s0  }
0xbd: {  	[sflag:s0] =	ssyncadd.remote.s32 $0x1  }
0xbe: {  	_ =	sfence.sel $0xFFFF  }
0xbf: {  	[dreg:$0x0] =	wrdreg $0xFFFFFFFF;
	(pc) =	sbr.abs _section_cstart, $3  }
0xc0: {  	[dreg:$0x1] =	wrdreg $0xFFFFFFFF  }
0xc1: {  	_ =	task.clear_ibuf [dreg:s7], $0x2FFFF;
	_ =	strace $0x9FFFFFFF  }
0xc2: {  	(tm) =	ssettm $0x7FFFFFFF  }
0xc3: {  	_ =	shalt  }
tec
execute0_lowered:
.L_overlay_start_1:
0x0: {  	(tag) =	ssettag $0x1  }
0x1: {  	s1 =	srdreg.scid;
	s2 =	rddreg [dreg:$0x0]  }
0x2: {  	s0 =	stileid.u32;
	s6 =	rddreg [dreg:$0x1];
	s4 =	simm.s32 $0x0  }
0x3: {  	s10 =	simm.s32 $0x1;
	s11 =	simm.s32 $0xC800;
	s12 =	simm.s32 $0x12C00  }
0x4: {  	s13 =	simm.s32 $0x3;
	s14 =	simm.s32 $0x4;
	s5 =	sand.u32 $0x1, s1  }
0x5: {  	s15 =	simm.s32 $0x2;
	s31 =	sshll.u32 s0, $0x7;
	s3 =	sshll.u32 s5, $0x6  }
.Ltmp0:
0x6: {  	s16 =	simm.s32 $0x0;
	s3 =	sor.u32 s3, s31;
	(pc) =	sbr.rel .LBB2_1-.Ltmp0, $4  }
0x7: {  	s1 =	rddreg [dreg:$0x2];
	s8 =	ssub.s32 $0x2, s5;
	s7 =	smul.u32 $0xC80, s3  }
0x8: {  	[smem:$0x7FF] =	sst s4;
	s6 =	sadd.s32 $0x800, s6;
	s9 =	sshrl.u32 s8, $0x1  }
0x9: {  	_ =	strace $0x8000004A;
	s8 =	ssub.s32 s8, s9;
	s5 =	sadd.s32 s2, s7  }
0xa: {  	s9 =	simm.s32 $0x6400;
	s8 =	smax.u32 s8, $0x1;
	s7 =	sadd.s32 $0xC80, s5  }
.LBB2_36:
0xb: {  	s16 =	sadd.s32 $0x1, s16  }
0xc: {  	_ =	swait.ge [sflag:s13], $0x6400;
	p0 =	sne.s32 s16, s8  }
.Ltmp1:
0xd: {  	[sflag:s13] =	ssyncset.done $0x0;
	(pc) =	sbr.rel @!p0 .LBB2_37-.Ltmp1, $4  }
0xe: {  	[sflag:s13] =	ssyncadd.s32 $0xFFFF9C00  }
0xf: {  	_ =	swait.ge [sflag:s14], $0x6400  }
0x10: {  	[sflag:s14] =	ssyncset.done $0x0  }
0x11: {  	[sflag:s14] =	ssyncadd.s32 $0xFFFF9C00  }
.LBB2_1:
0x12: {  	[tilespmem:s4], [sflag:$0x1] =	stream.linear.gather [hbm4b:s5+s4], $0x6400, $0x38;
	[tilespmem:$0x19000] =	vst v63  }
0x13: {  	s17 =	simm.s32 $0x0  }
0x14: {  	[tilespmem:s9], [sflag:$0x2] =	stream.linear.gather [hbm4b:s7+s4], $0x6400, $0x38;
	[tilespmem:$0x19000] =	vst v63  }
.LBB2_2:
0x15: {  	_ =	swait.ge [sflag:s10], $0x6400  }
0x16: {  	p0 =	seq.s32 s17, $0x0;
	[sflag:s10] =	ssyncset.done $0x0  }
0x17: {  	s18 =	simm.s32 @!p0 $0x3;
	[sflag:s10] =	ssyncadd.s32 $0xFFFF9C00  }
0x18: {  	_ =	swait.ge @!p0 [sflag:s18], $0x6400  }
0x19: {  	[sflag:s18] =	ssyncset.done @!p0 $0x0  }
0x1a: {  	s20 =	sshll.u32 s17, $0x1;
	s19 =	simm.s32 $0x40;
	[sflag:s18] =	ssyncadd.s32 @!p0 $0xFFFF9C00  }
0x1b: {  	s21 =	simm.s32 $0x1000;
	s18 =	sor.u32 s3, s20;
	s20 =	simm.s32 $0x0;
	v0 =	vld [tilespmem:s19+$0xFFFFFFC0]  }
.LBB2_3:
0x1c: {  	p1 =	sne.s32 s21, $0x18000;
	_ =	sdelay $0x2  }
0x1d: {  	s22 =	sshra.s32 s20, $0x2;
	s20 =	smov.u32 s21  }
0x1e: {  	[tilespmem:s22+$0xC800] =	vst v0  }
0x1f: {  	v0 =	vld [tilespmem:s19+$0xFFFFFFD0];
	_ =	sdelay $0x4  }
0x20: {  	[tilespmem:s22+$0xC880] =	vst v0  }
0x21: {  	v0 =	vld [tilespmem:s19+$0xFFFFFFE0];
	_ =	sdelay $0x4  }
0x22: {  	[tilespmem:s22+$0xC900] =	vst v0  }
0x23: {  	v0 =	vld [tilespmem:s19+$0xFFFFFFF0];
	_ =	sdelay $0x4  }
0x24: {  	[tilespmem:s22+$0xC980] =	vst v0  }
0x25: {  	v0 =	vld [tilespmem:s19+$0x0];
	_ =	sdelay $0x4  }
0x26: {  	[tilespmem:s22+$0xCA00] =	vst v0  }
0x27: {  	v0 =	vld [tilespmem:s19+$0x10];
	_ =	sdelay $0x4  }
0x28: {  	[tilespmem:s22+$0xCA80] =	vst v0  }
0x29: {  	v0 =	vld [tilespmem:s19+$0x20];
	_ =	sdelay $0x4  }
0x2a: {  	[tilespmem:s22+$0xCB00] =	vst v0  }
0x2b: {  	v0 =	vld [tilespmem:s19+$0x30];
	_ =	sdelay $0x1  }
.Ltmp2:
0x2c: {  	(pc) =	sbr.rel @p1 .LBB2_3-.Ltmp2, $3  }
0x2d: {  	_ =	sdelay $0x1  }
0x2e: {  	s19 =	sadd.s32 $0x80, s19;
	[tilespmem:s22+$0xCB80] =	vst v0  }
0x2f: {  	s21 =	sadd.s32 $0x1000, s21;
	v0 =	vld [tilespmem:s19+$0xFFFFFFC0]  }
0x30: {  	_ =	sdelay $0x2  }
0x31: {  	s20 =	sshra.s32 s20, $0x2  }
0x32: {  	[tilespmem:s20+$0xC800] =	vst v0  }
0x33: {  	v0 =	vld [tilespmem:s19+$0xFFFFFFD0];
	_ =	sdelay $0x4  }
0x34: {  	[tilespmem:s20+$0xC880] =	vst v0  }
0x35: {  	v0 =	vld [tilespmem:s19+$0xFFFFFFE0];
	_ =	sdelay $0x4  }
0x36: {  	[tilespmem:s20+$0xC900] =	vst v0  }
0x37: {  	v0 =	vld [tilespmem:s19+$0xFFFFFFF0];
	_ =	sdelay $0x4  }
0x38: {  	[tilespmem:s20+$0xC980] =	vst v0  }
0x39: {  	v0 =	vld [tilespmem:s19+$0x0];
	_ =	sdelay $0x4  }
0x3a: {  	[tilespmem:s20+$0xCA00] =	vst v0  }
0x3b: {  	v0 =	vld [tilespmem:s19+$0x10];
	_ =	sdelay $0x4  }
0x3c: {  	[tilespmem:s20+$0xCA80] =	vst v0  }
0x3d: {  	v0 =	vld [tilespmem:s19+$0x20];
	_ =	sdelay $0x4  }
0x3e: {  	[tilespmem:s20+$0xCB00] =	vst v0  }
0x3f: {  	v0 =	vld [tilespmem:s19+$0x30];
	_ =	sdelay $0x2  }
0x40: {  	s19 =	smul.u32 $0x6400, s18;
	_ =	sdelay $0x1  }
0x41: {  	s31 =	sadd.s32 s6, s19;
	[tilespmem:s20+$0xCB80] =	vst v0;
	s20 =	simm.s32 @!p0 $0x4  }
0x42: {  	[hbm4b:s31+s4] =	stream.linear.scatter [tilespmem:s11], [sflag:$0x3], $0x6400, $0x38;
	[tilespmem:$0x19000] =	vst v63  }
0x43: {  	_ =	swait.ge @!p0 [sflag:s20], $0x6400  }
0x44: {  	[sflag:s20] =	ssyncset.done @!p0 $0x0  }
0x45: {  	s21 =	simm.s32 $0x0;
	[sflag:s20] =	ssyncadd.s32 @!p0 $0xFFFF9C00  }
0x46: {  	v63 =	vld [tilespmem:s21+$0xC80];
	_ =	sdelay $0x3  }
0x47: {  	s20 =	simm.s32 $0x12E00  }
0x48: {  	[tilespmem:s20+$0xFFFFFE00] =	vst v63  }
0x49: {  	v0 =	vld [tilespmem:s21+$0xC90];
	_ =	sdelay $0x4  }
0x4a: {  	[tilespmem:s20+$0xFFFFFE80] =	vst v0  }
0x4b: {  	v0 =	vld [tilespmem:s21+$0xCA0];
	_ =	sdelay $0x4  }
0x4c: {  	[tilespmem:s20+$0xFFFFFF00] =	vst v0  }
0x4d: {  	v0 =	vld [tilespmem:s21+$0xCB0];
	_ =	sdelay $0x4  }
0x4e: {  	[tilespmem:s20+$0xFFFFFF80] =	vst v0  }
0x4f: {  	v0 =	vld [tilespmem:s21+$0xCC0];
	_ =	sdelay $0x4  }
0x50: {  	[tilespmem:s20+$0x0] =	vst v0  }
0x51: {  	v0 =	vld [tilespmem:s21+$0xCD0];
	_ =	sdelay $0x4  }
0x52: {  	[tilespmem:s20+$0x80] =	vst v0  }
0x53: {  	v0 =	vld [tilespmem:s21+$0xCE0];
	_ =	sdelay $0x4  }
0x54: {  	[tilespmem:s20+$0x100] =	vst v0  }
0x55: {  	v0 =	vld [tilespmem:s21+$0xCF0];
	_ =	sdelay $0x4  }
0x56: {  	s22 =	simm.s32 $0x400;
	s21 =	simm.s32 $0x80;
	[tilespmem:s20+$0x180] =	vst v0  }
.LBB2_5:
0x57: {  	p0 =	sne.s32 s22, $0x3000;
	v0 =	vld [tilespmem:s21+$0xC80];
	_ =	sdelay $0x3  }
0x58: {  	s20 =	sadd.s32 $0x400, s20  }
0x59: {  	[tilespmem:s20+$0xFFFFFE00] =	vst v0  }
0x5a: {  	v0 =	vld [tilespmem:s21+$0xC90];
	_ =	sdelay $0x4  }
0x5b: {  	[tilespmem:s20+$0xFFFFFE80] =	vst v0  }
0x5c: {  	v0 =	vld [tilespmem:s21+$0xCA0];
	_ =	sdelay $0x4  }
0x5d: {  	[tilespmem:s20+$0xFFFFFF00] =	vst v0  }
0x5e: {  	v0 =	vld [tilespmem:s21+$0xCB0];
	_ =	sdelay $0x4  }
0x5f: {  	[tilespmem:s20+$0xFFFFFF80] =	vst v0  }
0x60: {  	v0 =	vld [tilespmem:s21+$0xCC0];
	_ =	sdelay $0x4  }
0x61: {  	[tilespmem:s20+$0x0] =	vst v0  }
0x62: {  	v0 =	vld [tilespmem:s21+$0xCD0];
	_ =	sdelay $0x4  }
0x63: {  	[tilespmem:s20+$0x80] =	vst v0  }
0x64: {  	v0 =	vld [tilespmem:s21+$0xCE0];
	_ =	sdelay $0x4  }
0x65: {  	[tilespmem:s20+$0x100] =	vst v0  }
0x66: {  	v0 =	vld [tilespmem:s21+$0xCF0]  }
.Ltmp3:
0x67: {  	(pc) =	sbr.rel @p0 .LBB2_5-.Ltmp3, $2  }
0x68: {  	_ =	sdelay $0x2  }
0x69: {  	s21 =	sshra.s32 s22, $0x2;
	s22 =	sadd.s32 $0x200, s22;
	[tilespmem:s20+$0x180] =	vst v0  }
0x6a: {  	v0 =	vld [tilespmem:s21+$0xC80];
	_ =	sdelay $0x3  }
0x6b: {  	s22 =	sadd.s32 $0x400, s20  }
0x6c: {  	[tilespmem:s22+$0xFFFFFE00] =	vst v0  }
0x6d: {  	v0 =	vld [tilespmem:s21+$0xC90];
	_ =	sdelay $0x4  }
0x6e: {  	[tilespmem:s22+$0xFFFFFE80] =	vst v0  }
0x6f: {  	v0 =	vld [tilespmem:s21+$0xCA0];
	_ =	sdelay $0x4  }
0x70: {  	[tilespmem:s22+$0xFFFFFF00] =	vst v0  }
0x71: {  	v0 =	vld [tilespmem:s21+$0xCB0];
	_ =	sdelay $0x4  }
0x72: {  	[tilespmem:s22+$0xFFFFFF80] =	vst v0  }
0x73: {  	v0 =	vld [tilespmem:s21+$0xCC0];
	_ =	sdelay $0x4  }
0x74: {  	[tilespmem:s22+$0x0] =	vst v0  }
0x75: {  	v0 =	vld [tilespmem:s21+$0xCD0];
	_ =	sdelay $0x4  }
0x76: {  	[tilespmem:s22+$0x80] =	vst v0  }
0x77: {  	v0 =	vld [tilespmem:s21+$0xCE0];
	_ =	sdelay $0x4  }
0x78: {  	[tilespmem:s22+$0x100] =	vst v0  }
0x79: {  	v0 =	vld [tilespmem:s21+$0xCF0]  }
0x7a: {  	s28 =	smul.u32 $0x32000, s18;
	_ =	sdelay $0x1  }
0x7b: {  	s20 =	sshrl.u32 s28, $0x3  }
0x7c: {  	s20 =	sadd.s32 s6, s20  }
0x7d: {  	s30 =	simm.s32 $0x0;
	s29 =	sadd.s32 $0xC80, s20;
	[tilespmem:s22+$0x180] =	vst v0  }
0x7e: {  	[hbm4b:s29+s30] =	stream.linear.scatter [tilespmem:s12], [sflag:$0x4], $0x6400, $0x38;
	[tilespmem:$0x19000] =	vst v63  }
0x7f: {  	_ =	swait.ge [sflag:s13], $0x6400  }
0x80: {  	[sflag:s13] =	ssyncset.done $0x0  }
0x81: {  	s31 =	simm.s32 $0x0;
	[sflag:s13] =	ssyncadd.s32 $0xFFFF9C00  }
0x82: {  	v63 =	vld [tilespmem:s31+$0x1900];
	_ =	sdelay $0x3  }
0x83: {  	s21 =	simm.s32 $0xCA00  }
0x84: {  	[tilespmem:s21+$0xFFFFFE00] =	vst v63  }
0x85: {  	v0 =	vld [tilespmem:s31+$0x1910];
	_ =	sdelay $0x4  }
0x86: {  	[tilespmem:s21+$0xFFFFFE80] =	vst v0  }
0x87: {  	v0 =	vld [tilespmem:s31+$0x1920];
	_ =	sdelay $0x4  }
0x88: {  	[tilespmem:s21+$0xFFFFFF00] =	vst v0  }
0x89: {  	v0 =	vld [tilespmem:s31+$0x1930];
	_ =	sdelay $0x4  }
0x8a: {  	[tilespmem:s21+$0xFFFFFF80] =	vst v0  }
0x8b: {  	v0 =	vld [tilespmem:s31+$0x1940];
	_ =	sdelay $0x4  }
0x8c: {  	[tilespmem:s21+$0x0] =	vst v0  }
0x8d: {  	v0 =	vld [tilespmem:s31+$0x1950];
	_ =	sdelay $0x4  }
0x8e: {  	[tilespmem:s21+$0x80] =	vst v0  }
0x8f: {  	v0 =	vld [tilespmem:s31+$0x1960];
	_ =	sdelay $0x4  }
0x90: {  	[tilespmem:s21+$0x100] =	vst v0  }
0x91: {  	v0 =	vld [tilespmem:s31+$0x1970];
	_ =	sdelay $0x4  }
0x92: {  	s23 =	simm.s32 $0x400;
	s22 =	simm.s32 $0x80;
	[tilespmem:s21+$0x180] =	vst v0  }
.LBB2_7:
0x93: {  	p0 =	sne.s32 s23, $0x3000;
	v0 =	vld [tilespmem:s22+$0x1900];
	_ =	sdelay $0x3  }
0x94: {  	s21 =	sadd.s32 $0x400, s21  }
0x95: {  	[tilespmem:s21+$0xFFFFFE00] =	vst v0  }
0x96: {  	v0 =	vld [tilespmem:s22+$0x1910];
	_ =	sdelay $0x4  }
0x97: {  	[tilespmem:s21+$0xFFFFFE80] =	vst v0  }
0x98: {  	v0 =	vld [tilespmem:s22+$0x1920];
	_ =	sdelay $0x4  }
0x99: {  	[tilespmem:s21+$0xFFFFFF00] =	vst v0  }
0x9a: {  	v0 =	vld [tilespmem:s22+$0x1930];
	_ =	sdelay $0x4  }
0x9b: {  	[tilespmem:s21+$0xFFFFFF80] =	vst v0  }
0x9c: {  	v0 =	vld [tilespmem:s22+$0x1940];
	_ =	sdelay $0x4  }
0x9d: {  	[tilespmem:s21+$0x0] =	vst v0  }
0x9e: {  	v0 =	vld [tilespmem:s22+$0x1950];
	_ =	sdelay $0x4  }
0x9f: {  	[tilespmem:s21+$0x80] =	vst v0  }
0xa0: {  	v0 =	vld [tilespmem:s22+$0x1960];
	_ =	sdelay $0x4  }
0xa1: {  	[tilespmem:s21+$0x100] =	vst v0  }
0xa2: {  	v0 =	vld [tilespmem:s22+$0x1970]  }
.Ltmp4:
0xa3: {  	(pc) =	sbr.rel @p0 .LBB2_7-.Ltmp4, $2  }
0xa4: {  	_ =	sdelay $0x2  }
0xa5: {  	s22 =	sshra.s32 s23, $0x2;
	s23 =	sadd.s32 $0x200, s23;
	[tilespmem:s21+$0x180] =	vst v0  }
0xa6: {  	v0 =	vld [tilespmem:s22+$0x1900];
	_ =	sdelay $0x3  }
0xa7: {  	s21 =	sadd.s32 $0x400, s21  }
0xa8: {  	[tilespmem:s21+$0xFFFFFE00] =	vst v0  }
0xa9: {  	v0 =	vld [tilespmem:s22+$0x1910];
	_ =	sdelay $0x4  }
0xaa: {  	[tilespmem:s21+$0xFFFFFE80] =	vst v0  }
0xab: {  	v0 =	vld [tilespmem:s22+$0x1920];
	_ =	sdelay $0x4  }
0xac: {  	[tilespmem:s21+$0xFFFFFF00] =	vst v0  }
0xad: {  	v0 =	vld [tilespmem:s22+$0x1930];
	_ =	sdelay $0x4  }
0xae: {  	[tilespmem:s21+$0xFFFFFF80] =	vst v0  }
0xaf: {  	v0 =	vld [tilespmem:s22+$0x1940];
	_ =	sdelay $0x4  }
0xb0: {  	[tilespmem:s21+$0x0] =	vst v0  }
0xb1: {  	v0 =	vld [tilespmem:s22+$0x1950];
	_ =	sdelay $0x4  }
0xb2: {  	[tilespmem:s21+$0x80] =	vst v0  }
0xb3: {  	v0 =	vld [tilespmem:s22+$0x1960];
	_ =	sdelay $0x4  }
0xb4: {  	[tilespmem:s21+$0x100] =	vst v0  }
0xb5: {  	v0 =	vld [tilespmem:s22+$0x1970];
	_ =	sdelay $0x4  }
0xb6: {  	s29 =	sadd.s32 $0x1900, s20;
	s30 =	simm.s32 $0x0;
	[tilespmem:s21+$0x180] =	vst v0  }
0xb7: {  	[hbm4b:s29+s30] =	stream.linear.scatter [tilespmem:s11], [sflag:$0x3], $0x6400, $0x38;
	[tilespmem:$0x19000] =	vst v63  }
0xb8: {  	_ =	swait.ge [sflag:s14], $0x6400  }
0xb9: {  	[sflag:s14] =	ssyncset.done $0x0  }
0xba: {  	s31 =	simm.s32 $0x0;
	[sflag:s14] =	ssyncadd.s32 $0xFFFF9C00  }
0xbb: {  	v63 =	vld [tilespmem:s31+$0x2580];
	_ =	sdelay $0x3  }
0xbc: {  	s21 =	simm.s32 $0x12E00  }
0xbd: {  	[tilespmem:s21+$0xFFFFFE00] =	vst v63  }
0xbe: {  	v0 =	vld [tilespmem:s31+$0x2590];
	_ =	sdelay $0x4  }
0xbf: {  	[tilespmem:s21+$0xFFFFFE80] =	vst v0  }
0xc0: {  	v0 =	vld [tilespmem:s31+$0x25A0];
	_ =	sdelay $0x4  }
0xc1: {  	[tilespmem:s21+$0xFFFFFF00] =	vst v0  }
0xc2: {  	v0 =	vld [tilespmem:s31+$0x25B0];
	_ =	sdelay $0x4  }
0xc3: {  	[tilespmem:s21+$0xFFFFFF80] =	vst v0  }
0xc4: {  	v0 =	vld [tilespmem:s31+$0x25C0];
	_ =	sdelay $0x4  }
0xc5: {  	[tilespmem:s21+$0x0] =	vst v0  }
0xc6: {  	v0 =	vld [tilespmem:s31+$0x25D0];
	_ =	sdelay $0x4  }
0xc7: {  	[tilespmem:s21+$0x80] =	vst v0  }
0xc8: {  	v0 =	vld [tilespmem:s31+$0x25E0];
	_ =	sdelay $0x4  }
0xc9: {  	[tilespmem:s21+$0x100] =	vst v0  }
0xca: {  	v0 =	vld [tilespmem:s31+$0x25F0];
	_ =	sdelay $0x4  }
0xcb: {  	s23 =	simm.s32 $0x400;
	s22 =	simm.s32 $0x80;
	[tilespmem:s21+$0x180] =	vst v0  }
.LBB2_9:
0xcc: {  	p0 =	sne.s32 s23, $0x3000;
	v0 =	vld [tilespmem:s22+$0x2580];
	_ =	sdelay $0x3  }
0xcd: {  	s21 =	sadd.s32 $0x400, s21  }
0xce: {  	[tilespmem:s21+$0xFFFFFE00] =	vst v0  }
0xcf: {  	v0 =	vld [tilespmem:s22+$0x2590];
	_ =	sdelay $0x4  }
0xd0: {  	[tilespmem:s21+$0xFFFFFE80] =	vst v0  }
0xd1: {  	v0 =	vld [tilespmem:s22+$0x25A0];
	_ =	sdelay $0x4  }
0xd2: {  	[tilespmem:s21+$0xFFFFFF00] =	vst v0  }
0xd3: {  	v0 =	vld [tilespmem:s22+$0x25B0];
	_ =	sdelay $0x4  }
0xd4: {  	[tilespmem:s21+$0xFFFFFF80] =	vst v0  }
0xd5: {  	v0 =	vld [tilespmem:s22+$0x25C0];
	_ =	sdelay $0x4  }
0xd6: {  	[tilespmem:s21+$0x0] =	vst v0  }
0xd7: {  	v0 =	vld [tilespmem:s22+$0x25D0];
	_ =	sdelay $0x4  }
0xd8: {  	[tilespmem:s21+$0x80] =	vst v0  }
0xd9: {  	v0 =	vld [tilespmem:s22+$0x25E0];
	_ =	sdelay $0x4  }
0xda: {  	[tilespmem:s21+$0x100] =	vst v0  }
0xdb: {  	v0 =	vld [tilespmem:s22+$0x25F0]  }
.Ltmp5:
0xdc: {  	(pc) =	sbr.rel @p0 .LBB2_9-.Ltmp5, $2  }
0xdd: {  	_ =	sdelay $0x2  }
0xde: {  	s22 =	sshra.s32 s23, $0x2;
	s23 =	sadd.s32 $0x200, s23;
	[tilespmem:s21+$0x180] =	vst v0  }
0xdf: {  	v0 =	vld [tilespmem:s22+$0x2580];
	_ =	sdelay $0x3  }
0xe0: {  	s21 =	sadd.s32 $0x400, s21  }
0xe1: {  	[tilespmem:s21+$0xFFFFFE00] =	vst v0  }
0xe2: {  	v0 =	vld [tilespmem:s22+$0x2590];
	_ =	sdelay $0x4  }
0xe3: {  	[tilespmem:s21+$0xFFFFFE80] =	vst v0  }
0xe4: {  	v0 =	vld [tilespmem:s22+$0x25A0];
	_ =	sdelay $0x4  }
0xe5: {  	[tilespmem:s21+$0xFFFFFF00] =	vst v0  }
0xe6: {  	v0 =	vld [tilespmem:s22+$0x25B0];
	_ =	sdelay $0x4  }
0xe7: {  	[tilespmem:s21+$0xFFFFFF80] =	vst v0  }
0xe8: {  	v0 =	vld [tilespmem:s22+$0x25C0];
	_ =	sdelay $0x4  }
0xe9: {  	[tilespmem:s21+$0x0] =	vst v0  }
0xea: {  	v0 =	vld [tilespmem:s22+$0x25D0];
	_ =	sdelay $0x4  }
0xeb: {  	[tilespmem:s21+$0x80] =	vst v0  }
0xec: {  	v0 =	vld [tilespmem:s22+$0x25E0];
	_ =	sdelay $0x4  }
0xed: {  	[tilespmem:s21+$0x100] =	vst v0  }
0xee: {  	v0 =	vld [tilespmem:s22+$0x25F0];
	_ =	sdelay $0x4  }
0xef: {  	s29 =	sadd.s32 $0x2580, s20;
	s30 =	simm.s32 $0x0;
	[tilespmem:s21+$0x180] =	vst v0  }
0xf0: {  	[hbm4b:s29+s30] =	stream.linear.scatter [tilespmem:s12], [sflag:$0x4], $0x6400, $0x38;
	[tilespmem:$0x19000] =	vst v63  }
0xf1: {  	_ =	swait.ge [sflag:s13], $0x6400  }
0xf2: {  	[sflag:s13] =	ssyncset.done $0x0  }
0xf3: {  	s31 =	simm.s32 $0x0;
	[sflag:s13] =	ssyncadd.s32 $0xFFFF9C00  }
0xf4: {  	v63 =	vld [tilespmem:s31+$0x3200];
	_ =	sdelay $0x3  }
0xf5: {  	s21 =	simm.s32 $0xCA00  }
0xf6: {  	[tilespmem:s21+$0xFFFFFE00] =	vst v63  }
0xf7: {  	v0 =	vld [tilespmem:s31+$0x3210];
	_ =	sdelay $0x4  }
0xf8: {  	[tilespmem:s21+$0xFFFFFE80] =	vst v0  }
0xf9: {  	v0 =	vld [tilespmem:s31+$0x3220];
	_ =	sdelay $0x4  }
0xfa: {  	[tilespmem:s21+$0xFFFFFF00] =	vst v0  }
0xfb: {  	v0 =	vld [tilespmem:s31+$0x3230];
	_ =	sdelay $0x4  }
0xfc: {  	[tilespmem:s21+$0xFFFFFF80] =	vst v0  }
0xfd: {  	v0 =	vld [tilespmem:s31+$0x3240];
	_ =	sdelay $0x4  }
0xfe: {  	[tilespmem:s21+$0x0] =	vst v0  }
0xff: {  	v0 =	vld [tilespmem:s31+$0x3250];
	_ =	sdelay $0x4  }
0x100: {  	[tilespmem:s21+$0x80] =	vst v0  }
0x101: {  	v0 =	vld [tilespmem:s31+$0x3260];
	_ =	sdelay $0x4  }
0x102: {  	[tilespmem:s21+$0x100] =	vst v0  }
0x103: {  	v0 =	vld [tilespmem:s31+$0x3270];
	_ =	sdelay $0x4  }
0x104: {  	s23 =	simm.s32 $0x400;
	s22 =	simm.s32 $0x80;
	[tilespmem:s21+$0x180] =	vst v0  }
.LBB2_11:
0x105: {  	p0 =	sne.s32 s23, $0x3000;
	v0 =	vld [tilespmem:s22+$0x3200];
	_ =	sdelay $0x3  }
0x106: {  	s21 =	sadd.s32 $0x400, s21  }
0x107: {  	[tilespmem:s21+$0xFFFFFE00] =	vst v0  }
0x108: {  	v0 =	vld [tilespmem:s22+$0x3210];
	_ =	sdelay $0x4  }
0x109: {  	[tilespmem:s21+$0xFFFFFE80] =	vst v0  }
0x10a: {  	v0 =	vld [tilespmem:s22+$0x3220];
	_ =	sdelay $0x4  }
0x10b: {  	[tilespmem:s21+$0xFFFFFF00] =	vst v0  }
0x10c: {  	v0 =	vld [tilespmem:s22+$0x3230];
	_ =	sdelay $0x4  }
0x10d: {  	[tilespmem:s21+$0xFFFFFF80] =	vst v0  }
0x10e: {  	v0 =	vld [tilespmem:s22+$0x3240];
	_ =	sdelay $0x4  }
0x10f: {  	[tilespmem:s21+$0x0] =	vst v0  }
0x110: {  	v0 =	vld [tilespmem:s22+$0x3250];
	_ =	sdelay $0x4  }
0x111: {  	[tilespmem:s21+$0x80] =	vst v0  }
0x112: {  	v0 =	vld [tilespmem:s22+$0x3260];
	_ =	sdelay $0x4  }
0x113: {  	[tilespmem:s21+$0x100] =	vst v0  }
0x114: {  	v0 =	vld [tilespmem:s22+$0x3270]  }
.Ltmp6:
0x115: {  	(pc) =	sbr.rel @p0 .LBB2_11-.Ltmp6, $2  }
0x116: {  	_ =	sdelay $0x2  }
0x117: {  	s22 =	sshra.s32 s23, $0x2;
	s23 =	sadd.s32 $0x200, s23;
	[tilespmem:s21+$0x180] =	vst v0  }
0x118: {  	v0 =	vld [tilespmem:s22+$0x3200];
	_ =	sdelay $0x3  }
0x119: {  	s21 =	sadd.s32 $0x400, s21  }
0x11a: {  	[tilespmem:s21+$0xFFFFFE00] =	vst v0  }
0x11b: {  	v0 =	vld [tilespmem:s22+$0x3210];
	_ =	sdelay $0x4  }
0x11c: {  	[tilespmem:s21+$0xFFFFFE80] =	vst v0  }
0x11d: {  	v0 =	vld [tilespmem:s22+$0x3220];
	_ =	sdelay $0x4  }
0x11e: {  	[tilespmem:s21+$0xFFFFFF00] =	vst v0  }
0x11f: {  	v0 =	vld [tilespmem:s22+$0x3230];
	_ =	sdelay $0x4  }
0x120: {  	[tilespmem:s21+$0xFFFFFF80] =	vst v0  }
0x121: {  	v0 =	vld [tilespmem:s22+$0x3240];
	_ =	sdelay $0x4  }
0x122: {  	[tilespmem:s21+$0x0] =	vst v0  }
0x123: {  	v0 =	vld [tilespmem:s22+$0x3250];
	_ =	sdelay $0x4  }
0x124: {  	[tilespmem:s21+$0x80] =	vst v0  }
0x125: {  	v0 =	vld [tilespmem:s22+$0x3260];
	_ =	sdelay $0x4  }
0x126: {  	[tilespmem:s21+$0x100] =	vst v0  }
0x127: {  	v0 =	vld [tilespmem:s22+$0x3270];
	_ =	sdelay $0x4  }
0x128: {  	s29 =	sadd.s32 $0x3200, s20;
	s30 =	simm.s32 $0x0;
	[tilespmem:s21+$0x180] =	vst v0  }
0x129: {  	[hbm4b:s29+s30] =	stream.linear.scatter [tilespmem:s11], [sflag:$0x3], $0x6400, $0x38;
	[tilespmem:$0x19000] =	vst v63  }
0x12a: {  	_ =	swait.ge [sflag:s14], $0x6400  }
0x12b: {  	[sflag:s14] =	ssyncset.done $0x0  }
0x12c: {  	s31 =	simm.s32 $0x0;
	[sflag:s14] =	ssyncadd.s32 $0xFFFF9C00  }
0x12d: {  	v63 =	vld [tilespmem:s31+$0x3E80];
	_ =	sdelay $0x3  }
0x12e: {  	s21 =	simm.s32 $0x12E00  }
0x12f: {  	[tilespmem:s21+$0xFFFFFE00] =	vst v63  }
0x130: {  	v0 =	vld [tilespmem:s31+$0x3E90];
	_ =	sdelay $0x4  }
0x131: {  	[tilespmem:s21+$0xFFFFFE80] =	vst v0  }
0x132: {  	v0 =	vld [tilespmem:s31+$0x3EA0];
	_ =	sdelay $0x4  }
0x133: {  	[tilespmem:s21+$0xFFFFFF00] =	vst v0  }
0x134: {  	v0 =	vld [tilespmem:s31+$0x3EB0];
	_ =	sdelay $0x4  }
0x135: {  	[tilespmem:s21+$0xFFFFFF80] =	vst v0  }
0x136: {  	v0 =	vld [tilespmem:s31+$0x3EC0];
	_ =	sdelay $0x4  }
0x137: {  	[tilespmem:s21+$0x0] =	vst v0  }
0x138: {  	v0 =	vld [tilespmem:s31+$0x3ED0];
	_ =	sdelay $0x4  }
0x139: {  	[tilespmem:s21+$0x80] =	vst v0  }
0x13a: {  	v0 =	vld [tilespmem:s31+$0x3EE0];
	_ =	sdelay $0x4  }
0x13b: {  	[tilespmem:s21+$0x100] =	vst v0  }
0x13c: {  	v0 =	vld [tilespmem:s31+$0x3EF0];
	_ =	sdelay $0x4  }
0x13d: {  	s23 =	simm.s32 $0x400;
	s22 =	simm.s32 $0x80;
	[tilespmem:s21+$0x180] =	vst v0  }
.LBB2_13:
0x13e: {  	p0 =	sne.s32 s23, $0x3000;
	v0 =	vld [tilespmem:s22+$0x3E80];
	_ =	sdelay $0x3  }
0x13f: {  	s21 =	sadd.s32 $0x400, s21  }
0x140: {  	[tilespmem:s21+$0xFFFFFE00] =	vst v0  }
0x141: {  	v0 =	vld [tilespmem:s22+$0x3E90];
	_ =	sdelay $0x4  }
0x142: {  	[tilespmem:s21+$0xFFFFFE80] =	vst v0  }
0x143: {  	v0 =	vld [tilespmem:s22+$0x3EA0];
	_ =	sdelay $0x4  }
0x144: {  	[tilespmem:s21+$0xFFFFFF00] =	vst v0  }
0x145: {  	v0 =	vld [tilespmem:s22+$0x3EB0];
	_ =	sdelay $0x4  }
0x146: {  	[tilespmem:s21+$0xFFFFFF80] =	vst v0  }
0x147: {  	v0 =	vld [tilespmem:s22+$0x3EC0];
	_ =	sdelay $0x4  }
0x148: {  	[tilespmem:s21+$0x0] =	vst v0  }
0x149: {  	v0 =	vld [tilespmem:s22+$0x3ED0];
	_ =	sdelay $0x4  }
0x14a: {  	[tilespmem:s21+$0x80] =	vst v0  }
0x14b: {  	v0 =	vld [tilespmem:s22+$0x3EE0];
	_ =	sdelay $0x4  }
0x14c: {  	[tilespmem:s21+$0x100] =	vst v0  }
0x14d: {  	v0 =	vld [tilespmem:s22+$0x3EF0]  }
.Ltmp7:
0x14e: {  	(pc) =	sbr.rel @p0 .LBB2_13-.Ltmp7, $2  }
0x14f: {  	_ =	sdelay $0x2  }
0x150: {  	s22 =	sshra.s32 s23, $0x2;
	s23 =	sadd.s32 $0x200, s23;
	[tilespmem:s21+$0x180] =	vst v0  }
0x151: {  	v0 =	vld [tilespmem:s22+$0x3E80];
	_ =	sdelay $0x3  }
0x152: {  	s21 =	sadd.s32 $0x400, s21  }
0x153: {  	[tilespmem:s21+$0xFFFFFE00] =	vst v0  }
0x154: {  	v0 =	vld [tilespmem:s22+$0x3E90];
	_ =	sdelay $0x4  }
0x155: {  	[tilespmem:s21+$0xFFFFFE80] =	vst v0  }
0x156: {  	v0 =	vld [tilespmem:s22+$0x3EA0];
	_ =	sdelay $0x4  }
0x157: {  	[tilespmem:s21+$0xFFFFFF00] =	vst v0  }
0x158: {  	v0 =	vld [tilespmem:s22+$0x3EB0];
	_ =	sdelay $0x4  }
0x159: {  	[tilespmem:s21+$0xFFFFFF80] =	vst v0  }
0x15a: {  	v0 =	vld [tilespmem:s22+$0x3EC0];
	_ =	sdelay $0x4  }
0x15b: {  	[tilespmem:s21+$0x0] =	vst v0  }
0x15c: {  	v0 =	vld [tilespmem:s22+$0x3ED0];
	_ =	sdelay $0x4  }
0x15d: {  	[tilespmem:s21+$0x80] =	vst v0  }
0x15e: {  	v0 =	vld [tilespmem:s22+$0x3EE0];
	_ =	sdelay $0x4  }
0x15f: {  	[tilespmem:s21+$0x100] =	vst v0  }
0x160: {  	v0 =	vld [tilespmem:s22+$0x3EF0];
	_ =	sdelay $0x4  }
0x161: {  	s29 =	sadd.s32 $0x3E80, s20;
	s30 =	simm.s32 $0x0;
	[tilespmem:s21+$0x180] =	vst v0  }
0x162: {  	[hbm4b:s29+s30] =	stream.linear.scatter [tilespmem:s12], [sflag:$0x4], $0x6400, $0x38;
	[tilespmem:$0x19000] =	vst v63  }
0x163: {  	_ =	swait.ge [sflag:s13], $0x6400  }
0x164: {  	[sflag:s13] =	ssyncset.done $0x0  }
0x165: {  	s31 =	simm.s32 $0x0;
	[sflag:s13] =	ssyncadd.s32 $0xFFFF9C00  }
0x166: {  	v63 =	vld [tilespmem:s31+$0x4B00];
	_ =	sdelay $0x3  }
0x167: {  	s21 =	simm.s32 $0xCA00  }
0x168: {  	[tilespmem:s21+$0xFFFFFE00] =	vst v63  }
0x169: {  	v0 =	vld [tilespmem:s31+$0x4B10];
	_ =	sdelay $0x4  }
0x16a: {  	[tilespmem:s21+$0xFFFFFE80] =	vst v0  }
0x16b: {  	v0 =	vld [tilespmem:s31+$0x4B20];
	_ =	sdelay $0x4  }
0x16c: {  	[tilespmem:s21+$0xFFFFFF00] =	vst v0  }
0x16d: {  	v0 =	vld [tilespmem:s31+$0x4B30];
	_ =	sdelay $0x4  }
0x16e: {  	[tilespmem:s21+$0xFFFFFF80] =	vst v0  }
0x16f: {  	v0 =	vld [tilespmem:s31+$0x4B40];
	_ =	sdelay $0x4  }
0x170: {  	[tilespmem:s21+$0x0] =	vst v0  }
0x171: {  	v0 =	vld [tilespmem:s31+$0x4B50];
	_ =	sdelay $0x4  }
0x172: {  	[tilespmem:s21+$0x80] =	vst v0  }
0x173: {  	v0 =	vld [tilespmem:s31+$0x4B60];
	_ =	sdelay $0x4  }
0x174: {  	[tilespmem:s21+$0x100] =	vst v0  }
0x175: {  	v0 =	vld [tilespmem:s31+$0x4B70];
	_ =	sdelay $0x4  }
0x176: {  	s23 =	simm.s32 $0x400;
	s22 =	simm.s32 $0x80;
	[tilespmem:s21+$0x180] =	vst v0  }
.LBB2_15:
0x177: {  	p0 =	sne.s32 s23, $0x3000;
	v0 =	vld [tilespmem:s22+$0x4B00];
	_ =	sdelay $0x3  }
0x178: {  	s21 =	sadd.s32 $0x400, s21  }
0x179: {  	[tilespmem:s21+$0xFFFFFE00] =	vst v0  }
0x17a: {  	v0 =	vld [tilespmem:s22+$0x4B10];
	_ =	sdelay $0x4  }
0x17b: {  	[tilespmem:s21+$0xFFFFFE80] =	vst v0  }
0x17c: {  	v0 =	vld [tilespmem:s22+$0x4B20];
	_ =	sdelay $0x4  }
0x17d: {  	[tilespmem:s21+$0xFFFFFF00] =	vst v0  }
0x17e: {  	v0 =	vld [tilespmem:s22+$0x4B30];
	_ =	sdelay $0x4  }
0x17f: {  	[tilespmem:s21+$0xFFFFFF80] =	vst v0  }
0x180: {  	v0 =	vld [tilespmem:s22+$0x4B40];
	_ =	sdelay $0x4  }
0x181: {  	[tilespmem:s21+$0x0] =	vst v0  }
0x182: {  	v0 =	vld [tilespmem:s22+$0x4B50];
	_ =	sdelay $0x4  }
0x183: {  	[tilespmem:s21+$0x80] =	vst v0  }
0x184: {  	v0 =	vld [tilespmem:s22+$0x4B60];
	_ =	sdelay $0x4  }
0x185: {  	[tilespmem:s21+$0x100] =	vst v0  }
0x186: {  	v0 =	vld [tilespmem:s22+$0x4B70]  }
.Ltmp8:
0x187: {  	(pc) =	sbr.rel @p0 .LBB2_15-.Ltmp8, $2  }
0x188: {  	_ =	sdelay $0x2  }
0x189: {  	s22 =	sshra.s32 s23, $0x2;
	s23 =	sadd.s32 $0x200, s23;
	[tilespmem:s21+$0x180] =	vst v0  }
0x18a: {  	v0 =	vld [tilespmem:s22+$0x4B00];
	_ =	sdelay $0x3  }
0x18b: {  	s21 =	sadd.s32 $0x400, s21  }
0x18c: {  	[tilespmem:s21+$0xFFFFFE00] =	vst v0  }
0x18d: {  	v0 =	vld [tilespmem:s22+$0x4B10];
	_ =	sdelay $0x4  }
0x18e: {  	[tilespmem:s21+$0xFFFFFE80] =	vst v0  }
0x18f: {  	v0 =	vld [tilespmem:s22+$0x4B20];
	_ =	sdelay $0x4  }
0x190: {  	[tilespmem:s21+$0xFFFFFF00] =	vst v0  }
0x191: {  	v0 =	vld [tilespmem:s22+$0x4B30];
	_ =	sdelay $0x4  }
0x192: {  	[tilespmem:s21+$0xFFFFFF80] =	vst v0  }
0x193: {  	v0 =	vld [tilespmem:s22+$0x4B40];
	_ =	sdelay $0x4  }
0x194: {  	[tilespmem:s21+$0x0] =	vst v0  }
0x195: {  	v0 =	vld [tilespmem:s22+$0x4B50];
	_ =	sdelay $0x4  }
0x196: {  	[tilespmem:s21+$0x80] =	vst v0  }
0x197: {  	v0 =	vld [tilespmem:s22+$0x4B60];
	_ =	sdelay $0x4  }
0x198: {  	[tilespmem:s21+$0x100] =	vst v0  }
0x199: {  	v0 =	vld [tilespmem:s22+$0x4B70];
	_ =	sdelay $0x4  }
0x19a: {  	s29 =	sadd.s32 $0x4B00, s20;
	s30 =	simm.s32 $0x0;
	[tilespmem:s21+$0x180] =	vst v0  }
0x19b: {  	[hbm4b:s29+s30] =	stream.linear.scatter [tilespmem:s11], [sflag:$0x3], $0x6400, $0x38;
	[tilespmem:$0x19000] =	vst v63  }
0x19c: {  	_ =	swait.ge [sflag:s14], $0x6400  }
0x19d: {  	[sflag:s14] =	ssyncset.done $0x0  }
0x19e: {  	s31 =	simm.s32 $0x0;
	[sflag:s14] =	ssyncadd.s32 $0xFFFF9C00  }
0x19f: {  	v63 =	vld [tilespmem:s31+$0x5780];
	_ =	sdelay $0x3  }
0x1a0: {  	s21 =	simm.s32 $0x12E00  }
0x1a1: {  	[tilespmem:s21+$0xFFFFFE00] =	vst v63  }
0x1a2: {  	v0 =	vld [tilespmem:s31+$0x5790];
	_ =	sdelay $0x4  }
0x1a3: {  	[tilespmem:s21+$0xFFFFFE80] =	vst v0  }
0x1a4: {  	v0 =	vld [tilespmem:s31+$0x57A0];
	_ =	sdelay $0x4  }
0x1a5: {  	[tilespmem:s21+$0xFFFFFF00] =	vst v0  }
0x1a6: {  	v0 =	vld [tilespmem:s31+$0x57B0];
	_ =	sdelay $0x4  }
0x1a7: {  	[tilespmem:s21+$0xFFFFFF80] =	vst v0  }
0x1a8: {  	v0 =	vld [tilespmem:s31+$0x57C0];
	_ =	sdelay $0x4  }
0x1a9: {  	[tilespmem:s21+$0x0] =	vst v0  }
0x1aa: {  	v0 =	vld [tilespmem:s31+$0x57D0];
	_ =	sdelay $0x4  }
0x1ab: {  	[tilespmem:s21+$0x80] =	vst v0  }
0x1ac: {  	v0 =	vld [tilespmem:s31+$0x57E0];
	_ =	sdelay $0x4  }
0x1ad: {  	[tilespmem:s21+$0x100] =	vst v0  }
0x1ae: {  	v0 =	vld [tilespmem:s31+$0x57F0];
	_ =	sdelay $0x4  }
0x1af: {  	s23 =	simm.s32 $0x400;
	s22 =	simm.s32 $0x80;
	[tilespmem:s21+$0x180] =	vst v0  }
.LBB2_17:
0x1b0: {  	p0 =	sne.s32 s23, $0x3000;
	v0 =	vld [tilespmem:s22+$0x5780];
	_ =	sdelay $0x3  }
0x1b1: {  	s21 =	sadd.s32 $0x400, s21  }
0x1b2: {  	[tilespmem:s21+$0xFFFFFE00] =	vst v0  }
0x1b3: {  	v0 =	vld [tilespmem:s22+$0x5790];
	_ =	sdelay $0x4  }
0x1b4: {  	[tilespmem:s21+$0xFFFFFE80] =	vst v0  }
0x1b5: {  	v0 =	vld [tilespmem:s22+$0x57A0];
	_ =	sdelay $0x4  }
0x1b6: {  	[tilespmem:s21+$0xFFFFFF00] =	vst v0  }
0x1b7: {  	v0 =	vld [tilespmem:s22+$0x57B0];
	_ =	sdelay $0x4  }
0x1b8: {  	[tilespmem:s21+$0xFFFFFF80] =	vst v0  }
0x1b9: {  	v0 =	vld [tilespmem:s22+$0x57C0];
	_ =	sdelay $0x4  }
0x1ba: {  	[tilespmem:s21+$0x0] =	vst v0  }
0x1bb: {  	v0 =	vld [tilespmem:s22+$0x57D0];
	_ =	sdelay $0x4  }
0x1bc: {  	[tilespmem:s21+$0x80] =	vst v0  }
0x1bd: {  	v0 =	vld [tilespmem:s22+$0x57E0];
	_ =	sdelay $0x4  }
0x1be: {  	[tilespmem:s21+$0x100] =	vst v0  }
0x1bf: {  	v0 =	vld [tilespmem:s22+$0x57F0]  }
.Ltmp9:
0x1c0: {  	(pc) =	sbr.rel @p0 .LBB2_17-.Ltmp9, $2  }
0x1c1: {  	_ =	sdelay $0x2  }
0x1c2: {  	s22 =	sshra.s32 s23, $0x2;
	s23 =	sadd.s32 $0x200, s23;
	[tilespmem:s21+$0x180] =	vst v0  }
0x1c3: {  	v0 =	vld [tilespmem:s22+$0x5780];
	_ =	sdelay $0x3  }
0x1c4: {  	s21 =	sadd.s32 $0x400, s21  }
0x1c5: {  	[tilespmem:s21+$0xFFFFFE00] =	vst v0  }
0x1c6: {  	v0 =	vld [tilespmem:s22+$0x5790];
	_ =	sdelay $0x4  }
0x1c7: {  	[tilespmem:s21+$0xFFFFFE80] =	vst v0  }
0x1c8: {  	v0 =	vld [tilespmem:s22+$0x57A0];
	_ =	sdelay $0x4  }
0x1c9: {  	[tilespmem:s21+$0xFFFFFF00] =	vst v0  }
0x1ca: {  	v0 =	vld [tilespmem:s22+$0x57B0];
	_ =	sdelay $0x4  }
0x1cb: {  	[tilespmem:s21+$0xFFFFFF80] =	vst v0  }
0x1cc: {  	v0 =	vld [tilespmem:s22+$0x57C0];
	_ =	sdelay $0x4  }
0x1cd: {  	[tilespmem:s21+$0x0] =	vst v0  }
0x1ce: {  	v0 =	vld [tilespmem:s22+$0x57D0];
	_ =	sdelay $0x4  }
0x1cf: {  	[tilespmem:s21+$0x80] =	vst v0  }
0x1d0: {  	v0 =	vld [tilespmem:s22+$0x57E0];
	_ =	sdelay $0x4  }
0x1d1: {  	[tilespmem:s21+$0x100] =	vst v0  }
0x1d2: {  	v0 =	vld [tilespmem:s22+$0x57F0];
	_ =	sdelay $0x2  }
0x1d3: {  	p0 =	seq.s32 s17, $0x1F  }
0x1d4: {  	s19 =	sshrl.u32 @!p0 s19, $0x3  }
0x1d5: {  	s20 =	sadd.s32 $0x5780, s20;
	s19 =	sadd.s32 @!p0 s2, s19;
	[tilespmem:s21+$0x180] =	vst v0  }
0x1d6: {  	[hbm4b:s20+s4] =	stream.linear.scatter [tilespmem:s12], [sflag:$0x4], $0x6400, $0x38;
	[tilespmem:$0x19000] =	vst v63  }
0x1d7: {  	s19 =	sadd.s32 @!p0 $0x1900, s19;
	s20 =	simm.s32 @!p0 $0x0  }
0x1d8: {  	[tilespmem:s20], [sflag:$0x1] =	stream.linear.gather @!p0 [hbm4b:s19+s20], $0x6400, $0x38;
	[tilespmem:$0x19000] =	vst v63  }
0x1d9: {  	_ =	swait.ge [sflag:s15], $0x6400  }
0x1da: {  	[sflag:s15] =	ssyncset.done $0x0  }
0x1db: {  	[sflag:s15] =	ssyncadd.s32 $0xFFFF9C00  }
0x1dc: {  	_ =	swait.ge [sflag:s13], $0x6400  }
0x1dd: {  	[sflag:s13] =	ssyncset.done $0x0  }
0x1de: {  	s19 =	simm.s32 $0x6440;
	[sflag:s13] =	ssyncadd.s32 $0xFFFF9C00  }
0x1df: {  	s21 =	simm.s32 $0x1000;
	s20 =	simm.s32 $0x0;
	v0 =	vld [tilespmem:s19+$0xFFFFFFC0]  }
.LBB2_19:
0x1e0: {  	p1 =	sne.s32 s21, $0x18000;
	_ =	sdelay $0x2  }
0x1e1: {  	s22 =	sshra.s32 s20, $0x2;
	s20 =	smov.u32 s21  }
0x1e2: {  	[tilespmem:s22+$0xC800] =	vst v0  }
0x1e3: {  	v0 =	vld [tilespmem:s19+$0xFFFFFFD0];
	_ =	sdelay $0x4  }
0x1e4: {  	[tilespmem:s22+$0xC880] =	vst v0  }
0x1e5: {  	v0 =	vld [tilespmem:s19+$0xFFFFFFE0];
	_ =	sdelay $0x4  }
0x1e6: {  	[tilespmem:s22+$0xC900] =	vst v0  }
0x1e7: {  	v0 =	vld [tilespmem:s19+$0xFFFFFFF0];
	_ =	sdelay $0x4  }
0x1e8: {  	[tilespmem:s22+$0xC980] =	vst v0  }
0x1e9: {  	v0 =	vld [tilespmem:s19+$0x0];
	_ =	sdelay $0x4  }
0x1ea: {  	[tilespmem:s22+$0xCA00] =	vst v0  }
0x1eb: {  	v0 =	vld [tilespmem:s19+$0x10];
	_ =	sdelay $0x4  }
0x1ec: {  	[tilespmem:s22+$0xCA80] =	vst v0  }
0x1ed: {  	v0 =	vld [tilespmem:s19+$0x20];
	_ =	sdelay $0x4  }
0x1ee: {  	[tilespmem:s22+$0xCB00] =	vst v0  }
0x1ef: {  	v0 =	vld [tilespmem:s19+$0x30];
	_ =	sdelay $0x1  }
.Ltmp10:
0x1f0: {  	(pc) =	sbr.rel @p1 .LBB2_19-.Ltmp10, $3  }
0x1f1: {  	_ =	sdelay $0x1  }
0x1f2: {  	s19 =	sadd.s32 $0x80, s19;
	[tilespmem:s22+$0xCB80] =	vst v0  }
0x1f3: {  	s21 =	sadd.s32 $0x1000, s21;
	v0 =	vld [tilespmem:s19+$0xFFFFFFC0]  }
0x1f4: {  	_ =	sdelay $0x2  }
0x1f5: {  	s20 =	sshra.s32 s20, $0x2  }
0x1f6: {  	[tilespmem:s20+$0xC800] =	vst v0  }
0x1f7: {  	v0 =	vld [tilespmem:s19+$0xFFFFFFD0];
	_ =	sdelay $0x4  }
0x1f8: {  	[tilespmem:s20+$0xC880] =	vst v0  }
0x1f9: {  	v0 =	vld [tilespmem:s19+$0xFFFFFFE0];
	_ =	sdelay $0x4  }
0x1fa: {  	[tilespmem:s20+$0xC900] =	vst v0  }
0x1fb: {  	v0 =	vld [tilespmem:s19+$0xFFFFFFF0];
	_ =	sdelay $0x4  }
0x1fc: {  	[tilespmem:s20+$0xC980] =	vst v0  }
0x1fd: {  	v0 =	vld [tilespmem:s19+$0x0];
	_ =	sdelay $0x4  }
0x1fe: {  	[tilespmem:s20+$0xCA00] =	vst v0  }
0x1ff: {  	v0 =	vld [tilespmem:s19+$0x10];
	_ =	sdelay $0x4  }
0x200: {  	[tilespmem:s20+$0xCA80] =	vst v0  }
0x201: {  	v0 =	vld [tilespmem:s19+$0x20];
	_ =	sdelay $0x4  }
0x202: {  	[tilespmem:s20+$0xCB00] =	vst v0  }
0x203: {  	v0 =	vld [tilespmem:s19+$0x30];
	_ =	sdelay $0x1  }
0x204: {  	s19 =	sor.u32 $0x1, s18  }
0x205: {  	s18 =	smul.u32 $0x6400, s19;
	_ =	sdelay $0x1  }
0x206: {  	s21 =	simm.s32 $0x0;
	s30 =	sadd.s32 s6, s18;
	[tilespmem:s20+$0xCB80] =	vst v0  }
0x207: {  	[hbm4b:s30+s21] =	stream.linear.scatter [tilespmem:s11], [sflag:$0x3], $0x6400, $0x38;
	[tilespmem:$0x19000] =	vst v63  }
0x208: {  	_ =	swait.ge [sflag:s14], $0x6400  }
0x209: {  	[sflag:s14] =	ssyncset.done $0x0  }
0x20a: {  	s31 =	simm.s32 $0x0;
	[sflag:s14] =	ssyncadd.s32 $0xFFFF9C00  }
0x20b: {  	v63 =	vld [tilespmem:s31+$0x7080];
	_ =	sdelay $0x3  }
0x20c: {  	s20 =	simm.s32 $0x12E00  }
0x20d: {  	[tilespmem:s20+$0xFFFFFE00] =	vst v63  }
0x20e: {  	v0 =	vld [tilespmem:s31+$0x7090];
	_ =	sdelay $0x4  }
0x20f: {  	[tilespmem:s20+$0xFFFFFE80] =	vst v0  }
0x210: {  	v0 =	vld [tilespmem:s31+$0x70A0];
	_ =	sdelay $0x4  }
0x211: {  	[tilespmem:s20+$0xFFFFFF00] =	vst v0  }
0x212: {  	v0 =	vld [tilespmem:s31+$0x70B0];
	_ =	sdelay $0x4  }
0x213: {  	[tilespmem:s20+$0xFFFFFF80] =	vst v0  }
0x214: {  	v0 =	vld [tilespmem:s31+$0x70C0];
	_ =	sdelay $0x4  }
0x215: {  	[tilespmem:s20+$0x0] =	vst v0  }
0x216: {  	v0 =	vld [tilespmem:s31+$0x70D0];
	_ =	sdelay $0x4  }
0x217: {  	[tilespmem:s20+$0x80] =	vst v0  }
0x218: {  	v0 =	vld [tilespmem:s31+$0x70E0];
	_ =	sdelay $0x4  }
0x219: {  	[tilespmem:s20+$0x100] =	vst v0  }
0x21a: {  	v0 =	vld [tilespmem:s31+$0x70F0];
	_ =	sdelay $0x4  }
0x21b: {  	s22 =	simm.s32 $0x400;
	s21 =	simm.s32 $0x80;
	[tilespmem:s20+$0x180] =	vst v0  }
.LBB2_21:
0x21c: {  	p1 =	sne.s32 s22, $0x3000;
	v0 =	vld [tilespmem:s21+$0x7080];
	_ =	sdelay $0x3  }
0x21d: {  	s20 =	sadd.s32 $0x400, s20  }
0x21e: {  	[tilespmem:s20+$0xFFFFFE00] =	vst v0  }
0x21f: {  	v0 =	vld [tilespmem:s21+$0x7090];
	_ =	sdelay $0x4  }
0x220: {  	[tilespmem:s20+$0xFFFFFE80] =	vst v0  }
0x221: {  	v0 =	vld [tilespmem:s21+$0x70A0];
	_ =	sdelay $0x4  }
0x222: {  	[tilespmem:s20+$0xFFFFFF00] =	vst v0  }
0x223: {  	v0 =	vld [tilespmem:s21+$0x70B0];
	_ =	sdelay $0x4  }
0x224: {  	[tilespmem:s20+$0xFFFFFF80] =	vst v0  }
0x225: {  	v0 =	vld [tilespmem:s21+$0x70C0];
	_ =	sdelay $0x4  }
0x226: {  	[tilespmem:s20+$0x0] =	vst v0  }
0x227: {  	v0 =	vld [tilespmem:s21+$0x70D0];
	_ =	sdelay $0x4  }
0x228: {  	[tilespmem:s20+$0x80] =	vst v0  }
0x229: {  	v0 =	vld [tilespmem:s21+$0x70E0];
	_ =	sdelay $0x4  }
0x22a: {  	[tilespmem:s20+$0x100] =	vst v0  }
0x22b: {  	v0 =	vld [tilespmem:s21+$0x70F0]  }
.Ltmp11:
0x22c: {  	(pc) =	sbr.rel @p1 .LBB2_21-.Ltmp11, $2  }
0x22d: {  	_ =	sdelay $0x2  }
0x22e: {  	s21 =	sshra.s32 s22, $0x2;
	s22 =	sadd.s32 $0x200, s22;
	[tilespmem:s20+$0x180] =	vst v0  }
0x22f: {  	v0 =	vld [tilespmem:s21+$0x7080];
	_ =	sdelay $0x3  }
0x230: {  	s20 =	sadd.s32 $0x400, s20  }
0x231: {  	[tilespmem:s20+$0xFFFFFE00] =	vst v0  }
0x232: {  	v0 =	vld [tilespmem:s21+$0x7090];
	_ =	sdelay $0x4  }
0x233: {  	[tilespmem:s20+$0xFFFFFE80] =	vst v0  }
0x234: {  	v0 =	vld [tilespmem:s21+$0x70A0];
	_ =	sdelay $0x4  }
0x235: {  	[tilespmem:s20+$0xFFFFFF00] =	vst v0  }
0x236: {  	v0 =	vld [tilespmem:s21+$0x70B0];
	_ =	sdelay $0x4  }
0x237: {  	[tilespmem:s20+$0xFFFFFF80] =	vst v0  }
0x238: {  	v0 =	vld [tilespmem:s21+$0x70C0];
	_ =	sdelay $0x4  }
0x239: {  	[tilespmem:s20+$0x0] =	vst v0  }
0x23a: {  	v0 =	vld [tilespmem:s21+$0x70D0];
	_ =	sdelay $0x4  }
0x23b: {  	[tilespmem:s20+$0x80] =	vst v0  }
0x23c: {  	v0 =	vld [tilespmem:s21+$0x70E0];
	_ =	sdelay $0x4  }
0x23d: {  	[tilespmem:s20+$0x100] =	vst v0  }
0x23e: {  	v0 =	vld [tilespmem:s21+$0x70F0]  }
0x23f: {  	s19 =	smul.u32 $0x32000, s19;
	_ =	sdelay $0x1  }
0x240: {  	s19 =	sshrl.u32 s19, $0x3  }
0x241: {  	s19 =	sadd.s32 s6, s19  }
0x242: {  	s30 =	simm.s32 $0x0;
	s29 =	sadd.s32 $0xC80, s19;
	[tilespmem:s20+$0x180] =	vst v0  }
0x243: {  	[hbm4b:s29+s30] =	stream.linear.scatter [tilespmem:s12], [sflag:$0x4], $0x6400, $0x38;
	[tilespmem:$0x19000] =	vst v63  }
0x244: {  	_ =	swait.ge [sflag:s13], $0x6400  }
0x245: {  	[sflag:s13] =	ssyncset.done $0x0  }
0x246: {  	s31 =	simm.s32 $0x0;
	[sflag:s13] =	ssyncadd.s32 $0xFFFF9C00  }
0x247: {  	v63 =	vld [tilespmem:s31+$0x7D00];
	_ =	sdelay $0x3  }
0x248: {  	s20 =	simm.s32 $0xCA00  }
0x249: {  	[tilespmem:s20+$0xFFFFFE00] =	vst v63  }
0x24a: {  	v0 =	vld [tilespmem:s31+$0x7D10];
	_ =	sdelay $0x4  }
0x24b: {  	[tilespmem:s20+$0xFFFFFE80] =	vst v0  }
0x24c: {  	v0 =	vld [tilespmem:s31+$0x7D20];
	_ =	sdelay $0x4  }
0x24d: {  	[tilespmem:s20+$0xFFFFFF00] =	vst v0  }
0x24e: {  	v0 =	vld [tilespmem:s31+$0x7D30];
	_ =	sdelay $0x4  }
0x24f: {  	[tilespmem:s20+$0xFFFFFF80] =	vst v0  }
0x250: {  	v0 =	vld [tilespmem:s31+$0x7D40];
	_ =	sdelay $0x4  }
0x251: {  	[tilespmem:s20+$0x0] =	vst v0  }
0x252: {  	v0 =	vld [tilespmem:s31+$0x7D50];
	_ =	sdelay $0x4  }
0x253: {  	[tilespmem:s20+$0x80] =	vst v0  }
0x254: {  	v0 =	vld [tilespmem:s31+$0x7D60];
	_ =	sdelay $0x4  }
0x255: {  	[tilespmem:s20+$0x100] =	vst v0  }
0x256: {  	v0 =	vld [tilespmem:s31+$0x7D70];
	_ =	sdelay $0x4  }
0x257: {  	s22 =	simm.s32 $0x400;
	s21 =	simm.s32 $0x80;
	[tilespmem:s20+$0x180] =	vst v0  }
.LBB2_23:
0x258: {  	p1 =	sne.s32 s22, $0x3000;
	v0 =	vld [tilespmem:s21+$0x7D00];
	_ =	sdelay $0x3  }
0x259: {  	s20 =	sadd.s32 $0x400, s20  }
0x25a: {  	[tilespmem:s20+$0xFFFFFE00] =	vst v0  }
0x25b: {  	v0 =	vld [tilespmem:s21+$0x7D10];
	_ =	sdelay $0x4  }
0x25c: {  	[tilespmem:s20+$0xFFFFFE80] =	vst v0  }
0x25d: {  	v0 =	vld [tilespmem:s21+$0x7D20];
	_ =	sdelay $0x4  }
0x25e: {  	[tilespmem:s20+$0xFFFFFF00] =	vst v0  }
0x25f: {  	v0 =	vld [tilespmem:s21+$0x7D30];
	_ =	sdelay $0x4  }
0x260: {  	[tilespmem:s20+$0xFFFFFF80] =	vst v0  }
0x261: {  	v0 =	vld [tilespmem:s21+$0x7D40];
	_ =	sdelay $0x4  }
0x262: {  	[tilespmem:s20+$0x0] =	vst v0  }
0x263: {  	v0 =	vld [tilespmem:s21+$0x7D50];
	_ =	sdelay $0x4  }
0x264: {  	[tilespmem:s20+$0x80] =	vst v0  }
0x265: {  	v0 =	vld [tilespmem:s21+$0x7D60];
	_ =	sdelay $0x4  }
0x266: {  	[tilespmem:s20+$0x100] =	vst v0  }
0x267: {  	v0 =	vld [tilespmem:s21+$0x7D70]  }
.Ltmp12:
0x268: {  	(pc) =	sbr.rel @p1 .LBB2_23-.Ltmp12, $2  }
0x269: {  	_ =	sdelay $0x2  }
0x26a: {  	s21 =	sshra.s32 s22, $0x2;
	s22 =	sadd.s32 $0x200, s22;
	[tilespmem:s20+$0x180] =	vst v0  }
0x26b: {  	v0 =	vld [tilespmem:s21+$0x7D00];
	_ =	sdelay $0x3  }
0x26c: {  	s20 =	sadd.s32 $0x400, s20  }
0x26d: {  	[tilespmem:s20+$0xFFFFFE00] =	vst v0  }
0x26e: {  	v0 =	vld [tilespmem:s21+$0x7D10];
	_ =	sdelay $0x4  }
0x26f: {  	[tilespmem:s20+$0xFFFFFE80] =	vst v0  }
0x270: {  	v0 =	vld [tilespmem:s21+$0x7D20];
	_ =	sdelay $0x4  }
0x271: {  	[tilespmem:s20+$0xFFFFFF00] =	vst v0  }
0x272: {  	v0 =	vld [tilespmem:s21+$0x7D30];
	_ =	sdelay $0x4  }
0x273: {  	[tilespmem:s20+$0xFFFFFF80] =	vst v0  }
0x274: {  	v0 =	vld [tilespmem:s21+$0x7D40];
	_ =	sdelay $0x4  }
0x275: {  	[tilespmem:s20+$0x0] =	vst v0  }
0x276: {  	v0 =	vld [tilespmem:s21+$0x7D50];
	_ =	sdelay $0x4  }
0x277: {  	[tilespmem:s20+$0x80] =	vst v0  }
0x278: {  	v0 =	vld [tilespmem:s21+$0x7D60];
	_ =	sdelay $0x4  }
0x279: {  	[tilespmem:s20+$0x100] =	vst v0  }
0x27a: {  	v0 =	vld [tilespmem:s21+$0x7D70];
	_ =	sdelay $0x4  }
0x27b: {  	s29 =	sadd.s32 $0x1900, s19;
	s30 =	simm.s32 $0x0;
	[tilespmem:s20+$0x180] =	vst v0  }
0x27c: {  	[hbm4b:s29+s30] =	stream.linear.scatter [tilespmem:s11], [sflag:$0x3], $0x6400, $0x38;
	[tilespmem:$0x19000] =	vst v63  }
0x27d: {  	_ =	swait.ge [sflag:s14], $0x6400  }
0x27e: {  	[sflag:s14] =	ssyncset.done $0x0  }
0x27f: {  	s31 =	simm.s32 $0x0;
	[sflag:s14] =	ssyncadd.s32 $0xFFFF9C00  }
0x280: {  	v63 =	vld [tilespmem:s31+$0x8980];
	_ =	sdelay $0x3  }
0x281: {  	s20 =	simm.s32 $0x12E00  }
0x282: {  	[tilespmem:s20+$0xFFFFFE00] =	vst v63  }
0x283: {  	v0 =	vld [tilespmem:s31+$0x8990];
	_ =	sdelay $0x4  }
0x284: {  	[tilespmem:s20+$0xFFFFFE80] =	vst v0  }
0x285: {  	v0 =	vld [tilespmem:s31+$0x89A0];
	_ =	sdelay $0x4  }
0x286: {  	[tilespmem:s20+$0xFFFFFF00] =	vst v0  }
0x287: {  	v0 =	vld [tilespmem:s31+$0x89B0];
	_ =	sdelay $0x4  }
0x288: {  	[tilespmem:s20+$0xFFFFFF80] =	vst v0  }
0x289: {  	v0 =	vld [tilespmem:s31+$0x89C0];
	_ =	sdelay $0x4  }
0x28a: {  	[tilespmem:s20+$0x0] =	vst v0  }
0x28b: {  	v0 =	vld [tilespmem:s31+$0x89D0];
	_ =	sdelay $0x4  }
0x28c: {  	[tilespmem:s20+$0x80] =	vst v0  }
0x28d: {  	v0 =	vld [tilespmem:s31+$0x89E0];
	_ =	sdelay $0x4  }
0x28e: {  	[tilespmem:s20+$0x100] =	vst v0  }
0x28f: {  	v0 =	vld [tilespmem:s31+$0x89F0];
	_ =	sdelay $0x4  }
0x290: {  	s22 =	simm.s32 $0x400;
	s21 =	simm.s32 $0x80;
	[tilespmem:s20+$0x180] =	vst v0  }
.LBB2_25:
0x291: {  	p1 =	sne.s32 s22, $0x3000;
	v0 =	vld [tilespmem:s21+$0x8980];
	_ =	sdelay $0x3  }
0x292: {  	s20 =	sadd.s32 $0x400, s20  }
0x293: {  	[tilespmem:s20+$0xFFFFFE00] =	vst v0  }
0x294: {  	v0 =	vld [tilespmem:s21+$0x8990];
	_ =	sdelay $0x4  }
0x295: {  	[tilespmem:s20+$0xFFFFFE80] =	vst v0  }
0x296: {  	v0 =	vld [tilespmem:s21+$0x89A0];
	_ =	sdelay $0x4  }
0x297: {  	[tilespmem:s20+$0xFFFFFF00] =	vst v0  }
0x298: {  	v0 =	vld [tilespmem:s21+$0x89B0];
	_ =	sdelay $0x4  }
0x299: {  	[tilespmem:s20+$0xFFFFFF80] =	vst v0  }
0x29a: {  	v0 =	vld [tilespmem:s21+$0x89C0];
	_ =	sdelay $0x4  }
0x29b: {  	[tilespmem:s20+$0x0] =	vst v0  }
0x29c: {  	v0 =	vld [tilespmem:s21+$0x89D0];
	_ =	sdelay $0x4  }
0x29d: {  	[tilespmem:s20+$0x80] =	vst v0  }
0x29e: {  	v0 =	vld [tilespmem:s21+$0x89E0];
	_ =	sdelay $0x4  }
0x29f: {  	[tilespmem:s20+$0x100] =	vst v0  }
0x2a0: {  	v0 =	vld [tilespmem:s21+$0x89F0]  }
.Ltmp13:
0x2a1: {  	(pc) =	sbr.rel @p1 .LBB2_25-.Ltmp13, $2  }
0x2a2: {  	_ =	sdelay $0x2  }
0x2a3: {  	s21 =	sshra.s32 s22, $0x2;
	s22 =	sadd.s32 $0x200, s22;
	[tilespmem:s20+$0x180] =	vst v0  }
0x2a4: {  	v0 =	vld [tilespmem:s21+$0x8980];
	_ =	sdelay $0x3  }
0x2a5: {  	s20 =	sadd.s32 $0x400, s20  }
0x2a6: {  	[tilespmem:s20+$0xFFFFFE00] =	vst v0  }
0x2a7: {  	v0 =	vld [tilespmem:s21+$0x8990];
	_ =	sdelay $0x4  }
0x2a8: {  	[tilespmem:s20+$0xFFFFFE80] =	vst v0  }
0x2a9: {  	v0 =	vld [tilespmem:s21+$0x89A0];
	_ =	sdelay $0x4  }
0x2aa: {  	[tilespmem:s20+$0xFFFFFF00] =	vst v0  }
0x2ab: {  	v0 =	vld [tilespmem:s21+$0x89B0];
	_ =	sdelay $0x4  }
0x2ac: {  	[tilespmem:s20+$0xFFFFFF80] =	vst v0  }
0x2ad: {  	v0 =	vld [tilespmem:s21+$0x89C0];
	_ =	sdelay $0x4  }
0x2ae: {  	[tilespmem:s20+$0x0] =	vst v0  }
0x2af: {  	v0 =	vld [tilespmem:s21+$0x89D0];
	_ =	sdelay $0x4  }
0x2b0: {  	[tilespmem:s20+$0x80] =	vst v0  }
0x2b1: {  	v0 =	vld [tilespmem:s21+$0x89E0];
	_ =	sdelay $0x4  }
0x2b2: {  	[tilespmem:s20+$0x100] =	vst v0  }
0x2b3: {  	v0 =	vld [tilespmem:s21+$0x89F0];
	_ =	sdelay $0x4  }
0x2b4: {  	s29 =	sadd.s32 $0x2580, s19;
	s30 =	simm.s32 $0x0;
	[tilespmem:s20+$0x180] =	vst v0  }
0x2b5: {  	[hbm4b:s29+s30] =	stream.linear.scatter [tilespmem:s12], [sflag:$0x4], $0x6400, $0x38;
	[tilespmem:$0x19000] =	vst v63  }
0x2b6: {  	_ =	swait.ge [sflag:s13], $0x6400  }
0x2b7: {  	[sflag:s13] =	ssyncset.done $0x0  }
0x2b8: {  	s31 =	simm.s32 $0x0;
	[sflag:s13] =	ssyncadd.s32 $0xFFFF9C00  }
0x2b9: {  	v63 =	vld [tilespmem:s31+$0x9600];
	_ =	sdelay $0x3  }
0x2ba: {  	s20 =	simm.s32 $0xCA00  }
0x2bb: {  	[tilespmem:s20+$0xFFFFFE00] =	vst v63  }
0x2bc: {  	v0 =	vld [tilespmem:s31+$0x9610];
	_ =	sdelay $0x4  }
0x2bd: {  	[tilespmem:s20+$0xFFFFFE80] =	vst v0  }
0x2be: {  	v0 =	vld [tilespmem:s31+$0x9620];
	_ =	sdelay $0x4  }
0x2bf: {  	[tilespmem:s20+$0xFFFFFF00] =	vst v0  }
0x2c0: {  	v0 =	vld [tilespmem:s31+$0x9630];
	_ =	sdelay $0x4  }
0x2c1: {  	[tilespmem:s20+$0xFFFFFF80] =	vst v0  }
0x2c2: {  	v0 =	vld [tilespmem:s31+$0x9640];
	_ =	sdelay $0x4  }
0x2c3: {  	[tilespmem:s20+$0x0] =	vst v0  }
0x2c4: {  	v0 =	vld [tilespmem:s31+$0x9650];
	_ =	sdelay $0x4  }
0x2c5: {  	[tilespmem:s20+$0x80] =	vst v0  }
0x2c6: {  	v0 =	vld [tilespmem:s31+$0x9660];
	_ =	sdelay $0x4  }
0x2c7: {  	[tilespmem:s20+$0x100] =	vst v0  }
0x2c8: {  	v0 =	vld [tilespmem:s31+$0x9670];
	_ =	sdelay $0x4  }
0x2c9: {  	s22 =	simm.s32 $0x400;
	s21 =	simm.s32 $0x80;
	[tilespmem:s20+$0x180] =	vst v0  }
.LBB2_27:
0x2ca: {  	p1 =	sne.s32 s22, $0x3000;
	v0 =	vld [tilespmem:s21+$0x9600];
	_ =	sdelay $0x3  }
0x2cb: {  	s20 =	sadd.s32 $0x400, s20  }
0x2cc: {  	[tilespmem:s20+$0xFFFFFE00] =	vst v0  }
0x2cd: {  	v0 =	vld [tilespmem:s21+$0x9610];
	_ =	sdelay $0x4  }
0x2ce: {  	[tilespmem:s20+$0xFFFFFE80] =	vst v0  }
0x2cf: {  	v0 =	vld [tilespmem:s21+$0x9620];
	_ =	sdelay $0x4  }
0x2d0: {  	[tilespmem:s20+$0xFFFFFF00] =	vst v0  }
0x2d1: {  	v0 =	vld [tilespmem:s21+$0x9630];
	_ =	sdelay $0x4  }
0x2d2: {  	[tilespmem:s20+$0xFFFFFF80] =	vst v0  }
0x2d3: {  	v0 =	vld [tilespmem:s21+$0x9640];
	_ =	sdelay $0x4  }
0x2d4: {  	[tilespmem:s20+$0x0] =	vst v0  }
0x2d5: {  	v0 =	vld [tilespmem:s21+$0x9650];
	_ =	sdelay $0x4  }
0x2d6: {  	[tilespmem:s20+$0x80] =	vst v0  }
0x2d7: {  	v0 =	vld [tilespmem:s21+$0x9660];
	_ =	sdelay $0x4  }
0x2d8: {  	[tilespmem:s20+$0x100] =	vst v0  }
0x2d9: {  	v0 =	vld [tilespmem:s21+$0x9670]  }
.Ltmp14:
0x2da: {  	(pc) =	sbr.rel @p1 .LBB2_27-.Ltmp14, $2  }
0x2db: {  	_ =	sdelay $0x2  }
0x2dc: {  	s21 =	sshra.s32 s22, $0x2;
	s22 =	sadd.s32 $0x200, s22;
	[tilespmem:s20+$0x180] =	vst v0  }
0x2dd: {  	v0 =	vld [tilespmem:s21+$0x9600];
	_ =	sdelay $0x3  }
0x2de: {  	s20 =	sadd.s32 $0x400, s20  }
0x2df: {  	[tilespmem:s20+$0xFFFFFE00] =	vst v0  }
0x2e0: {  	v0 =	vld [tilespmem:s21+$0x9610];
	_ =	sdelay $0x4  }
0x2e1: {  	[tilespmem:s20+$0xFFFFFE80] =	vst v0  }
0x2e2: {  	v0 =	vld [tilespmem:s21+$0x9620];
	_ =	sdelay $0x4  }
0x2e3: {  	[tilespmem:s20+$0xFFFFFF00] =	vst v0  }
0x2e4: {  	v0 =	vld [tilespmem:s21+$0x9630];
	_ =	sdelay $0x4  }
0x2e5: {  	[tilespmem:s20+$0xFFFFFF80] =	vst v0  }
0x2e6: {  	v0 =	vld [tilespmem:s21+$0x9640];
	_ =	sdelay $0x4  }
0x2e7: {  	[tilespmem:s20+$0x0] =	vst v0  }
0x2e8: {  	v0 =	vld [tilespmem:s21+$0x9650];
	_ =	sdelay $0x4  }
0x2e9: {  	[tilespmem:s20+$0x80] =	vst v0  }
0x2ea: {  	v0 =	vld [tilespmem:s21+$0x9660];
	_ =	sdelay $0x4  }
0x2eb: {  	[tilespmem:s20+$0x100] =	vst v0  }
0x2ec: {  	v0 =	vld [tilespmem:s21+$0x9670];
	_ =	sdelay $0x4  }
0x2ed: {  	s29 =	sadd.s32 $0x3200, s19;
	s30 =	simm.s32 $0x0;
	[tilespmem:s20+$0x180] =	vst v0  }
0x2ee: {  	[hbm4b:s29+s30] =	stream.linear.scatter [tilespmem:s11], [sflag:$0x3], $0x6400, $0x38;
	[tilespmem:$0x19000] =	vst v63  }
0x2ef: {  	_ =	swait.ge [sflag:s14], $0x6400  }
0x2f0: {  	[sflag:s14] =	ssyncset.done $0x0  }
0x2f1: {  	s31 =	simm.s32 $0x0;
	[sflag:s14] =	ssyncadd.s32 $0xFFFF9C00  }
0x2f2: {  	v63 =	vld [tilespmem:s31+$0xA280];
	_ =	sdelay $0x3  }
0x2f3: {  	s20 =	simm.s32 $0x12E00  }
0x2f4: {  	[tilespmem:s20+$0xFFFFFE00] =	vst v63  }
0x2f5: {  	v0 =	vld [tilespmem:s31+$0xA290];
	_ =	sdelay $0x4  }
0x2f6: {  	[tilespmem:s20+$0xFFFFFE80] =	vst v0  }
0x2f7: {  	v0 =	vld [tilespmem:s31+$0xA2A0];
	_ =	sdelay $0x4  }
0x2f8: {  	[tilespmem:s20+$0xFFFFFF00] =	vst v0  }
0x2f9: {  	v0 =	vld [tilespmem:s31+$0xA2B0];
	_ =	sdelay $0x4  }
0x2fa: {  	[tilespmem:s20+$0xFFFFFF80] =	vst v0  }
0x2fb: {  	v0 =	vld [tilespmem:s31+$0xA2C0];
	_ =	sdelay $0x4  }
0x2fc: {  	[tilespmem:s20+$0x0] =	vst v0  }
0x2fd: {  	v0 =	vld [tilespmem:s31+$0xA2D0];
	_ =	sdelay $0x4  }
0x2fe: {  	[tilespmem:s20+$0x80] =	vst v0  }
0x2ff: {  	v0 =	vld [tilespmem:s31+$0xA2E0];
	_ =	sdelay $0x4  }
0x300: {  	[tilespmem:s20+$0x100] =	vst v0  }
0x301: {  	v0 =	vld [tilespmem:s31+$0xA2F0];
	_ =	sdelay $0x4  }
0x302: {  	s22 =	simm.s32 $0x400;
	s21 =	simm.s32 $0x80;
	[tilespmem:s20+$0x180] =	vst v0  }
.LBB2_29:
0x303: {  	p1 =	sne.s32 s22, $0x3000;
	v0 =	vld [tilespmem:s21+$0xA280];
	_ =	sdelay $0x3  }
0x304: {  	s20 =	sadd.s32 $0x400, s20  }
0x305: {  	[tilespmem:s20+$0xFFFFFE00] =	vst v0  }
0x306: {  	v0 =	vld [tilespmem:s21+$0xA290];
	_ =	sdelay $0x4  }
0x307: {  	[tilespmem:s20+$0xFFFFFE80] =	vst v0  }
0x308: {  	v0 =	vld [tilespmem:s21+$0xA2A0];
	_ =	sdelay $0x4  }
0x309: {  	[tilespmem:s20+$0xFFFFFF00] =	vst v0  }
0x30a: {  	v0 =	vld [tilespmem:s21+$0xA2B0];
	_ =	sdelay $0x4  }
0x30b: {  	[tilespmem:s20+$0xFFFFFF80] =	vst v0  }
0x30c: {  	v0 =	vld [tilespmem:s21+$0xA2C0];
	_ =	sdelay $0x4  }
0x30d: {  	[tilespmem:s20+$0x0] =	vst v0  }
0x30e: {  	v0 =	vld [tilespmem:s21+$0xA2D0];
	_ =	sdelay $0x4  }
0x30f: {  	[tilespmem:s20+$0x80] =	vst v0  }
0x310: {  	v0 =	vld [tilespmem:s21+$0xA2E0];
	_ =	sdelay $0x4  }
0x311: {  	[tilespmem:s20+$0x100] =	vst v0  }
0x312: {  	v0 =	vld [tilespmem:s21+$0xA2F0]  }
.Ltmp15:
0x313: {  	(pc) =	sbr.rel @p1 .LBB2_29-.Ltmp15, $2  }
0x314: {  	_ =	sdelay $0x2  }
0x315: {  	s21 =	sshra.s32 s22, $0x2;
	s22 =	sadd.s32 $0x200, s22;
	[tilespmem:s20+$0x180] =	vst v0  }
0x316: {  	v0 =	vld [tilespmem:s21+$0xA280];
	_ =	sdelay $0x3  }
0x317: {  	s20 =	sadd.s32 $0x400, s20  }
0x318: {  	[tilespmem:s20+$0xFFFFFE00] =	vst v0  }
0x319: {  	v0 =	vld [tilespmem:s21+$0xA290];
	_ =	sdelay $0x4  }
0x31a: {  	[tilespmem:s20+$0xFFFFFE80] =	vst v0  }
0x31b: {  	v0 =	vld [tilespmem:s21+$0xA2A0];
	_ =	sdelay $0x4  }
0x31c: {  	[tilespmem:s20+$0xFFFFFF00] =	vst v0  }
0x31d: {  	v0 =	vld [tilespmem:s21+$0xA2B0];
	_ =	sdelay $0x4  }
0x31e: {  	[tilespmem:s20+$0xFFFFFF80] =	vst v0  }
0x31f: {  	v0 =	vld [tilespmem:s21+$0xA2C0];
	_ =	sdelay $0x4  }
0x320: {  	[tilespmem:s20+$0x0] =	vst v0  }
0x321: {  	v0 =	vld [tilespmem:s21+$0xA2D0];
	_ =	sdelay $0x4  }
0x322: {  	[tilespmem:s20+$0x80] =	vst v0  }
0x323: {  	v0 =	vld [tilespmem:s21+$0xA2E0];
	_ =	sdelay $0x4  }
0x324: {  	[tilespmem:s20+$0x100] =	vst v0  }
0x325: {  	v0 =	vld [tilespmem:s21+$0xA2F0];
	_ =	sdelay $0x4  }
0x326: {  	s29 =	sadd.s32 $0x3E80, s19;
	s30 =	simm.s32 $0x0;
	[tilespmem:s20+$0x180] =	vst v0  }
0x327: {  	[hbm4b:s29+s30] =	stream.linear.scatter [tilespmem:s12], [sflag:$0x4], $0x6400, $0x38;
	[tilespmem:$0x19000] =	vst v63  }
0x328: {  	_ =	swait.ge [sflag:s13], $0x6400  }
0x329: {  	[sflag:s13] =	ssyncset.done $0x0  }
0x32a: {  	s31 =	simm.s32 $0x0;
	[sflag:s13] =	ssyncadd.s32 $0xFFFF9C00  }
0x32b: {  	v63 =	vld [tilespmem:s31+$0xAF00];
	_ =	sdelay $0x3  }
0x32c: {  	s20 =	simm.s32 $0xCA00  }
0x32d: {  	[tilespmem:s20+$0xFFFFFE00] =	vst v63  }
0x32e: {  	v0 =	vld [tilespmem:s31+$0xAF10];
	_ =	sdelay $0x4  }
0x32f: {  	[tilespmem:s20+$0xFFFFFE80] =	vst v0  }
0x330: {  	v0 =	vld [tilespmem:s31+$0xAF20];
	_ =	sdelay $0x4  }
0x331: {  	[tilespmem:s20+$0xFFFFFF00] =	vst v0  }
0x332: {  	v0 =	vld [tilespmem:s31+$0xAF30];
	_ =	sdelay $0x4  }
0x333: {  	[tilespmem:s20+$0xFFFFFF80] =	vst v0  }
0x334: {  	v0 =	vld [tilespmem:s31+$0xAF40];
	_ =	sdelay $0x4  }
0x335: {  	[tilespmem:s20+$0x0] =	vst v0  }
0x336: {  	v0 =	vld [tilespmem:s31+$0xAF50];
	_ =	sdelay $0x4  }
0x337: {  	[tilespmem:s20+$0x80] =	vst v0  }
0x338: {  	v0 =	vld [tilespmem:s31+$0xAF60];
	_ =	sdelay $0x4  }
0x339: {  	[tilespmem:s20+$0x100] =	vst v0  }
0x33a: {  	v0 =	vld [tilespmem:s31+$0xAF70];
	_ =	sdelay $0x4  }
0x33b: {  	s22 =	simm.s32 $0x400;
	s21 =	simm.s32 $0x80;
	[tilespmem:s20+$0x180] =	vst v0  }
.LBB2_31:
0x33c: {  	p1 =	sne.s32 s22, $0x3000;
	v0 =	vld [tilespmem:s21+$0xAF00];
	_ =	sdelay $0x3  }
0x33d: {  	s20 =	sadd.s32 $0x400, s20  }
0x33e: {  	[tilespmem:s20+$0xFFFFFE00] =	vst v0  }
0x33f: {  	v0 =	vld [tilespmem:s21+$0xAF10];
	_ =	sdelay $0x4  }
0x340: {  	[tilespmem:s20+$0xFFFFFE80] =	vst v0  }
0x341: {  	v0 =	vld [tilespmem:s21+$0xAF20];
	_ =	sdelay $0x4  }
0x342: {  	[tilespmem:s20+$0xFFFFFF00] =	vst v0  }
0x343: {  	v0 =	vld [tilespmem:s21+$0xAF30];
	_ =	sdelay $0x4  }
0x344: {  	[tilespmem:s20+$0xFFFFFF80] =	vst v0  }
0x345: {  	v0 =	vld [tilespmem:s21+$0xAF40];
	_ =	sdelay $0x4  }
0x346: {  	[tilespmem:s20+$0x0] =	vst v0  }
0x347: {  	v0 =	vld [tilespmem:s21+$0xAF50];
	_ =	sdelay $0x4  }
0x348: {  	[tilespmem:s20+$0x80] =	vst v0  }
0x349: {  	v0 =	vld [tilespmem:s21+$0xAF60];
	_ =	sdelay $0x4  }
0x34a: {  	[tilespmem:s20+$0x100] =	vst v0  }
0x34b: {  	v0 =	vld [tilespmem:s21+$0xAF70]  }
.Ltmp16:
0x34c: {  	(pc) =	sbr.rel @p1 .LBB2_31-.Ltmp16, $2  }
0x34d: {  	_ =	sdelay $0x2  }
0x34e: {  	s21 =	sshra.s32 s22, $0x2;
	s22 =	sadd.s32 $0x200, s22;
	[tilespmem:s20+$0x180] =	vst v0  }
0x34f: {  	v0 =	vld [tilespmem:s21+$0xAF00];
	_ =	sdelay $0x3  }
0x350: {  	s20 =	sadd.s32 $0x400, s20  }
0x351: {  	[tilespmem:s20+$0xFFFFFE00] =	vst v0  }
0x352: {  	v0 =	vld [tilespmem:s21+$0xAF10];
	_ =	sdelay $0x4  }
0x353: {  	[tilespmem:s20+$0xFFFFFE80] =	vst v0  }
0x354: {  	v0 =	vld [tilespmem:s21+$0xAF20];
	_ =	sdelay $0x4  }
0x355: {  	[tilespmem:s20+$0xFFFFFF00] =	vst v0  }
0x356: {  	v0 =	vld [tilespmem:s21+$0xAF30];
	_ =	sdelay $0x4  }
0x357: {  	[tilespmem:s20+$0xFFFFFF80] =	vst v0  }
0x358: {  	v0 =	vld [tilespmem:s21+$0xAF40];
	_ =	sdelay $0x4  }
0x359: {  	[tilespmem:s20+$0x0] =	vst v0  }
0x35a: {  	v0 =	vld [tilespmem:s21+$0xAF50];
	_ =	sdelay $0x4  }
0x35b: {  	[tilespmem:s20+$0x80] =	vst v0  }
0x35c: {  	v0 =	vld [tilespmem:s21+$0xAF60];
	_ =	sdelay $0x4  }
0x35d: {  	[tilespmem:s20+$0x100] =	vst v0  }
0x35e: {  	v0 =	vld [tilespmem:s21+$0xAF70];
	_ =	sdelay $0x4  }
0x35f: {  	s29 =	sadd.s32 $0x4B00, s19;
	s30 =	simm.s32 $0x0;
	[tilespmem:s20+$0x180] =	vst v0  }
0x360: {  	[hbm4b:s29+s30] =	stream.linear.scatter [tilespmem:s11], [sflag:$0x3], $0x6400, $0x38;
	[tilespmem:$0x19000] =	vst v63  }
0x361: {  	_ =	swait.ge [sflag:s14], $0x6400  }
0x362: {  	[sflag:s14] =	ssyncset.done $0x0  }
0x363: {  	s31 =	simm.s32 $0x0;
	[sflag:s14] =	ssyncadd.s32 $0xFFFF9C00  }
0x364: {  	v63 =	vld [tilespmem:s31+$0xBB80];
	_ =	sdelay $0x3  }
0x365: {  	s20 =	simm.s32 $0x12E00  }
0x366: {  	[tilespmem:s20+$0xFFFFFE00] =	vst v63  }
0x367: {  	v0 =	vld [tilespmem:s31+$0xBB90];
	_ =	sdelay $0x4  }
0x368: {  	[tilespmem:s20+$0xFFFFFE80] =	vst v0  }
0x369: {  	v0 =	vld [tilespmem:s31+$0xBBA0];
	_ =	sdelay $0x4  }
0x36a: {  	[tilespmem:s20+$0xFFFFFF00] =	vst v0  }
0x36b: {  	v0 =	vld [tilespmem:s31+$0xBBB0];
	_ =	sdelay $0x4  }
0x36c: {  	[tilespmem:s20+$0xFFFFFF80] =	vst v0  }
0x36d: {  	v0 =	vld [tilespmem:s31+$0xBBC0];
	_ =	sdelay $0x4  }
0x36e: {  	[tilespmem:s20+$0x0] =	vst v0  }
0x36f: {  	v0 =	vld [tilespmem:s31+$0xBBD0];
	_ =	sdelay $0x4  }
0x370: {  	[tilespmem:s20+$0x80] =	vst v0  }
0x371: {  	v0 =	vld [tilespmem:s31+$0xBBE0];
	_ =	sdelay $0x4  }
0x372: {  	[tilespmem:s20+$0x100] =	vst v0  }
0x373: {  	v0 =	vld [tilespmem:s31+$0xBBF0];
	_ =	sdelay $0x4  }
0x374: {  	s22 =	simm.s32 $0x400;
	s21 =	simm.s32 $0x80;
	[tilespmem:s20+$0x180] =	vst v0  }
.LBB2_33:
0x375: {  	p1 =	sne.s32 s22, $0x3000;
	v0 =	vld [tilespmem:s21+$0xBB80];
	_ =	sdelay $0x3  }
0x376: {  	s20 =	sadd.s32 $0x400, s20  }
0x377: {  	[tilespmem:s20+$0xFFFFFE00] =	vst v0  }
0x378: {  	v0 =	vld [tilespmem:s21+$0xBB90];
	_ =	sdelay $0x4  }
0x379: {  	[tilespmem:s20+$0xFFFFFE80] =	vst v0  }
0x37a: {  	v0 =	vld [tilespmem:s21+$0xBBA0];
	_ =	sdelay $0x4  }
0x37b: {  	[tilespmem:s20+$0xFFFFFF00] =	vst v0  }
0x37c: {  	v0 =	vld [tilespmem:s21+$0xBBB0];
	_ =	sdelay $0x4  }
0x37d: {  	[tilespmem:s20+$0xFFFFFF80] =	vst v0  }
0x37e: {  	v0 =	vld [tilespmem:s21+$0xBBC0];
	_ =	sdelay $0x4  }
0x37f: {  	[tilespmem:s20+$0x0] =	vst v0  }
0x380: {  	v0 =	vld [tilespmem:s21+$0xBBD0];
	_ =	sdelay $0x4  }
0x381: {  	[tilespmem:s20+$0x80] =	vst v0  }
0x382: {  	v0 =	vld [tilespmem:s21+$0xBBE0];
	_ =	sdelay $0x4  }
0x383: {  	[tilespmem:s20+$0x100] =	vst v0  }
0x384: {  	v0 =	vld [tilespmem:s21+$0xBBF0]  }
.Ltmp17:
0x385: {  	(pc) =	sbr.rel @p1 .LBB2_33-.Ltmp17, $2  }
0x386: {  	_ =	sdelay $0x2  }
0x387: {  	s21 =	sshra.s32 s22, $0x2;
	s22 =	sadd.s32 $0x200, s22;
	[tilespmem:s20+$0x180] =	vst v0  }
0x388: {  	v0 =	vld [tilespmem:s21+$0xBB80];
	_ =	sdelay $0x3  }
0x389: {  	s20 =	sadd.s32 $0x400, s20  }
0x38a: {  	[tilespmem:s20+$0xFFFFFE00] =	vst v0  }
0x38b: {  	v0 =	vld [tilespmem:s21+$0xBB90];
	_ =	sdelay $0x4  }
0x38c: {  	[tilespmem:s20+$0xFFFFFE80] =	vst v0  }
0x38d: {  	v0 =	vld [tilespmem:s21+$0xBBA0];
	_ =	sdelay $0x4  }
0x38e: {  	[tilespmem:s20+$0xFFFFFF00] =	vst v0  }
0x38f: {  	v0 =	vld [tilespmem:s21+$0xBBB0];
	_ =	sdelay $0x4  }
0x390: {  	[tilespmem:s20+$0xFFFFFF80] =	vst v0  }
0x391: {  	v0 =	vld [tilespmem:s21+$0xBBC0];
	_ =	sdelay $0x4  }
0x392: {  	[tilespmem:s20+$0x0] =	vst v0  }
0x393: {  	v0 =	vld [tilespmem:s21+$0xBBD0];
	_ =	sdelay $0x4  }
0x394: {  	[tilespmem:s20+$0x80] =	vst v0  }
0x395: {  	v0 =	vld [tilespmem:s21+$0xBBE0];
	_ =	sdelay $0x4  }
0x396: {  	[tilespmem:s20+$0x100] =	vst v0  }
0x397: {  	v0 =	vld [tilespmem:s21+$0xBBF0];
	_ =	sdelay $0x1  }
.Ltmp18:
0x398: {  	_ = 	snop;
	(pc) =	sbr.rel @p0 .LBB2_36-.Ltmp18, $3  }
0x399: {  	_ =	sdelay $0x1  }
0x39a: {  	s19 =	sadd.s32 $0x5780, s19;
	[tilespmem:s20+$0x180] =	vst v0  }
0x39b: {  	[hbm4b:s19+s4] =	stream.linear.scatter [tilespmem:s12], [sflag:$0x4], $0x6400, $0x38;
	[tilespmem:$0x19000] =	vst v63  }
.Ltmp19:
0x39c: {  	(pc) =	sbr.rel .LBB2_2-.Ltmp19, $4  }
0x39d: {  	s18 =	sshrl.u32 s18, $0x3  }
0x39e: {  	s18 =	sadd.s32 s2, s18  }
0x39f: {  	s17 =	sadd.s32 $0x1, s17;
	s18 =	sadd.s32 $0x1900, s18  }
0x3a0: {  	[tilespmem:s9], [sflag:$0x2] =	stream.linear.gather [hbm4b:s18+s4], $0x6400, $0x38;
	[tilespmem:$0x19000] =	vst v63  }
.LBB2_37:
0x3a1: {  	_ =	sfence.sel $0x180000  }
0x3a2: {  	[bflag:$0x0] =	sbarrier.arrive $0xFFFF  }
0x3a3: {  	p0 =	sne.s32 s0, $0x0;
	_ =	strace $0x9000004A  }
0x3a4: {  	s0 =	sadd.s32 @!p0 $0x100000, s1;
	[bflag:$0x2] =	sbarrier.arrive $0xFFFF  }
0x3a5: {  	[sflag:s0] =	ssyncadd.tile.s32 @!p0 $0x1;
	_ =	shalt  }
.Lfunc_end2:
_tile_overlayer_lowered:
.L_overlay_start_2:
0x3a6: {  	(tag) =	ssettag $0x2  }
0x3a7: {  	s0 =	rddreg [dreg:$0x0];
	s2 =	stileid.u32  }
0x3a8: {  	s1 =	rddreg [dreg:$0x1];
	p0 =	sne.s32 s2, $0x0  }
0x3a9: {  	s3 =	rddreg [dreg:$0x2];
	[bflag:$0x3] =	sbarrier.arrive $0xFFFF;
	s2 =	simm.s32 @!p0 $0x1C05  }
0x3aa: {  	[timem:s3], [sflag:s2] =	dma.local @!p0 [hbm:s0], s1  }
0x3ab: {  	s0 =	simm.s32 @!p0 $0x5  }
0x3ac: {  	_ =	swait.ge @!p0 [sflag:s0], s1  }
0x3ad: {  	s1 =	ssub.s32 @!p0 $0x0, s1;
	[sflag:s0] =	ssyncset.done @!p0 $0x0  }
0x3ae: {  	[sflag:s0] =	ssyncadd.s32 @!p0 s1  }
0x3af: {  	[bflag:$0x3] =	sbarrier.arrive $0xFFFF  }
0x3b0: {  	_ =	shalt  }

</sc_bundles>
